<compile_context>
chip_gen: v7x
topology: tpu7x:2x2x1
jax: 0.10.2.dev20260603
libtpu: 0.0.44.dev20260713+nightly
codegen_flags: <defaults>
</compile_context>

<pallas_src>
import functools

import jax
import jax.numpy as jnp
from jax import lax
from jax.experimental import pallas as pl
from jax.experimental.pallas import tpu as pltpu
from jax.experimental.pallas import tpu_sc as plsc

N = 10000
E = 160000
IN_DIM = 128
OUT_DIM = 16
HID = 256

NC = 2
NS = 16
NW = NC * NS

EA = 32000
EBB = E - EA

E_PER_CORE = E // NC
E_PER_TILE = E_PER_CORE // NS
N_PAD = 10240
N_PER_TILE = N_PAD // NS

GCHUNK = 200
SCHUNK = 1000

EB = 2000
NB = 1000

_MESH = plsc.VectorSubcoreMesh(core_axis_name="c", subcore_axis_name="s")


def _elu(v):
    return jnp.where(v > 0, v, jnp.exp(v) - 1.0)



def _make_gather(ne, base0, gchunk=GCHUNK):
    e_w = ne // NW
    n_ch = e_w // gchunk

    def body(x_hbm, src_hbm, out_hbm, idx_v, rows_v, sem_g, sem_o):
        c = lax.axis_index("c")
        s = lax.axis_index("s")
        wid = s * NC + c
        lbase = wid * e_w
        pltpu.sync_copy(src_hbm.at[pl.ds(base0 + lbase, e_w)], idx_v)
        gd = [None] * n_ch
        od = [None] * n_ch
        for k in range(n_ch):
            if k >= 2:
                od[k - 2].wait()
            gd[k] = pltpu.async_copy(
                x_hbm.at[idx_v.at[pl.ds(k * gchunk, gchunk)]],
                rows_v.at[k % 2], sem_g)
            if k >= 1:
                gd[k - 1].wait()
                od[k - 1] = pltpu.async_copy(
                    rows_v.at[(k - 1) % 2],
                    out_hbm.at[pl.ds(lbase + (k - 1) * gchunk, gchunk)],
                    sem_o)
        gd[n_ch - 1].wait()
        od[n_ch - 1] = pltpu.async_copy(
            rows_v.at[(n_ch - 1) % 2],
            out_hbm.at[pl.ds(lbase + (n_ch - 1) * gchunk, gchunk)], sem_o)
        if n_ch >= 2:
            od[n_ch - 2].wait()
        od[n_ch - 1].wait()

    return functools.partial(
        pl.kernel,
        out_type=jax.ShapeDtypeStruct((ne, IN_DIM), jnp.float32),
        mesh=_MESH,
        scratch_types=[
            pltpu.VMEM((e_w,), jnp.int32),
            pltpu.VMEM((2, gchunk, IN_DIM), jnp.float32),
            pltpu.SemaphoreType.DMA,
            pltpu.SemaphoreType.DMA,
        ],
    )(body)


_gather_a = _make_gather(EA, 0)
_gather_b = _make_gather(EBB, EA, gchunk=400)



def _make_scatter(ne, base0):
    e_core = ne // NC
    e_tile = e_core // NS
    n_ch = e_tile // SCHUNK

    def body(msg_hbm, dst_hbm, out_hbm, acc_sh, idx_v, val_v, zrow_v, sem_g,
             sem_s):
        c = lax.axis_index("c")
        s = lax.axis_index("s")

        def zfill(i, carry):
            zrow_v[i, :] = jnp.zeros((OUT_DIM,), jnp.float32)
            return carry

        lax.fori_loop(0, N_PER_TILE, zfill, 0)
        pltpu.sync_copy(zrow_v, acc_sh.at[pl.ds(s * N_PER_TILE, N_PER_TILE)])

        lbase = c * e_core + s * e_tile
        for k in range(n_ch):
            pltpu.sync_copy(
                dst_hbm.at[pl.ds(base0 + lbase + k * SCHUNK, SCHUNK)],
                idx_v.at[k])
        plsc.subcore_barrier()

        gd = [None] * n_ch
        sd = [None] * n_ch
        for k in range(n_ch):
            if k >= 2:
                sd[k - 2].wait()
            gd[k] = pltpu.async_copy(
                msg_hbm.at[pl.ds(lbase + k * SCHUNK, SCHUNK)],
                val_v.at[k % 2], sem_g)
            if k >= 1:
                gd[k - 1].wait()
                sd[k - 1] = pltpu.async_copy(
                    val_v.at[(k - 1) % 2], acc_sh.at[idx_v.at[k - 1]],
                    sem_s, add=True)
        gd[n_ch - 1].wait()
        sd[n_ch - 1] = pltpu.async_copy(
            val_v.at[(n_ch - 1) % 2], acc_sh.at[idx_v.at[n_ch - 1]], sem_s,
            add=True)
        if n_ch >= 2:
            sd[n_ch - 2].wait()
        sd[n_ch - 1].wait()

        plsc.subcore_barrier()
        pltpu.sync_copy(acc_sh.at[pl.ds(s * N_PER_TILE, N_PER_TILE)],
                        out_hbm.at[c, pl.ds(s * N_PER_TILE, N_PER_TILE)])

    return functools.partial(
        pl.kernel,
        out_type=jax.ShapeDtypeStruct((NC, N_PAD, OUT_DIM), jnp.float32),
        mesh=_MESH,
        compiler_params=pltpu.CompilerParams(use_tc_tiling_on_sc=False),
        scratch_types=[
            pltpu.VMEM_SHARED((N_PAD, OUT_DIM), jnp.float32),
            pltpu.VMEM((n_ch, SCHUNK), jnp.int32),
            pltpu.VMEM((2, SCHUNK, OUT_DIM), jnp.float32),
            pltpu.VMEM((N_PER_TILE, OUT_DIM), jnp.float32),
            pltpu.SemaphoreType.DMA,
            pltpu.SemaphoreType.DMA,
        ],
    )(body)


_scatter_a = _make_scatter(EA, 0)
_scatter_b = _make_scatter(EBB, EA)



N_GSCH = E_PER_TILE // SCHUNK


def _sc_gs_body(xin_hbm, src_hbm, dst_hbm, out_hbm, acc_sh, sidx_v, didx_v,
                val_v, zrow_v, sem_g, sem_s):
    c = lax.axis_index("c")
    s = lax.axis_index("s")

    def zfill(i, carry):
        zrow_v[i, :] = jnp.zeros((OUT_DIM,), jnp.float32)
        return carry

    lax.fori_loop(0, N_PER_TILE, zfill, 0)
    pltpu.sync_copy(zrow_v, acc_sh.at[pl.ds(s * N_PER_TILE, N_PER_TILE)])

    base = c * E_PER_CORE + s * E_PER_TILE
    pltpu.sync_copy(src_hbm.at[pl.ds(base, E_PER_TILE)], sidx_v)
    for k in range(N_GSCH):
        pltpu.sync_copy(dst_hbm.at[pl.ds(base + k * SCHUNK, SCHUNK)],
                        didx_v.at[k])
    plsc.subcore_barrier()

    gd = [None] * N_GSCH
    sd = [None] * N_GSCH
    for k in range(N_GSCH):
        if k >= 2:
            sd[k - 2].wait()
        gd[k] = pltpu.async_copy(
            xin_hbm.at[sidx_v.at[pl.ds(k * SCHUNK, SCHUNK)]],
            val_v.at[k % 2], sem_g)
        if k >= 1:
            gd[k - 1].wait()
            sd[k - 1] = pltpu.async_copy(
                val_v.at[(k - 1) % 2], acc_sh.at[didx_v.at[k - 1]], sem_s,
                add=True)
    gd[N_GSCH - 1].wait()
    sd[N_GSCH - 1] = pltpu.async_copy(
        val_v.at[(N_GSCH - 1) % 2], acc_sh.at[didx_v.at[N_GSCH - 1]], sem_s,
        add=True)
    if N_GSCH >= 2:
        sd[N_GSCH - 2].wait()
    sd[N_GSCH - 1].wait()

    plsc.subcore_barrier()
    pltpu.sync_copy(acc_sh.at[pl.ds(s * N_PER_TILE, N_PER_TILE)],
                    out_hbm.at[c, pl.ds(s * N_PER_TILE, N_PER_TILE)])


_sc_gs = functools.partial(
    pl.kernel,
    out_type=jax.ShapeDtypeStruct((NC, N_PAD, OUT_DIM), jnp.float32),
    mesh=_MESH,
    compiler_params=pltpu.CompilerParams(use_tc_tiling_on_sc=False),
    scratch_types=[
        pltpu.VMEM_SHARED((N_PAD, OUT_DIM), jnp.float32),
        pltpu.VMEM((E_PER_TILE,), jnp.int32),
        pltpu.VMEM((N_GSCH, SCHUNK), jnp.int32),
        pltpu.VMEM((2, SCHUNK, OUT_DIM), jnp.float32),
        pltpu.VMEM((N_PER_TILE, OUT_DIM), jnp.float32),
        pltpu.SemaphoreType.DMA,
        pltpu.SemaphoreType.DMA,
    ],
)(_sc_gs_body)



SB = EB // 2


def _edge_body(attr_ref, xsrc_ref, w1_ref, b1_ref, w2_ref, b2_ref, w3p_ref,
               b3p_ref, msg_ref):
    for p in range(EB // SB):
        a = attr_ref[p * SB:(p + 1) * SB, :]
        h = _elu(jnp.dot(a, w1_ref[...], preferred_element_type=jnp.float32)
                 + b1_ref[...])
        h = _elu(jnp.dot(h, w2_ref[...], preferred_element_type=jnp.float32)
                 + b2_ref[...])
        h = _elu(jnp.dot(h, w3p_ref[...], preferred_element_type=jnp.float32)
                 + b3p_ref[...])
        xs = xsrc_ref[p * SB:(p + 1) * SB, :]
        for o in range(OUT_DIM):
            msg_ref[p * SB:(p + 1) * SB, o:o + 1] = jnp.sum(
                xs * h[:, o * IN_DIM:(o + 1) * IN_DIM], axis=1,
                keepdims=True)


def _make_edge(ne, base0):
    blk0 = base0 // EB

    def call(edge_attr, xsrc, w1, b1r, w2, b2r, w3p, b3pr):
        return pl.pallas_call(
            _edge_body,
            grid=(ne // EB,),
            in_specs=[
                pl.BlockSpec((EB, 4), lambda i: (i + blk0, 0)),
                pl.BlockSpec((EB, IN_DIM), lambda i: (i, 0)),
                pl.BlockSpec((4, HID), lambda i: (0, 0)),
                pl.BlockSpec((1, HID), lambda i: (0, 0)),
                pl.BlockSpec((HID, 1024), lambda i: (0, 0)),
                pl.BlockSpec((1, 1024), lambda i: (0, 0)),
                pl.BlockSpec((1024, IN_DIM * OUT_DIM), lambda i: (0, 0)),
                pl.BlockSpec((1, IN_DIM * OUT_DIM), lambda i: (0, 0)),
            ],
            out_specs=pl.BlockSpec((EB, OUT_DIM), lambda i: (i, 0)),
            out_shape=jax.ShapeDtypeStruct((ne, OUT_DIM), jnp.float32),
        )(edge_attr, xsrc, w1, b1r, w2, b2r, w3p, b3pr)

    return call


_edge_a = _make_edge(EA, 0)
_edge_b = _make_edge(EBB, EA)



def _root_body(x_ref, agga_ref, aggb_ref, wroot_ref, broot_ref, xc_ref,
               e_ref):
    xc = jnp.dot(x_ref[...], wroot_ref[...],
                 preferred_element_type=jnp.float32)
    xc = xc + agga_ref[0] + agga_ref[1] + aggb_ref[0] + aggb_ref[1] \
        + broot_ref[...]
    xc_ref[...] = xc
    e_ref[...] = _elu(xc)


def _root(x, agga, aggb, wroot, brootr):
    grid = (N // NB,)
    return pl.pallas_call(
        _root_body,
        grid=grid,
        in_specs=[
            pl.BlockSpec((NB, IN_DIM), lambda i: (i, 0)),
            pl.BlockSpec((NC, NB, OUT_DIM), lambda i: (0, i, 0)),
            pl.BlockSpec((NC, NB, OUT_DIM), lambda i: (0, i, 0)),
            pl.BlockSpec((IN_DIM, OUT_DIM), lambda i: (0, 0)),
            pl.BlockSpec((1, OUT_DIM), lambda i: (0, 0)),
        ],
        out_specs=[
            pl.BlockSpec((NB, OUT_DIM), lambda i: (i, 0)),
            pl.BlockSpec((NB, OUT_DIM), lambda i: (i, 0)),
        ],
        out_shape=[
            jax.ShapeDtypeStruct((N, OUT_DIM), jnp.float32),
            jax.ShapeDtypeStruct((N, OUT_DIM), jnp.float32),
        ],
    )(x, agga, aggb, wroot, brootr)



def _gin_body(xin_ref, nagg_ref, a1_ref, c1_ref, a2_ref, c2_ref, a3_ref,
              c3_ref, out_ref, e_ref):
    h = xin_ref[...] + nagg_ref[0] + nagg_ref[1]
    h = _elu(jnp.dot(h, a1_ref[...], preferred_element_type=jnp.float32)
             + c1_ref[...])
    h = _elu(jnp.dot(h, a2_ref[...], preferred_element_type=jnp.float32)
             + c2_ref[...])
    h = jnp.dot(h, a3_ref[...], preferred_element_type=jnp.float32) \
        + c3_ref[...]
    out_ref[...] = h
    e_ref[...] = _elu(h)


def _gin(xin, nagg, a1, c1r, a2, c2r, a3, c3r):
    grid = (N // NB,)
    return pl.pallas_call(
        _gin_body,
        grid=grid,
        in_specs=[
            pl.BlockSpec((NB, OUT_DIM), lambda i: (i, 0)),
            pl.BlockSpec((NC, NB, OUT_DIM), lambda i: (0, i, 0)),
            pl.BlockSpec((OUT_DIM, HID), lambda i: (0, 0)),
            pl.BlockSpec((1, HID), lambda i: (0, 0)),
            pl.BlockSpec((HID, HID), lambda i: (0, 0)),
            pl.BlockSpec((1, HID), lambda i: (0, 0)),
            pl.BlockSpec((HID, OUT_DIM), lambda i: (0, 0)),
            pl.BlockSpec((1, OUT_DIM), lambda i: (0, 0)),
        ],
        out_specs=[
            pl.BlockSpec((NB, OUT_DIM), lambda i: (i, 0)),
            pl.BlockSpec((NB, OUT_DIM), lambda i: (i, 0)),
        ],
        out_shape=[
            jax.ShapeDtypeStruct((N, OUT_DIM), jnp.float32),
            jax.ShapeDtypeStruct((N, OUT_DIM), jnp.float32),
        ],
    )(xin, nagg, a1, c1r, a2, c2r, a3, c3r)




def kernel(x, edge_index, edge_attr, w1, b1, w2, b2, w3, b3, wroot, broot,
           g1_w1, g1_b1, g1_w2, g1_b2, g1_w3, g1_b3, g2_w1, g2_b1, g2_w2,
           g2_b2, g2_w3, g2_b3):
    src = edge_index[0]
    dst = edge_index[1]

    w3p = w3.reshape(1024, IN_DIM, OUT_DIM).transpose(0, 2, 1) \
        .reshape(1024, IN_DIM * OUT_DIM)
    b3p = b3.reshape(IN_DIM, OUT_DIM).T.reshape(1, IN_DIM * OUT_DIM)
    b1r = b1.reshape(1, -1)
    b2r = b2.reshape(1, -1)

    xsa = _gather_a(x, src)
    msga = _edge_a(edge_attr, xsa, w1, b1r, w2, b2r, w3p, b3p)
    agga = _scatter_a(msga, dst)
    xsb = _gather_b(x, src)
    msgb = _edge_b(edge_attr, xsb, w1, b1r, w2, b2r, w3p, b3p)
    aggb = _scatter_b(msgb, dst)
    xc0, e0 = _root(x, agga, aggb, wroot, broot.reshape(1, -1))

    nagg1 = _sc_gs(e0, src, dst)
    xc1, e1 = _gin(e0, nagg1, g1_w1, g1_b1.reshape(1, -1), g1_w2,
                   g1_b2.reshape(1, -1), g1_w3, g1_b3.reshape(1, -1))

    nagg2 = _sc_gs(e1, src, dst)
    xc2, _ = _gin(e1, nagg2, g2_w1, g2_b1.reshape(1, -1), g2_w2,
                  g2_b2.reshape(1, -1), g2_w3, g2_b3.reshape(1, -1))

    return jnp.stack([xc0, xc1, xc2], axis=2)

# --- scband reference (transcript-rebuilt; emitter-appended) ---
"""Pipeline reference for scband-graph-encoder-9672266350628 (READ-ONLY COPY).

The authoritative reference and input builder live on the scoring server;
editing this copy changes nothing except your own understanding.
"""

import jax, jax.numpy as jnp
import numpy as np

N = 10000
E = 160000
IN_DIM = 128
OUT_DIM = 16
HID = 256
ATTR_DIM = 4

def elu(v):
    return jnp.where(v > 0, v, jnp.expm1(v))

def _lin(k, i, o):
    return (jax.random.normal(k, (i, o), dtype=jnp.float32) / np.sqrt(i)).astype(jnp.float32)

def setup_inputs(seed: int = 0):
    key = jax.random.key(seed)
    ks = jax.random.split(key, 20)
    inp = {}
    inp["x"] = jax.random.normal(ks[0], (N, IN_DIM), dtype=jnp.float32)
    inp["edge_index"] = jax.random.randint(ks[1], (2, E), 0, N, dtype=jnp.int32)
    inp["edge_attr"] = jax.random.normal(ks[2], (E, ATTR_DIM), dtype=jnp.float32)
    inp["w1"] = _lin(ks[3], ATTR_DIM, 256)
    inp["b1"] = jnp.zeros((256,), jnp.float32)
    inp["w2"] = _lin(ks[4], 256, 1024)
    inp["b2"] = jnp.zeros((1024,), jnp.float32)
    inp["w3"] = _lin(ks[5], 1024, IN_DIM * OUT_DIM)
    inp["b3"] = jnp.zeros((IN_DIM * OUT_DIM,), jnp.float32)
    inp["wroot"] = _lin(ks[6], IN_DIM, OUT_DIM)
    inp["broot"] = jnp.zeros((OUT_DIM,), jnp.float32)
    inp["g1_w1"] = _lin(ks[7], OUT_DIM, HID)
    inp["g1_b1"] = jnp.zeros((HID,), jnp.float32)
    inp["g1_w2"] = _lin(ks[8], HID, HID)
    inp["g1_b2"] = jnp.zeros((HID,), jnp.float32)
    inp["g1_w3"] = _lin(ks[9], HID, OUT_DIM)
    inp["g1_b3"] = jnp.zeros((OUT_DIM,), jnp.float32)
    inp["g2_w1"] = _lin(ks[10], OUT_DIM, HID)
    inp["g2_b1"] = jnp.zeros((HID,), jnp.float32)
    inp["g2_w2"] = _lin(ks[11], HID, HID)
    inp["g2_b2"] = jnp.zeros((HID,), jnp.float32)
    inp["g2_w3"] = _lin(ks[12], HID, OUT_DIM)
    inp["g2_b3"] = jnp.zeros((OUT_DIM,), jnp.float32)
    return inp

def reference(x, edge_index, edge_attr, w1, b1, w2, b2, w3, b3, wroot, broot, g1_w1, g1_b1, g1_w2, g1_b2, g1_w3, g1_b3, g2_w1, g2_b1, g2_w2, g2_b2, g2_w3, g2_b3):
    src = edge_index[0]
    dst = edge_index[1]
    # Layer 0: EdgeNNConv (PyG NNConv, aggr='add', root weight + bias)
    h = elu(edge_attr @ w1 + b1)
    h = elu(h @ w2 + b2)
    h = elu(h @ w3 + b3)
    Wedge = h.reshape(E, IN_DIM, OUT_DIM)
    msg = jnp.einsum('ei,eio->eo', x[src], Wedge)
    agg = jax.ops.segment_sum(msg, dst, num_segments=N)
    xc = x @ wroot + agg + broot
    embs = [xc]
    # Layers 1..2: GINConv (eps=0) with 3-layer ELU MLP, preceded by ELU nonlinearity
    for (a1, c1, a2, c2, a3, c3) in ((g1_w1, g1_b1, g1_w2, g1_b2, g1_w3, g1_b3), (g2_w1, g2_b1, g2_w2, g2_b2, g2_w3, g2_b3)):
        xin = elu(xc)
        nagg = jax.ops.segment_sum(xin[src], dst, num_segments=N)
        h2 = xin + nagg
        h2 = elu(h2 @ a1 + c1)
        h2 = elu(h2 @ a2 + c2)
        h2 = h2 @ a3 + c3
        embs.append(h2)
        xc = h2
    return jnp.stack(embs, axis=2)

if __name__ == "__main__":
    import jax
    _d = setup_inputs()
    print(jax.jit(kernel)(*tuple(_d.values())))

</pallas_src>

<mosaic_0001>
#map = affine_map<(d0, d1) -> (0, 0)>
#map1 = affine_map<(d0, d1) -> (0)>
#map2 = affine_map<(d0, d1) -> (0, 0, 0)>
module attributes {stable_mosaic.version = 14 : i64} {
  func.func @body(%arg0: i32, %arg1: i32, %arg2: memref<32000x16xf32, #tpu.memory_space<hbm>>, %arg3: memref<160000xi32, #tpu.memory_space<hbm>>, %arg4: memref<2x10240x16xf32, #tpu.memory_space<hbm>>, %arg5: memref<10240x16xf32, #tpu.memory_space<vmem_shared>>, %arg6: memref<1x1000xi32, #tpu.memory_space<vmem>>, %arg7: memref<2x1000x16xf32, #tpu.memory_space<vmem>>, %arg8: memref<640x16xf32, #tpu.memory_space<vmem>>, %arg9: memref<!tpu.dma_semaphore, #tpu.memory_space<semaphore_mem>>, %arg10: memref<!tpu.dma_semaphore, #tpu.memory_space<semaphore_mem>>) attributes {dimension_semantics = [#tpu.dimension_semantics<core_parallel>, #tpu.dimension_semantics<subcore_parallel>], iteration_bounds = array<i64: 2, 16>, scalar_prefetch = 0 : i64, scratch_operands = 6 : i64, tpu.core_type = #tpu.core_type<sc_vector_subcore>, window_params = [{transform_indices = #map}, {transform_indices = #map1}, {transform_indices = #map2}]} {
    %scan3A = arith.constant 0 : i32
    %scan3A_0 = arith.constant 0 : i32
    %scan3A_1 = arith.constant 640 : i32
    %scan3A_2 = arith.addi %scan3A_0, %scan3A_1 : i32
    %scan3A_3 = arith.constant 1 : i32
    scf.for %scan3A_69 = %scan3A_0 to %scan3A_2 step %scan3A_3  : i32 {
      %broadcast_in_dim3A = arith.constant 0.000000e+00 : f32
      %broadcast_in_dim3A_70 = vector.broadcast %broadcast_in_dim3A : f32 to vector<16xf32>
      %swap3A = arith.index_cast %scan3A_69 : i32 to index
      %swap3A_71 = arith.constant 0 : index
      %swap3A_72 = tpu.vector_load %arg8[%swap3A, %swap3A_71] {strides = array<i32>} : memref<640x16xf32, #tpu.memory_space<vmem>>, vector<1x16xf32>,
      %swap3A_73 = vector.shape_cast %swap3A_72 : vector<1x16xf32> to vector<16xf32>
      %swap3A_74 = vector.shape_cast %broadcast_in_dim3A_70 : vector<16xf32> to vector<1x16xf32>
      tpu.vector_store %arg8[%swap3A, %swap3A_71], %swap3A_74 {strides = array<i32>} : memref<640x16xf32, #tpu.memory_space<vmem>>, vector<1x16xf32>,
    }
    %scan3A_4 = arith.constant 640 : i32
    %mul3A = arith.constant 640 : i32
    %mul3A_5 = arith.muli %arg1, %mul3A : i32
    "tpu.region"() ({
      %run_scoped3A_69 = tpu.sem_alloc : memref<!tpu.dma_semaphore, #tpu.memory_space<semaphore_mem>>
      %dma_start3A_70 = arith.constant 0 : i32
      %dma_start3A_71 = tpu.memref_slice %arg5[%mul3A_5, %dma_start3A_70] : memref<10240x16xf32, #tpu.memory_space<vmem_shared>> -> memref<640x16xf32, #tpu.memory_space<vmem_shared>>
      %dma_start3A_72 = arith.constant 0 : i32
      %dma_start3A_73 = tpu.memref_slice %arg5[%mul3A_5, %dma_start3A_72] : memref<10240x16xf32, #tpu.memory_space<vmem_shared>> -> memref<640x16xf32, #tpu.memory_space<vmem_shared>>
      tpu.enqueue_dma source(%arg8 : memref<640x16xf32, #tpu.memory_space<vmem>>) target(%dma_start3A_73 : memref<640x16xf32, #tpu.memory_space<vmem_shared>>) target_semaphore(%run_scoped3A_69 : memref<!tpu.dma_semaphore, #tpu.memory_space<semaphore_mem>>)
      %dma_wait3A_74 = arith.constant 0 : i32
      %dma_wait3A_75 = tpu.memref_slice %arg5[%mul3A_5, %dma_wait3A_74] : memref<10240x16xf32, #tpu.memory_space<vmem_shared>> -> memref<640x16xf32, #tpu.memory_space<vmem_shared>>
      %dma_wait3A_76 = arith.constant 0 : i32
      %dma_wait3A_77 = tpu.memref_slice %arg5[%mul3A_5, %dma_wait3A_76] : memref<10240x16xf32, #tpu.memory_space<vmem_shared>> -> memref<640x16xf32, #tpu.memory_space<vmem_shared>>
      tpu.wait_dma2 semaphore(%run_scoped3A_69 : memref<!tpu.dma_semaphore, #tpu.memory_space<semaphore_mem>>) src(%arg8 : memref<640x16xf32, #tpu.memory_space<vmem>>) dst(%dma_wait3A_77 : memref<640x16xf32, #tpu.memory_space<vmem_shared>>)
      tpu.yield
    }) : () -> ()
    %mul3A_6 = arith.constant 16000 : i32
    %mul3A_7 = arith.muli %arg0, %mul3A_6 : i32
    %mul3A_8 = arith.constant 1000 : i32
    %mul3A_9 = arith.muli %arg1, %mul3A_8 : i32
    %add3A = arith.addi %mul3A_7, %mul3A_9 : i32
    %add3A_10 = arith.constant 0 : i32
    %add3A_11 = arith.addi %add3A_10, %add3A : i32
    %add3A_12 = arith.constant 0 : i32
    %add3A_13 = arith.addi %add3A_11, %add3A_12 : i32
    %run_scoped3A = arith.constant 0 : i32
    "tpu.region"() ({
      %run_scoped3A_69 = tpu.sem_alloc : memref<!tpu.dma_semaphore, #tpu.memory_space<semaphore_mem>>
      %dma_start3A_70 = arith.constant 0 : i32
      %dma_start3A_71 = tpu.memref_slice %arg6[%run_scoped3A, %dma_start3A_70] : memref<1x1000xi32, #tpu.memory_space<vmem>> -> memref<1x1000xi32, #tpu.memory_space<vmem>>
      %dma_start3A_72 = tpu.memref_squeeze %dma_start3A_71 : memref<1x1000xi32, #tpu.memory_space<vmem>> -> memref<1000xi32, #tpu.memory_space<vmem>>
      %dma_start3A_73 = tpu.memref_slice %arg3[%add3A_13] : memref<160000xi32, #tpu.memory_space<hbm>> -> memref<1000xi32, #tpu.memory_space<hbm>>
      %dma_start3A_74 = arith.constant 0 : i32
      %dma_start3A_75 = tpu.memref_slice %arg6[%run_scoped3A, %dma_start3A_74] : memref<1x1000xi32, #tpu.memory_space<vmem>> -> memref<1x1000xi32, #tpu.memory_space<vmem>>
      %dma_start3A_76 = tpu.memref_squeeze %dma_start3A_75 : memref<1x1000xi32, #tpu.memory_space<vmem>> -> memref<1000xi32, #tpu.memory_space<vmem>>
      %dma_start3A_77 = tpu.memref_slice %arg3[%add3A_13] : memref<160000xi32, #tpu.memory_space<hbm>> -> memref<1000xi32, #tpu.memory_space<hbm>>
      tpu.enqueue_dma source(%dma_start3A_77 : memref<1000xi32, #tpu.memory_space<hbm>>) target(%dma_start3A_76 : memref<1000xi32, #tpu.memory_space<vmem>>) target_semaphore(%run_scoped3A_69 : memref<!tpu.dma_semaphore, #tpu.memory_space<semaphore_mem>>)
      %dma_wait3A_78 = arith.constant 0 : i32
      %dma_wait3A_79 = tpu.memref_slice %arg6[%run_scoped3A, %dma_wait3A_78] : memref<1x1000xi32, #tpu.memory_space<vmem>> -> memref<1x1000xi32, #tpu.memory_space<vmem>>
      %dma_wait3A_80 = tpu.memref_squeeze %dma_wait3A_79 : memref<1x1000xi32, #tpu.memory_space<vmem>> -> memref<1000xi32, #tpu.memory_space<vmem>>
      %dma_wait3A_81 = tpu.memref_slice %arg3[%add3A_13] : memref<160000xi32, #tpu.memory_space<hbm>> -> memref<1000xi32, #tpu.memory_space<hbm>>
      %dma_wait3A_82 = arith.constant 0 : i32
      %dma_wait3A_83 = tpu.memref_slice %arg6[%run_scoped3A, %dma_wait3A_82] : memref<1x1000xi32, #tpu.memory_space<vmem>> -> memref<1x1000xi32, #tpu.memory_space<vmem>>
      %dma_wait3A_84 = tpu.memref_squeeze %dma_wait3A_83 : memref<1x1000xi32, #tpu.memory_space<vmem>> -> memref<1000xi32, #tpu.memory_space<vmem>>
      %dma_wait3A_85 = tpu.memref_slice %arg3[%add3A_13] : memref<160000xi32, #tpu.memory_space<hbm>> -> memref<1000xi32, #tpu.memory_space<hbm>>
      tpu.wait_dma2 semaphore(%run_scoped3A_69 : memref<!tpu.dma_semaphore, #tpu.memory_space<semaphore_mem>>) src(%dma_wait3A_85 : memref<1000xi32, #tpu.memory_space<hbm>>) dst(%dma_wait3A_84 : memref<1000xi32, #tpu.memory_space<vmem>>)
      tpu.yield
    }) : () -> ()
    %barrier3A = arith.constant 0 : index
    tpu.barrier barrier_id(%barrier3A)
    %add3A_14 = arith.constant 0 : i32
    %add3A_15 = arith.addi %add3A, %add3A_14 : i32
    %dma_start3A = arith.constant 0 : i32
    %dma_start3A_16 = arith.constant 0 : i32
    %dma_start3A_17 = arith.constant 0 : i32
    %dma_start3A_18 = tpu.memref_slice %arg7[%dma_start3A, %dma_start3A_16, %dma_start3A_17] : memref<2x1000x16xf32, #tpu.memory_space<vmem>> -> memref<1x1000x16xf32, #tpu.memory_space<vmem>>
    %dma_start3A_19 = tpu.memref_squeeze %dma_start3A_18 : memref<1x1000x16xf32, #tpu.memory_space<vmem>> -> memref<1000x16xf32, #tpu.memory_space<vmem>>
    %dma_start3A_20 = arith.constant 0 : i32
    %dma_start3A_21 = tpu.memref_slice %arg2[%add3A_15, %dma_start3A_20] : memref<32000x16xf32, #tpu.memory_space<hbm>> -> memref<1000x16xf32, #tpu.memory_space<hbm>>
    %dma_start3A_22 = arith.constant 0 : i32
    %dma_start3A_23 = arith.constant 0 : i32
    %dma_start3A_24 = tpu.memref_slice %arg7[%dma_start3A, %dma_start3A_22, %dma_start3A_23] : memref<2x1000x16xf32, #tpu.memory_space<vmem>> -> memref<1x1000x16xf32, #tpu.memory_space<vmem>>
    %dma_start3A_25 = tpu.memref_squeeze %dma_start3A_24 : memref<1x1000x16xf32, #tpu.memory_space<vmem>> -> memref<1000x16xf32, #tpu.memory_space<vmem>>
    %dma_start3A_26 = arith.constant 0 : i32
    %dma_start3A_27 = tpu.memref_slice %arg2[%add3A_15, %dma_start3A_26] : memref<32000x16xf32, #tpu.memory_space<hbm>> -> memref<1000x16xf32, #tpu.memory_space<hbm>>
    tpu.enqueue_dma source(%dma_start3A_27 : memref<1000x16xf32, #tpu.memory_space<hbm>>) target(%dma_start3A_25 : memref<1000x16xf32, #tpu.memory_space<vmem>>) target_semaphore(%arg9 : memref<!tpu.dma_semaphore, #tpu.memory_space<semaphore_mem>>)
    %dma_wait3A = arith.constant 0 : i32
    %dma_wait3A_28 = arith.constant 0 : i32
    %dma_wait3A_29 = arith.constant 0 : i32
    %dma_wait3A_30 = tpu.memref_slice %arg7[%dma_wait3A, %dma_wait3A_28, %dma_wait3A_29] : memref<2x1000x16xf32, #tpu.memory_space<vmem>> -> memref<1x1000x16xf32, #tpu.memory_space<vmem>>
    %dma_wait3A_31 = tpu.memref_squeeze %dma_wait3A_30 : memref<1x1000x16xf32, #tpu.memory_space<vmem>> -> memref<1000x16xf32, #tpu.memory_space<vmem>>
    %dma_wait3A_32 = arith.constant 0 : i32
    %dma_wait3A_33 = tpu.memref_slice %arg2[%add3A_15, %dma_wait3A_32] : memref<32000x16xf32, #tpu.memory_space<hbm>> -> memref<1000x16xf32, #tpu.memory_space<hbm>>
    %dma_wait3A_34 = arith.constant 0 : i32
    %dma_wait3A_35 = arith.constant 0 : i32
    %dma_wait3A_36 = tpu.memref_slice %arg7[%dma_wait3A, %dma_wait3A_34, %dma_wait3A_35] : memref<2x1000x16xf32, #tpu.memory_space<vmem>> -> memref<1x1000x16xf32, #tpu.memory_space<vmem>>
    %dma_wait3A_37 = tpu.memref_squeeze %dma_wait3A_36 : memref<1x1000x16xf32, #tpu.memory_space<vmem>> -> memref<1000x16xf32, #tpu.memory_space<vmem>>
    %dma_wait3A_38 = arith.constant 0 : i32
    %dma_wait3A_39 = tpu.memref_slice %arg2[%add3A_15, %dma_wait3A_38] : memref<32000x16xf32, #tpu.memory_space<hbm>> -> memref<1000x16xf32, #tpu.memory_space<hbm>>
    tpu.wait_dma2 semaphore(%arg9 : memref<!tpu.dma_semaphore, #tpu.memory_space<semaphore_mem>>) src(%dma_wait3A_39 : memref<1000x16xf32, #tpu.memory_space<hbm>>) dst(%dma_wait3A_37 : memref<1000x16xf32, #tpu.memory_space<vmem>>)
    %dma_start3A_40 = arith.constant 0 : i32
    %dma_start3A_41 = arith.constant 0 : i32
    %dma_start3A_42 = arith.constant 0 : i32
    %dma_start3A_43 = arith.constant 0 : i32
    %dma_start3A_44 = tpu.memref_slice %arg7[%dma_start3A_40, %dma_start3A_42, %dma_start3A_43] : memref<2x1000x16xf32, #tpu.memory_space<vmem>> -> memref<1x1000x16xf32, #tpu.memory_space<vmem>>
    %dma_start3A_45 = tpu.memref_squeeze %dma_start3A_44 : memref<1x1000x16xf32, #tpu.memory_space<vmem>> -> memref<1000x16xf32, #tpu.memory_space<vmem>>
    %dma_start3A_46 = arith.constant 0 : i32
    %dma_start3A_47 = tpu.memref_slice %arg6[%dma_start3A_41, %dma_start3A_46] : memref<1x1000xi32, #tpu.memory_space<vmem>> -> memref<1x1000xi32, #tpu.memory_space<vmem>>
    %dma_start3A_48 = tpu.memref_squeeze %dma_start3A_47 : memref<1x1000xi32, #tpu.memory_space<vmem>> -> memref<1000xi32, #tpu.memory_space<vmem>>
    %dma_start3A_49 = arith.constant 0 : i32
    %dma_start3A_50 = arith.constant 0 : i32
    %dma_start3A_51 = tpu.memref_slice %arg5[%dma_start3A_49, %dma_start3A_50] : memref<10240x16xf32, #tpu.memory_space<vmem_shared>> -> memref<10240x16xf32, #tpu.memory_space<vmem_shared>>
    tpu.enqueue_indirect_dma source(%dma_start3A_45 : memref<1000x16xf32, #tpu.memory_space<vmem>>) target(%dma_start3A_51 : memref<10240x16xf32, #tpu.memory_space<vmem_shared>>) offsets(%dma_start3A_48 : memref<1000xi32, #tpu.memory_space<vmem>>) semaphore(%arg10 : memref<!tpu.dma_semaphore, #tpu.memory_space<semaphore_mem>>) {add = true}
    %dma_wait3A_52 = arith.constant 0 : i32
    %dma_wait3A_53 = arith.constant 0 : i32
    %dma_wait3A_54 = arith.constant 0 : i32
    %dma_wait3A_55 = arith.constant 0 : i32
    %dma_wait3A_56 = tpu.memref_slice %arg7[%dma_wait3A_52, %dma_wait3A_54, %dma_wait3A_55] : memref<2x1000x16xf32, #tpu.memory_space<vmem>> -> memref<1x1000x16xf32, #tpu.memory_space<vmem>>
    %dma_wait3A_57 = tpu.memref_squeeze %dma_wait3A_56 : memref<1x1000x16xf32, #tpu.memory_space<vmem>> -> memref<1000x16xf32, #tpu.memory_space<vmem>>
    %dma_wait3A_58 = arith.constant 0 : i32
    %dma_wait3A_59 = tpu.memref_slice %arg6[%dma_wait3A_53, %dma_wait3A_58] : memref<1x1000xi32, #tpu.memory_space<vmem>> -> memref<1x1000xi32, #tpu.memory_space<vmem>>
    %dma_wait3A_60 = tpu.memref_squeeze %dma_wait3A_59 : memref<1x1000xi32, #tpu.memory_space<vmem>> -> memref<1000xi32, #tpu.memory_space<vmem>>
    %dma_wait3A_61 = arith.constant 0 : i32
    %dma_wait3A_62 = arith.constant 0 : i32
    %dma_wait3A_63 = tpu.memref_slice %arg5[%dma_wait3A_61, %dma_wait3A_62] : memref<10240x16xf32, #tpu.memory_space<vmem_shared>> -> memref<10240x16xf32, #tpu.memory_space<vmem_shared>>
    tpu.wait_indirect_dma semaphore(%arg10 : memref<!tpu.dma_semaphore, #tpu.memory_space<semaphore_mem>>) src(%dma_wait3A_57 : memref<1000x16xf32, #tpu.memory_space<vmem>>) dst(%dma_wait3A_63 : memref<10240x16xf32, #tpu.memory_space<vmem_shared>>)
    %barrier3A_64 = arith.constant 0 : index
    tpu.barrier barrier_id(%barrier3A_64)
    %mul3A_65 = arith.constant 640 : i32
    %mul3A_66 = arith.muli %arg1, %mul3A_65 : i32
    %mul3A_67 = arith.constant 640 : i32
    %mul3A_68 = arith.muli %arg1, %mul3A_67 : i32
    "tpu.region"() ({
      %run_scoped3A_69 = tpu.sem_alloc : memref<!tpu.dma_semaphore, #tpu.memory_space<semaphore_mem>>
      %dma_start3A_70 = arith.constant 0 : i32
      %dma_start3A_71 = tpu.memref_slice %arg4[%arg0, %mul3A_68, %dma_start3A_70] : memref<2x10240x16xf32, #tpu.memory_space<hbm>> -> memref<1x640x16xf32, #tpu.memory_space<hbm>>
      %dma_start3A_72 = tpu.memref_squeeze %dma_start3A_71 : memref<1x640x16xf32, #tpu.memory_space<hbm>> -> memref<640x16xf32, #tpu.memory_space<hbm>>
      %dma_start3A_73 = arith.constant 0 : i32
      %dma_start3A_74 = tpu.memref_slice %arg5[%mul3A_66, %dma_start3A_73] : memref<10240x16xf32, #tpu.memory_space<vmem_shared>> -> memref<640x16xf32, #tpu.memory_space<vmem_shared>>
      tpu.enqueue_dma source(%dma_start3A_74 : memref<640x16xf32, #tpu.memory_space<vmem_shared>>) target(%dma_start3A_72 : memref<640x16xf32, #tpu.memory_space<hbm>>) target_semaphore(%run_scoped3A_69 : memref<!tpu.dma_semaphore, #tpu.memory_space<semaphore_mem>>)
      %dma_wait3A_75 = arith.constant 0 : i32
      %dma_wait3A_76 = tpu.memref_slice %arg4[%arg0, %mul3A_68, %dma_wait3A_75] : memref<2x10240x16xf32, #tpu.memory_space<hbm>> -> memref<1x640x16xf32, #tpu.memory_space<hbm>>
      %dma_wait3A_77 = tpu.memref_squeeze %dma_wait3A_76 : memref<1x640x16xf32, #tpu.memory_space<hbm>> -> memref<640x16xf32, #tpu.memory_space<hbm>>
      %dma_wait3A_78 = arith.constant 0 : i32
      %dma_wait3A_79 = tpu.memref_slice %arg5[%mul3A_66, %dma_wait3A_78] : memref<10240x16xf32, #tpu.memory_space<vmem_shared>> -> memref<640x16xf32, #tpu.memory_space<vmem_shared>>
      tpu.wait_dma2 semaphore(%run_scoped3A_69 : memref<!tpu.dma_semaphore, #tpu.memory_space<semaphore_mem>>) src(%dma_wait3A_79 : memref<640x16xf32, #tpu.memory_space<vmem_shared>>) dst(%dma_wait3A_77 : memref<640x16xf32, #tpu.memory_space<hbm>>)
      tpu.yield
    }) : () -> ()
    return
  }
}

#map = affine_map<(d0, d1) -> (0, 0)>
#map1 = affine_map<(d0, d1) -> (0)>
module attributes {stable_mosaic.version = 14 : i64} {
  func.func @body(%arg0: i32, %arg1: i32, %arg2: memref<10000x128xf32, #tpu.memory_space<hbm>>, %arg3: memref<160000xi32, #tpu.memory_space<hbm>>, %arg4: memref<128000x128xf32, #tpu.memory_space<hbm>>, %arg5: memref<4000xi32, #tpu.memory_space<vmem>>, %arg6: memref<2x400x128xf32, #tpu.memory_space<vmem>>, %arg7: memref<!tpu.dma_semaphore, #tpu.memory_space<semaphore_mem>>, %arg8: memref<!tpu.dma_semaphore, #tpu.memory_space<semaphore_mem>>) attributes {dimension_semantics = [#tpu.dimension_semantics<core_parallel>, #tpu.dimension_semantics<subcore_parallel>], iteration_bounds = array<i64: 2, 16>, scalar_prefetch = 0 : i64, scratch_operands = 4 : i64, tpu.core_type = #tpu.core_type<sc_vector_subcore>, window_params = [{transform_indices = #map}, {transform_indices = #map1}, {transform_indices = #map}]} {
    %mul3A = arith.constant 2 : i32
    %mul3A_0 = arith.muli %arg1, %mul3A : i32
    %add3A = arith.addi %mul3A_0, %arg0 : i32
    %mul3A_1 = arith.constant 4000 : i32
    %mul3A_2 = arith.muli %add3A, %mul3A_1 : i32
    %add3A_3 = arith.constant 32000 : i32
    %add3A_4 = arith.addi %add3A_3, %mul3A_2 : i32
    "tpu.region"() ({
      %run_scoped3A = tpu.sem_alloc : memref<!tpu.dma_semaphore, #tpu.memory_space<semaphore_mem>>
      %dma_start3A_483 = tpu.memref_slice %arg3[%add3A_4] : memref<160000xi32, #tpu.memory_space<hbm>> -> memref<4000xi32, #tpu.memory_space<hbm>>
      %dma_start3A_484 = tpu.memref_slice %arg3[%add3A_4] : memref<160000xi32, #tpu.memory_space<hbm>> -> memref<4000xi32, #tpu.memory_space<hbm>>
      tpu.enqueue_dma source(%dma_start3A_484 : memref<4000xi32, #tpu.memory_space<hbm>>) target(%arg5 : memref<4000xi32, #tpu.memory_space<vmem>>) target_semaphore(%run_scoped3A : memref<!tpu.dma_semaphore, #tpu.memory_space<semaphore_mem>>)
      %dma_wait3A_485 = tpu.memref_slice %arg3[%add3A_4] : memref<160000xi32, #tpu.memory_space<hbm>> -> memref<4000xi32, #tpu.memory_space<hbm>>
      %dma_wait3A_486 = tpu.memref_slice %arg3[%add3A_4] : memref<160000xi32, #tpu.memory_space<hbm>> -> memref<4000xi32, #tpu.memory_space<hbm>>
      tpu.wait_dma2 semaphore(%run_scoped3A : memref<!tpu.dma_semaphore, #tpu.memory_space<semaphore_mem>>) src(%dma_wait3A_486 : memref<4000xi32, #tpu.memory_space<hbm>>) dst(%arg5 : memref<4000xi32, #tpu.memory_space<vmem>>)
      tpu.yield
    }) : () -> ()
    %dma_start3A = arith.constant 0 : i32
    %dma_start3A_5 = arith.constant 0 : i32
    %dma_start3A_6 = arith.constant 0 : i32
    %dma_start3A_7 = tpu.memref_slice %arg6[%dma_start3A, %dma_start3A_5, %dma_start3A_6] : memref<2x400x128xf32, #tpu.memory_space<vmem>> -> memref<1x400x128xf32, #tpu.memory_space<vmem>>
    %dma_start3A_8 = tpu.memref_squeeze %dma_start3A_7 : memref<1x400x128xf32, #tpu.memory_space<vmem>> -> memref<400x128xf32, #tpu.memory_space<vmem>>
    %dma_start3A_9 = arith.constant 0 : i32
    %dma_start3A_10 = tpu.memref_slice %arg5[%dma_start3A_9] : memref<4000xi32, #tpu.memory_space<vmem>> -> memref<400xi32, #tpu.memory_space<vmem>>
    %dma_start3A_11 = arith.constant 0 : i32
    %dma_start3A_12 = arith.constant 0 : i32
    %dma_start3A_13 = tpu.memref_slice %arg2[%dma_start3A_11, %dma_start3A_12] : memref<10000x128xf32, #tpu.memory_space<hbm>> -> memref<10000x128xf32, #tpu.memory_space<hbm>>
    tpu.enqueue_indirect_dma source(%dma_start3A_13 : memref<10000x128xf32, #tpu.memory_space<hbm>>) target(%dma_start3A_8 : memref<400x128xf32, #tpu.memory_space<vmem>>) offsets(%dma_start3A_10 : memref<400xi32, #tpu.memory_space<vmem>>) semaphore(%arg7 : memref<!tpu.dma_semaphore, #tpu.memory_space<semaphore_mem>>)
    %dma_start3A_14 = arith.constant 1 : i32
    %dma_start3A_15 = arith.constant 0 : i32
    %dma_start3A_16 = arith.constant 0 : i32
    %dma_start3A_17 = tpu.memref_slice %arg6[%dma_start3A_14, %dma_start3A_15, %dma_start3A_16] : memref<2x400x128xf32, #tpu.memory_space<vmem>> -> memref<1x400x128xf32, #tpu.memory_space<vmem>>
    %dma_start3A_18 = tpu.memref_squeeze %dma_start3A_17 : memref<1x400x128xf32, #tpu.memory_space<vmem>> -> memref<400x128xf32, #tpu.memory_space<vmem>>
    %dma_start3A_19 = arith.constant 400 : i32
    %dma_start3A_20 = tpu.memref_slice %arg5[%dma_start3A_19] : memref<4000xi32, #tpu.memory_space<vmem>> -> memref<400xi32, #tpu.memory_space<vmem>>
    %dma_start3A_21 = arith.constant 0 : i32
    %dma_start3A_22 = arith.constant 0 : i32
    %dma_start3A_23 = tpu.memref_slice %arg2[%dma_start3A_21, %dma_start3A_22] : memref<10000x128xf32, #tpu.memory_space<hbm>> -> memref<10000x128xf32, #tpu.memory_space<hbm>>
    tpu.enqueue_indirect_dma source(%dma_start3A_23 : memref<10000x128xf32, #tpu.memory_space<hbm>>) target(%dma_start3A_18 : memref<400x128xf32, #tpu.memory_space<vmem>>) offsets(%dma_start3A_20 : memref<400xi32, #tpu.memory_space<vmem>>) semaphore(%arg7 : memref<!tpu.dma_semaphore, #tpu.memory_space<semaphore_mem>>)
    %dma_wait3A = arith.constant 0 : i32
    %dma_wait3A_24 = arith.constant 0 : i32
    %dma_wait3A_25 = arith.constant 0 : i32
    %dma_wait3A_26 = tpu.memref_slice %arg6[%dma_wait3A, %dma_wait3A_24, %dma_wait3A_25] : memref<2x400x128xf32, #tpu.memory_space<vmem>> -> memref<1x400x128xf32, #tpu.memory_space<vmem>>
    %dma_wait3A_27 = tpu.memref_squeeze %dma_wait3A_26 : memref<1x400x128xf32, #tpu.memory_space<vmem>> -> memref<400x128xf32, #tpu.memory_space<vmem>>
    %dma_wait3A_28 = arith.constant 0 : i32
    %dma_wait3A_29 = tpu.memref_slice %arg5[%dma_wait3A_28] : memref<4000xi32, #tpu.memory_space<vmem>> -> memref<400xi32, #tpu.memory_space<vmem>>
    %dma_wait3A_30 = arith.constant 0 : i32
    %dma_wait3A_31 = arith.constant 0 : i32
    %dma_wait3A_32 = tpu.memref_slice %arg2[%dma_wait3A_30, %dma_wait3A_31] : memref<10000x128xf32, #tpu.memory_space<hbm>> -> memref<10000x128xf32, #tpu.memory_space<hbm>>
    tpu.wait_indirect_dma semaphore(%arg7 : memref<!tpu.dma_semaphore, #tpu.memory_space<semaphore_mem>>) src(%dma_wait3A_32 : memref<10000x128xf32, #tpu.memory_space<hbm>>) dst(%dma_wait3A_27 : memref<400x128xf32, #tpu.memory_space<vmem>>)
    %add3A_33 = arith.constant 0 : i32
    %add3A_34 = arith.addi %mul3A_2, %add3A_33 : i32
    %dma_start3A_35 = arith.constant 0 : i32
    %dma_start3A_36 = arith.constant 0 : i32
    %dma_start3A_37 = arith.constant 0 : i32
    %dma_start3A_38 = tpu.memref_slice %arg6[%dma_start3A_35, %dma_start3A_36, %dma_start3A_37] : memref<2x400x128xf32, #tpu.memory_space<vmem>> -> memref<1x400x128xf32, #tpu.memory_space<vmem>>
    %dma_start3A_39 = tpu.memref_squeeze %dma_start3A_38 : memref<1x400x128xf32, #tpu.memory_space<vmem>> -> memref<400x128xf32, #tpu.memory_space<vmem>>
    %dma_start3A_40 = arith.constant 0 : i32
    %dma_start3A_41 = tpu.memref_slice %arg4[%add3A_34, %dma_start3A_40] : memref<128000x128xf32, #tpu.memory_space<hbm>> -> memref<400x128xf32, #tpu.memory_space<hbm>>
    %dma_start3A_42 = arith.constant 0 : i32
    %dma_start3A_43 = tpu.memref_slice %arg4[%add3A_34, %dma_start3A_42] : memref<128000x128xf32, #tpu.memory_space<hbm>> -> memref<400x128xf32, #tpu.memory_space<hbm>>
    %dma_start3A_44 = arith.constant 0 : i32
    %dma_start3A_45 = arith.constant 0 : i32
    %dma_start3A_46 = tpu.memref_slice %arg6[%dma_start3A_35, %dma_start3A_44, %dma_start3A_45] : memref<2x400x128xf32, #tpu.memory_space<vmem>> -> memref<1x400x128xf32, #tpu.memory_space<vmem>>
    %dma_start3A_47 = tpu.memref_squeeze %dma_start3A_46 : memref<1x400x128xf32, #tpu.memory_space<vmem>> -> memref<400x128xf32, #tpu.memory_space<vmem>>
    tpu.enqueue_dma source(%dma_start3A_47 : memref<400x128xf32, #tpu.memory_space<vmem>>) target(%dma_start3A_43 : memref<400x128xf32, #tpu.memory_space<hbm>>) target_semaphore(%arg8 : memref<!tpu.dma_semaphore, #tpu.memory_space<semaphore_mem>>)
    %dma_wait3A_48 = arith.constant 0 : i32
    %dma_wait3A_49 = arith.constant 0 : i32
    %dma_wait3A_50 = arith.constant 0 : i32
    %dma_wait3A_51 = tpu.memref_slice %arg6[%dma_wait3A_48, %dma_wait3A_49, %dma_wait3A_50] : memref<2x400x128xf32, #tpu.memory_space<vmem>> -> memref<1x400x128xf32, #tpu.memory_space<vmem>>
    %dma_wait3A_52 = tpu.memref_squeeze %dma_wait3A_51 : memref<1x400x128xf32, #tpu.memory_space<vmem>> -> memref<400x128xf32, #tpu.memory_space<vmem>>
    %dma_wait3A_53 = arith.constant 0 : i32
    %dma_wait3A_54 = tpu.memref_slice %arg4[%add3A_34, %dma_wait3A_53] : memref<128000x128xf32, #tpu.memory_space<hbm>> -> memref<400x128xf32, #tpu.memory_space<hbm>>
    %dma_wait3A_55 = arith.constant 0 : i32
    %dma_wait3A_56 = tpu.memref_slice %arg4[%add3A_34, %dma_wait3A_55] : memref<128000x128xf32, #tpu.memory_space<hbm>> -> memref<400x128xf32, #tpu.memory_space<hbm>>
    %dma_wait3A_57 = arith.constant 0 : i32
    %dma_wait3A_58 = arith.constant 0 : i32
    %dma_wait3A_59 = tpu.memref_slice %arg6[%dma_wait3A_48, %dma_wait3A_57, %dma_wait3A_58] : memref<2x400x128xf32, #tpu.memory_space<vmem>> -> memref<1x400x128xf32, #tpu.memory_space<vmem>>
    %dma_wait3A_60 = tpu.memref_squeeze %dma_wait3A_59 : memref<1x400x128xf32, #tpu.memory_space<vmem>> -> memref<400x128xf32, #tpu.memory_space<vmem>>
    tpu.wait_dma2 semaphore(%arg8 : memref<!tpu.dma_semaphore, #tpu.memory_space<semaphore_mem>>) src(%dma_wait3A_60 : memref<400x128xf32, #tpu.memory_space<vmem>>) dst(%dma_wait3A_56 : memref<400x128xf32, #tpu.memory_space<hbm>>)
    %dma_start3A_61 = arith.constant 0 : i32
    %dma_start3A_62 = arith.constant 0 : i32
    %dma_start3A_63 = arith.constant 0 : i32
    %dma_start3A_64 = tpu.memref_slice %arg6[%dma_start3A_61, %dma_start3A_62, %dma_start3A_63] : memref<2x400x128xf32, #tpu.memory_space<vmem>> -> memref<1x400x128xf32, #tpu.memory_space<vmem>>
    %dma_start3A_65 = tpu.memref_squeeze %dma_start3A_64 : memref<1x400x128xf32, #tpu.memory_space<vmem>> -> memref<400x128xf32, #tpu.memory_space<vmem>>
    %dma_start3A_66 = arith.constant 800 : i32
    %dma_start3A_67 = tpu.memref_slice %arg5[%dma_start3A_66] : memref<4000xi32, #tpu.memory_space<vmem>> -> memref<400xi32, #tpu.memory_space<vmem>>
    %dma_start3A_68 = arith.constant 0 : i32
    %dma_start3A_69 = arith.constant 0 : i32
    %dma_start3A_70 = tpu.memref_slice %arg2[%dma_start3A_68, %dma_start3A_69] : memref<10000x128xf32, #tpu.memory_space<hbm>> -> memref<10000x128xf32, #tpu.memory_space<hbm>>
    tpu.enqueue_indirect_dma source(%dma_start3A_70 : memref<10000x128xf32, #tpu.memory_space<hbm>>) target(%dma_start3A_65 : memref<400x128xf32, #tpu.memory_space<vmem>>) offsets(%dma_start3A_67 : memref<400xi32, #tpu.memory_space<vmem>>) semaphore(%arg7 : memref<!tpu.dma_semaphore, #tpu.memory_space<semaphore_mem>>)
    %dma_wait3A_71 = arith.constant 1 : i32
    %dma_wait3A_72 = arith.constant 0 : i32
    %dma_wait3A_73 = arith.constant 0 : i32
    %dma_wait3A_74 = tpu.memref_slice %arg6[%dma_wait3A_71, %dma_wait3A_72, %dma_wait3A_73] : memref<2x400x128xf32, #tpu.memory_space<vmem>> -> memref<1x400x128xf32, #tpu.memory_space<vmem>>
    %dma_wait3A_75 = tpu.memref_squeeze %dma_wait3A_74 : memref<1x400x128xf32, #tpu.memory_space<vmem>> -> memref<400x128xf32, #tpu.memory_space<vmem>>
    %dma_wait3A_76 = arith.constant 400 : i32
    %dma_wait3A_77 = tpu.memref_slice %arg5[%dma_wait3A_76] : memref<4000xi32, #tpu.memory_space<vmem>> -> memref<400xi32, #tpu.memory_space<vmem>>
    %dma_wait3A_78 = arith.constant 0 : i32
    %dma_wait3A_79 = arith.constant 0 : i32
    %dma_wait3A_80 = tpu.memref_slice %arg2[%dma_wait3A_78, %dma_wait3A_79] : memref<10000x128xf32, #tpu.memory_space<hbm>> -> memref<10000x128xf32, #tpu.memory_space<hbm>>
    tpu.wait_indirect_dma semaphore(%arg7 : memref<!tpu.dma_semaphore, #tpu.memory_space<semaphore_mem>>) src(%dma_wait3A_80 : memref<10000x128xf32, #tpu.memory_space<hbm>>) dst(%dma_wait3A_75 : memref<400x128xf32, #tpu.memory_space<vmem>>)
    %add3A_81 = arith.constant 400 : i32
    %add3A_82 = arith.addi %mul3A_2, %add3A_81 : i32
    %dma_start3A_83 = arith.constant 1 : i32
    %dma_start3A_84 = arith.constant 0 : i32
    %dma_start3A_85 = arith.constant 0 : i32
    %dma_start3A_86 = tpu.memref_slice %arg6[%dma_start3A_83, %dma_start3A_84, %dma_start3A_85] : memref<2x400x128xf32, #tpu.memory_space<vmem>> -> memref<1x400x128xf32, #tpu.memory_space<vmem>>
    %dma_start3A_87 = tpu.memref_squeeze %dma_start3A_86 : memref<1x400x128xf32, #tpu.memory_space<vmem>> -> memref<400x128xf32, #tpu.memory_space<vmem>>
    %dma_start3A_88 = arith.constant 0 : i32
    %dma_start3A_89 = tpu.memref_slice %arg4[%add3A_82, %dma_start3A_88] : memref<128000x128xf32, #tpu.memory_space<hbm>> -> memref<400x128xf32, #tpu.memory_space<hbm>>
    %dma_start3A_90 = arith.constant 0 : i32
    %dma_start3A_91 = tpu.memref_slice %arg4[%add3A_82, %dma_start3A_90] : memref<128000x128xf32, #tpu.memory_space<hbm>> -> memref<400x128xf32, #tpu.memory_space<hbm>>
    %dma_start3A_92 = arith.constant 0 : i32
    %dma_start3A_93 = arith.constant 0 : i32
    %dma_start3A_94 = tpu.memref_slice %arg6[%dma_start3A_83, %dma_start3A_92, %dma_start3A_93] : memref<2x400x128xf32, #tpu.memory_space<vmem>> -> memref<1x400x128xf32, #tpu.memory_space<vmem>>
    %dma_start3A_95 = tpu.memref_squeeze %dma_start3A_94 : memref<1x400x128xf32, #tpu.memory_space<vmem>> -> memref<400x128xf32, #tpu.memory_space<vmem>>
    tpu.enqueue_dma source(%dma_start3A_95 : memref<400x128xf32, #tpu.memory_space<vmem>>) target(%dma_start3A_91 : memref<400x128xf32, #tpu.memory_space<hbm>>) target_semaphore(%arg8 : memref<!tpu.dma_semaphore, #tpu.memory_space<semaphore_mem>>)
    %dma_wait3A_96 = arith.constant 1 : i32
    %dma_wait3A_97 = arith.constant 0 : i32
    %dma_wait3A_98 = arith.constant 0 : i32
    %dma_wait3A_99 = tpu.memref_slice %arg6[%dma_wait3A_96, %dma_wait3A_97, %dma_wait3A_98] : memref<2x400x128xf32, #tpu.memory_space<vmem>> -> memref<1x400x128xf32, #tpu.memory_space<vmem>>
    %dma_wait3A_100 = tpu.memref_squeeze %dma_wait3A_99 : memref<1x400x128xf32, #tpu.memory_space<vmem>> -> memref<400x128xf32, #tpu.memory_space<vmem>>
    %dma_wait3A_101 = arith.constant 0 : i32
    %dma_wait3A_102 = tpu.memref_slice %arg4[%add3A_82, %dma_wait3A_101] : memref<128000x128xf32, #tpu.memory_space<hbm>> -> memref<400x128xf32, #tpu.memory_space<hbm>>
    %dma_wait3A_103 = arith.constant 0 : i32
    %dma_wait3A_104 = tpu.memref_slice %arg4[%add3A_82, %dma_wait3A_103] : memref<128000x128xf32, #tpu.memory_space<hbm>> -> memref<400x128xf32, #tpu.memory_space<hbm>>
    %dma_wait3A_105 = arith.constant 0 : i32
    %dma_wait3A_106 = arith.constant 0 : i32
    %dma_wait3A_107 = tpu.memref_slice %arg6[%dma_wait3A_96, %dma_wait3A_105, %dma_wait3A_106] : memref<2x400x128xf32, #tpu.memory_space<vmem>> -> memref<1x400x128xf32, #tpu.memory_space<vmem>>
    %dma_wait3A_108 = tpu.memref_squeeze %dma_wait3A_107 : memref<1x400x128xf32, #tpu.memory_space<vmem>> -> memref<400x128xf32, #tpu.memory_space<vmem>>
    tpu.wait_dma2 semaphore(%arg8 : memref<!tpu.dma_semaphore, #tpu.memory_space<semaphore_mem>>) src(%dma_wait3A_108 : memref<400x128xf32, #tpu.memory_space<vmem>>) dst(%dma_wait3A_104 : memref<400x128xf32, #tpu.memory_space<hbm>>)
    %dma_start3A_109 = arith.constant 1 : i32
    %dma_start3A_110 = arith.constant 0 : i32
    %dma_start3A_111 = arith.constant 0 : i32
    %dma_start3A_112 = tpu.memref_slice %arg6[%dma_start3A_109, %dma_start3A_110, %dma_start3A_111] : memref<2x400x128xf32, #tpu.memory_space<vmem>> -> memref<1x400x128xf32, #tpu.memory_space<vmem>>
    %dma_start3A_113 = tpu.memref_squeeze %dma_start3A_112 : memref<1x400x128xf32, #tpu.memory_space<vmem>> -> memref<400x128xf32, #tpu.memory_space<vmem>>
    %dma_start3A_114 = arith.constant 1200 : i32
    %dma_start3A_115 = tpu.memref_slice %arg5[%dma_start3A_114] : memref<4000xi32, #tpu.memory_space<vmem>> -> memref<400xi32, #tpu.memory_space<vmem>>
    %dma_start3A_116 = arith.constant 0 : i32
    %dma_start3A_117 = arith.constant 0 : i32
    %dma_start3A_118 = tpu.memref_slice %arg2[%dma_start3A_116, %dma_start3A_117] : memref<10000x128xf32, #tpu.memory_space<hbm>> -> memref<10000x128xf32, #tpu.memory_space<hbm>>
    tpu.enqueue_indirect_dma source(%dma_start3A_118 : memref<10000x128xf32, #tpu.memory_space<hbm>>) target(%dma_start3A_113 : memref<400x128xf32, #tpu.memory_space<vmem>>) offsets(%dma_start3A_115 : memref<400xi32, #tpu.memory_space<vmem>>) semaphore(%arg7 : memref<!tpu.dma_semaphore, #tpu.memory_space<semaphore_mem>>)
    %dma_wait3A_119 = arith.constant 0 : i32
    %dma_wait3A_120 = arith.constant 0 : i32
    %dma_wait3A_121 = arith.constant 0 : i32
    %dma_wait3A_122 = tpu.memref_slice %arg6[%dma_wait3A_119, %dma_wait3A_120, %dma_wait3A_121] : memref<2x400x128xf32, #tpu.memory_space<vmem>> -> memref<1x400x128xf32, #tpu.memory_space<vmem>>
    %dma_wait3A_123 = tpu.memref_squeeze %dma_wait3A_122 : memref<1x400x128xf32, #tpu.memory_space<vmem>> -> memref<400x128xf32, #tpu.memory_space<vmem>>
    %dma_wait3A_124 = arith.constant 800 : i32
    %dma_wait3A_125 = tpu.memref_slice %arg5[%dma_wait3A_124] : memref<4000xi32, #tpu.memory_space<vmem>> -> memref<400xi32, #tpu.memory_space<vmem>>
    %dma_wait3A_126 = arith.constant 0 : i32
    %dma_wait3A_127 = arith.constant 0 : i32
    %dma_wait3A_128 = tpu.memref_slice %arg2[%dma_wait3A_126, %dma_wait3A_127] : memref<10000x128xf32, #tpu.memory_space<hbm>> -> memref<10000x128xf32, #tpu.memory_space<hbm>>
    tpu.wait_indirect_dma semaphore(%arg7 : memref<!tpu.dma_semaphore, #tpu.memory_space<semaphore_mem>>) src(%dma_wait3A_128 : memref<10000x128xf32, #tpu.memory_space<hbm>>) dst(%dma_wait3A_123 : memref<400x128xf32, #tpu.memory_space<vmem>>)
    %add3A_129 = arith.constant 800 : i32
    %add3A_130 = arith.addi %mul3A_2, %add3A_129 : i32
    %dma_start3A_131 = arith.constant 0 : i32
    %dma_start3A_132 = arith.constant 0 : i32
    %dma_start3A_133 = arith.constant 0 : i32
    %dma_start3A_134 = tpu.memref_slice %arg6[%dma_start3A_131, %dma_start3A_132, %dma_start3A_133] : memref<2x400x128xf32, #tpu.memory_space<vmem>> -> memref<1x400x128xf32, #tpu.memory_space<vmem>>
    %dma_start3A_135 = tpu.memref_squeeze %dma_start3A_134 : memref<1x400x128xf32, #tpu.memory_space<vmem>> -> memref<400x128xf32, #tpu.memory_space<vmem>>
    %dma_start3A_136 = arith.constant 0 : i32
    %dma_start3A_137 = tpu.memref_slice %arg4[%add3A_130, %dma_start3A_136] : memref<128000x128xf32, #tpu.memory_space<hbm>> -> memref<400x128xf32, #tpu.memory_space<hbm>>
    %dma_start3A_138 = arith.constant 0 : i32
    %dma_start3A_139 = tpu.memref_slice %arg4[%add3A_130, %dma_start3A_138] : memref<128000x128xf32, #tpu.memory_space<hbm>> -> memref<400x128xf32, #tpu.memory_space<hbm>>
    %dma_start3A_140 = arith.constant 0 : i32
    %dma_start3A_141 = arith.constant 0 : i32
    %dma_start3A_142 = tpu.memref_slice %arg6[%dma_start3A_131, %dma_start3A_140, %dma_start3A_141] : memref<2x400x128xf32, #tpu.memory_space<vmem>> -> memref<1x400x128xf32, #tpu.memory_space<vmem>>
    %dma_start3A_143 = tpu.memref_squeeze %dma_start3A_142 : memref<1x400x128xf32, #tpu.memory_space<vmem>> -> memref<400x128xf32, #tpu.memory_space<vmem>>
    tpu.enqueue_dma source(%dma_start3A_143 : memref<400x128xf32, #tpu.memory_space<vmem>>) target(%dma_start3A_139 : memref<400x128xf32, #tpu.memory_space<hbm>>) target_semaphore(%arg8 : memref<!tpu.dma_semaphore, #tpu.memory_space<semaphore_mem>>)
    %dma_wait3A_144 = arith.constant 0 : i32
    %dma_wait3A_145 = arith.constant 0 : i32
    %dma_wait3A_146 = arith.constant 0 : i32
    %dma_wait3A_147 = tpu.memref_slice %arg6[%dma_wait3A_144, %dma_wait3A_145, %dma_wait3A_146] : memref<2x400x128xf32, #tpu.memory_space<vmem>> -> memref<1x400x128xf32, #tpu.memory_space<vmem>>
    %dma_wait3A_148 = tpu.memref_squeeze %dma_wait3A_147 : memref<1x400x128xf32, #tpu.memory_space<vmem>> -> memref<400x128xf32, #tpu.memory_space<vmem>>
    %dma_wait3A_149 = arith.constant 0 : i32
    %dma_wait3A_150 = tpu.memref_slice %arg4[%add3A_130, %dma_wait3A_149] : memref<128000x128xf32, #tpu.memory_space<hbm>> -> memref<400x128xf32, #tpu.memory_space<hbm>>
    %dma_wait3A_151 = arith.constant 0 : i32
    %dma_wait3A_152 = tpu.memref_slice %arg4[%add3A_130, %dma_wait3A_151] : memref<128000x128xf32, #tpu.memory_space<hbm>> -> memref<400x128xf32, #tpu.memory_space<hbm>>
    %dma_wait3A_153 = arith.constant 0 : i32
    %dma_wait3A_154 = arith.constant 0 : i32
    %dma_wait3A_155 = tpu.memref_slice %arg6[%dma_wait3A_144, %dma_wait3A_153, %dma_wait3A_154] : memref<2x400x128xf32, #tpu.memory_space<vmem>> -> memref<1x400x128xf32, #tpu.memory_space<vmem>>
    %dma_wait3A_156 = tpu.memref_squeeze %dma_wait3A_155 : memref<1x400x128xf32, #tpu.memory_space<vmem>> -> memref<400x128xf32, #tpu.memory_space<vmem>>
    tpu.wait_dma2 semaphore(%arg8 : memref<!tpu.dma_semaphore, #tpu.memory_space<semaphore_mem>>) src(%dma_wait3A_156 : memref<400x128xf32, #tpu.memory_space<vmem>>) dst(%dma_wait3A_152 : memref<400x128xf32, #tpu.memory_space<hbm>>)
    %dma_start3A_157 = arith.constant 0 : i32
    %dma_start3A_158 = arith.constant 0 : i32
    %dma_start3A_159 = arith.constant 0 : i32
    %dma_start3A_160 = tpu.memref_slice %arg6[%dma_start3A_157, %dma_start3A_158, %dma_start3A_159] : memref<2x400x128xf32, #tpu.memory_space<vmem>> -> memref<1x400x128xf32, #tpu.memory_space<vmem>>
    %dma_start3A_161 = tpu.memref_squeeze %dma_start3A_160 : memref<1x400x128xf32, #tpu.memory_space<vmem>> -> memref<400x128xf32, #tpu.memory_space<vmem>>
    %dma_start3A_162 = arith.constant 1600 : i32
    %dma_start3A_163 = tpu.memref_slice %arg5[%dma_start3A_162] : memref<4000xi32, #tpu.memory_space<vmem>> -> memref<400xi32, #tpu.memory_space<vmem>>
    %dma_start3A_164 = arith.constant 0 : i32
    %dma_start3A_165 = arith.constant 0 : i32
    %dma_start3A_166 = tpu.memref_slice %arg2[%dma_start3A_164, %dma_start3A_165] : memref<10000x128xf32, #tpu.memory_space<hbm>> -> memref<10000x128xf32, #tpu.memory_space<hbm>>
    tpu.enqueue_indirect_dma source(%dma_start3A_166 : memref<10000x128xf32, #tpu.memory_space<hbm>>) target(%dma_start3A_161 : memref<400x128xf32, #tpu.memory_space<vmem>>) offsets(%dma_start3A_163 : memref<400xi32, #tpu.memory_space<vmem>>) semaphore(%arg7 : memref<!tpu.dma_semaphore, #tpu.memory_space<semaphore_mem>>)
    %dma_wait3A_167 = arith.constant 1 : i32
    %dma_wait3A_168 = arith.constant 0 : i32
    %dma_wait3A_169 = arith.constant 0 : i32
    %dma_wait3A_170 = tpu.memref_slice %arg6[%dma_wait3A_167, %dma_wait3A_168, %dma_wait3A_169] : memref<2x400x128xf32, #tpu.memory_space<vmem>> -> memref<1x400x128xf32, #tpu.memory_space<vmem>>
    %dma_wait3A_171 = tpu.memref_squeeze %dma_wait3A_170 : memref<1x400x128xf32, #tpu.memory_space<vmem>> -> memref<400x128xf32, #tpu.memory_space<vmem>>
    %dma_wait3A_172 = arith.constant 1200 : i32
    %dma_wait3A_173 = tpu.memref_slice %arg5[%dma_wait3A_172] : memref<4000xi32, #tpu.memory_space<vmem>> -> memref<400xi32, #tpu.memory_space<vmem>>
    %dma_wait3A_174 = arith.constant 0 : i32
    %dma_wait3A_175 = arith.constant 0 : i32
    %dma_wait3A_176 = tpu.memref_slice %arg2[%dma_wait3A_174, %dma_wait3A_175] : memref<10000x128xf32, #tpu.memory_space<hbm>> -> memref<10000x128xf32, #tpu.memory_space<hbm>>
    tpu.wait_indirect_dma semaphore(%arg7 : memref<!tpu.dma_semaphore, #tpu.memory_space<semaphore_mem>>) src(%dma_wait3A_176 : memref<10000x128xf32, #tpu.memory_space<hbm>>) dst(%dma_wait3A_171 : memref<400x128xf32, #tpu.memory_space<vmem>>)
    %add3A_177 = arith.constant 1200 : i32
    %add3A_178 = arith.addi %mul3A_2, %add3A_177 : i32
    %dma_start3A_179 = arith.constant 1 : i32
    %dma_start3A_180 = arith.constant 0 : i32
    %dma_start3A_181 = arith.constant 0 : i32
    %dma_start3A_182 = tpu.memref_slice %arg6[%dma_start3A_179, %dma_start3A_180, %dma_start3A_181] : memref<2x400x128xf32, #tpu.memory_space<vmem>> -> memref<1x400x128xf32, #tpu.memory_space<vmem>>
    %dma_start3A_183 = tpu.memref_squeeze %dma_start3A_182 : memref<1x400x128xf32, #tpu.memory_space<vmem>> -> memref<400x128xf32, #tpu.memory_space<vmem>>
    %dma_start3A_184 = arith.constant 0 : i32
    %dma_start3A_185 = tpu.memref_slice %arg4[%add3A_178, %dma_start3A_184] : memref<128000x128xf32, #tpu.memory_space<hbm>> -> memref<400x128xf32, #tpu.memory_space<hbm>>
    %dma_start3A_186 = arith.constant 0 : i32
    %dma_start3A_187 = tpu.memref_slice %arg4[%add3A_178, %dma_start3A_186] : memref<128000x128xf32, #tpu.memory_space<hbm>> -> memref<400x128xf32, #tpu.memory_space<hbm>>
    %dma_start3A_188 = arith.constant 0 : i32
    %dma_start3A_189 = arith.constant 0 : i32
    %dma_start3A_190 = tpu.memref_slice %arg6[%dma_start3A_179, %dma_start3A_188, %dma_start3A_189] : memref<2x400x128xf32, #tpu.memory_space<vmem>> -> memref<1x400x128xf32, #tpu.memory_space<vmem>>
    %dma_start3A_191 = tpu.memref_squeeze %dma_start3A_190 : memref<1x400x128xf32, #tpu.memory_space<vmem>> -> memref<400x128xf32, #tpu.memory_space<vmem>>
    tpu.enqueue_dma source(%dma_start3A_191 : memref<400x128xf32, #tpu.memory_space<vmem>>) target(%dma_start3A_187 : memref<400x128xf32, #tpu.memory_space<hbm>>) target_semaphore(%arg8 : memref<!tpu.dma_semaphore, #tpu.memory_space<semaphore_mem>>)
    %dma_wait3A_192 = arith.constant 1 : i32
    %dma_wait3A_193 = arith.constant 0 : i32
    %dma_wait3A_194 = arith.constant 0 : i32
    %dma_wait3A_195 = tpu.memref_slice %arg6[%dma_wait3A_192, %dma_wait3A_193, %dma_wait3A_194] : memref<2x400x128xf32, #tpu.memory_space<vmem>> -> memref<1x400x128xf32, #tpu.memory_space<vmem>>
    %dma_wait3A_196 = tpu.memref_squeeze %dma_wait3A_195 : memref<1x400x128xf32, #tpu.memory_space<vmem>> -> memref<400x128xf32, #tpu.memory_space<vmem>>
    %dma_wait3A_197 = arith.constant 0 : i32
    %dma_wait3A_198 = tpu.memref_slice %arg4[%add3A_178, %dma_wait3A_197] : memref<128000x128xf32, #tpu.memory_space<hbm>> -> memref<400x128xf32, #tpu.memory_space<hbm>>
    %dma_wait3A_199 = arith.constant 0 : i32
    %dma_wait3A_200 = tpu.memref_slice %arg4[%add3A_178, %dma_wait3A_199] : memref<128000x128xf32, #tpu.memory_space<hbm>> -> memref<400x128xf32, #tpu.memory_space<hbm>>
    %dma_wait3A_201 = arith.constant 0 : i32
    %dma_wait3A_202 = arith.constant 0 : i32
    %dma_wait3A_203 = tpu.memref_slice %arg6[%dma_wait3A_192, %dma_wait3A_201, %dma_wait3A_202] : memref<2x400x128xf32, #tpu.memory_space<vmem>> -> memref<1x400x128xf32, #tpu.memory_space<vmem>>
    %dma_wait3A_204 = tpu.memref_squeeze %dma_wait3A_203 : memref<1x400x128xf32, #tpu.memory_space<vmem>> -> memref<400x128xf32, #tpu.memory_space<vmem>>
    tpu.wait_dma2 semaphore(%arg8 : memref<!tpu.dma_semaphore, #tpu.memory_space<semaphore_mem>>) src(%dma_wait3A_204 : memref<400x128xf32, #tpu.memory_space<vmem>>) dst(%dma_wait3A_200 : memref<400x128xf32, #tpu.memory_space<hbm>>)
    %dma_start3A_205 = arith.constant 1 : i32
    %dma_start3A_206 = arith.constant 0 : i32
    %dma_start3A_207 = arith.constant 0 : i32
    %dma_start3A_208 = tpu.memref_slice %arg6[%dma_start3A_205, %dma_start3A_206, %dma_start3A_207] : memref<2x400x128xf32, #tpu.memory_space<vmem>> -> memref<1x400x128xf32, #tpu.memory_space<vmem>>
    %dma_start3A_209 = tpu.memref_squeeze %dma_start3A_208 : memref<1x400x128xf32, #tpu.memory_space<vmem>> -> memref<400x128xf32, #tpu.memory_space<vmem>>
    %dma_start3A_210 = arith.constant 2000 : i32
    %dma_start3A_211 = tpu.memref_slice %arg5[%dma_start3A_210] : memref<4000xi32, #tpu.memory_space<vmem>> -> memref<400xi32, #tpu.memory_space<vmem>>
    %dma_start3A_212 = arith.constant 0 : i32
    %dma_start3A_213 = arith.constant 0 : i32
    %dma_start3A_214 = tpu.memref_slice %arg2[%dma_start3A_212, %dma_start3A_213] : memref<10000x128xf32, #tpu.memory_space<hbm>> -> memref<10000x128xf32, #tpu.memory_space<hbm>>
    tpu.enqueue_indirect_dma source(%dma_start3A_214 : memref<10000x128xf32, #tpu.memory_space<hbm>>) target(%dma_start3A_209 : memref<400x128xf32, #tpu.memory_space<vmem>>) offsets(%dma_start3A_211 : memref<400xi32, #tpu.memory_space<vmem>>) semaphore(%arg7 : memref<!tpu.dma_semaphore, #tpu.memory_space<semaphore_mem>>)
    %dma_wait3A_215 = arith.constant 0 : i32
    %dma_wait3A_216 = arith.constant 0 : i32
    %dma_wait3A_217 = arith.constant 0 : i32
    %dma_wait3A_218 = tpu.memref_slice %arg6[%dma_wait3A_215, %dma_wait3A_216, %dma_wait3A_217] : memref<2x400x128xf32, #tpu.memory_space<vmem>> -> memref<1x400x128xf32, #tpu.memory_space<vmem>>
    %dma_wait3A_219 = tpu.memref_squeeze %dma_wait3A_218 : memref<1x400x128xf32, #tpu.memory_space<vmem>> -> memref<400x128xf32, #tpu.memory_space<vmem>>
    %dma_wait3A_220 = arith.constant 1600 : i32
    %dma_wait3A_221 = tpu.memref_slice %arg5[%dma_wait3A_220] : memref<4000xi32, #tpu.memory_space<vmem>> -> memref<400xi32, #tpu.memory_space<vmem>>
    %dma_wait3A_222 = arith.constant 0 : i32
    %dma_wait3A_223 = arith.constant 0 : i32
    %dma_wait3A_224 = tpu.memref_slice %arg2[%dma_wait3A_222, %dma_wait3A_223] : memref<10000x128xf32, #tpu.memory_space<hbm>> -> memref<10000x128xf32, #tpu.memory_space<hbm>>
    tpu.wait_indirect_dma semaphore(%arg7 : memref<!tpu.dma_semaphore, #tpu.memory_space<semaphore_mem>>) src(%dma_wait3A_224 : memref<10000x128xf32, #tpu.memory_space<hbm>>) dst(%dma_wait3A_219 : memref<400x128xf32, #tpu.memory_space<vmem>>)
    %add3A_225 = arith.constant 1600 : i32
    %add3A_226 = arith.addi %mul3A_2, %add3A_225 : i32
    %dma_start3A_227 = arith.constant 0 : i32
    %dma_start3A_228 = arith.constant 0 : i32
    %dma_start3A_229 = arith.constant 0 : i32
    %dma_start3A_230 = tpu.memref_slice %arg6[%dma_start3A_227, %dma_start3A_228, %dma_start3A_229] : memref<2x400x128xf32, #tpu.memory_space<vmem>> -> memref<1x400x128xf32, #tpu.memory_space<vmem>>
    %dma_start3A_231 = tpu.memref_squeeze %dma_start3A_230 : memref<1x400x128xf32, #tpu.memory_space<vmem>> -> memref<400x128xf32, #tpu.memory_space<vmem>>
    %dma_start3A_232 = arith.constant 0 : i32
    %dma_start3A_233 = tpu.memref_slice %arg4[%add3A_226, %dma_start3A_232] : memref<128000x128xf32, #tpu.memory_space<hbm>> -> memref<400x128xf32, #tpu.memory_space<hbm>>
    %dma_start3A_234 = arith.constant 0 : i32
    %dma_start3A_235 = tpu.memref_slice %arg4[%add3A_226, %dma_start3A_234] : memref<128000x128xf32, #tpu.memory_space<hbm>> -> memref<400x128xf32, #tpu.memory_space<hbm>>
    %dma_start3A_236 = arith.constant 0 : i32
    %dma_start3A_237 = arith.constant 0 : i32
    %dma_start3A_238 = tpu.memref_slice %arg6[%dma_start3A_227, %dma_start3A_236, %dma_start3A_237] : memref<2x400x128xf32, #tpu.memory_space<vmem>> -> memref<1x400x128xf32, #tpu.memory_space<vmem>>
    %dma_start3A_239 = tpu.memref_squeeze %dma_start3A_238 : memref<1x400x128xf32, #tpu.memory_space<vmem>> -> memref<400x128xf32, #tpu.memory_space<vmem>>
    tpu.enqueue_dma source(%dma_start3A_239 : memref<400x128xf32, #tpu.memory_space<vmem>>) target(%dma_start3A_235 : memref<400x128xf32, #tpu.memory_space<hbm>>) target_semaphore(%arg8 : memref<!tpu.dma_semaphore, #tpu.memory_space<semaphore_mem>>)
    %dma_wait3A_240 = arith.constant 0 : i32
    %dma_wait3A_241 = arith.constant 0 : i32
    %dma_wait3A_242 = arith.constant 0 : i32
    %dma_wait3A_243 = tpu.memref_slice %arg6[%dma_wait3A_240, %dma_wait3A_241, %dma_wait3A_242] : memref<2x400x128xf32, #tpu.memory_space<vmem>> -> memref<1x400x128xf32, #tpu.memory_space<vmem>>
    %dma_wait3A_244 = tpu.memref_squeeze %dma_wait3A_243 : memref<1x400x128xf32, #tpu.memory_space<vmem>> -> memref<400x128xf32, #tpu.memory_space<vmem>>
    %dma_wait3A_245 = arith.constant 0 : i32
    %dma_wait3A_246 = tpu.memref_slice %arg4[%add3A_226, %dma_wait3A_245] : memref<128000x128xf32, #tpu.memory_space<hbm>> -> memref<400x128xf32, #tpu.memory_space<hbm>>
    %dma_wait3A_247 = arith.constant 0 : i32
    %dma_wait3A_248 = tpu.memref_slice %arg4[%add3A_226, %dma_wait3A_247] : memref<128000x128xf32, #tpu.memory_space<hbm>> -> memref<400x128xf32, #tpu.memory_space<hbm>>
    %dma_wait3A_249 = arith.constant 0 : i32
    %dma_wait3A_250 = arith.constant 0 : i32
    %dma_wait3A_251 = tpu.memref_slice %arg6[%dma_wait3A_240, %dma_wait3A_249, %dma_wait3A_250] : memref<2x400x128xf32, #tpu.memory_space<vmem>> -> memref<1x400x128xf32, #tpu.memory_space<vmem>>
    %dma_wait3A_252 = tpu.memref_squeeze %dma_wait3A_251 : memref<1x400x128xf32, #tpu.memory_space<vmem>> -> memref<400x128xf32, #tpu.memory_space<vmem>>
    tpu.wait_dma2 semaphore(%arg8 : memref<!tpu.dma_semaphore, #tpu.memory_space<semaphore_mem>>) src(%dma_wait3A_252 : memref<400x128xf32, #tpu.memory_space<vmem>>) dst(%dma_wait3A_248 : memref<400x128xf32, #tpu.memory_space<hbm>>)
    %dma_start3A_253 = arith.constant 0 : i32
    %dma_start3A_254 = arith.constant 0 : i32
    %dma_start3A_255 = arith.constant 0 : i32
    %dma_start3A_256 = tpu.memref_slice %arg6[%dma_start3A_253, %dma_start3A_254, %dma_start3A_255] : memref<2x400x128xf32, #tpu.memory_space<vmem>> -> memref<1x400x128xf32, #tpu.memory_space<vmem>>
    %dma_start3A_257 = tpu.memref_squeeze %dma_start3A_256 : memref<1x400x128xf32, #tpu.memory_space<vmem>> -> memref<400x128xf32, #tpu.memory_space<vmem>>
    %dma_start3A_258 = arith.constant 2400 : i32
    %dma_start3A_259 = tpu.memref_slice %arg5[%dma_start3A_258] : memref<4000xi32, #tpu.memory_space<vmem>> -> memref<400xi32, #tpu.memory_space<vmem>>
    %dma_start3A_260 = arith.constant 0 : i32
    %dma_start3A_261 = arith.constant 0 : i32
    %dma_start3A_262 = tpu.memref_slice %arg2[%dma_start3A_260, %dma_start3A_261] : memref<10000x128xf32, #tpu.memory_space<hbm>> -> memref<10000x128xf32, #tpu.memory_space<hbm>>
    tpu.enqueue_indirect_dma source(%dma_start3A_262 : memref<10000x128xf32, #tpu.memory_space<hbm>>) target(%dma_start3A_257 : memref<400x128xf32, #tpu.memory_space<vmem>>) offsets(%dma_start3A_259 : memref<400xi32, #tpu.memory_space<vmem>>) semaphore(%arg7 : memref<!tpu.dma_semaphore, #tpu.memory_space<semaphore_mem>>)
    %dma_wait3A_263 = arith.constant 1 : i32
    %dma_wait3A_264 = arith.constant 0 : i32
    %dma_wait3A_265 = arith.constant 0 : i32
    %dma_wait3A_266 = tpu.memref_slice %arg6[%dma_wait3A_263, %dma_wait3A_264, %dma_wait3A_265] : memref<2x400x128xf32, #tpu.memory_space<vmem>> -> memref<1x400x128xf32, #tpu.memory_space<vmem>>
    %dma_wait3A_267 = tpu.memref_squeeze %dma_wait3A_266 : memref<1x400x128xf32, #tpu.memory_space<vmem>> -> memref<400x128xf32, #tpu.memory_space<vmem>>
    %dma_wait3A_268 = arith.constant 2000 : i32
    %dma_wait3A_269 = tpu.memref_slice %arg5[%dma_wait3A_268] : memref<4000xi32, #tpu.memory_space<vmem>> -> memref<400xi32, #tpu.memory_space<vmem>>
    %dma_wait3A_270 = arith.constant 0 : i32
    %dma_wait3A_271 = arith.constant 0 : i32
    %dma_wait3A_272 = tpu.memref_slice %arg2[%dma_wait3A_270, %dma_wait3A_271] : memref<10000x128xf32, #tpu.memory_space<hbm>> -> memref<10000x128xf32, #tpu.memory_space<hbm>>
    tpu.wait_indirect_dma semaphore(%arg7 : memref<!tpu.dma_semaphore, #tpu.memory_space<semaphore_mem>>) src(%dma_wait3A_272 : memref<10000x128xf32, #tpu.memory_space<hbm>>) dst(%dma_wait3A_267 : memref<400x128xf32, #tpu.memory_space<vmem>>)
    %add3A_273 = arith.constant 2000 : i32
    %add3A_274 = arith.addi %mul3A_2, %add3A_273 : i32
    %dma_start3A_275 = arith.constant 1 : i32
    %dma_start3A_276 = arith.constant 0 : i32
    %dma_start3A_277 = arith.constant 0 : i32
    %dma_start3A_278 = tpu.memref_slice %arg6[%dma_start3A_275, %dma_start3A_276, %dma_start3A_277] : memref<2x400x128xf32, #tpu.memory_space<vmem>> -> memref<1x400x128xf32, #tpu.memory_space<vmem>>
    %dma_start3A_279 = tpu.memref_squeeze %dma_start3A_278 : memref<1x400x128xf32, #tpu.memory_space<vmem>> -> memref<400x128xf32, #tpu.memory_space<vmem>>
    %dma_start3A_280 = arith.constant 0 : i32
    %dma_start3A_281 = tpu.memref_slice %arg4[%add3A_274, %dma_start3A_280] : memref<128000x128xf32, #tpu.memory_space<hbm>> -> memref<400x128xf32, #tpu.memory_space<hbm>>
    %dma_start3A_282 = arith.constant 0 : i32
    %dma_start3A_283 = tpu.memref_slice %arg4[%add3A_274, %dma_start3A_282] : memref<128000x128xf32, #tpu.memory_space<hbm>> -> memref<400x128xf32, #tpu.memory_space<hbm>>
    %dma_start3A_284 = arith.constant 0 : i32
    %dma_start3A_285 = arith.constant 0 : i32
    %dma_start3A_286 = tpu.memref_slice %arg6[%dma_start3A_275, %dma_start3A_284, %dma_start3A_285] : memref<2x400x128xf32, #tpu.memory_space<vmem>> -> memref<1x400x128xf32, #tpu.memory_space<vmem>>
    %dma_start3A_287 = tpu.memref_squeeze %dma_start3A_286 : memref<1x400x128xf32, #tpu.memory_space<vmem>> -> memref<400x128xf32, #tpu.memory_space<vmem>>
    tpu.enqueue_dma source(%dma_start3A_287 : memref<400x128xf32, #tpu.memory_space<vmem>>) target(%dma_start3A_283 : memref<400x128xf32, #tpu.memory_space<hbm>>) target_semaphore(%arg8 : memref<!tpu.dma_semaphore, #tpu.memory_space<semaphore_mem>>)
    %dma_wait3A_288 = arith.constant 1 : i32
    %dma_wait3A_289 = arith.constant 0 : i32
    %dma_wait3A_290 = arith.constant 0 : i32
    %dma_wait3A_291 = tpu.memref_slice %arg6[%dma_wait3A_288, %dma_wait3A_289, %dma_wait3A_290] : memref<2x400x128xf32, #tpu.memory_space<vmem>> -> memref<1x400x128xf32, #tpu.memory_space<vmem>>
    %dma_wait3A_292 = tpu.memref_squeeze %dma_wait3A_291 : memref<1x400x128xf32, #tpu.memory_space<vmem>> -> memref<400x128xf32, #tpu.memory_space<vmem>>
    %dma_wait3A_293 = arith.constant 0 : i32
    %dma_wait3A_294 = tpu.memref_slice %arg4[%add3A_274, %dma_wait3A_293] : memref<128000x128xf32, #tpu.memory_space<hbm>> -> memref<400x128xf32, #tpu.memory_space<hbm>>
    %dma_wait3A_295 = arith.constant 0 : i32
    %dma_wait3A_296 = tpu.memref_slice %arg4[%add3A_274, %dma_wait3A_295] : memref<128000x128xf32, #tpu.memory_space<hbm>> -> memref<400x128xf32, #tpu.memory_space<hbm>>
    %dma_wait3A_297 = arith.constant 0 : i32
    %dma_wait3A_298 = arith.constant 0 : i32
    %dma_wait3A_299 = tpu.memref_slice %arg6[%dma_wait3A_288, %dma_wait3A_297, %dma_wait3A_298] : memref<2x400x128xf32, #tpu.memory_space<vmem>> -> memref<1x400x128xf32, #tpu.memory_space<vmem>>
    %dma_wait3A_300 = tpu.memref_squeeze %dma_wait3A_299 : memref<1x400x128xf32, #tpu.memory_space<vmem>> -> memref<400x128xf32, #tpu.memory_space<vmem>>
    tpu.wait_dma2 semaphore(%arg8 : memref<!tpu.dma_semaphore, #tpu.memory_space<semaphore_mem>>) src(%dma_wait3A_300 : memref<400x128xf32, #tpu.memory_space<vmem>>) dst(%dma_wait3A_296 : memref<400x128xf32, #tpu.memory_space<hbm>>)
    %dma_start3A_301 = arith.constant 1 : i32
    %dma_start3A_302 = arith.constant 0 : i32
    %dma_start3A_303 = arith.constant 0 : i32
    %dma_start3A_304 = tpu.memref_slice %arg6[%dma_start3A_301, %dma_start3A_302, %dma_start3A_303] : memref<2x400x128xf32, #tpu.memory_space<vmem>> -> memref<1x400x128xf32, #tpu.memory_space<vmem>>
    %dma_start3A_305 = tpu.memref_squeeze %dma_start3A_304 : memref<1x400x128xf32, #tpu.memory_space<vmem>> -> memref<400x128xf32, #tpu.memory_space<vmem>>
    %dma_start3A_306 = arith.constant 2800 : i32
    %dma_start3A_307 = tpu.memref_slice %arg5[%dma_start3A_306] : memref<4000xi32, #tpu.memory_space<vmem>> -> memref<400xi32, #tpu.memory_space<vmem>>
    %dma_start3A_308 = arith.constant 0 : i32
    %dma_start3A_309 = arith.constant 0 : i32
    %dma_start3A_310 = tpu.memref_slice %arg2[%dma_start3A_308, %dma_start3A_309] : memref<10000x128xf32, #tpu.memory_space<hbm>> -> memref<10000x128xf32, #tpu.memory_space<hbm>>
    tpu.enqueue_indirect_dma source(%dma_start3A_310 : memref<10000x128xf32, #tpu.memory_space<hbm>>) target(%dma_start3A_305 : memref<400x128xf32, #tpu.memory_space<vmem>>) offsets(%dma_start3A_307 : memref<400xi32, #tpu.memory_space<vmem>>) semaphore(%arg7 : memref<!tpu.dma_semaphore, #tpu.memory_space<semaphore_mem>>)
    %dma_wait3A_311 = arith.constant 0 : i32
    %dma_wait3A_312 = arith.constant 0 : i32
    %dma_wait3A_313 = arith.constant 0 : i32
    %dma_wait3A_314 = tpu.memref_slice %arg6[%dma_wait3A_311, %dma_wait3A_312, %dma_wait3A_313] : memref<2x400x128xf32, #tpu.memory_space<vmem>> -> memref<1x400x128xf32, #tpu.memory_space<vmem>>
    %dma_wait3A_315 = tpu.memref_squeeze %dma_wait3A_314 : memref<1x400x128xf32, #tpu.memory_space<vmem>> -> memref<400x128xf32, #tpu.memory_space<vmem>>
    %dma_wait3A_316 = arith.constant 2400 : i32
    %dma_wait3A_317 = tpu.memref_slice %arg5[%dma_wait3A_316] : memref<4000xi32, #tpu.memory_space<vmem>> -> memref<400xi32, #tpu.memory_space<vmem>>
    %dma_wait3A_318 = arith.constant 0 : i32
    %dma_wait3A_319 = arith.constant 0 : i32
    %dma_wait3A_320 = tpu.memref_slice %arg2[%dma_wait3A_318, %dma_wait3A_319] : memref<10000x128xf32, #tpu.memory_space<hbm>> -> memref<10000x128xf32, #tpu.memory_space<hbm>>
    tpu.wait_indirect_dma semaphore(%arg7 : memref<!tpu.dma_semaphore, #tpu.memory_space<semaphore_mem>>) src(%dma_wait3A_320 : memref<10000x128xf32, #tpu.memory_space<hbm>>) dst(%dma_wait3A_315 : memref<400x128xf32, #tpu.memory_space<vmem>>)
    %add3A_321 = arith.constant 2400 : i32
    %add3A_322 = arith.addi %mul3A_2, %add3A_321 : i32
    %dma_start3A_323 = arith.constant 0 : i32
    %dma_start3A_324 = arith.constant 0 : i32
    %dma_start3A_325 = arith.constant 0 : i32
    %dma_start3A_326 = tpu.memref_slice %arg6[%dma_start3A_323, %dma_start3A_324, %dma_start3A_325] : memref<2x400x128xf32, #tpu.memory_space<vmem>> -> memref<1x400x128xf32, #tpu.memory_space<vmem>>
    %dma_start3A_327 = tpu.memref_squeeze %dma_start3A_326 : memref<1x400x128xf32, #tpu.memory_space<vmem>> -> memref<400x128xf32, #tpu.memory_space<vmem>>
    %dma_start3A_328 = arith.constant 0 : i32
    %dma_start3A_329 = tpu.memref_slice %arg4[%add3A_322, %dma_start3A_328] : memref<128000x128xf32, #tpu.memory_space<hbm>> -> memref<400x128xf32, #tpu.memory_space<hbm>>
    %dma_start3A_330 = arith.constant 0 : i32
    %dma_start3A_331 = tpu.memref_slice %arg4[%add3A_322, %dma_start3A_330] : memref<128000x128xf32, #tpu.memory_space<hbm>> -> memref<400x128xf32, #tpu.memory_space<hbm>>
    %dma_start3A_332 = arith.constant 0 : i32
    %dma_start3A_333 = arith.constant 0 : i32
    %dma_start3A_334 = tpu.memref_slice %arg6[%dma_start3A_323, %dma_start3A_332, %dma_start3A_333] : memref<2x400x128xf32, #tpu.memory_space<vmem>> -> memref<1x400x128xf32, #tpu.memory_space<vmem>>
    %dma_start3A_335 = tpu.memref_squeeze %dma_start3A_334 : memref<1x400x128xf32, #tpu.memory_space<vmem>> -> memref<400x128xf32, #tpu.memory_space<vmem>>
    tpu.enqueue_dma source(%dma_start3A_335 : memref<400x128xf32, #tpu.memory_space<vmem>>) target(%dma_start3A_331 : memref<400x128xf32, #tpu.memory_space<hbm>>) target_semaphore(%arg8 : memref<!tpu.dma_semaphore, #tpu.memory_space<semaphore_mem>>)
    %dma_wait3A_336 = arith.constant 0 : i32
    %dma_wait3A_337 = arith.constant 0 : i32
    %dma_wait3A_338 = arith.constant 0 : i32
    %dma_wait3A_339 = tpu.memref_slice %arg6[%dma_wait3A_336, %dma_wait3A_337, %dma_wait3A_338] : memref<2x400x128xf32, #tpu.memory_space<vmem>> -> memref<1x400x128xf32, #tpu.memory_space<vmem>>
    %dma_wait3A_340 = tpu.memref_squeeze %dma_wait3A_339 : memref<1x400x128xf32, #tpu.memory_space<vmem>> -> memref<400x128xf32, #tpu.memory_space<vmem>>
    %dma_wait3A_341 = arith.constant 0 : i32
    %dma_wait3A_342 = tpu.memref_slice %arg4[%add3A_322, %dma_wait3A_341] : memref<128000x128xf32, #tpu.memory_space<hbm>> -> memref<400x128xf32, #tpu.memory_space<hbm>>
    %dma_wait3A_343 = arith.constant 0 : i32
    %dma_wait3A_344 = tpu.memref_slice %arg4[%add3A_322, %dma_wait3A_343] : memref<128000x128xf32, #tpu.memory_space<hbm>> -> memref<400x128xf32, #tpu.memory_space<hbm>>
    %dma_wait3A_345 = arith.constant 0 : i32
    %dma_wait3A_346 = arith.constant 0 : i32
    %dma_wait3A_347 = tpu.memref_slice %arg6[%dma_wait3A_336, %dma_wait3A_345, %dma_wait3A_346] : memref<2x400x128xf32, #tpu.memory_space<vmem>> -> memref<1x400x128xf32, #tpu.memory_space<vmem>>
    %dma_wait3A_348 = tpu.memref_squeeze %dma_wait3A_347 : memref<1x400x128xf32, #tpu.memory_space<vmem>> -> memref<400x128xf32, #tpu.memory_space<vmem>>
    tpu.wait_dma2 semaphore(%arg8 : memref<!tpu.dma_semaphore, #tpu.memory_space<semaphore_mem>>) src(%dma_wait3A_348 : memref<400x128xf32, #tpu.memory_space<vmem>>) dst(%dma_wait3A_344 : memref<400x128xf32, #tpu.memory_space<hbm>>)
    %dma_start3A_349 = arith.constant 0 : i32
    %dma_start3A_350 = arith.constant 0 : i32
    %dma_start3A_351 = arith.constant 0 : i32
    %dma_start3A_352 = tpu.memref_slice %arg6[%dma_start3A_349, %dma_start3A_350, %dma_start3A_351] : memref<2x400x128xf32, #tpu.memory_space<vmem>> -> memref<1x400x128xf32, #tpu.memory_space<vmem>>
    %dma_start3A_353 = tpu.memref_squeeze %dma_start3A_352 : memref<1x400x128xf32, #tpu.memory_space<vmem>> -> memref<400x128xf32, #tpu.memory_space<vmem>>
    %dma_start3A_354 = arith.constant 3200 : i32
    %dma_start3A_355 = tpu.memref_slice %arg5[%dma_start3A_354] : memref<4000xi32, #tpu.memory_space<vmem>> -> memref<400xi32, #tpu.memory_space<vmem>>
    %dma_start3A_356 = arith.constant 0 : i32
    %dma_start3A_357 = arith.constant 0 : i32
    %dma_start3A_358 = tpu.memref_slice %arg2[%dma_start3A_356, %dma_start3A_357] : memref<10000x128xf32, #tpu.memory_space<hbm>> -> memref<10000x128xf32, #tpu.memory_space<hbm>>
    tpu.enqueue_indirect_dma source(%dma_start3A_358 : memref<10000x128xf32, #tpu.memory_space<hbm>>) target(%dma_start3A_353 : memref<400x128xf32, #tpu.memory_space<vmem>>) offsets(%dma_start3A_355 : memref<400xi32, #tpu.memory_space<vmem>>) semaphore(%arg7 : memref<!tpu.dma_semaphore, #tpu.memory_space<semaphore_mem>>)
    %dma_wait3A_359 = arith.constant 1 : i32
    %dma_wait3A_360 = arith.constant 0 : i32
    %dma_wait3A_361 = arith.constant 0 : i32
    %dma_wait3A_362 = tpu.memref_slice %arg6[%dma_wait3A_359, %dma_wait3A_360, %dma_wait3A_361] : memref<2x400x128xf32, #tpu.memory_space<vmem>> -> memref<1x400x128xf32, #tpu.memory_space<vmem>>
    %dma_wait3A_363 = tpu.memref_squeeze %dma_wait3A_362 : memref<1x400x128xf32, #tpu.memory_space<vmem>> -> memref<400x128xf32, #tpu.memory_space<vmem>>
    %dma_wait3A_364 = arith.constant 2800 : i32
    %dma_wait3A_365 = tpu.memref_slice %arg5[%dma_wait3A_364] : memref<4000xi32, #tpu.memory_space<vmem>> -> memref<400xi32, #tpu.memory_space<vmem>>
    %dma_wait3A_366 = arith.constant 0 : i32
    %dma_wait3A_367 = arith.constant 0 : i32
    %dma_wait3A_368 = tpu.memref_slice %arg2[%dma_wait3A_366, %dma_wait3A_367] : memref<10000x128xf32, #tpu.memory_space<hbm>> -> memref<10000x128xf32, #tpu.memory_space<hbm>>
    tpu.wait_indirect_dma semaphore(%arg7 : memref<!tpu.dma_semaphore, #tpu.memory_space<semaphore_mem>>) src(%dma_wait3A_368 : memref<10000x128xf32, #tpu.memory_space<hbm>>) dst(%dma_wait3A_363 : memref<400x128xf32, #tpu.memory_space<vmem>>)
    %add3A_369 = arith.constant 2800 : i32
    %add3A_370 = arith.addi %mul3A_2, %add3A_369 : i32
    %dma_start3A_371 = arith.constant 1 : i32
    %dma_start3A_372 = arith.constant 0 : i32
    %dma_start3A_373 = arith.constant 0 : i32
    %dma_start3A_374 = tpu.memref_slice %arg6[%dma_start3A_371, %dma_start3A_372, %dma_start3A_373] : memref<2x400x128xf32, #tpu.memory_space<vmem>> -> memref<1x400x128xf32, #tpu.memory_space<vmem>>
    %dma_start3A_375 = tpu.memref_squeeze %dma_start3A_374 : memref<1x400x128xf32, #tpu.memory_space<vmem>> -> memref<400x128xf32, #tpu.memory_space<vmem>>
    %dma_start3A_376 = arith.constant 0 : i32
    %dma_start3A_377 = tpu.memref_slice %arg4[%add3A_370, %dma_start3A_376] : memref<128000x128xf32, #tpu.memory_space<hbm>> -> memref<400x128xf32, #tpu.memory_space<hbm>>
    %dma_start3A_378 = arith.constant 0 : i32
    %dma_start3A_379 = tpu.memref_slice %arg4[%add3A_370, %dma_start3A_378] : memref<128000x128xf32, #tpu.memory_space<hbm>> -> memref<400x128xf32, #tpu.memory_space<hbm>>
    %dma_start3A_380 = arith.constant 0 : i32
    %dma_start3A_381 = arith.constant 0 : i32
    %dma_start3A_382 = tpu.memref_slice %arg6[%dma_start3A_371, %dma_start3A_380, %dma_start3A_381] : memref<2x400x128xf32, #tpu.memory_space<vmem>> -> memref<1x400x128xf32, #tpu.memory_space<vmem>>
    %dma_start3A_383 = tpu.memref_squeeze %dma_start3A_382 : memref<1x400x128xf32, #tpu.memory_space<vmem>> -> memref<400x128xf32, #tpu.memory_space<vmem>>
    tpu.enqueue_dma source(%dma_start3A_383 : memref<400x128xf32, #tpu.memory_space<vmem>>) target(%dma_start3A_379 : memref<400x128xf32, #tpu.memory_space<hbm>>) target_semaphore(%arg8 : memref<!tpu.dma_semaphore, #tpu.memory_space<semaphore_mem>>)
    %dma_wait3A_384 = arith.constant 1 : i32
    %dma_wait3A_385 = arith.constant 0 : i32
    %dma_wait3A_386 = arith.constant 0 : i32
    %dma_wait3A_387 = tpu.memref_slice %arg6[%dma_wait3A_384, %dma_wait3A_385, %dma_wait3A_386] : memref<2x400x128xf32, #tpu.memory_space<vmem>> -> memref<1x400x128xf32, #tpu.memory_space<vmem>>
    %dma_wait3A_388 = tpu.memref_squeeze %dma_wait3A_387 : memref<1x400x128xf32, #tpu.memory_space<vmem>> -> memref<400x128xf32, #tpu.memory_space<vmem>>
    %dma_wait3A_389 = arith.constant 0 : i32
    %dma_wait3A_390 = tpu.memref_slice %arg4[%add3A_370, %dma_wait3A_389] : memref<128000x128xf32, #tpu.memory_space<hbm>> -> memref<400x128xf32, #tpu.memory_space<hbm>>
    %dma_wait3A_391 = arith.constant 0 : i32
    %dma_wait3A_392 = tpu.memref_slice %arg4[%add3A_370, %dma_wait3A_391] : memref<128000x128xf32, #tpu.memory_space<hbm>> -> memref<400x128xf32, #tpu.memory_space<hbm>>
    %dma_wait3A_393 = arith.constant 0 : i32
    %dma_wait3A_394 = arith.constant 0 : i32
    %dma_wait3A_395 = tpu.memref_slice %arg6[%dma_wait3A_384, %dma_wait3A_393, %dma_wait3A_394] : memref<2x400x128xf32, #tpu.memory_space<vmem>> -> memref<1x400x128xf32, #tpu.memory_space<vmem>>
    %dma_wait3A_396 = tpu.memref_squeeze %dma_wait3A_395 : memref<1x400x128xf32, #tpu.memory_space<vmem>> -> memref<400x128xf32, #tpu.memory_space<vmem>>
    tpu.wait_dma2 semaphore(%arg8 : memref<!tpu.dma_semaphore, #tpu.memory_space<semaphore_mem>>) src(%dma_wait3A_396 : memref<400x128xf32, #tpu.memory_space<vmem>>) dst(%dma_wait3A_392 : memref<400x128xf32, #tpu.memory_space<hbm>>)
    %dma_start3A_397 = arith.constant 1 : i32
    %dma_start3A_398 = arith.constant 0 : i32
    %dma_start3A_399 = arith.constant 0 : i32
    %dma_start3A_400 = tpu.memref_slice %arg6[%dma_start3A_397, %dma_start3A_398, %dma_start3A_399] : memref<2x400x128xf32, #tpu.memory_space<vmem>> -> memref<1x400x128xf32, #tpu.memory_space<vmem>>
    %dma_start3A_401 = tpu.memref_squeeze %dma_start3A_400 : memref<1x400x128xf32, #tpu.memory_space<vmem>> -> memref<400x128xf32, #tpu.memory_space<vmem>>
    %dma_start3A_402 = arith.constant 3600 : i32
    %dma_start3A_403 = tpu.memref_slice %arg5[%dma_start3A_402] : memref<4000xi32, #tpu.memory_space<vmem>> -> memref<400xi32, #tpu.memory_space<vmem>>
    %dma_start3A_404 = arith.constant 0 : i32
    %dma_start3A_405 = arith.constant 0 : i32
    %dma_start3A_406 = tpu.memref_slice %arg2[%dma_start3A_404, %dma_start3A_405] : memref<10000x128xf32, #tpu.memory_space<hbm>> -> memref<10000x128xf32, #tpu.memory_space<hbm>>
    tpu.enqueue_indirect_dma source(%dma_start3A_406 : memref<10000x128xf32, #tpu.memory_space<hbm>>) target(%dma_start3A_401 : memref<400x128xf32, #tpu.memory_space<vmem>>) offsets(%dma_start3A_403 : memref<400xi32, #tpu.memory_space<vmem>>) semaphore(%arg7 : memref<!tpu.dma_semaphore, #tpu.memory_space<semaphore_mem>>)
    %dma_wait3A_407 = arith.constant 0 : i32
    %dma_wait3A_408 = arith.constant 0 : i32
    %dma_wait3A_409 = arith.constant 0 : i32
    %dma_wait3A_410 = tpu.memref_slice %arg6[%dma_wait3A_407, %dma_wait3A_408, %dma_wait3A_409] : memref<2x400x128xf32, #tpu.memory_space<vmem>> -> memref<1x400x128xf32, #tpu.memory_space<vmem>>
    %dma_wait3A_411 = tpu.memref_squeeze %dma_wait3A_410 : memref<1x400x128xf32, #tpu.memory_space<vmem>> -> memref<400x128xf32, #tpu.memory_space<vmem>>
    %dma_wait3A_412 = arith.constant 3200 : i32
    %dma_wait3A_413 = tpu.memref_slice %arg5[%dma_wait3A_412] : memref<4000xi32, #tpu.memory_space<vmem>> -> memref<400xi32, #tpu.memory_space<vmem>>
    %dma_wait3A_414 = arith.constant 0 : i32
    %dma_wait3A_415 = arith.constant 0 : i32
    %dma_wait3A_416 = tpu.memref_slice %arg2[%dma_wait3A_414, %dma_wait3A_415] : memref<10000x128xf32, #tpu.memory_space<hbm>> -> memref<10000x128xf32, #tpu.memory_space<hbm>>
    tpu.wait_indirect_dma semaphore(%arg7 : memref<!tpu.dma_semaphore, #tpu.memory_space<semaphore_mem>>) src(%dma_wait3A_416 : memref<10000x128xf32, #tpu.memory_space<hbm>>) dst(%dma_wait3A_411 : memref<400x128xf32, #tpu.memory_space<vmem>>)
    %add3A_417 = arith.constant 3200 : i32
    %add3A_418 = arith.addi %mul3A_2, %add3A_417 : i32
    %dma_start3A_419 = arith.constant 0 : i32
    %dma_start3A_420 = arith.constant 0 : i32
    %dma_start3A_421 = arith.constant 0 : i32
    %dma_start3A_422 = tpu.memref_slice %arg6[%dma_start3A_419, %dma_start3A_420, %dma_start3A_421] : memref<2x400x128xf32, #tpu.memory_space<vmem>> -> memref<1x400x128xf32, #tpu.memory_space<vmem>>
    %dma_start3A_423 = tpu.memref_squeeze %dma_start3A_422 : memref<1x400x128xf32, #tpu.memory_space<vmem>> -> memref<400x128xf32, #tpu.memory_space<vmem>>
    %dma_start3A_424 = arith.constant 0 : i32
    %dma_start3A_425 = tpu.memref_slice %arg4[%add3A_418, %dma_start3A_424] : memref<128000x128xf32, #tpu.memory_space<hbm>> -> memref<400x128xf32, #tpu.memory_space<hbm>>
    %dma_start3A_426 = arith.constant 0 : i32
    %dma_start3A_427 = tpu.memref_slice %arg4[%add3A_418, %dma_start3A_426] : memref<128000x128xf32, #tpu.memory_space<hbm>> -> memref<400x128xf32, #tpu.memory_space<hbm>>
    %dma_start3A_428 = arith.constant 0 : i32
    %dma_start3A_429 = arith.constant 0 : i32
    %dma_start3A_430 = tpu.memref_slice %arg6[%dma_start3A_419, %dma_start3A_428, %dma_start3A_429] : memref<2x400x128xf32, #tpu.memory_space<vmem>> -> memref<1x400x128xf32, #tpu.memory_space<vmem>>
    %dma_start3A_431 = tpu.memref_squeeze %dma_start3A_430 : memref<1x400x128xf32, #tpu.memory_space<vmem>> -> memref<400x128xf32, #tpu.memory_space<vmem>>
    tpu.enqueue_dma source(%dma_start3A_431 : memref<400x128xf32, #tpu.memory_space<vmem>>) target(%dma_start3A_427 : memref<400x128xf32, #tpu.memory_space<hbm>>) target_semaphore(%arg8 : memref<!tpu.dma_semaphore, #tpu.memory_space<semaphore_mem>>)
    %dma_wait3A_432 = arith.constant 1 : i32
    %dma_wait3A_433 = arith.constant 0 : i32
    %dma_wait3A_434 = arith.constant 0 : i32
    %dma_wait3A_435 = tpu.memref_slice %arg6[%dma_wait3A_432, %dma_wait3A_433, %dma_wait3A_434] : memref<2x400x128xf32, #tpu.memory_space<vmem>> -> memref<1x400x128xf32, #tpu.memory_space<vmem>>
    %dma_wait3A_436 = tpu.memref_squeeze %dma_wait3A_435 : memref<1x400x128xf32, #tpu.memory_space<vmem>> -> memref<400x128xf32, #tpu.memory_space<vmem>>
    %dma_wait3A_437 = arith.constant 3600 : i32
    %dma_wait3A_438 = tpu.memref_slice %arg5[%dma_wait3A_437] : memref<4000xi32, #tpu.memory_space<vmem>> -> memref<400xi32, #tpu.memory_space<vmem>>
    %dma_wait3A_439 = arith.constant 0 : i32
    %dma_wait3A_440 = arith.constant 0 : i32
    %dma_wait3A_441 = tpu.memref_slice %arg2[%dma_wait3A_439, %dma_wait3A_440] : memref<10000x128xf32, #tpu.memory_space<hbm>> -> memref<10000x128xf32, #tpu.memory_space<hbm>>
    tpu.wait_indirect_dma semaphore(%arg7 : memref<!tpu.dma_semaphore, #tpu.memory_space<semaphore_mem>>) src(%dma_wait3A_441 : memref<10000x128xf32, #tpu.memory_space<hbm>>) dst(%dma_wait3A_436 : memref<400x128xf32, #tpu.memory_space<vmem>>)
    %add3A_442 = arith.constant 3600 : i32
    %add3A_443 = arith.addi %mul3A_2, %add3A_442 : i32
    %dma_start3A_444 = arith.constant 1 : i32
    %dma_start3A_445 = arith.constant 0 : i32
    %dma_start3A_446 = arith.constant 0 : i32
    %dma_start3A_447 = tpu.memref_slice %arg6[%dma_start3A_444, %dma_start3A_445, %dma_start3A_446] : memref<2x400x128xf32, #tpu.memory_space<vmem>> -> memref<1x400x128xf32, #tpu.memory_space<vmem>>
    %dma_start3A_448 = tpu.memref_squeeze %dma_start3A_447 : memref<1x400x128xf32, #tpu.memory_space<vmem>> -> memref<400x128xf32, #tpu.memory_space<vmem>>
    %dma_start3A_449 = arith.constant 0 : i32
    %dma_start3A_450 = tpu.memref_slice %arg4[%add3A_443, %dma_start3A_449] : memref<128000x128xf32, #tpu.memory_space<hbm>> -> memref<400x128xf32, #tpu.memory_space<hbm>>
    %dma_start3A_451 = arith.constant 0 : i32
    %dma_start3A_452 = tpu.memref_slice %arg4[%add3A_443, %dma_start3A_451] : memref<128000x128xf32, #tpu.memory_space<hbm>> -> memref<400x128xf32, #tpu.memory_space<hbm>>
    %dma_start3A_453 = arith.constant 0 : i32
    %dma_start3A_454 = arith.constant 0 : i32
    %dma_start3A_455 = tpu.memref_slice %arg6[%dma_start3A_444, %dma_start3A_453, %dma_start3A_454] : memref<2x400x128xf32, #tpu.memory_space<vmem>> -> memref<1x400x128xf32, #tpu.memory_space<vmem>>
    %dma_start3A_456 = tpu.memref_squeeze %dma_start3A_455 : memref<1x400x128xf32, #tpu.memory_space<vmem>> -> memref<400x128xf32, #tpu.memory_space<vmem>>
    tpu.enqueue_dma source(%dma_start3A_456 : memref<400x128xf32, #tpu.memory_space<vmem>>) target(%dma_start3A_452 : memref<400x128xf32, #tpu.memory_space<hbm>>) target_semaphore(%arg8 : memref<!tpu.dma_semaphore, #tpu.memory_space<semaphore_mem>>)
    %dma_wait3A_457 = arith.constant 0 : i32
    %dma_wait3A_458 = arith.constant 0 : i32
    %dma_wait3A_459 = arith.constant 0 : i32
    %dma_wait3A_460 = tpu.memref_slice %arg6[%dma_wait3A_457, %dma_wait3A_458, %dma_wait3A_459] : memref<2x400x128xf32, #tpu.memory_space<vmem>> -> memref<1x400x128xf32, #tpu.memory_space<vmem>>
    %dma_wait3A_461 = tpu.memref_squeeze %dma_wait3A_460 : memref<1x400x128xf32, #tpu.memory_space<vmem>> -> memref<400x128xf32, #tpu.memory_space<vmem>>
    %dma_wait3A_462 = arith.constant 0 : i32
    %dma_wait3A_463 = tpu.memref_slice %arg4[%add3A_418, %dma_wait3A_462] : memref<128000x128xf32, #tpu.memory_space<hbm>> -> memref<400x128xf32, #tpu.memory_space<hbm>>
    %dma_wait3A_464 = arith.constant 0 : i32
    %dma_wait3A_465 = tpu.memref_slice %arg4[%add3A_418, %dma_wait3A_464] : memref<128000x128xf32, #tpu.memory_space<hbm>> -> memref<400x128xf32, #tpu.memory_space<hbm>>
    %dma_wait3A_466 = arith.constant 0 : i32
    %dma_wait3A_467 = arith.constant 0 : i32
    %dma_wait3A_468 = tpu.memref_slice %arg6[%dma_wait3A_457, %dma_wait3A_466, %dma_wait3A_467] : memref<2x400x128xf32, #tpu.memory_space<vmem>> -> memref<1x400x128xf32, #tpu.memory_space<vmem>>
    %dma_wait3A_469 = tpu.memref_squeeze %dma_wait3A_468 : memref<1x400x128xf32, #tpu.memory_space<vmem>> -> memref<400x128xf32, #tpu.memory_space<vmem>>
    tpu.wait_dma2 semaphore(%arg8 : memref<!tpu.dma_semaphore, #tpu.memory_space<semaphore_mem>>) src(%dma_wait3A_469 : memref<400x128xf32, #tpu.memory_space<vmem>>) dst(%dma_wait3A_465 : memref<400x128xf32, #tpu.memory_space<hbm>>)
    %dma_wait3A_470 = arith.constant 1 : i32
    %dma_wait3A_471 = arith.constant 0 : i32
    %dma_wait3A_472 = arith.constant 0 : i32
    %dma_wait3A_473 = tpu.memref_slice %arg6[%dma_wait3A_470, %dma_wait3A_471, %dma_wait3A_472] : memref<2x400x128xf32, #tpu.memory_space<vmem>> -> memref<1x400x128xf32, #tpu.memory_space<vmem>>
    %dma_wait3A_474 = tpu.memref_squeeze %dma_wait3A_473 : memref<1x400x128xf32, #tpu.memory_space<vmem>> -> memref<400x128xf32, #tpu.memory_space<vmem>>
    %dma_wait3A_475 = arith.constant 0 : i32
    %dma_wait3A_476 = tpu.memref_slice %arg4[%add3A_443, %dma_wait3A_475] : memref<128000x128xf32, #tpu.memory_space<hbm>> -> memref<400x128xf32, #tpu.memory_space<hbm>>
    %dma_wait3A_477 = arith.constant 0 : i32
    %dma_wait3A_478 = tpu.memref_slice %arg4[%add3A_443, %dma_wait3A_477] : memref<128000x128xf32, #tpu.memory_space<hbm>> -> memref<400x128xf32, #tpu.memory_space<hbm>>
    %dma_wait3A_479 = arith.constant 0 : i32
    %dma_wait3A_480 = arith.constant 0 : i32
    %dma_wait3A_481 = tpu.memref_slice %arg6[%dma_wait3A_470, %dma_wait3A_479, %dma_wait3A_480] : memref<2x400x128xf32, #tpu.memory_space<vmem>> -> memref<1x400x128xf32, #tpu.memory_space<vmem>>
    %dma_wait3A_482 = tpu.memref_squeeze %dma_wait3A_481 : memref<1x400x128xf32, #tpu.memory_space<vmem>> -> memref<400x128xf32, #tpu.memory_space<vmem>>
    tpu.wait_dma2 semaphore(%arg8 : memref<!tpu.dma_semaphore, #tpu.memory_space<semaphore_mem>>) src(%dma_wait3A_482 : memref<400x128xf32, #tpu.memory_space<vmem>>) dst(%dma_wait3A_478 : memref<400x128xf32, #tpu.memory_space<hbm>>)
    return
  }
}

#map = affine_map<(d0, d1) -> (0, 0)>
#map1 = affine_map<(d0, d1) -> (0)>
module attributes {stable_mosaic.version = 14 : i64} {
  func.func @body(%arg0: i32, %arg1: i32, %arg2: memref<10000x128xf32, #tpu.memory_space<hbm>>, %arg3: memref<160000xi32, #tpu.memory_space<hbm>>, %arg4: memref<32000x128xf32, #tpu.memory_space<hbm>>, %arg5: memref<1000xi32, #tpu.memory_space<vmem>>, %arg6: memref<2x200x128xf32, #tpu.memory_space<vmem>>, %arg7: memref<!tpu.dma_semaphore, #tpu.memory_space<semaphore_mem>>, %arg8: memref<!tpu.dma_semaphore, #tpu.memory_space<semaphore_mem>>) attributes {dimension_semantics = [#tpu.dimension_semantics<core_parallel>, #tpu.dimension_semantics<subcore_parallel>], iteration_bounds = array<i64: 2, 16>, scalar_prefetch = 0 : i64, scratch_operands = 4 : i64, tpu.core_type = #tpu.core_type<sc_vector_subcore>, window_params = [{transform_indices = #map}, {transform_indices = #map1}, {transform_indices = #map}]} {
    %mul3A = arith.constant 2 : i32
    %mul3A_0 = arith.muli %arg1, %mul3A : i32
    %add3A = arith.addi %mul3A_0, %arg0 : i32
    %mul3A_1 = arith.constant 1000 : i32
    %mul3A_2 = arith.muli %add3A, %mul3A_1 : i32
    %add3A_3 = arith.constant 0 : i32
    %add3A_4 = arith.addi %add3A_3, %mul3A_2 : i32
    "tpu.region"() ({
      %run_scoped3A = tpu.sem_alloc : memref<!tpu.dma_semaphore, #tpu.memory_space<semaphore_mem>>
      %dma_start3A_243 = tpu.memref_slice %arg3[%add3A_4] : memref<160000xi32, #tpu.memory_space<hbm>> -> memref<1000xi32, #tpu.memory_space<hbm>>
      %dma_start3A_244 = tpu.memref_slice %arg3[%add3A_4] : memref<160000xi32, #tpu.memory_space<hbm>> -> memref<1000xi32, #tpu.memory_space<hbm>>
      tpu.enqueue_dma source(%dma_start3A_244 : memref<1000xi32, #tpu.memory_space<hbm>>) target(%arg5 : memref<1000xi32, #tpu.memory_space<vmem>>) target_semaphore(%run_scoped3A : memref<!tpu.dma_semaphore, #tpu.memory_space<semaphore_mem>>)
      %dma_wait3A_245 = tpu.memref_slice %arg3[%add3A_4] : memref<160000xi32, #tpu.memory_space<hbm>> -> memref<1000xi32, #tpu.memory_space<hbm>>
      %dma_wait3A_246 = tpu.memref_slice %arg3[%add3A_4] : memref<160000xi32, #tpu.memory_space<hbm>> -> memref<1000xi32, #tpu.memory_space<hbm>>
      tpu.wait_dma2 semaphore(%run_scoped3A : memref<!tpu.dma_semaphore, #tpu.memory_space<semaphore_mem>>) src(%dma_wait3A_246 : memref<1000xi32, #tpu.memory_space<hbm>>) dst(%arg5 : memref<1000xi32, #tpu.memory_space<vmem>>)
      tpu.yield
    }) : () -> ()
    %dma_start3A = arith.constant 0 : i32
    %dma_start3A_5 = arith.constant 0 : i32
    %dma_start3A_6 = arith.constant 0 : i32
    %dma_start3A_7 = tpu.memref_slice %arg6[%dma_start3A, %dma_start3A_5, %dma_start3A_6] : memref<2x200x128xf32, #tpu.memory_space<vmem>> -> memref<1x200x128xf32, #tpu.memory_space<vmem>>
    %dma_start3A_8 = tpu.memref_squeeze %dma_start3A_7 : memref<1x200x128xf32, #tpu.memory_space<vmem>> -> memref<200x128xf32, #tpu.memory_space<vmem>>
    %dma_start3A_9 = arith.constant 0 : i32
    %dma_start3A_10 = tpu.memref_slice %arg5[%dma_start3A_9] : memref<1000xi32, #tpu.memory_space<vmem>> -> memref<200xi32, #tpu.memory_space<vmem>>
    %dma_start3A_11 = arith.constant 0 : i32
    %dma_start3A_12 = arith.constant 0 : i32
    %dma_start3A_13 = tpu.memref_slice %arg2[%dma_start3A_11, %dma_start3A_12] : memref<10000x128xf32, #tpu.memory_space<hbm>> -> memref<10000x128xf32, #tpu.memory_space<hbm>>
    tpu.enqueue_indirect_dma source(%dma_start3A_13 : memref<10000x128xf32, #tpu.memory_space<hbm>>) target(%dma_start3A_8 : memref<200x128xf32, #tpu.memory_space<vmem>>) offsets(%dma_start3A_10 : memref<200xi32, #tpu.memory_space<vmem>>) semaphore(%arg7 : memref<!tpu.dma_semaphore, #tpu.memory_space<semaphore_mem>>)
    %dma_start3A_14 = arith.constant 1 : i32
    %dma_start3A_15 = arith.constant 0 : i32
    %dma_start3A_16 = arith.constant 0 : i32
    %dma_start3A_17 = tpu.memref_slice %arg6[%dma_start3A_14, %dma_start3A_15, %dma_start3A_16] : memref<2x200x128xf32, #tpu.memory_space<vmem>> -> memref<1x200x128xf32, #tpu.memory_space<vmem>>
    %dma_start3A_18 = tpu.memref_squeeze %dma_start3A_17 : memref<1x200x128xf32, #tpu.memory_space<vmem>> -> memref<200x128xf32, #tpu.memory_space<vmem>>
    %dma_start3A_19 = arith.constant 200 : i32
    %dma_start3A_20 = tpu.memref_slice %arg5[%dma_start3A_19] : memref<1000xi32, #tpu.memory_space<vmem>> -> memref<200xi32, #tpu.memory_space<vmem>>
    %dma_start3A_21 = arith.constant 0 : i32
    %dma_start3A_22 = arith.constant 0 : i32
    %dma_start3A_23 = tpu.memref_slice %arg2[%dma_start3A_21, %dma_start3A_22] : memref<10000x128xf32, #tpu.memory_space<hbm>> -> memref<10000x128xf32, #tpu.memory_space<hbm>>
    tpu.enqueue_indirect_dma source(%dma_start3A_23 : memref<10000x128xf32, #tpu.memory_space<hbm>>) target(%dma_start3A_18 : memref<200x128xf32, #tpu.memory_space<vmem>>) offsets(%dma_start3A_20 : memref<200xi32, #tpu.memory_space<vmem>>) semaphore(%arg7 : memref<!tpu.dma_semaphore, #tpu.memory_space<semaphore_mem>>)
    %dma_wait3A = arith.constant 0 : i32
    %dma_wait3A_24 = arith.constant 0 : i32
    %dma_wait3A_25 = arith.constant 0 : i32
    %dma_wait3A_26 = tpu.memref_slice %arg6[%dma_wait3A, %dma_wait3A_24, %dma_wait3A_25] : memref<2x200x128xf32, #tpu.memory_space<vmem>> -> memref<1x200x128xf32, #tpu.memory_space<vmem>>
    %dma_wait3A_27 = tpu.memref_squeeze %dma_wait3A_26 : memref<1x200x128xf32, #tpu.memory_space<vmem>> -> memref<200x128xf32, #tpu.memory_space<vmem>>
    %dma_wait3A_28 = arith.constant 0 : i32
    %dma_wait3A_29 = tpu.memref_slice %arg5[%dma_wait3A_28] : memref<1000xi32, #tpu.memory_space<vmem>> -> memref<200xi32, #tpu.memory_space<vmem>>
    %dma_wait3A_30 = arith.constant 0 : i32
    %dma_wait3A_31 = arith.constant 0 : i32
    %dma_wait3A_32 = tpu.memref_slice %arg2[%dma_wait3A_30, %dma_wait3A_31] : memref<10000x128xf32, #tpu.memory_space<hbm>> -> memref<10000x128xf32, #tpu.memory_space<hbm>>
    tpu.wait_indirect_dma semaphore(%arg7 : memref<!tpu.dma_semaphore, #tpu.memory_space<semaphore_mem>>) src(%dma_wait3A_32 : memref<10000x128xf32, #tpu.memory_space<hbm>>) dst(%dma_wait3A_27 : memref<200x128xf32, #tpu.memory_space<vmem>>)
    %add3A_33 = arith.constant 0 : i32
    %add3A_34 = arith.addi %mul3A_2, %add3A_33 : i32
    %dma_start3A_35 = arith.constant 0 : i32
    %dma_start3A_36 = arith.constant 0 : i32
    %dma_start3A_37 = arith.constant 0 : i32
    %dma_start3A_38 = tpu.memref_slice %arg6[%dma_start3A_35, %dma_start3A_36, %dma_start3A_37] : memref<2x200x128xf32, #tpu.memory_space<vmem>> -> memref<1x200x128xf32, #tpu.memory_space<vmem>>
    %dma_start3A_39 = tpu.memref_squeeze %dma_start3A_38 : memref<1x200x128xf32, #tpu.memory_space<vmem>> -> memref<200x128xf32, #tpu.memory_space<vmem>>
    %dma_start3A_40 = arith.constant 0 : i32
    %dma_start3A_41 = tpu.memref_slice %arg4[%add3A_34, %dma_start3A_40] : memref<32000x128xf32, #tpu.memory_space<hbm>> -> memref<200x128xf32, #tpu.memory_space<hbm>>
    %dma_start3A_42 = arith.constant 0 : i32
    %dma_start3A_43 = tpu.memref_slice %arg4[%add3A_34, %dma_start3A_42] : memref<32000x128xf32, #tpu.memory_space<hbm>> -> memref<200x128xf32, #tpu.memory_space<hbm>>
    %dma_start3A_44 = arith.constant 0 : i32
    %dma_start3A_45 = arith.constant 0 : i32
    %dma_start3A_46 = tpu.memref_slice %arg6[%dma_start3A_35, %dma_start3A_44, %dma_start3A_45] : memref<2x200x128xf32, #tpu.memory_space<vmem>> -> memref<1x200x128xf32, #tpu.memory_space<vmem>>
    %dma_start3A_47 = tpu.memref_squeeze %dma_start3A_46 : memref<1x200x128xf32, #tpu.memory_space<vmem>> -> memref<200x128xf32, #tpu.memory_space<vmem>>
    tpu.enqueue_dma source(%dma_start3A_47 : memref<200x128xf32, #tpu.memory_space<vmem>>) target(%dma_start3A_43 : memref<200x128xf32, #tpu.memory_space<hbm>>) target_semaphore(%arg8 : memref<!tpu.dma_semaphore, #tpu.memory_space<semaphore_mem>>)
    %dma_wait3A_48 = arith.constant 0 : i32
    %dma_wait3A_49 = arith.constant 0 : i32
    %dma_wait3A_50 = arith.constant 0 : i32
    %dma_wait3A_51 = tpu.memref_slice %arg6[%dma_wait3A_48, %dma_wait3A_49, %dma_wait3A_50] : memref<2x200x128xf32, #tpu.memory_space<vmem>> -> memref<1x200x128xf32, #tpu.memory_space<vmem>>
    %dma_wait3A_52 = tpu.memref_squeeze %dma_wait3A_51 : memref<1x200x128xf32, #tpu.memory_space<vmem>> -> memref<200x128xf32, #tpu.memory_space<vmem>>
    %dma_wait3A_53 = arith.constant 0 : i32
    %dma_wait3A_54 = tpu.memref_slice %arg4[%add3A_34, %dma_wait3A_53] : memref<32000x128xf32, #tpu.memory_space<hbm>> -> memref<200x128xf32, #tpu.memory_space<hbm>>
    %dma_wait3A_55 = arith.constant 0 : i32
    %dma_wait3A_56 = tpu.memref_slice %arg4[%add3A_34, %dma_wait3A_55] : memref<32000x128xf32, #tpu.memory_space<hbm>> -> memref<200x128xf32, #tpu.memory_space<hbm>>
    %dma_wait3A_57 = arith.constant 0 : i32
    %dma_wait3A_58 = arith.constant 0 : i32
    %dma_wait3A_59 = tpu.memref_slice %arg6[%dma_wait3A_48, %dma_wait3A_57, %dma_wait3A_58] : memref<2x200x128xf32, #tpu.memory_space<vmem>> -> memref<1x200x128xf32, #tpu.memory_space<vmem>>
    %dma_wait3A_60 = tpu.memref_squeeze %dma_wait3A_59 : memref<1x200x128xf32, #tpu.memory_space<vmem>> -> memref<200x128xf32, #tpu.memory_space<vmem>>
    tpu.wait_dma2 semaphore(%arg8 : memref<!tpu.dma_semaphore, #tpu.memory_space<semaphore_mem>>) src(%dma_wait3A_60 : memref<200x128xf32, #tpu.memory_space<vmem>>) dst(%dma_wait3A_56 : memref<200x128xf32, #tpu.memory_space<hbm>>)
    %dma_start3A_61 = arith.constant 0 : i32
    %dma_start3A_62 = arith.constant 0 : i32
    %dma_start3A_63 = arith.constant 0 : i32
    %dma_start3A_64 = tpu.memref_slice %arg6[%dma_start3A_61, %dma_start3A_62, %dma_start3A_63] : memref<2x200x128xf32, #tpu.memory_space<vmem>> -> memref<1x200x128xf32, #tpu.memory_space<vmem>>
    %dma_start3A_65 = tpu.memref_squeeze %dma_start3A_64 : memref<1x200x128xf32, #tpu.memory_space<vmem>> -> memref<200x128xf32, #tpu.memory_space<vmem>>
    %dma_start3A_66 = arith.constant 400 : i32
    %dma_start3A_67 = tpu.memref_slice %arg5[%dma_start3A_66] : memref<1000xi32, #tpu.memory_space<vmem>> -> memref<200xi32, #tpu.memory_space<vmem>>
    %dma_start3A_68 = arith.constant 0 : i32
    %dma_start3A_69 = arith.constant 0 : i32
    %dma_start3A_70 = tpu.memref_slice %arg2[%dma_start3A_68, %dma_start3A_69] : memref<10000x128xf32, #tpu.memory_space<hbm>> -> memref<10000x128xf32, #tpu.memory_space<hbm>>
    tpu.enqueue_indirect_dma source(%dma_start3A_70 : memref<10000x128xf32, #tpu.memory_space<hbm>>) target(%dma_start3A_65 : memref<200x128xf32, #tpu.memory_space<vmem>>) offsets(%dma_start3A_67 : memref<200xi32, #tpu.memory_space<vmem>>) semaphore(%arg7 : memref<!tpu.dma_semaphore, #tpu.memory_space<semaphore_mem>>)
    %dma_wait3A_71 = arith.constant 1 : i32
    %dma_wait3A_72 = arith.constant 0 : i32
    %dma_wait3A_73 = arith.constant 0 : i32
    %dma_wait3A_74 = tpu.memref_slice %arg6[%dma_wait3A_71, %dma_wait3A_72, %dma_wait3A_73] : memref<2x200x128xf32, #tpu.memory_space<vmem>> -> memref<1x200x128xf32, #tpu.memory_space<vmem>>
    %dma_wait3A_75 = tpu.memref_squeeze %dma_wait3A_74 : memref<1x200x128xf32, #tpu.memory_space<vmem>> -> memref<200x128xf32, #tpu.memory_space<vmem>>
    %dma_wait3A_76 = arith.constant 200 : i32
    %dma_wait3A_77 = tpu.memref_slice %arg5[%dma_wait3A_76] : memref<1000xi32, #tpu.memory_space<vmem>> -> memref<200xi32, #tpu.memory_space<vmem>>
    %dma_wait3A_78 = arith.constant 0 : i32
    %dma_wait3A_79 = arith.constant 0 : i32
    %dma_wait3A_80 = tpu.memref_slice %arg2[%dma_wait3A_78, %dma_wait3A_79] : memref<10000x128xf32, #tpu.memory_space<hbm>> -> memref<10000x128xf32, #tpu.memory_space<hbm>>
    tpu.wait_indirect_dma semaphore(%arg7 : memref<!tpu.dma_semaphore, #tpu.memory_space<semaphore_mem>>) src(%dma_wait3A_80 : memref<10000x128xf32, #tpu.memory_space<hbm>>) dst(%dma_wait3A_75 : memref<200x128xf32, #tpu.memory_space<vmem>>)
    %add3A_81 = arith.constant 200 : i32
    %add3A_82 = arith.addi %mul3A_2, %add3A_81 : i32
    %dma_start3A_83 = arith.constant 1 : i32
    %dma_start3A_84 = arith.constant 0 : i32
    %dma_start3A_85 = arith.constant 0 : i32
    %dma_start3A_86 = tpu.memref_slice %arg6[%dma_start3A_83, %dma_start3A_84, %dma_start3A_85] : memref<2x200x128xf32, #tpu.memory_space<vmem>> -> memref<1x200x128xf32, #tpu.memory_space<vmem>>
    %dma_start3A_87 = tpu.memref_squeeze %dma_start3A_86 : memref<1x200x128xf32, #tpu.memory_space<vmem>> -> memref<200x128xf32, #tpu.memory_space<vmem>>
    %dma_start3A_88 = arith.constant 0 : i32
    %dma_start3A_89 = tpu.memref_slice %arg4[%add3A_82, %dma_start3A_88] : memref<32000x128xf32, #tpu.memory_space<hbm>> -> memref<200x128xf32, #tpu.memory_space<hbm>>
    %dma_start3A_90 = arith.constant 0 : i32
    %dma_start3A_91 = tpu.memref_slice %arg4[%add3A_82, %dma_start3A_90] : memref<32000x128xf32, #tpu.memory_space<hbm>> -> memref<200x128xf32, #tpu.memory_space<hbm>>
    %dma_start3A_92 = arith.constant 0 : i32
    %dma_start3A_93 = arith.constant 0 : i32
    %dma_start3A_94 = tpu.memref_slice %arg6[%dma_start3A_83, %dma_start3A_92, %dma_start3A_93] : memref<2x200x128xf32, #tpu.memory_space<vmem>> -> memref<1x200x128xf32, #tpu.memory_space<vmem>>
    %dma_start3A_95 = tpu.memref_squeeze %dma_start3A_94 : memref<1x200x128xf32, #tpu.memory_space<vmem>> -> memref<200x128xf32, #tpu.memory_space<vmem>>
    tpu.enqueue_dma source(%dma_start3A_95 : memref<200x128xf32, #tpu.memory_space<vmem>>) target(%dma_start3A_91 : memref<200x128xf32, #tpu.memory_space<hbm>>) target_semaphore(%arg8 : memref<!tpu.dma_semaphore, #tpu.memory_space<semaphore_mem>>)
    %dma_wait3A_96 = arith.constant 1 : i32
    %dma_wait3A_97 = arith.constant 0 : i32
    %dma_wait3A_98 = arith.constant 0 : i32
    %dma_wait3A_99 = tpu.memref_slice %arg6[%dma_wait3A_96, %dma_wait3A_97, %dma_wait3A_98] : memref<2x200x128xf32, #tpu.memory_space<vmem>> -> memref<1x200x128xf32, #tpu.memory_space<vmem>>
    %dma_wait3A_100 = tpu.memref_squeeze %dma_wait3A_99 : memref<1x200x128xf32, #tpu.memory_space<vmem>> -> memref<200x128xf32, #tpu.memory_space<vmem>>
    %dma_wait3A_101 = arith.constant 0 : i32
    %dma_wait3A_102 = tpu.memref_slice %arg4[%add3A_82, %dma_wait3A_101] : memref<32000x128xf32, #tpu.memory_space<hbm>> -> memref<200x128xf32, #tpu.memory_space<hbm>>
    %dma_wait3A_103 = arith.constant 0 : i32
    %dma_wait3A_104 = tpu.memref_slice %arg4[%add3A_82, %dma_wait3A_103] : memref<32000x128xf32, #tpu.memory_space<hbm>> -> memref<200x128xf32, #tpu.memory_space<hbm>>
    %dma_wait3A_105 = arith.constant 0 : i32
    %dma_wait3A_106 = arith.constant 0 : i32
    %dma_wait3A_107 = tpu.memref_slice %arg6[%dma_wait3A_96, %dma_wait3A_105, %dma_wait3A_106] : memref<2x200x128xf32, #tpu.memory_space<vmem>> -> memref<1x200x128xf32, #tpu.memory_space<vmem>>
    %dma_wait3A_108 = tpu.memref_squeeze %dma_wait3A_107 : memref<1x200x128xf32, #tpu.memory_space<vmem>> -> memref<200x128xf32, #tpu.memory_space<vmem>>
    tpu.wait_dma2 semaphore(%arg8 : memref<!tpu.dma_semaphore, #tpu.memory_space<semaphore_mem>>) src(%dma_wait3A_108 : memref<200x128xf32, #tpu.memory_space<vmem>>) dst(%dma_wait3A_104 : memref<200x128xf32, #tpu.memory_space<hbm>>)
    %dma_start3A_109 = arith.constant 1 : i32
    %dma_start3A_110 = arith.constant 0 : i32
    %dma_start3A_111 = arith.constant 0 : i32
    %dma_start3A_112 = tpu.memref_slice %arg6[%dma_start3A_109, %dma_start3A_110, %dma_start3A_111] : memref<2x200x128xf32, #tpu.memory_space<vmem>> -> memref<1x200x128xf32, #tpu.memory_space<vmem>>
    %dma_start3A_113 = tpu.memref_squeeze %dma_start3A_112 : memref<1x200x128xf32, #tpu.memory_space<vmem>> -> memref<200x128xf32, #tpu.memory_space<vmem>>
    %dma_start3A_114 = arith.constant 600 : i32
    %dma_start3A_115 = tpu.memref_slice %arg5[%dma_start3A_114] : memref<1000xi32, #tpu.memory_space<vmem>> -> memref<200xi32, #tpu.memory_space<vmem>>
    %dma_start3A_116 = arith.constant 0 : i32
    %dma_start3A_117 = arith.constant 0 : i32
    %dma_start3A_118 = tpu.memref_slice %arg2[%dma_start3A_116, %dma_start3A_117] : memref<10000x128xf32, #tpu.memory_space<hbm>> -> memref<10000x128xf32, #tpu.memory_space<hbm>>
    tpu.enqueue_indirect_dma source(%dma_start3A_118 : memref<10000x128xf32, #tpu.memory_space<hbm>>) target(%dma_start3A_113 : memref<200x128xf32, #tpu.memory_space<vmem>>) offsets(%dma_start3A_115 : memref<200xi32, #tpu.memory_space<vmem>>) semaphore(%arg7 : memref<!tpu.dma_semaphore, #tpu.memory_space<semaphore_mem>>)
    %dma_wait3A_119 = arith.constant 0 : i32
    %dma_wait3A_120 = arith.constant 0 : i32
    %dma_wait3A_121 = arith.constant 0 : i32
    %dma_wait3A_122 = tpu.memref_slice %arg6[%dma_wait3A_119, %dma_wait3A_120, %dma_wait3A_121] : memref<2x200x128xf32, #tpu.memory_space<vmem>> -> memref<1x200x128xf32, #tpu.memory_space<vmem>>
    %dma_wait3A_123 = tpu.memref_squeeze %dma_wait3A_122 : memref<1x200x128xf32, #tpu.memory_space<vmem>> -> memref<200x128xf32, #tpu.memory_space<vmem>>
    %dma_wait3A_124 = arith.constant 400 : i32
    %dma_wait3A_125 = tpu.memref_slice %arg5[%dma_wait3A_124] : memref<1000xi32, #tpu.memory_space<vmem>> -> memref<200xi32, #tpu.memory_space<vmem>>
    %dma_wait3A_126 = arith.constant 0 : i32
    %dma_wait3A_127 = arith.constant 0 : i32
    %dma_wait3A_128 = tpu.memref_slice %arg2[%dma_wait3A_126, %dma_wait3A_127] : memref<10000x128xf32, #tpu.memory_space<hbm>> -> memref<10000x128xf32, #tpu.memory_space<hbm>>
    tpu.wait_indirect_dma semaphore(%arg7 : memref<!tpu.dma_semaphore, #tpu.memory_space<semaphore_mem>>) src(%dma_wait3A_128 : memref<10000x128xf32, #tpu.memory_space<hbm>>) dst(%dma_wait3A_123 : memref<200x128xf32, #tpu.memory_space<vmem>>)
    %add3A_129 = arith.constant 400 : i32
    %add3A_130 = arith.addi %mul3A_2, %add3A_129 : i32
    %dma_start3A_131 = arith.constant 0 : i32
    %dma_start3A_132 = arith.constant 0 : i32
    %dma_start3A_133 = arith.constant 0 : i32
    %dma_start3A_134 = tpu.memref_slice %arg6[%dma_start3A_131, %dma_start3A_132, %dma_start3A_133] : memref<2x200x128xf32, #tpu.memory_space<vmem>> -> memref<1x200x128xf32, #tpu.memory_space<vmem>>
    %dma_start3A_135 = tpu.memref_squeeze %dma_start3A_134 : memref<1x200x128xf32, #tpu.memory_space<vmem>> -> memref<200x128xf32, #tpu.memory_space<vmem>>
    %dma_start3A_136 = arith.constant 0 : i32
    %dma_start3A_137 = tpu.memref_slice %arg4[%add3A_130, %dma_start3A_136] : memref<32000x128xf32, #tpu.memory_space<hbm>> -> memref<200x128xf32, #tpu.memory_space<hbm>>
    %dma_start3A_138 = arith.constant 0 : i32
    %dma_start3A_139 = tpu.memref_slice %arg4[%add3A_130, %dma_start3A_138] : memref<32000x128xf32, #tpu.memory_space<hbm>> -> memref<200x128xf32, #tpu.memory_space<hbm>>
    %dma_start3A_140 = arith.constant 0 : i32
    %dma_start3A_141 = arith.constant 0 : i32
    %dma_start3A_142 = tpu.memref_slice %arg6[%dma_start3A_131, %dma_start3A_140, %dma_start3A_141] : memref<2x200x128xf32, #tpu.memory_space<vmem>> -> memref<1x200x128xf32, #tpu.memory_space<vmem>>
    %dma_start3A_143 = tpu.memref_squeeze %dma_start3A_142 : memref<1x200x128xf32, #tpu.memory_space<vmem>> -> memref<200x128xf32, #tpu.memory_space<vmem>>
    tpu.enqueue_dma source(%dma_start3A_143 : memref<200x128xf32, #tpu.memory_space<vmem>>) target(%dma_start3A_139 : memref<200x128xf32, #tpu.memory_space<hbm>>) target_semaphore(%arg8 : memref<!tpu.dma_semaphore, #tpu.memory_space<semaphore_mem>>)
    %dma_wait3A_144 = arith.constant 0 : i32
    %dma_wait3A_145 = arith.constant 0 : i32
    %dma_wait3A_146 = arith.constant 0 : i32
    %dma_wait3A_147 = tpu.memref_slice %arg6[%dma_wait3A_144, %dma_wait3A_145, %dma_wait3A_146] : memref<2x200x128xf32, #tpu.memory_space<vmem>> -> memref<1x200x128xf32, #tpu.memory_space<vmem>>
    %dma_wait3A_148 = tpu.memref_squeeze %dma_wait3A_147 : memref<1x200x128xf32, #tpu.memory_space<vmem>> -> memref<200x128xf32, #tpu.memory_space<vmem>>
    %dma_wait3A_149 = arith.constant 0 : i32
    %dma_wait3A_150 = tpu.memref_slice %arg4[%add3A_130, %dma_wait3A_149] : memref<32000x128xf32, #tpu.memory_space<hbm>> -> memref<200x128xf32, #tpu.memory_space<hbm>>
    %dma_wait3A_151 = arith.constant 0 : i32
    %dma_wait3A_152 = tpu.memref_slice %arg4[%add3A_130, %dma_wait3A_151] : memref<32000x128xf32, #tpu.memory_space<hbm>> -> memref<200x128xf32, #tpu.memory_space<hbm>>
    %dma_wait3A_153 = arith.constant 0 : i32
    %dma_wait3A_154 = arith.constant 0 : i32
    %dma_wait3A_155 = tpu.memref_slice %arg6[%dma_wait3A_144, %dma_wait3A_153, %dma_wait3A_154] : memref<2x200x128xf32, #tpu.memory_space<vmem>> -> memref<1x200x128xf32, #tpu.memory_space<vmem>>
    %dma_wait3A_156 = tpu.memref_squeeze %dma_wait3A_155 : memref<1x200x128xf32, #tpu.memory_space<vmem>> -> memref<200x128xf32, #tpu.memory_space<vmem>>
    tpu.wait_dma2 semaphore(%arg8 : memref<!tpu.dma_semaphore, #tpu.memory_space<semaphore_mem>>) src(%dma_wait3A_156 : memref<200x128xf32, #tpu.memory_space<vmem>>) dst(%dma_wait3A_152 : memref<200x128xf32, #tpu.memory_space<hbm>>)
    %dma_start3A_157 = arith.constant 0 : i32
    %dma_start3A_158 = arith.constant 0 : i32
    %dma_start3A_159 = arith.constant 0 : i32
    %dma_start3A_160 = tpu.memref_slice %arg6[%dma_start3A_157, %dma_start3A_158, %dma_start3A_159] : memref<2x200x128xf32, #tpu.memory_space<vmem>> -> memref<1x200x128xf32, #tpu.memory_space<vmem>>
    %dma_start3A_161 = tpu.memref_squeeze %dma_start3A_160 : memref<1x200x128xf32, #tpu.memory_space<vmem>> -> memref<200x128xf32, #tpu.memory_space<vmem>>
    %dma_start3A_162 = arith.constant 800 : i32
    %dma_start3A_163 = tpu.memref_slice %arg5[%dma_start3A_162] : memref<1000xi32, #tpu.memory_space<vmem>> -> memref<200xi32, #tpu.memory_space<vmem>>
    %dma_start3A_164 = arith.constant 0 : i32
    %dma_start3A_165 = arith.constant 0 : i32
    %dma_start3A_166 = tpu.memref_slice %arg2[%dma_start3A_164, %dma_start3A_165] : memref<10000x128xf32, #tpu.memory_space<hbm>> -> memref<10000x128xf32, #tpu.memory_space<hbm>>
    tpu.enqueue_indirect_dma source(%dma_start3A_166 : memref<10000x128xf32, #tpu.memory_space<hbm>>) target(%dma_start3A_161 : memref<200x128xf32, #tpu.memory_space<vmem>>) offsets(%dma_start3A_163 : memref<200xi32, #tpu.memory_space<vmem>>) semaphore(%arg7 : memref<!tpu.dma_semaphore, #tpu.memory_space<semaphore_mem>>)
    %dma_wait3A_167 = arith.constant 1 : i32
    %dma_wait3A_168 = arith.constant 0 : i32
    %dma_wait3A_169 = arith.constant 0 : i32
    %dma_wait3A_170 = tpu.memref_slice %arg6[%dma_wait3A_167, %dma_wait3A_168, %dma_wait3A_169] : memref<2x200x128xf32, #tpu.memory_space<vmem>> -> memref<1x200x128xf32, #tpu.memory_space<vmem>>
    %dma_wait3A_171 = tpu.memref_squeeze %dma_wait3A_170 : memref<1x200x128xf32, #tpu.memory_space<vmem>> -> memref<200x128xf32, #tpu.memory_space<vmem>>
    %dma_wait3A_172 = arith.constant 600 : i32
    %dma_wait3A_173 = tpu.memref_slice %arg5[%dma_wait3A_172] : memref<1000xi32, #tpu.memory_space<vmem>> -> memref<200xi32, #tpu.memory_space<vmem>>
    %dma_wait3A_174 = arith.constant 0 : i32
    %dma_wait3A_175 = arith.constant 0 : i32
    %dma_wait3A_176 = tpu.memref_slice %arg2[%dma_wait3A_174, %dma_wait3A_175] : memref<10000x128xf32, #tpu.memory_space<hbm>> -> memref<10000x128xf32, #tpu.memory_space<hbm>>
    tpu.wait_indirect_dma semaphore(%arg7 : memref<!tpu.dma_semaphore, #tpu.memory_space<semaphore_mem>>) src(%dma_wait3A_176 : memref<10000x128xf32, #tpu.memory_space<hbm>>) dst(%dma_wait3A_171 : memref<200x128xf32, #tpu.memory_space<vmem>>)
    %add3A_177 = arith.constant 600 : i32
    %add3A_178 = arith.addi %mul3A_2, %add3A_177 : i32
    %dma_start3A_179 = arith.constant 1 : i32
    %dma_start3A_180 = arith.constant 0 : i32
    %dma_start3A_181 = arith.constant 0 : i32
    %dma_start3A_182 = tpu.memref_slice %arg6[%dma_start3A_179, %dma_start3A_180, %dma_start3A_181] : memref<2x200x128xf32, #tpu.memory_space<vmem>> -> memref<1x200x128xf32, #tpu.memory_space<vmem>>
    %dma_start3A_183 = tpu.memref_squeeze %dma_start3A_182 : memref<1x200x128xf32, #tpu.memory_space<vmem>> -> memref<200x128xf32, #tpu.memory_space<vmem>>
    %dma_start3A_184 = arith.constant 0 : i32
    %dma_start3A_185 = tpu.memref_slice %arg4[%add3A_178, %dma_start3A_184] : memref<32000x128xf32, #tpu.memory_space<hbm>> -> memref<200x128xf32, #tpu.memory_space<hbm>>
    %dma_start3A_186 = arith.constant 0 : i32
    %dma_start3A_187 = tpu.memref_slice %arg4[%add3A_178, %dma_start3A_186] : memref<32000x128xf32, #tpu.memory_space<hbm>> -> memref<200x128xf32, #tpu.memory_space<hbm>>
    %dma_start3A_188 = arith.constant 0 : i32
    %dma_start3A_189 = arith.constant 0 : i32
    %dma_start3A_190 = tpu.memref_slice %arg6[%dma_start3A_179, %dma_start3A_188, %dma_start3A_189] : memref<2x200x128xf32, #tpu.memory_space<vmem>> -> memref<1x200x128xf32, #tpu.memory_space<vmem>>
    %dma_start3A_191 = tpu.memref_squeeze %dma_start3A_190 : memref<1x200x128xf32, #tpu.memory_space<vmem>> -> memref<200x128xf32, #tpu.memory_space<vmem>>
    tpu.enqueue_dma source(%dma_start3A_191 : memref<200x128xf32, #tpu.memory_space<vmem>>) target(%dma_start3A_187 : memref<200x128xf32, #tpu.memory_space<hbm>>) target_semaphore(%arg8 : memref<!tpu.dma_semaphore, #tpu.memory_space<semaphore_mem>>)
    %dma_wait3A_192 = arith.constant 0 : i32
    %dma_wait3A_193 = arith.constant 0 : i32
    %dma_wait3A_194 = arith.constant 0 : i32
    %dma_wait3A_195 = tpu.memref_slice %arg6[%dma_wait3A_192, %dma_wait3A_193, %dma_wait3A_194] : memref<2x200x128xf32, #tpu.memory_space<vmem>> -> memref<1x200x128xf32, #tpu.memory_space<vmem>>
    %dma_wait3A_196 = tpu.memref_squeeze %dma_wait3A_195 : memref<1x200x128xf32, #tpu.memory_space<vmem>> -> memref<200x128xf32, #tpu.memory_space<vmem>>
    %dma_wait3A_197 = arith.constant 800 : i32
    %dma_wait3A_198 = tpu.memref_slice %arg5[%dma_wait3A_197] : memref<1000xi32, #tpu.memory_space<vmem>> -> memref<200xi32, #tpu.memory_space<vmem>>
    %dma_wait3A_199 = arith.constant 0 : i32
    %dma_wait3A_200 = arith.constant 0 : i32
    %dma_wait3A_201 = tpu.memref_slice %arg2[%dma_wait3A_199, %dma_wait3A_200] : memref<10000x128xf32, #tpu.memory_space<hbm>> -> memref<10000x128xf32, #tpu.memory_space<hbm>>
    tpu.wait_indirect_dma semaphore(%arg7 : memref<!tpu.dma_semaphore, #tpu.memory_space<semaphore_mem>>) src(%dma_wait3A_201 : memref<10000x128xf32, #tpu.memory_space<hbm>>) dst(%dma_wait3A_196 : memref<200x128xf32, #tpu.memory_space<vmem>>)
    %add3A_202 = arith.constant 800 : i32
    %add3A_203 = arith.addi %mul3A_2, %add3A_202 : i32
    %dma_start3A_204 = arith.constant 0 : i32
    %dma_start3A_205 = arith.constant 0 : i32
    %dma_start3A_206 = arith.constant 0 : i32
    %dma_start3A_207 = tpu.memref_slice %arg6[%dma_start3A_204, %dma_start3A_205, %dma_start3A_206] : memref<2x200x128xf32, #tpu.memory_space<vmem>> -> memref<1x200x128xf32, #tpu.memory_space<vmem>>
    %dma_start3A_208 = tpu.memref_squeeze %dma_start3A_207 : memref<1x200x128xf32, #tpu.memory_space<vmem>> -> memref<200x128xf32, #tpu.memory_space<vmem>>
    %dma_start3A_209 = arith.constant 0 : i32
    %dma_start3A_210 = tpu.memref_slice %arg4[%add3A_203, %dma_start3A_209] : memref<32000x128xf32, #tpu.memory_space<hbm>> -> memref<200x128xf32, #tpu.memory_space<hbm>>
    %dma_start3A_211 = arith.constant 0 : i32
    %dma_start3A_212 = tpu.memref_slice %arg4[%add3A_203, %dma_start3A_211] : memref<32000x128xf32, #tpu.memory_space<hbm>> -> memref<200x128xf32, #tpu.memory_space<hbm>>
    %dma_start3A_213 = arith.constant 0 : i32
    %dma_start3A_214 = arith.constant 0 : i32
    %dma_start3A_215 = tpu.memref_slice %arg6[%dma_start3A_204, %dma_start3A_213, %dma_start3A_214] : memref<2x200x128xf32, #tpu.memory_space<vmem>> -> memref<1x200x128xf32, #tpu.memory_space<vmem>>
    %dma_start3A_216 = tpu.memref_squeeze %dma_start3A_215 : memref<1x200x128xf32, #tpu.memory_space<vmem>> -> memref<200x128xf32, #tpu.memory_space<vmem>>
    tpu.enqueue_dma source(%dma_start3A_216 : memref<200x128xf32, #tpu.memory_space<vmem>>) target(%dma_start3A_212 : memref<200x128xf32, #tpu.memory_space<hbm>>) target_semaphore(%arg8 : memref<!tpu.dma_semaphore, #tpu.memory_space<semaphore_mem>>)
    %dma_wait3A_217 = arith.constant 1 : i32
    %dma_wait3A_218 = arith.constant 0 : i32
    %dma_wait3A_219 = arith.constant 0 : i32
    %dma_wait3A_220 = tpu.memref_slice %arg6[%dma_wait3A_217, %dma_wait3A_218, %dma_wait3A_219] : memref<2x200x128xf32, #tpu.memory_space<vmem>> -> memref<1x200x128xf32, #tpu.memory_space<vmem>>
    %dma_wait3A_221 = tpu.memref_squeeze %dma_wait3A_220 : memref<1x200x128xf32, #tpu.memory_space<vmem>> -> memref<200x128xf32, #tpu.memory_space<vmem>>
    %dma_wait3A_222 = arith.constant 0 : i32
    %dma_wait3A_223 = tpu.memref_slice %arg4[%add3A_178, %dma_wait3A_222] : memref<32000x128xf32, #tpu.memory_space<hbm>> -> memref<200x128xf32, #tpu.memory_space<hbm>>
    %dma_wait3A_224 = arith.constant 0 : i32
    %dma_wait3A_225 = tpu.memref_slice %arg4[%add3A_178, %dma_wait3A_224] : memref<32000x128xf32, #tpu.memory_space<hbm>> -> memref<200x128xf32, #tpu.memory_space<hbm>>
    %dma_wait3A_226 = arith.constant 0 : i32
    %dma_wait3A_227 = arith.constant 0 : i32
    %dma_wait3A_228 = tpu.memref_slice %arg6[%dma_wait3A_217, %dma_wait3A_226, %dma_wait3A_227] : memref<2x200x128xf32, #tpu.memory_space<vmem>> -> memref<1x200x128xf32, #tpu.memory_space<vmem>>
    %dma_wait3A_229 = tpu.memref_squeeze %dma_wait3A_228 : memref<1x200x128xf32, #tpu.memory_space<vmem>> -> memref<200x128xf32, #tpu.memory_space<vmem>>
    tpu.wait_dma2 semaphore(%arg8 : memref<!tpu.dma_semaphore, #tpu.memory_space<semaphore_mem>>) src(%dma_wait3A_229 : memref<200x128xf32, #tpu.memory_space<vmem>>) dst(%dma_wait3A_225 : memref<200x128xf32, #tpu.memory_space<hbm>>)
    %dma_wait3A_230 = arith.constant 0 : i32
    %dma_wait3A_231 = arith.constant 0 : i32
    %dma_wait3A_232 = arith.constant 0 : i32
    %dma_wait3A_233 = tpu.memref_slice %arg6[%dma_wait3A_230, %dma_wait3A_231, %dma_wait3A_232] : memref<2x200x128xf32, #tpu.memory_space<vmem>> -> memref<1x200x128xf32, #tpu.memory_space<vmem>>
    %dma_wait3A_234 = tpu.memref_squeeze %dma_wait3A_233 : memref<1x200x128xf32, #tpu.memory_space<vmem>> -> memref<200x128xf32, #tpu.memory_space<vmem>>
    %dma_wait3A_235 = arith.constant 0 : i32
    %dma_wait3A_236 = tpu.memref_slice %arg4[%add3A_203, %dma_wait3A_235] : memref<32000x128xf32, #tpu.memory_space<hbm>> -> memref<200x128xf32, #tpu.memory_space<hbm>>
    %dma_wait3A_237 = arith.constant 0 : i32
    %dma_wait3A_238 = tpu.memref_slice %arg4[%add3A_203, %dma_wait3A_237] : memref<32000x128xf32, #tpu.memory_space<hbm>> -> memref<200x128xf32, #tpu.memory_space<hbm>>
    %dma_wait3A_239 = arith.constant 0 : i32
    %dma_wait3A_240 = arith.constant 0 : i32
    %dma_wait3A_241 = tpu.memref_slice %arg6[%dma_wait3A_230, %dma_wait3A_239, %dma_wait3A_240] : memref<2x200x128xf32, #tpu.memory_space<vmem>> -> memref<1x200x128xf32, #tpu.memory_space<vmem>>
    %dma_wait3A_242 = tpu.memref_squeeze %dma_wait3A_241 : memref<1x200x128xf32, #tpu.memory_space<vmem>> -> memref<200x128xf32, #tpu.memory_space<vmem>>
    tpu.wait_dma2 semaphore(%arg8 : memref<!tpu.dma_semaphore, #tpu.memory_space<semaphore_mem>>) src(%dma_wait3A_242 : memref<200x128xf32, #tpu.memory_space<vmem>>) dst(%dma_wait3A_238 : memref<200x128xf32, #tpu.memory_space<hbm>>)
    return
  }
}

#map = affine_map<(d0, d1) -> (0, 0)>
#map1 = affine_map<(d0, d1) -> (0)>
#map2 = affine_map<(d0, d1) -> (0, 0, 0)>
module attributes {stable_mosaic.version = 14 : i64} {
  func.func @body(%arg0: i32, %arg1: i32, %arg2: memref<128000x16xf32, #tpu.memory_space<hbm>>, %arg3: memref<160000xi32, #tpu.memory_space<hbm>>, %arg4: memref<2x10240x16xf32, #tpu.memory_space<hbm>>, %arg5: memref<10240x16xf32, #tpu.memory_space<vmem_shared>>, %arg6: memref<4x1000xi32, #tpu.memory_space<vmem>>, %arg7: memref<2x1000x16xf32, #tpu.memory_space<vmem>>, %arg8: memref<640x16xf32, #tpu.memory_space<vmem>>, %arg9: memref<!tpu.dma_semaphore, #tpu.memory_space<semaphore_mem>>, %arg10: memref<!tpu.dma_semaphore, #tpu.memory_space<semaphore_mem>>) attributes {dimension_semantics = [#tpu.dimension_semantics<core_parallel>, #tpu.dimension_semantics<subcore_parallel>], iteration_bounds = array<i64: 2, 16>, scalar_prefetch = 0 : i64, scratch_operands = 6 : i64, tpu.core_type = #tpu.core_type<sc_vector_subcore>, window_params = [{transform_indices = #map}, {transform_indices = #map1}, {transform_indices = #map2}]} {
    %scan3A = arith.constant 0 : i32
    %scan3A_0 = arith.constant 0 : i32
    %scan3A_1 = arith.constant 640 : i32
    %scan3A_2 = arith.addi %scan3A_0, %scan3A_1 : i32
    %scan3A_3 = arith.constant 1 : i32
    scf.for %scan3A_240 = %scan3A_0 to %scan3A_2 step %scan3A_3  : i32 {
      %broadcast_in_dim3A = arith.constant 0.000000e+00 : f32
      %broadcast_in_dim3A_241 = vector.broadcast %broadcast_in_dim3A : f32 to vector<16xf32>
      %swap3A = arith.index_cast %scan3A_240 : i32 to index
      %swap3A_242 = arith.constant 0 : index
      %swap3A_243 = tpu.vector_load %arg8[%swap3A, %swap3A_242] {strides = array<i32>} : memref<640x16xf32, #tpu.memory_space<vmem>>, vector<1x16xf32>,
      %swap3A_244 = vector.shape_cast %swap3A_243 : vector<1x16xf32> to vector<16xf32>
      %swap3A_245 = vector.shape_cast %broadcast_in_dim3A_241 : vector<16xf32> to vector<1x16xf32>
      tpu.vector_store %arg8[%swap3A, %swap3A_242], %swap3A_245 {strides = array<i32>} : memref<640x16xf32, #tpu.memory_space<vmem>>, vector<1x16xf32>,
    }
    %scan3A_4 = arith.constant 640 : i32
    %mul3A = arith.constant 640 : i32
    %mul3A_5 = arith.muli %arg1, %mul3A : i32
    "tpu.region"() ({
      %run_scoped3A_240 = tpu.sem_alloc : memref<!tpu.dma_semaphore, #tpu.memory_space<semaphore_mem>>
      %dma_start3A_241 = arith.constant 0 : i32
      %dma_start3A_242 = tpu.memref_slice %arg5[%mul3A_5, %dma_start3A_241] : memref<10240x16xf32, #tpu.memory_space<vmem_shared>> -> memref<640x16xf32, #tpu.memory_space<vmem_shared>>
      %dma_start3A_243 = arith.constant 0 : i32
      %dma_start3A_244 = tpu.memref_slice %arg5[%mul3A_5, %dma_start3A_243] : memref<10240x16xf32, #tpu.memory_space<vmem_shared>> -> memref<640x16xf32, #tpu.memory_space<vmem_shared>>
      tpu.enqueue_dma source(%arg8 : memref<640x16xf32, #tpu.memory_space<vmem>>) target(%dma_start3A_244 : memref<640x16xf32, #tpu.memory_space<vmem_shared>>) target_semaphore(%run_scoped3A_240 : memref<!tpu.dma_semaphore, #tpu.memory_space<semaphore_mem>>)
      %dma_wait3A_245 = arith.constant 0 : i32
      %dma_wait3A_246 = tpu.memref_slice %arg5[%mul3A_5, %dma_wait3A_245] : memref<10240x16xf32, #tpu.memory_space<vmem_shared>> -> memref<640x16xf32, #tpu.memory_space<vmem_shared>>
      %dma_wait3A_247 = arith.constant 0 : i32
      %dma_wait3A_248 = tpu.memref_slice %arg5[%mul3A_5, %dma_wait3A_247] : memref<10240x16xf32, #tpu.memory_space<vmem_shared>> -> memref<640x16xf32, #tpu.memory_space<vmem_shared>>
      tpu.wait_dma2 semaphore(%run_scoped3A_240 : memref<!tpu.dma_semaphore, #tpu.memory_space<semaphore_mem>>) src(%arg8 : memref<640x16xf32, #tpu.memory_space<vmem>>) dst(%dma_wait3A_248 : memref<640x16xf32, #tpu.memory_space<vmem_shared>>)
      tpu.yield
    }) : () -> ()
    %mul3A_6 = arith.constant 64000 : i32
    %mul3A_7 = arith.muli %arg0, %mul3A_6 : i32
    %mul3A_8 = arith.constant 4000 : i32
    %mul3A_9 = arith.muli %arg1, %mul3A_8 : i32
    %add3A = arith.addi %mul3A_7, %mul3A_9 : i32
    %add3A_10 = arith.constant 32000 : i32
    %add3A_11 = arith.addi %add3A_10, %add3A : i32
    %add3A_12 = arith.constant 0 : i32
    %add3A_13 = arith.addi %add3A_11, %add3A_12 : i32
    %run_scoped3A = arith.constant 0 : i32
    "tpu.region"() ({
      %run_scoped3A_240 = tpu.sem_alloc : memref<!tpu.dma_semaphore, #tpu.memory_space<semaphore_mem>>
      %dma_start3A_241 = arith.constant 0 : i32
      %dma_start3A_242 = tpu.memref_slice %arg6[%run_scoped3A, %dma_start3A_241] : memref<4x1000xi32, #tpu.memory_space<vmem>> -> memref<1x1000xi32, #tpu.memory_space<vmem>>
      %dma_start3A_243 = tpu.memref_squeeze %dma_start3A_242 : memref<1x1000xi32, #tpu.memory_space<vmem>> -> memref<1000xi32, #tpu.memory_space<vmem>>
      %dma_start3A_244 = tpu.memref_slice %arg3[%add3A_13] : memref<160000xi32, #tpu.memory_space<hbm>> -> memref<1000xi32, #tpu.memory_space<hbm>>
      %dma_start3A_245 = arith.constant 0 : i32
      %dma_start3A_246 = tpu.memref_slice %arg6[%run_scoped3A, %dma_start3A_245] : memref<4x1000xi32, #tpu.memory_space<vmem>> -> memref<1x1000xi32, #tpu.memory_space<vmem>>
      %dma_start3A_247 = tpu.memref_squeeze %dma_start3A_246 : memref<1x1000xi32, #tpu.memory_space<vmem>> -> memref<1000xi32, #tpu.memory_space<vmem>>
      %dma_start3A_248 = tpu.memref_slice %arg3[%add3A_13] : memref<160000xi32, #tpu.memory_space<hbm>> -> memref<1000xi32, #tpu.memory_space<hbm>>
      tpu.enqueue_dma source(%dma_start3A_248 : memref<1000xi32, #tpu.memory_space<hbm>>) target(%dma_start3A_247 : memref<1000xi32, #tpu.memory_space<vmem>>) target_semaphore(%run_scoped3A_240 : memref<!tpu.dma_semaphore, #tpu.memory_space<semaphore_mem>>)
      %dma_wait3A_249 = arith.constant 0 : i32
      %dma_wait3A_250 = tpu.memref_slice %arg6[%run_scoped3A, %dma_wait3A_249] : memref<4x1000xi32, #tpu.memory_space<vmem>> -> memref<1x1000xi32, #tpu.memory_space<vmem>>
      %dma_wait3A_251 = tpu.memref_squeeze %dma_wait3A_250 : memref<1x1000xi32, #tpu.memory_space<vmem>> -> memref<1000xi32, #tpu.memory_space<vmem>>
      %dma_wait3A_252 = tpu.memref_slice %arg3[%add3A_13] : memref<160000xi32, #tpu.memory_space<hbm>> -> memref<1000xi32, #tpu.memory_space<hbm>>
      %dma_wait3A_253 = arith.constant 0 : i32
      %dma_wait3A_254 = tpu.memref_slice %arg6[%run_scoped3A, %dma_wait3A_253] : memref<4x1000xi32, #tpu.memory_space<vmem>> -> memref<1x1000xi32, #tpu.memory_space<vmem>>
      %dma_wait3A_255 = tpu.memref_squeeze %dma_wait3A_254 : memref<1x1000xi32, #tpu.memory_space<vmem>> -> memref<1000xi32, #tpu.memory_space<vmem>>
      %dma_wait3A_256 = tpu.memref_slice %arg3[%add3A_13] : memref<160000xi32, #tpu.memory_space<hbm>> -> memref<1000xi32, #tpu.memory_space<hbm>>
      tpu.wait_dma2 semaphore(%run_scoped3A_240 : memref<!tpu.dma_semaphore, #tpu.memory_space<semaphore_mem>>) src(%dma_wait3A_256 : memref<1000xi32, #tpu.memory_space<hbm>>) dst(%dma_wait3A_255 : memref<1000xi32, #tpu.memory_space<vmem>>)
      tpu.yield
    }) : () -> ()
    %add3A_14 = arith.constant 32000 : i32
    %add3A_15 = arith.addi %add3A_14, %add3A : i32
    %add3A_16 = arith.constant 1000 : i32
    %add3A_17 = arith.addi %add3A_15, %add3A_16 : i32
    %run_scoped3A_18 = arith.constant 1 : i32
    "tpu.region"() ({
      %run_scoped3A_240 = tpu.sem_alloc : memref<!tpu.dma_semaphore, #tpu.memory_space<semaphore_mem>>
      %dma_start3A_241 = arith.constant 0 : i32
      %dma_start3A_242 = tpu.memref_slice %arg6[%run_scoped3A_18, %dma_start3A_241] : memref<4x1000xi32, #tpu.memory_space<vmem>> -> memref<1x1000xi32, #tpu.memory_space<vmem>>
      %dma_start3A_243 = tpu.memref_squeeze %dma_start3A_242 : memref<1x1000xi32, #tpu.memory_space<vmem>> -> memref<1000xi32, #tpu.memory_space<vmem>>
      %dma_start3A_244 = tpu.memref_slice %arg3[%add3A_17] : memref<160000xi32, #tpu.memory_space<hbm>> -> memref<1000xi32, #tpu.memory_space<hbm>>
      %dma_start3A_245 = arith.constant 0 : i32
      %dma_start3A_246 = tpu.memref_slice %arg6[%run_scoped3A_18, %dma_start3A_245] : memref<4x1000xi32, #tpu.memory_space<vmem>> -> memref<1x1000xi32, #tpu.memory_space<vmem>>
      %dma_start3A_247 = tpu.memref_squeeze %dma_start3A_246 : memref<1x1000xi32, #tpu.memory_space<vmem>> -> memref<1000xi32, #tpu.memory_space<vmem>>
      %dma_start3A_248 = tpu.memref_slice %arg3[%add3A_17] : memref<160000xi32, #tpu.memory_space<hbm>> -> memref<1000xi32, #tpu.memory_space<hbm>>
      tpu.enqueue_dma source(%dma_start3A_248 : memref<1000xi32, #tpu.memory_space<hbm>>) target(%dma_start3A_247 : memref<1000xi32, #tpu.memory_space<vmem>>) target_semaphore(%run_scoped3A_240 : memref<!tpu.dma_semaphore, #tpu.memory_space<semaphore_mem>>)
      %dma_wait3A_249 = arith.constant 0 : i32
      %dma_wait3A_250 = tpu.memref_slice %arg6[%run_scoped3A_18, %dma_wait3A_249] : memref<4x1000xi32, #tpu.memory_space<vmem>> -> memref<1x1000xi32, #tpu.memory_space<vmem>>
      %dma_wait3A_251 = tpu.memref_squeeze %dma_wait3A_250 : memref<1x1000xi32, #tpu.memory_space<vmem>> -> memref<1000xi32, #tpu.memory_space<vmem>>
      %dma_wait3A_252 = tpu.memref_slice %arg3[%add3A_17] : memref<160000xi32, #tpu.memory_space<hbm>> -> memref<1000xi32, #tpu.memory_space<hbm>>
      %dma_wait3A_253 = arith.constant 0 : i32
      %dma_wait3A_254 = tpu.memref_slice %arg6[%run_scoped3A_18, %dma_wait3A_253] : memref<4x1000xi32, #tpu.memory_space<vmem>> -> memref<1x1000xi32, #tpu.memory_space<vmem>>
      %dma_wait3A_255 = tpu.memref_squeeze %dma_wait3A_254 : memref<1x1000xi32, #tpu.memory_space<vmem>> -> memref<1000xi32, #tpu.memory_space<vmem>>
      %dma_wait3A_256 = tpu.memref_slice %arg3[%add3A_17] : memref<160000xi32, #tpu.memory_space<hbm>> -> memref<1000xi32, #tpu.memory_space<hbm>>
      tpu.wait_dma2 semaphore(%run_scoped3A_240 : memref<!tpu.dma_semaphore, #tpu.memory_space<semaphore_mem>>) src(%dma_wait3A_256 : memref<1000xi32, #tpu.memory_space<hbm>>) dst(%dma_wait3A_255 : memref<1000xi32, #tpu.memory_space<vmem>>)
      tpu.yield
    }) : () -> ()
    %add3A_19 = arith.constant 32000 : i32
    %add3A_20 = arith.addi %add3A_19, %add3A : i32
    %add3A_21 = arith.constant 2000 : i32
    %add3A_22 = arith.addi %add3A_20, %add3A_21 : i32
    %run_scoped3A_23 = arith.constant 2 : i32
    "tpu.region"() ({
      %run_scoped3A_240 = tpu.sem_alloc : memref<!tpu.dma_semaphore, #tpu.memory_space<semaphore_mem>>
      %dma_start3A_241 = arith.constant 0 : i32
      %dma_start3A_242 = tpu.memref_slice %arg6[%run_scoped3A_23, %dma_start3A_241] : memref<4x1000xi32, #tpu.memory_space<vmem>> -> memref<1x1000xi32, #tpu.memory_space<vmem>>
      %dma_start3A_243 = tpu.memref_squeeze %dma_start3A_242 : memref<1x1000xi32, #tpu.memory_space<vmem>> -> memref<1000xi32, #tpu.memory_space<vmem>>
      %dma_start3A_244 = tpu.memref_slice %arg3[%add3A_22] : memref<160000xi32, #tpu.memory_space<hbm>> -> memref<1000xi32, #tpu.memory_space<hbm>>
      %dma_start3A_245 = arith.constant 0 : i32
      %dma_start3A_246 = tpu.memref_slice %arg6[%run_scoped3A_23, %dma_start3A_245] : memref<4x1000xi32, #tpu.memory_space<vmem>> -> memref<1x1000xi32, #tpu.memory_space<vmem>>
      %dma_start3A_247 = tpu.memref_squeeze %dma_start3A_246 : memref<1x1000xi32, #tpu.memory_space<vmem>> -> memref<1000xi32, #tpu.memory_space<vmem>>
      %dma_start3A_248 = tpu.memref_slice %arg3[%add3A_22] : memref<160000xi32, #tpu.memory_space<hbm>> -> memref<1000xi32, #tpu.memory_space<hbm>>
      tpu.enqueue_dma source(%dma_start3A_248 : memref<1000xi32, #tpu.memory_space<hbm>>) target(%dma_start3A_247 : memref<1000xi32, #tpu.memory_space<vmem>>) target_semaphore(%run_scoped3A_240 : memref<!tpu.dma_semaphore, #tpu.memory_space<semaphore_mem>>)
      %dma_wait3A_249 = arith.constant 0 : i32
      %dma_wait3A_250 = tpu.memref_slice %arg6[%run_scoped3A_23, %dma_wait3A_249] : memref<4x1000xi32, #tpu.memory_space<vmem>> -> memref<1x1000xi32, #tpu.memory_space<vmem>>
      %dma_wait3A_251 = tpu.memref_squeeze %dma_wait3A_250 : memref<1x1000xi32, #tpu.memory_space<vmem>> -> memref<1000xi32, #tpu.memory_space<vmem>>
      %dma_wait3A_252 = tpu.memref_slice %arg3[%add3A_22] : memref<160000xi32, #tpu.memory_space<hbm>> -> memref<1000xi32, #tpu.memory_space<hbm>>
      %dma_wait3A_253 = arith.constant 0 : i32
      %dma_wait3A_254 = tpu.memref_slice %arg6[%run_scoped3A_23, %dma_wait3A_253] : memref<4x1000xi32, #tpu.memory_space<vmem>> -> memref<1x1000xi32, #tpu.memory_space<vmem>>
      %dma_wait3A_255 = tpu.memref_squeeze %dma_wait3A_254 : memref<1x1000xi32, #tpu.memory_space<vmem>> -> memref<1000xi32, #tpu.memory_space<vmem>>
      %dma_wait3A_256 = tpu.memref_slice %arg3[%add3A_22] : memref<160000xi32, #tpu.memory_space<hbm>> -> memref<1000xi32, #tpu.memory_space<hbm>>
      tpu.wait_dma2 semaphore(%run_scoped3A_240 : memref<!tpu.dma_semaphore, #tpu.memory_space<semaphore_mem>>) src(%dma_wait3A_256 : memref<1000xi32, #tpu.memory_space<hbm>>) dst(%dma_wait3A_255 : memref<1000xi32, #tpu.memory_space<vmem>>)
      tpu.yield
    }) : () -> ()
    %add3A_24 = arith.constant 32000 : i32
    %add3A_25 = arith.addi %add3A_24, %add3A : i32
    %add3A_26 = arith.constant 3000 : i32
    %add3A_27 = arith.addi %add3A_25, %add3A_26 : i32
    %run_scoped3A_28 = arith.constant 3 : i32
    "tpu.region"() ({
      %run_scoped3A_240 = tpu.sem_alloc : memref<!tpu.dma_semaphore, #tpu.memory_space<semaphore_mem>>
      %dma_start3A_241 = arith.constant 0 : i32
      %dma_start3A_242 = tpu.memref_slice %arg6[%run_scoped3A_28, %dma_start3A_241] : memref<4x1000xi32, #tpu.memory_space<vmem>> -> memref<1x1000xi32, #tpu.memory_space<vmem>>
      %dma_start3A_243 = tpu.memref_squeeze %dma_start3A_242 : memref<1x1000xi32, #tpu.memory_space<vmem>> -> memref<1000xi32, #tpu.memory_space<vmem>>
      %dma_start3A_244 = tpu.memref_slice %arg3[%add3A_27] : memref<160000xi32, #tpu.memory_space<hbm>> -> memref<1000xi32, #tpu.memory_space<hbm>>
      %dma_start3A_245 = arith.constant 0 : i32
      %dma_start3A_246 = tpu.memref_slice %arg6[%run_scoped3A_28, %dma_start3A_245] : memref<4x1000xi32, #tpu.memory_space<vmem>> -> memref<1x1000xi32, #tpu.memory_space<vmem>>
      %dma_start3A_247 = tpu.memref_squeeze %dma_start3A_246 : memref<1x1000xi32, #tpu.memory_space<vmem>> -> memref<1000xi32, #tpu.memory_space<vmem>>
      %dma_start3A_248 = tpu.memref_slice %arg3[%add3A_27] : memref<160000xi32, #tpu.memory_space<hbm>> -> memref<1000xi32, #tpu.memory_space<hbm>>
      tpu.enqueue_dma source(%dma_start3A_248 : memref<1000xi32, #tpu.memory_space<hbm>>) target(%dma_start3A_247 : memref<1000xi32, #tpu.memory_space<vmem>>) target_semaphore(%run_scoped3A_240 : memref<!tpu.dma_semaphore, #tpu.memory_space<semaphore_mem>>)
      %dma_wait3A_249 = arith.constant 0 : i32
      %dma_wait3A_250 = tpu.memref_slice %arg6[%run_scoped3A_28, %dma_wait3A_249] : memref<4x1000xi32, #tpu.memory_space<vmem>> -> memref<1x1000xi32, #tpu.memory_space<vmem>>
      %dma_wait3A_251 = tpu.memref_squeeze %dma_wait3A_250 : memref<1x1000xi32, #tpu.memory_space<vmem>> -> memref<1000xi32, #tpu.memory_space<vmem>>
      %dma_wait3A_252 = tpu.memref_slice %arg3[%add3A_27] : memref<160000xi32, #tpu.memory_space<hbm>> -> memref<1000xi32, #tpu.memory_space<hbm>>
      %dma_wait3A_253 = arith.constant 0 : i32
      %dma_wait3A_254 = tpu.memref_slice %arg6[%run_scoped3A_28, %dma_wait3A_253] : memref<4x1000xi32, #tpu.memory_space<vmem>> -> memref<1x1000xi32, #tpu.memory_space<vmem>>
      %dma_wait3A_255 = tpu.memref_squeeze %dma_wait3A_254 : memref<1x1000xi32, #tpu.memory_space<vmem>> -> memref<1000xi32, #tpu.memory_space<vmem>>
      %dma_wait3A_256 = tpu.memref_slice %arg3[%add3A_27] : memref<160000xi32, #tpu.memory_space<hbm>> -> memref<1000xi32, #tpu.memory_space<hbm>>
      tpu.wait_dma2 semaphore(%run_scoped3A_240 : memref<!tpu.dma_semaphore, #tpu.memory_space<semaphore_mem>>) src(%dma_wait3A_256 : memref<1000xi32, #tpu.memory_space<hbm>>) dst(%dma_wait3A_255 : memref<1000xi32, #tpu.memory_space<vmem>>)
      tpu.yield
    }) : () -> ()
    %barrier3A = arith.constant 0 : index
    tpu.barrier barrier_id(%barrier3A)
    %add3A_29 = arith.constant 0 : i32
    %add3A_30 = arith.addi %add3A, %add3A_29 : i32
    %dma_start3A = arith.constant 0 : i32
    %dma_start3A_31 = arith.constant 0 : i32
    %dma_start3A_32 = arith.constant 0 : i32
    %dma_start3A_33 = tpu.memref_slice %arg7[%dma_start3A, %dma_start3A_31, %dma_start3A_32] : memref<2x1000x16xf32, #tpu.memory_space<vmem>> -> memref<1x1000x16xf32, #tpu.memory_space<vmem>>
    %dma_start3A_34 = tpu.memref_squeeze %dma_start3A_33 : memref<1x1000x16xf32, #tpu.memory_space<vmem>> -> memref<1000x16xf32, #tpu.memory_space<vmem>>
    %dma_start3A_35 = arith.constant 0 : i32
    %dma_start3A_36 = tpu.memref_slice %arg2[%add3A_30, %dma_start3A_35] : memref<128000x16xf32, #tpu.memory_space<hbm>> -> memref<1000x16xf32, #tpu.memory_space<hbm>>
    %dma_start3A_37 = arith.constant 0 : i32
    %dma_start3A_38 = arith.constant 0 : i32
    %dma_start3A_39 = tpu.memref_slice %arg7[%dma_start3A, %dma_start3A_37, %dma_start3A_38] : memref<2x1000x16xf32, #tpu.memory_space<vmem>> -> memref<1x1000x16xf32, #tpu.memory_space<vmem>>
    %dma_start3A_40 = tpu.memref_squeeze %dma_start3A_39 : memref<1x1000x16xf32, #tpu.memory_space<vmem>> -> memref<1000x16xf32, #tpu.memory_space<vmem>>
    %dma_start3A_41 = arith.constant 0 : i32
    %dma_start3A_42 = tpu.memref_slice %arg2[%add3A_30, %dma_start3A_41] : memref<128000x16xf32, #tpu.memory_space<hbm>> -> memref<1000x16xf32, #tpu.memory_space<hbm>>
    tpu.enqueue_dma source(%dma_start3A_42 : memref<1000x16xf32, #tpu.memory_space<hbm>>) target(%dma_start3A_40 : memref<1000x16xf32, #tpu.memory_space<vmem>>) target_semaphore(%arg9 : memref<!tpu.dma_semaphore, #tpu.memory_space<semaphore_mem>>)
    %add3A_43 = arith.constant 1000 : i32
    %add3A_44 = arith.addi %add3A, %add3A_43 : i32
    %dma_start3A_45 = arith.constant 1 : i32
    %dma_start3A_46 = arith.constant 0 : i32
    %dma_start3A_47 = arith.constant 0 : i32
    %dma_start3A_48 = tpu.memref_slice %arg7[%dma_start3A_45, %dma_start3A_46, %dma_start3A_47] : memref<2x1000x16xf32, #tpu.memory_space<vmem>> -> memref<1x1000x16xf32, #tpu.memory_space<vmem>>
    %dma_start3A_49 = tpu.memref_squeeze %dma_start3A_48 : memref<1x1000x16xf32, #tpu.memory_space<vmem>> -> memref<1000x16xf32, #tpu.memory_space<vmem>>
    %dma_start3A_50 = arith.constant 0 : i32
    %dma_start3A_51 = tpu.memref_slice %arg2[%add3A_44, %dma_start3A_50] : memref<128000x16xf32, #tpu.memory_space<hbm>> -> memref<1000x16xf32, #tpu.memory_space<hbm>>
    %dma_start3A_52 = arith.constant 0 : i32
    %dma_start3A_53 = arith.constant 0 : i32
    %dma_start3A_54 = tpu.memref_slice %arg7[%dma_start3A_45, %dma_start3A_52, %dma_start3A_53] : memref<2x1000x16xf32, #tpu.memory_space<vmem>> -> memref<1x1000x16xf32, #tpu.memory_space<vmem>>
    %dma_start3A_55 = tpu.memref_squeeze %dma_start3A_54 : memref<1x1000x16xf32, #tpu.memory_space<vmem>> -> memref<1000x16xf32, #tpu.memory_space<vmem>>
    %dma_start3A_56 = arith.constant 0 : i32
    %dma_start3A_57 = tpu.memref_slice %arg2[%add3A_44, %dma_start3A_56] : memref<128000x16xf32, #tpu.memory_space<hbm>> -> memref<1000x16xf32, #tpu.memory_space<hbm>>
    tpu.enqueue_dma source(%dma_start3A_57 : memref<1000x16xf32, #tpu.memory_space<hbm>>) target(%dma_start3A_55 : memref<1000x16xf32, #tpu.memory_space<vmem>>) target_semaphore(%arg9 : memref<!tpu.dma_semaphore, #tpu.memory_space<semaphore_mem>>)
    %dma_wait3A = arith.constant 0 : i32
    %dma_wait3A_58 = arith.constant 0 : i32
    %dma_wait3A_59 = arith.constant 0 : i32
    %dma_wait3A_60 = tpu.memref_slice %arg7[%dma_wait3A, %dma_wait3A_58, %dma_wait3A_59] : memref<2x1000x16xf32, #tpu.memory_space<vmem>> -> memref<1x1000x16xf32, #tpu.memory_space<vmem>>
    %dma_wait3A_61 = tpu.memref_squeeze %dma_wait3A_60 : memref<1x1000x16xf32, #tpu.memory_space<vmem>> -> memref<1000x16xf32, #tpu.memory_space<vmem>>
    %dma_wait3A_62 = arith.constant 0 : i32
    %dma_wait3A_63 = tpu.memref_slice %arg2[%add3A_30, %dma_wait3A_62] : memref<128000x16xf32, #tpu.memory_space<hbm>> -> memref<1000x16xf32, #tpu.memory_space<hbm>>
    %dma_wait3A_64 = arith.constant 0 : i32
    %dma_wait3A_65 = arith.constant 0 : i32
    %dma_wait3A_66 = tpu.memref_slice %arg7[%dma_wait3A, %dma_wait3A_64, %dma_wait3A_65] : memref<2x1000x16xf32, #tpu.memory_space<vmem>> -> memref<1x1000x16xf32, #tpu.memory_space<vmem>>
    %dma_wait3A_67 = tpu.memref_squeeze %dma_wait3A_66 : memref<1x1000x16xf32, #tpu.memory_space<vmem>> -> memref<1000x16xf32, #tpu.memory_space<vmem>>
    %dma_wait3A_68 = arith.constant 0 : i32
    %dma_wait3A_69 = tpu.memref_slice %arg2[%add3A_30, %dma_wait3A_68] : memref<128000x16xf32, #tpu.memory_space<hbm>> -> memref<1000x16xf32, #tpu.memory_space<hbm>>
    tpu.wait_dma2 semaphore(%arg9 : memref<!tpu.dma_semaphore, #tpu.memory_space<semaphore_mem>>) src(%dma_wait3A_69 : memref<1000x16xf32, #tpu.memory_space<hbm>>) dst(%dma_wait3A_67 : memref<1000x16xf32, #tpu.memory_space<vmem>>)
    %dma_start3A_70 = arith.constant 0 : i32
    %dma_start3A_71 = arith.constant 0 : i32
    %dma_start3A_72 = arith.constant 0 : i32
    %dma_start3A_73 = arith.constant 0 : i32
    %dma_start3A_74 = tpu.memref_slice %arg7[%dma_start3A_70, %dma_start3A_72, %dma_start3A_73] : memref<2x1000x16xf32, #tpu.memory_space<vmem>> -> memref<1x1000x16xf32, #tpu.memory_space<vmem>>
    %dma_start3A_75 = tpu.memref_squeeze %dma_start3A_74 : memref<1x1000x16xf32, #tpu.memory_space<vmem>> -> memref<1000x16xf32, #tpu.memory_space<vmem>>
    %dma_start3A_76 = arith.constant 0 : i32
    %dma_start3A_77 = tpu.memref_slice %arg6[%dma_start3A_71, %dma_start3A_76] : memref<4x1000xi32, #tpu.memory_space<vmem>> -> memref<1x1000xi32, #tpu.memory_space<vmem>>
    %dma_start3A_78 = tpu.memref_squeeze %dma_start3A_77 : memref<1x1000xi32, #tpu.memory_space<vmem>> -> memref<1000xi32, #tpu.memory_space<vmem>>
    %dma_start3A_79 = arith.constant 0 : i32
    %dma_start3A_80 = arith.constant 0 : i32
    %dma_start3A_81 = tpu.memref_slice %arg5[%dma_start3A_79, %dma_start3A_80] : memref<10240x16xf32, #tpu.memory_space<vmem_shared>> -> memref<10240x16xf32, #tpu.memory_space<vmem_shared>>
    tpu.enqueue_indirect_dma source(%dma_start3A_75 : memref<1000x16xf32, #tpu.memory_space<vmem>>) target(%dma_start3A_81 : memref<10240x16xf32, #tpu.memory_space<vmem_shared>>) offsets(%dma_start3A_78 : memref<1000xi32, #tpu.memory_space<vmem>>) semaphore(%arg10 : memref<!tpu.dma_semaphore, #tpu.memory_space<semaphore_mem>>) {add = true}
    %dma_wait3A_82 = arith.constant 0 : i32
    %dma_wait3A_83 = arith.constant 0 : i32
    %dma_wait3A_84 = arith.constant 0 : i32
    %dma_wait3A_85 = arith.constant 0 : i32
    %dma_wait3A_86 = tpu.memref_slice %arg7[%dma_wait3A_82, %dma_wait3A_84, %dma_wait3A_85] : memref<2x1000x16xf32, #tpu.memory_space<vmem>> -> memref<1x1000x16xf32, #tpu.memory_space<vmem>>
    %dma_wait3A_87 = tpu.memref_squeeze %dma_wait3A_86 : memref<1x1000x16xf32, #tpu.memory_space<vmem>> -> memref<1000x16xf32, #tpu.memory_space<vmem>>
    %dma_wait3A_88 = arith.constant 0 : i32
    %dma_wait3A_89 = tpu.memref_slice %arg6[%dma_wait3A_83, %dma_wait3A_88] : memref<4x1000xi32, #tpu.memory_space<vmem>> -> memref<1x1000xi32, #tpu.memory_space<vmem>>
    %dma_wait3A_90 = tpu.memref_squeeze %dma_wait3A_89 : memref<1x1000xi32, #tpu.memory_space<vmem>> -> memref<1000xi32, #tpu.memory_space<vmem>>
    %dma_wait3A_91 = arith.constant 0 : i32
    %dma_wait3A_92 = arith.constant 0 : i32
    %dma_wait3A_93 = tpu.memref_slice %arg5[%dma_wait3A_91, %dma_wait3A_92] : memref<10240x16xf32, #tpu.memory_space<vmem_shared>> -> memref<10240x16xf32, #tpu.memory_space<vmem_shared>>
    tpu.wait_indirect_dma semaphore(%arg10 : memref<!tpu.dma_semaphore, #tpu.memory_space<semaphore_mem>>) src(%dma_wait3A_87 : memref<1000x16xf32, #tpu.memory_space<vmem>>) dst(%dma_wait3A_93 : memref<10240x16xf32, #tpu.memory_space<vmem_shared>>)
    %add3A_94 = arith.constant 2000 : i32
    %add3A_95 = arith.addi %add3A, %add3A_94 : i32
    %dma_start3A_96 = arith.constant 0 : i32
    %dma_start3A_97 = arith.constant 0 : i32
    %dma_start3A_98 = arith.constant 0 : i32
    %dma_start3A_99 = tpu.memref_slice %arg7[%dma_start3A_96, %dma_start3A_97, %dma_start3A_98] : memref<2x1000x16xf32, #tpu.memory_space<vmem>> -> memref<1x1000x16xf32, #tpu.memory_space<vmem>>
    %dma_start3A_100 = tpu.memref_squeeze %dma_start3A_99 : memref<1x1000x16xf32, #tpu.memory_space<vmem>> -> memref<1000x16xf32, #tpu.memory_space<vmem>>
    %dma_start3A_101 = arith.constant 0 : i32
    %dma_start3A_102 = tpu.memref_slice %arg2[%add3A_95, %dma_start3A_101] : memref<128000x16xf32, #tpu.memory_space<hbm>> -> memref<1000x16xf32, #tpu.memory_space<hbm>>
    %dma_start3A_103 = arith.constant 0 : i32
    %dma_start3A_104 = arith.constant 0 : i32
    %dma_start3A_105 = tpu.memref_slice %arg7[%dma_start3A_96, %dma_start3A_103, %dma_start3A_104] : memref<2x1000x16xf32, #tpu.memory_space<vmem>> -> memref<1x1000x16xf32, #tpu.memory_space<vmem>>
    %dma_start3A_106 = tpu.memref_squeeze %dma_start3A_105 : memref<1x1000x16xf32, #tpu.memory_space<vmem>> -> memref<1000x16xf32, #tpu.memory_space<vmem>>
    %dma_start3A_107 = arith.constant 0 : i32
    %dma_start3A_108 = tpu.memref_slice %arg2[%add3A_95, %dma_start3A_107] : memref<128000x16xf32, #tpu.memory_space<hbm>> -> memref<1000x16xf32, #tpu.memory_space<hbm>>
    tpu.enqueue_dma source(%dma_start3A_108 : memref<1000x16xf32, #tpu.memory_space<hbm>>) target(%dma_start3A_106 : memref<1000x16xf32, #tpu.memory_space<vmem>>) target_semaphore(%arg9 : memref<!tpu.dma_semaphore, #tpu.memory_space<semaphore_mem>>)
    %dma_wait3A_109 = arith.constant 1 : i32
    %dma_wait3A_110 = arith.constant 0 : i32
    %dma_wait3A_111 = arith.constant 0 : i32
    %dma_wait3A_112 = tpu.memref_slice %arg7[%dma_wait3A_109, %dma_wait3A_110, %dma_wait3A_111] : memref<2x1000x16xf32, #tpu.memory_space<vmem>> -> memref<1x1000x16xf32, #tpu.memory_space<vmem>>
    %dma_wait3A_113 = tpu.memref_squeeze %dma_wait3A_112 : memref<1x1000x16xf32, #tpu.memory_space<vmem>> -> memref<1000x16xf32, #tpu.memory_space<vmem>>
    %dma_wait3A_114 = arith.constant 0 : i32
    %dma_wait3A_115 = tpu.memref_slice %arg2[%add3A_44, %dma_wait3A_114] : memref<128000x16xf32, #tpu.memory_space<hbm>> -> memref<1000x16xf32, #tpu.memory_space<hbm>>
    %dma_wait3A_116 = arith.constant 0 : i32
    %dma_wait3A_117 = arith.constant 0 : i32
    %dma_wait3A_118 = tpu.memref_slice %arg7[%dma_wait3A_109, %dma_wait3A_116, %dma_wait3A_117] : memref<2x1000x16xf32, #tpu.memory_space<vmem>> -> memref<1x1000x16xf32, #tpu.memory_space<vmem>>
    %dma_wait3A_119 = tpu.memref_squeeze %dma_wait3A_118 : memref<1x1000x16xf32, #tpu.memory_space<vmem>> -> memref<1000x16xf32, #tpu.memory_space<vmem>>
    %dma_wait3A_120 = arith.constant 0 : i32
    %dma_wait3A_121 = tpu.memref_slice %arg2[%add3A_44, %dma_wait3A_120] : memref<128000x16xf32, #tpu.memory_space<hbm>> -> memref<1000x16xf32, #tpu.memory_space<hbm>>
    tpu.wait_dma2 semaphore(%arg9 : memref<!tpu.dma_semaphore, #tpu.memory_space<semaphore_mem>>) src(%dma_wait3A_121 : memref<1000x16xf32, #tpu.memory_space<hbm>>) dst(%dma_wait3A_119 : memref<1000x16xf32, #tpu.memory_space<vmem>>)
    %dma_start3A_122 = arith.constant 1 : i32
    %dma_start3A_123 = arith.constant 1 : i32
    %dma_start3A_124 = arith.constant 0 : i32
    %dma_start3A_125 = arith.constant 0 : i32
    %dma_start3A_126 = tpu.memref_slice %arg7[%dma_start3A_122, %dma_start3A_124, %dma_start3A_125] : memref<2x1000x16xf32, #tpu.memory_space<vmem>> -> memref<1x1000x16xf32, #tpu.memory_space<vmem>>
    %dma_start3A_127 = tpu.memref_squeeze %dma_start3A_126 : memref<1x1000x16xf32, #tpu.memory_space<vmem>> -> memref<1000x16xf32, #tpu.memory_space<vmem>>
    %dma_start3A_128 = arith.constant 0 : i32
    %dma_start3A_129 = tpu.memref_slice %arg6[%dma_start3A_123, %dma_start3A_128] : memref<4x1000xi32, #tpu.memory_space<vmem>> -> memref<1x1000xi32, #tpu.memory_space<vmem>>
    %dma_start3A_130 = tpu.memref_squeeze %dma_start3A_129 : memref<1x1000xi32, #tpu.memory_space<vmem>> -> memref<1000xi32, #tpu.memory_space<vmem>>
    %dma_start3A_131 = arith.constant 0 : i32
    %dma_start3A_132 = arith.constant 0 : i32
    %dma_start3A_133 = tpu.memref_slice %arg5[%dma_start3A_131, %dma_start3A_132] : memref<10240x16xf32, #tpu.memory_space<vmem_shared>> -> memref<10240x16xf32, #tpu.memory_space<vmem_shared>>
    tpu.enqueue_indirect_dma source(%dma_start3A_127 : memref<1000x16xf32, #tpu.memory_space<vmem>>) target(%dma_start3A_133 : memref<10240x16xf32, #tpu.memory_space<vmem_shared>>) offsets(%dma_start3A_130 : memref<1000xi32, #tpu.memory_space<vmem>>) semaphore(%arg10 : memref<!tpu.dma_semaphore, #tpu.memory_space<semaphore_mem>>) {add = true}
    %dma_wait3A_134 = arith.constant 1 : i32
    %dma_wait3A_135 = arith.constant 1 : i32
    %dma_wait3A_136 = arith.constant 0 : i32
    %dma_wait3A_137 = arith.constant 0 : i32
    %dma_wait3A_138 = tpu.memref_slice %arg7[%dma_wait3A_134, %dma_wait3A_136, %dma_wait3A_137] : memref<2x1000x16xf32, #tpu.memory_space<vmem>> -> memref<1x1000x16xf32, #tpu.memory_space<vmem>>
    %dma_wait3A_139 = tpu.memref_squeeze %dma_wait3A_138 : memref<1x1000x16xf32, #tpu.memory_space<vmem>> -> memref<1000x16xf32, #tpu.memory_space<vmem>>
    %dma_wait3A_140 = arith.constant 0 : i32
    %dma_wait3A_141 = tpu.memref_slice %arg6[%dma_wait3A_135, %dma_wait3A_140] : memref<4x1000xi32, #tpu.memory_space<vmem>> -> memref<1x1000xi32, #tpu.memory_space<vmem>>
    %dma_wait3A_142 = tpu.memref_squeeze %dma_wait3A_141 : memref<1x1000xi32, #tpu.memory_space<vmem>> -> memref<1000xi32, #tpu.memory_space<vmem>>
    %dma_wait3A_143 = arith.constant 0 : i32
    %dma_wait3A_144 = arith.constant 0 : i32
    %dma_wait3A_145 = tpu.memref_slice %arg5[%dma_wait3A_143, %dma_wait3A_144] : memref<10240x16xf32, #tpu.memory_space<vmem_shared>> -> memref<10240x16xf32, #tpu.memory_space<vmem_shared>>
    tpu.wait_indirect_dma semaphore(%arg10 : memref<!tpu.dma_semaphore, #tpu.memory_space<semaphore_mem>>) src(%dma_wait3A_139 : memref<1000x16xf32, #tpu.memory_space<vmem>>) dst(%dma_wait3A_145 : memref<10240x16xf32, #tpu.memory_space<vmem_shared>>)
    %add3A_146 = arith.constant 3000 : i32
    %add3A_147 = arith.addi %add3A, %add3A_146 : i32
    %dma_start3A_148 = arith.constant 1 : i32
    %dma_start3A_149 = arith.constant 0 : i32
    %dma_start3A_150 = arith.constant 0 : i32
    %dma_start3A_151 = tpu.memref_slice %arg7[%dma_start3A_148, %dma_start3A_149, %dma_start3A_150] : memref<2x1000x16xf32, #tpu.memory_space<vmem>> -> memref<1x1000x16xf32, #tpu.memory_space<vmem>>
    %dma_start3A_152 = tpu.memref_squeeze %dma_start3A_151 : memref<1x1000x16xf32, #tpu.memory_space<vmem>> -> memref<1000x16xf32, #tpu.memory_space<vmem>>
    %dma_start3A_153 = arith.constant 0 : i32
    %dma_start3A_154 = tpu.memref_slice %arg2[%add3A_147, %dma_start3A_153] : memref<128000x16xf32, #tpu.memory_space<hbm>> -> memref<1000x16xf32, #tpu.memory_space<hbm>>
    %dma_start3A_155 = arith.constant 0 : i32
    %dma_start3A_156 = arith.constant 0 : i32
    %dma_start3A_157 = tpu.memref_slice %arg7[%dma_start3A_148, %dma_start3A_155, %dma_start3A_156] : memref<2x1000x16xf32, #tpu.memory_space<vmem>> -> memref<1x1000x16xf32, #tpu.memory_space<vmem>>
    %dma_start3A_158 = tpu.memref_squeeze %dma_start3A_157 : memref<1x1000x16xf32, #tpu.memory_space<vmem>> -> memref<1000x16xf32, #tpu.memory_space<vmem>>
    %dma_start3A_159 = arith.constant 0 : i32
    %dma_start3A_160 = tpu.memref_slice %arg2[%add3A_147, %dma_start3A_159] : memref<128000x16xf32, #tpu.memory_space<hbm>> -> memref<1000x16xf32, #tpu.memory_space<hbm>>
    tpu.enqueue_dma source(%dma_start3A_160 : memref<1000x16xf32, #tpu.memory_space<hbm>>) target(%dma_start3A_158 : memref<1000x16xf32, #tpu.memory_space<vmem>>) target_semaphore(%arg9 : memref<!tpu.dma_semaphore, #tpu.memory_space<semaphore_mem>>)
    %dma_wait3A_161 = arith.constant 0 : i32
    %dma_wait3A_162 = arith.constant 0 : i32
    %dma_wait3A_163 = arith.constant 0 : i32
    %dma_wait3A_164 = tpu.memref_slice %arg7[%dma_wait3A_161, %dma_wait3A_162, %dma_wait3A_163] : memref<2x1000x16xf32, #tpu.memory_space<vmem>> -> memref<1x1000x16xf32, #tpu.memory_space<vmem>>
    %dma_wait3A_165 = tpu.memref_squeeze %dma_wait3A_164 : memref<1x1000x16xf32, #tpu.memory_space<vmem>> -> memref<1000x16xf32, #tpu.memory_space<vmem>>
    %dma_wait3A_166 = arith.constant 0 : i32
    %dma_wait3A_167 = tpu.memref_slice %arg2[%add3A_95, %dma_wait3A_166] : memref<128000x16xf32, #tpu.memory_space<hbm>> -> memref<1000x16xf32, #tpu.memory_space<hbm>>
    %dma_wait3A_168 = arith.constant 0 : i32
    %dma_wait3A_169 = arith.constant 0 : i32
    %dma_wait3A_170 = tpu.memref_slice %arg7[%dma_wait3A_161, %dma_wait3A_168, %dma_wait3A_169] : memref<2x1000x16xf32, #tpu.memory_space<vmem>> -> memref<1x1000x16xf32, #tpu.memory_space<vmem>>
    %dma_wait3A_171 = tpu.memref_squeeze %dma_wait3A_170 : memref<1x1000x16xf32, #tpu.memory_space<vmem>> -> memref<1000x16xf32, #tpu.memory_space<vmem>>
    %dma_wait3A_172 = arith.constant 0 : i32
    %dma_wait3A_173 = tpu.memref_slice %arg2[%add3A_95, %dma_wait3A_172] : memref<128000x16xf32, #tpu.memory_space<hbm>> -> memref<1000x16xf32, #tpu.memory_space<hbm>>
    tpu.wait_dma2 semaphore(%arg9 : memref<!tpu.dma_semaphore, #tpu.memory_space<semaphore_mem>>) src(%dma_wait3A_173 : memref<1000x16xf32, #tpu.memory_space<hbm>>) dst(%dma_wait3A_171 : memref<1000x16xf32, #tpu.memory_space<vmem>>)
    %dma_start3A_174 = arith.constant 0 : i32
    %dma_start3A_175 = arith.constant 2 : i32
    %dma_start3A_176 = arith.constant 0 : i32
    %dma_start3A_177 = arith.constant 0 : i32
    %dma_start3A_178 = tpu.memref_slice %arg7[%dma_start3A_174, %dma_start3A_176, %dma_start3A_177] : memref<2x1000x16xf32, #tpu.memory_space<vmem>> -> memref<1x1000x16xf32, #tpu.memory_space<vmem>>
    %dma_start3A_179 = tpu.memref_squeeze %dma_start3A_178 : memref<1x1000x16xf32, #tpu.memory_space<vmem>> -> memref<1000x16xf32, #tpu.memory_space<vmem>>
    %dma_start3A_180 = arith.constant 0 : i32
    %dma_start3A_181 = tpu.memref_slice %arg6[%dma_start3A_175, %dma_start3A_180] : memref<4x1000xi32, #tpu.memory_space<vmem>> -> memref<1x1000xi32, #tpu.memory_space<vmem>>
    %dma_start3A_182 = tpu.memref_squeeze %dma_start3A_181 : memref<1x1000xi32, #tpu.memory_space<vmem>> -> memref<1000xi32, #tpu.memory_space<vmem>>
    %dma_start3A_183 = arith.constant 0 : i32
    %dma_start3A_184 = arith.constant 0 : i32
    %dma_start3A_185 = tpu.memref_slice %arg5[%dma_start3A_183, %dma_start3A_184] : memref<10240x16xf32, #tpu.memory_space<vmem_shared>> -> memref<10240x16xf32, #tpu.memory_space<vmem_shared>>
    tpu.enqueue_indirect_dma source(%dma_start3A_179 : memref<1000x16xf32, #tpu.memory_space<vmem>>) target(%dma_start3A_185 : memref<10240x16xf32, #tpu.memory_space<vmem_shared>>) offsets(%dma_start3A_182 : memref<1000xi32, #tpu.memory_space<vmem>>) semaphore(%arg10 : memref<!tpu.dma_semaphore, #tpu.memory_space<semaphore_mem>>) {add = true}
    %dma_wait3A_186 = arith.constant 1 : i32
    %dma_wait3A_187 = arith.constant 0 : i32
    %dma_wait3A_188 = arith.constant 0 : i32
    %dma_wait3A_189 = tpu.memref_slice %arg7[%dma_wait3A_186, %dma_wait3A_187, %dma_wait3A_188] : memref<2x1000x16xf32, #tpu.memory_space<vmem>> -> memref<1x1000x16xf32, #tpu.memory_space<vmem>>
    %dma_wait3A_190 = tpu.memref_squeeze %dma_wait3A_189 : memref<1x1000x16xf32, #tpu.memory_space<vmem>> -> memref<1000x16xf32, #tpu.memory_space<vmem>>
    %dma_wait3A_191 = arith.constant 0 : i32
    %dma_wait3A_192 = tpu.memref_slice %arg2[%add3A_147, %dma_wait3A_191] : memref<128000x16xf32, #tpu.memory_space<hbm>> -> memref<1000x16xf32, #tpu.memory_space<hbm>>
    %dma_wait3A_193 = arith.constant 0 : i32
    %dma_wait3A_194 = arith.constant 0 : i32
    %dma_wait3A_195 = tpu.memref_slice %arg7[%dma_wait3A_186, %dma_wait3A_193, %dma_wait3A_194] : memref<2x1000x16xf32, #tpu.memory_space<vmem>> -> memref<1x1000x16xf32, #tpu.memory_space<vmem>>
    %dma_wait3A_196 = tpu.memref_squeeze %dma_wait3A_195 : memref<1x1000x16xf32, #tpu.memory_space<vmem>> -> memref<1000x16xf32, #tpu.memory_space<vmem>>
    %dma_wait3A_197 = arith.constant 0 : i32
    %dma_wait3A_198 = tpu.memref_slice %arg2[%add3A_147, %dma_wait3A_197] : memref<128000x16xf32, #tpu.memory_space<hbm>> -> memref<1000x16xf32, #tpu.memory_space<hbm>>
    tpu.wait_dma2 semaphore(%arg9 : memref<!tpu.dma_semaphore, #tpu.memory_space<semaphore_mem>>) src(%dma_wait3A_198 : memref<1000x16xf32, #tpu.memory_space<hbm>>) dst(%dma_wait3A_196 : memref<1000x16xf32, #tpu.memory_space<vmem>>)
    %dma_start3A_199 = arith.constant 1 : i32
    %dma_start3A_200 = arith.constant 3 : i32
    %dma_start3A_201 = arith.constant 0 : i32
    %dma_start3A_202 = arith.constant 0 : i32
    %dma_start3A_203 = tpu.memref_slice %arg7[%dma_start3A_199, %dma_start3A_201, %dma_start3A_202] : memref<2x1000x16xf32, #tpu.memory_space<vmem>> -> memref<1x1000x16xf32, #tpu.memory_space<vmem>>
    %dma_start3A_204 = tpu.memref_squeeze %dma_start3A_203 : memref<1x1000x16xf32, #tpu.memory_space<vmem>> -> memref<1000x16xf32, #tpu.memory_space<vmem>>
    %dma_start3A_205 = arith.constant 0 : i32
    %dma_start3A_206 = tpu.memref_slice %arg6[%dma_start3A_200, %dma_start3A_205] : memref<4x1000xi32, #tpu.memory_space<vmem>> -> memref<1x1000xi32, #tpu.memory_space<vmem>>
    %dma_start3A_207 = tpu.memref_squeeze %dma_start3A_206 : memref<1x1000xi32, #tpu.memory_space<vmem>> -> memref<1000xi32, #tpu.memory_space<vmem>>
    %dma_start3A_208 = arith.constant 0 : i32
    %dma_start3A_209 = arith.constant 0 : i32
    %dma_start3A_210 = tpu.memref_slice %arg5[%dma_start3A_208, %dma_start3A_209] : memref<10240x16xf32, #tpu.memory_space<vmem_shared>> -> memref<10240x16xf32, #tpu.memory_space<vmem_shared>>
    tpu.enqueue_indirect_dma source(%dma_start3A_204 : memref<1000x16xf32, #tpu.memory_space<vmem>>) target(%dma_start3A_210 : memref<10240x16xf32, #tpu.memory_space<vmem_shared>>) offsets(%dma_start3A_207 : memref<1000xi32, #tpu.memory_space<vmem>>) semaphore(%arg10 : memref<!tpu.dma_semaphore, #tpu.memory_space<semaphore_mem>>) {add = true}
    %dma_wait3A_211 = arith.constant 0 : i32
    %dma_wait3A_212 = arith.constant 2 : i32
    %dma_wait3A_213 = arith.constant 0 : i32
    %dma_wait3A_214 = arith.constant 0 : i32
    %dma_wait3A_215 = tpu.memref_slice %arg7[%dma_wait3A_211, %dma_wait3A_213, %dma_wait3A_214] : memref<2x1000x16xf32, #tpu.memory_space<vmem>> -> memref<1x1000x16xf32, #tpu.memory_space<vmem>>
    %dma_wait3A_216 = tpu.memref_squeeze %dma_wait3A_215 : memref<1x1000x16xf32, #tpu.memory_space<vmem>> -> memref<1000x16xf32, #tpu.memory_space<vmem>>
    %dma_wait3A_217 = arith.constant 0 : i32
    %dma_wait3A_218 = tpu.memref_slice %arg6[%dma_wait3A_212, %dma_wait3A_217] : memref<4x1000xi32, #tpu.memory_space<vmem>> -> memref<1x1000xi32, #tpu.memory_space<vmem>>
    %dma_wait3A_219 = tpu.memref_squeeze %dma_wait3A_218 : memref<1x1000xi32, #tpu.memory_space<vmem>> -> memref<1000xi32, #tpu.memory_space<vmem>>
    %dma_wait3A_220 = arith.constant 0 : i32
    %dma_wait3A_221 = arith.constant 0 : i32
    %dma_wait3A_222 = tpu.memref_slice %arg5[%dma_wait3A_220, %dma_wait3A_221] : memref<10240x16xf32, #tpu.memory_space<vmem_shared>> -> memref<10240x16xf32, #tpu.memory_space<vmem_shared>>
    tpu.wait_indirect_dma semaphore(%arg10 : memref<!tpu.dma_semaphore, #tpu.memory_space<semaphore_mem>>) src(%dma_wait3A_216 : memref<1000x16xf32, #tpu.memory_space<vmem>>) dst(%dma_wait3A_222 : memref<10240x16xf32, #tpu.memory_space<vmem_shared>>)
    %dma_wait3A_223 = arith.constant 1 : i32
    %dma_wait3A_224 = arith.constant 3 : i32
    %dma_wait3A_225 = arith.constant 0 : i32
    %dma_wait3A_226 = arith.constant 0 : i32
    %dma_wait3A_227 = tpu.memref_slice %arg7[%dma_wait3A_223, %dma_wait3A_225, %dma_wait3A_226] : memref<2x1000x16xf32, #tpu.memory_space<vmem>> -> memref<1x1000x16xf32, #tpu.memory_space<vmem>>
    %dma_wait3A_228 = tpu.memref_squeeze %dma_wait3A_227 : memref<1x1000x16xf32, #tpu.memory_space<vmem>> -> memref<1000x16xf32, #tpu.memory_space<vmem>>
    %dma_wait3A_229 = arith.constant 0 : i32
    %dma_wait3A_230 = tpu.memref_slice %arg6[%dma_wait3A_224, %dma_wait3A_229] : memref<4x1000xi32, #tpu.memory_space<vmem>> -> memref<1x1000xi32, #tpu.memory_space<vmem>>
    %dma_wait3A_231 = tpu.memref_squeeze %dma_wait3A_230 : memref<1x1000xi32, #tpu.memory_space<vmem>> -> memref<1000xi32, #tpu.memory_space<vmem>>
    %dma_wait3A_232 = arith.constant 0 : i32
    %dma_wait3A_233 = arith.constant 0 : i32
    %dma_wait3A_234 = tpu.memref_slice %arg5[%dma_wait3A_232, %dma_wait3A_233] : memref<10240x16xf32, #tpu.memory_space<vmem_shared>> -> memref<10240x16xf32, #tpu.memory_space<vmem_shared>>
    tpu.wait_indirect_dma semaphore(%arg10 : memref<!tpu.dma_semaphore, #tpu.memory_space<semaphore_mem>>) src(%dma_wait3A_228 : memref<1000x16xf32, #tpu.memory_space<vmem>>) dst(%dma_wait3A_234 : memref<10240x16xf32, #tpu.memory_space<vmem_shared>>)
    %barrier3A_235 = arith.constant 0 : index
    tpu.barrier barrier_id(%barrier3A_235)
    %mul3A_236 = arith.constant 640 : i32
    %mul3A_237 = arith.muli %arg1, %mul3A_236 : i32
    %mul3A_238 = arith.constant 640 : i32
    %mul3A_239 = arith.muli %arg1, %mul3A_238 : i32
    "tpu.region"() ({
      %run_scoped3A_240 = tpu.sem_alloc : memref<!tpu.dma_semaphore, #tpu.memory_space<semaphore_mem>>
      %dma_start3A_241 = arith.constant 0 : i32
      %dma_start3A_242 = tpu.memref_slice %arg4[%arg0, %mul3A_239, %dma_start3A_241] : memref<2x10240x16xf32, #tpu.memory_space<hbm>> -> memref<1x640x16xf32, #tpu.memory_space<hbm>>
      %dma_start3A_243 = tpu.memref_squeeze %dma_start3A_242 : memref<1x640x16xf32, #tpu.memory_space<hbm>> -> memref<640x16xf32, #tpu.memory_space<hbm>>
      %dma_start3A_244 = arith.constant 0 : i32
      %dma_start3A_245 = tpu.memref_slice %arg5[%mul3A_237, %dma_start3A_244] : memref<10240x16xf32, #tpu.memory_space<vmem_shared>> -> memref<640x16xf32, #tpu.memory_space<vmem_shared>>
      tpu.enqueue_dma source(%dma_start3A_245 : memref<640x16xf32, #tpu.memory_space<vmem_shared>>) target(%dma_start3A_243 : memref<640x16xf32, #tpu.memory_space<hbm>>) target_semaphore(%run_scoped3A_240 : memref<!tpu.dma_semaphore, #tpu.memory_space<semaphore_mem>>)
      %dma_wait3A_246 = arith.constant 0 : i32
      %dma_wait3A_247 = tpu.memref_slice %arg4[%arg0, %mul3A_239, %dma_wait3A_246] : memref<2x10240x16xf32, #tpu.memory_space<hbm>> -> memref<1x640x16xf32, #tpu.memory_space<hbm>>
      %dma_wait3A_248 = tpu.memref_squeeze %dma_wait3A_247 : memref<1x640x16xf32, #tpu.memory_space<hbm>> -> memref<640x16xf32, #tpu.memory_space<hbm>>
      %dma_wait3A_249 = arith.constant 0 : i32
      %dma_wait3A_250 = tpu.memref_slice %arg5[%mul3A_237, %dma_wait3A_249] : memref<10240x16xf32, #tpu.memory_space<vmem_shared>> -> memref<640x16xf32, #tpu.memory_space<vmem_shared>>
      tpu.wait_dma2 semaphore(%run_scoped3A_240 : memref<!tpu.dma_semaphore, #tpu.memory_space<semaphore_mem>>) src(%dma_wait3A_250 : memref<640x16xf32, #tpu.memory_space<vmem_shared>>) dst(%dma_wait3A_248 : memref<640x16xf32, #tpu.memory_space<hbm>>)
      tpu.yield
    }) : () -> ()
    return
  }
}

#map = affine_map<(d0, d1) -> (0, 0)>
#map1 = affine_map<(d0, d1) -> (0)>
#map2 = affine_map<(d0, d1) -> (0, 0, 0)>
module attributes {stable_mosaic.version = 14 : i64} {
  func.func @_sc_gs_body(%arg0: i32, %arg1: i32, %arg2: memref<10000x16xf32, #tpu.memory_space<hbm>>, %arg3: memref<160000xi32, #tpu.memory_space<hbm>>, %arg4: memref<160000xi32, #tpu.memory_space<hbm>>, %arg5: memref<2x10240x16xf32, #tpu.memory_space<hbm>>, %arg6: memref<10240x16xf32, #tpu.memory_space<vmem_shared>>, %arg7: memref<5000xi32, #tpu.memory_space<vmem>>, %arg8: memref<5x1000xi32, #tpu.memory_space<vmem>>, %arg9: memref<2x1000x16xf32, #tpu.memory_space<vmem>>, %arg10: memref<640x16xf32, #tpu.memory_space<vmem>>, %arg11: memref<!tpu.dma_semaphore, #tpu.memory_space<semaphore_mem>>, %arg12: memref<!tpu.dma_semaphore, #tpu.memory_space<semaphore_mem>>) attributes {dimension_semantics = [#tpu.dimension_semantics<core_parallel>, #tpu.dimension_semantics<subcore_parallel>], iteration_bounds = array<i64: 2, 16>, scalar_prefetch = 0 : i64, scratch_operands = 7 : i64, tpu.core_type = #tpu.core_type<sc_vector_subcore>, window_params = [{transform_indices = #map}, {transform_indices = #map1}, {transform_indices = #map1}, {transform_indices = #map2}]} {
    %scan3A = arith.constant 0 : i32
    %scan3A_0 = arith.constant 0 : i32
    %scan3A_1 = arith.constant 640 : i32
    %scan3A_2 = arith.addi %scan3A_0, %scan3A_1 : i32
    %scan3A_3 = arith.constant 1 : i32
    scf.for %scan3A_247 = %scan3A_0 to %scan3A_2 step %scan3A_3  : i32 {
      %broadcast_in_dim3A = arith.constant 0.000000e+00 : f32
      %broadcast_in_dim3A_248 = vector.broadcast %broadcast_in_dim3A : f32 to vector<16xf32>
      %swap3A = arith.index_cast %scan3A_247 : i32 to index
      %swap3A_249 = arith.constant 0 : index
      %swap3A_250 = tpu.vector_load %arg10[%swap3A, %swap3A_249] {strides = array<i32>} : memref<640x16xf32, #tpu.memory_space<vmem>>, vector<1x16xf32>,
      %swap3A_251 = vector.shape_cast %swap3A_250 : vector<1x16xf32> to vector<16xf32>
      %swap3A_252 = vector.shape_cast %broadcast_in_dim3A_248 : vector<16xf32> to vector<1x16xf32>
      tpu.vector_store %arg10[%swap3A, %swap3A_249], %swap3A_252 {strides = array<i32>} : memref<640x16xf32, #tpu.memory_space<vmem>>, vector<1x16xf32>,
    }
    %scan3A_4 = arith.constant 640 : i32
    %mul3A = arith.constant 640 : i32
    %mul3A_5 = arith.muli %arg1, %mul3A : i32
    "tpu.region"() ({
      %run_scoped3A_247 = tpu.sem_alloc : memref<!tpu.dma_semaphore, #tpu.memory_space<semaphore_mem>>
      %dma_start3A_248 = arith.constant 0 : i32
      %dma_start3A_249 = tpu.memref_slice %arg6[%mul3A_5, %dma_start3A_248] : memref<10240x16xf32, #tpu.memory_space<vmem_shared>> -> memref<640x16xf32, #tpu.memory_space<vmem_shared>>
      %dma_start3A_250 = arith.constant 0 : i32
      %dma_start3A_251 = tpu.memref_slice %arg6[%mul3A_5, %dma_start3A_250] : memref<10240x16xf32, #tpu.memory_space<vmem_shared>> -> memref<640x16xf32, #tpu.memory_space<vmem_shared>>
      tpu.enqueue_dma source(%arg10 : memref<640x16xf32, #tpu.memory_space<vmem>>) target(%dma_start3A_251 : memref<640x16xf32, #tpu.memory_space<vmem_shared>>) target_semaphore(%run_scoped3A_247 : memref<!tpu.dma_semaphore, #tpu.memory_space<semaphore_mem>>)
      %dma_wait3A_252 = arith.constant 0 : i32
      %dma_wait3A_253 = tpu.memref_slice %arg6[%mul3A_5, %dma_wait3A_252] : memref<10240x16xf32, #tpu.memory_space<vmem_shared>> -> memref<640x16xf32, #tpu.memory_space<vmem_shared>>
      %dma_wait3A_254 = arith.constant 0 : i32
      %dma_wait3A_255 = tpu.memref_slice %arg6[%mul3A_5, %dma_wait3A_254] : memref<10240x16xf32, #tpu.memory_space<vmem_shared>> -> memref<640x16xf32, #tpu.memory_space<vmem_shared>>
      tpu.wait_dma2 semaphore(%run_scoped3A_247 : memref<!tpu.dma_semaphore, #tpu.memory_space<semaphore_mem>>) src(%arg10 : memref<640x16xf32, #tpu.memory_space<vmem>>) dst(%dma_wait3A_255 : memref<640x16xf32, #tpu.memory_space<vmem_shared>>)
      tpu.yield
    }) : () -> ()
    %mul3A_6 = arith.constant 80000 : i32
    %mul3A_7 = arith.muli %arg0, %mul3A_6 : i32
    %mul3A_8 = arith.constant 5000 : i32
    %mul3A_9 = arith.muli %arg1, %mul3A_8 : i32
    %add3A = arith.addi %mul3A_7, %mul3A_9 : i32
    "tpu.region"() ({
      %run_scoped3A_247 = tpu.sem_alloc : memref<!tpu.dma_semaphore, #tpu.memory_space<semaphore_mem>>
      %dma_start3A_248 = tpu.memref_slice %arg3[%add3A] : memref<160000xi32, #tpu.memory_space<hbm>> -> memref<5000xi32, #tpu.memory_space<hbm>>
      %dma_start3A_249 = tpu.memref_slice %arg3[%add3A] : memref<160000xi32, #tpu.memory_space<hbm>> -> memref<5000xi32, #tpu.memory_space<hbm>>
      tpu.enqueue_dma source(%dma_start3A_249 : memref<5000xi32, #tpu.memory_space<hbm>>) target(%arg7 : memref<5000xi32, #tpu.memory_space<vmem>>) target_semaphore(%run_scoped3A_247 : memref<!tpu.dma_semaphore, #tpu.memory_space<semaphore_mem>>)
      %dma_wait3A_250 = tpu.memref_slice %arg3[%add3A] : memref<160000xi32, #tpu.memory_space<hbm>> -> memref<5000xi32, #tpu.memory_space<hbm>>
      %dma_wait3A_251 = tpu.memref_slice %arg3[%add3A] : memref<160000xi32, #tpu.memory_space<hbm>> -> memref<5000xi32, #tpu.memory_space<hbm>>
      tpu.wait_dma2 semaphore(%run_scoped3A_247 : memref<!tpu.dma_semaphore, #tpu.memory_space<semaphore_mem>>) src(%dma_wait3A_251 : memref<5000xi32, #tpu.memory_space<hbm>>) dst(%arg7 : memref<5000xi32, #tpu.memory_space<vmem>>)
      tpu.yield
    }) : () -> ()
    %add3A_10 = arith.constant 0 : i32
    %add3A_11 = arith.addi %add3A, %add3A_10 : i32
    %run_scoped3A = arith.constant 0 : i32
    "tpu.region"() ({
      %run_scoped3A_247 = tpu.sem_alloc : memref<!tpu.dma_semaphore, #tpu.memory_space<semaphore_mem>>
      %dma_start3A_248 = arith.constant 0 : i32
      %dma_start3A_249 = tpu.memref_slice %arg8[%run_scoped3A, %dma_start3A_248] : memref<5x1000xi32, #tpu.memory_space<vmem>> -> memref<1x1000xi32, #tpu.memory_space<vmem>>
      %dma_start3A_250 = tpu.memref_squeeze %dma_start3A_249 : memref<1x1000xi32, #tpu.memory_space<vmem>> -> memref<1000xi32, #tpu.memory_space<vmem>>
      %dma_start3A_251 = tpu.memref_slice %arg4[%add3A_11] : memref<160000xi32, #tpu.memory_space<hbm>> -> memref<1000xi32, #tpu.memory_space<hbm>>
      %dma_start3A_252 = arith.constant 0 : i32
      %dma_start3A_253 = tpu.memref_slice %arg8[%run_scoped3A, %dma_start3A_252] : memref<5x1000xi32, #tpu.memory_space<vmem>> -> memref<1x1000xi32, #tpu.memory_space<vmem>>
      %dma_start3A_254 = tpu.memref_squeeze %dma_start3A_253 : memref<1x1000xi32, #tpu.memory_space<vmem>> -> memref<1000xi32, #tpu.memory_space<vmem>>
      %dma_start3A_255 = tpu.memref_slice %arg4[%add3A_11] : memref<160000xi32, #tpu.memory_space<hbm>> -> memref<1000xi32, #tpu.memory_space<hbm>>
      tpu.enqueue_dma source(%dma_start3A_255 : memref<1000xi32, #tpu.memory_space<hbm>>) target(%dma_start3A_254 : memref<1000xi32, #tpu.memory_space<vmem>>) target_semaphore(%run_scoped3A_247 : memref<!tpu.dma_semaphore, #tpu.memory_space<semaphore_mem>>)
      %dma_wait3A_256 = arith.constant 0 : i32
      %dma_wait3A_257 = tpu.memref_slice %arg8[%run_scoped3A, %dma_wait3A_256] : memref<5x1000xi32, #tpu.memory_space<vmem>> -> memref<1x1000xi32, #tpu.memory_space<vmem>>
      %dma_wait3A_258 = tpu.memref_squeeze %dma_wait3A_257 : memref<1x1000xi32, #tpu.memory_space<vmem>> -> memref<1000xi32, #tpu.memory_space<vmem>>
      %dma_wait3A_259 = tpu.memref_slice %arg4[%add3A_11] : memref<160000xi32, #tpu.memory_space<hbm>> -> memref<1000xi32, #tpu.memory_space<hbm>>
      %dma_wait3A_260 = arith.constant 0 : i32
      %dma_wait3A_261 = tpu.memref_slice %arg8[%run_scoped3A, %dma_wait3A_260] : memref<5x1000xi32, #tpu.memory_space<vmem>> -> memref<1x1000xi32, #tpu.memory_space<vmem>>
      %dma_wait3A_262 = tpu.memref_squeeze %dma_wait3A_261 : memref<1x1000xi32, #tpu.memory_space<vmem>> -> memref<1000xi32, #tpu.memory_space<vmem>>
      %dma_wait3A_263 = tpu.memref_slice %arg4[%add3A_11] : memref<160000xi32, #tpu.memory_space<hbm>> -> memref<1000xi32, #tpu.memory_space<hbm>>
      tpu.wait_dma2 semaphore(%run_scoped3A_247 : memref<!tpu.dma_semaphore, #tpu.memory_space<semaphore_mem>>) src(%dma_wait3A_263 : memref<1000xi32, #tpu.memory_space<hbm>>) dst(%dma_wait3A_262 : memref<1000xi32, #tpu.memory_space<vmem>>)
      tpu.yield
    }) : () -> ()
    %add3A_12 = arith.constant 1000 : i32
    %add3A_13 = arith.addi %add3A, %add3A_12 : i32
    %run_scoped3A_14 = arith.constant 1 : i32
    "tpu.region"() ({
      %run_scoped3A_247 = tpu.sem_alloc : memref<!tpu.dma_semaphore, #tpu.memory_space<semaphore_mem>>
      %dma_start3A_248 = arith.constant 0 : i32
      %dma_start3A_249 = tpu.memref_slice %arg8[%run_scoped3A_14, %dma_start3A_248] : memref<5x1000xi32, #tpu.memory_space<vmem>> -> memref<1x1000xi32, #tpu.memory_space<vmem>>
      %dma_start3A_250 = tpu.memref_squeeze %dma_start3A_249 : memref<1x1000xi32, #tpu.memory_space<vmem>> -> memref<1000xi32, #tpu.memory_space<vmem>>
      %dma_start3A_251 = tpu.memref_slice %arg4[%add3A_13] : memref<160000xi32, #tpu.memory_space<hbm>> -> memref<1000xi32, #tpu.memory_space<hbm>>
      %dma_start3A_252 = arith.constant 0 : i32
      %dma_start3A_253 = tpu.memref_slice %arg8[%run_scoped3A_14, %dma_start3A_252] : memref<5x1000xi32, #tpu.memory_space<vmem>> -> memref<1x1000xi32, #tpu.memory_space<vmem>>
      %dma_start3A_254 = tpu.memref_squeeze %dma_start3A_253 : memref<1x1000xi32, #tpu.memory_space<vmem>> -> memref<1000xi32, #tpu.memory_space<vmem>>
      %dma_start3A_255 = tpu.memref_slice %arg4[%add3A_13] : memref<160000xi32, #tpu.memory_space<hbm>> -> memref<1000xi32, #tpu.memory_space<hbm>>
      tpu.enqueue_dma source(%dma_start3A_255 : memref<1000xi32, #tpu.memory_space<hbm>>) target(%dma_start3A_254 : memref<1000xi32, #tpu.memory_space<vmem>>) target_semaphore(%run_scoped3A_247 : memref<!tpu.dma_semaphore, #tpu.memory_space<semaphore_mem>>)
      %dma_wait3A_256 = arith.constant 0 : i32
      %dma_wait3A_257 = tpu.memref_slice %arg8[%run_scoped3A_14, %dma_wait3A_256] : memref<5x1000xi32, #tpu.memory_space<vmem>> -> memref<1x1000xi32, #tpu.memory_space<vmem>>
      %dma_wait3A_258 = tpu.memref_squeeze %dma_wait3A_257 : memref<1x1000xi32, #tpu.memory_space<vmem>> -> memref<1000xi32, #tpu.memory_space<vmem>>
      %dma_wait3A_259 = tpu.memref_slice %arg4[%add3A_13] : memref<160000xi32, #tpu.memory_space<hbm>> -> memref<1000xi32, #tpu.memory_space<hbm>>
      %dma_wait3A_260 = arith.constant 0 : i32
      %dma_wait3A_261 = tpu.memref_slice %arg8[%run_scoped3A_14, %dma_wait3A_260] : memref<5x1000xi32, #tpu.memory_space<vmem>> -> memref<1x1000xi32, #tpu.memory_space<vmem>>
      %dma_wait3A_262 = tpu.memref_squeeze %dma_wait3A_261 : memref<1x1000xi32, #tpu.memory_space<vmem>> -> memref<1000xi32, #tpu.memory_space<vmem>>
      %dma_wait3A_263 = tpu.memref_slice %arg4[%add3A_13] : memref<160000xi32, #tpu.memory_space<hbm>> -> memref<1000xi32, #tpu.memory_space<hbm>>
      tpu.wait_dma2 semaphore(%run_scoped3A_247 : memref<!tpu.dma_semaphore, #tpu.memory_space<semaphore_mem>>) src(%dma_wait3A_263 : memref<1000xi32, #tpu.memory_space<hbm>>) dst(%dma_wait3A_262 : memref<1000xi32, #tpu.memory_space<vmem>>)
      tpu.yield
    }) : () -> ()
    %add3A_15 = arith.constant 2000 : i32
    %add3A_16 = arith.addi %add3A, %add3A_15 : i32
    %run_scoped3A_17 = arith.constant 2 : i32
    "tpu.region"() ({
      %run_scoped3A_247 = tpu.sem_alloc : memref<!tpu.dma_semaphore, #tpu.memory_space<semaphore_mem>>
      %dma_start3A_248 = arith.constant 0 : i32
      %dma_start3A_249 = tpu.memref_slice %arg8[%run_scoped3A_17, %dma_start3A_248] : memref<5x1000xi32, #tpu.memory_space<vmem>> -> memref<1x1000xi32, #tpu.memory_space<vmem>>
      %dma_start3A_250 = tpu.memref_squeeze %dma_start3A_249 : memref<1x1000xi32, #tpu.memory_space<vmem>> -> memref<1000xi32, #tpu.memory_space<vmem>>
      %dma_start3A_251 = tpu.memref_slice %arg4[%add3A_16] : memref<160000xi32, #tpu.memory_space<hbm>> -> memref<1000xi32, #tpu.memory_space<hbm>>
      %dma_start3A_252 = arith.constant 0 : i32
      %dma_start3A_253 = tpu.memref_slice %arg8[%run_scoped3A_17, %dma_start3A_252] : memref<5x1000xi32, #tpu.memory_space<vmem>> -> memref<1x1000xi32, #tpu.memory_space<vmem>>
      %dma_start3A_254 = tpu.memref_squeeze %dma_start3A_253 : memref<1x1000xi32, #tpu.memory_space<vmem>> -> memref<1000xi32, #tpu.memory_space<vmem>>
      %dma_start3A_255 = tpu.memref_slice %arg4[%add3A_16] : memref<160000xi32, #tpu.memory_space<hbm>> -> memref<1000xi32, #tpu.memory_space<hbm>>
      tpu.enqueue_dma source(%dma_start3A_255 : memref<1000xi32, #tpu.memory_space<hbm>>) target(%dma_start3A_254 : memref<1000xi32, #tpu.memory_space<vmem>>) target_semaphore(%run_scoped3A_247 : memref<!tpu.dma_semaphore, #tpu.memory_space<semaphore_mem>>)
      %dma_wait3A_256 = arith.constant 0 : i32
      %dma_wait3A_257 = tpu.memref_slice %arg8[%run_scoped3A_17, %dma_wait3A_256] : memref<5x1000xi32, #tpu.memory_space<vmem>> -> memref<1x1000xi32, #tpu.memory_space<vmem>>
      %dma_wait3A_258 = tpu.memref_squeeze %dma_wait3A_257 : memref<1x1000xi32, #tpu.memory_space<vmem>> -> memref<1000xi32, #tpu.memory_space<vmem>>
      %dma_wait3A_259 = tpu.memref_slice %arg4[%add3A_16] : memref<160000xi32, #tpu.memory_space<hbm>> -> memref<1000xi32, #tpu.memory_space<hbm>>
      %dma_wait3A_260 = arith.constant 0 : i32
      %dma_wait3A_261 = tpu.memref_slice %arg8[%run_scoped3A_17, %dma_wait3A_260] : memref<5x1000xi32, #tpu.memory_space<vmem>> -> memref<1x1000xi32, #tpu.memory_space<vmem>>
      %dma_wait3A_262 = tpu.memref_squeeze %dma_wait3A_261 : memref<1x1000xi32, #tpu.memory_space<vmem>> -> memref<1000xi32, #tpu.memory_space<vmem>>
      %dma_wait3A_263 = tpu.memref_slice %arg4[%add3A_16] : memref<160000xi32, #tpu.memory_space<hbm>> -> memref<1000xi32, #tpu.memory_space<hbm>>
      tpu.wait_dma2 semaphore(%run_scoped3A_247 : memref<!tpu.dma_semaphore, #tpu.memory_space<semaphore_mem>>) src(%dma_wait3A_263 : memref<1000xi32, #tpu.memory_space<hbm>>) dst(%dma_wait3A_262 : memref<1000xi32, #tpu.memory_space<vmem>>)
      tpu.yield
    }) : () -> ()
    %add3A_18 = arith.constant 3000 : i32
    %add3A_19 = arith.addi %add3A, %add3A_18 : i32
    %run_scoped3A_20 = arith.constant 3 : i32
    "tpu.region"() ({
      %run_scoped3A_247 = tpu.sem_alloc : memref<!tpu.dma_semaphore, #tpu.memory_space<semaphore_mem>>
      %dma_start3A_248 = arith.constant 0 : i32
      %dma_start3A_249 = tpu.memref_slice %arg8[%run_scoped3A_20, %dma_start3A_248] : memref<5x1000xi32, #tpu.memory_space<vmem>> -> memref<1x1000xi32, #tpu.memory_space<vmem>>
      %dma_start3A_250 = tpu.memref_squeeze %dma_start3A_249 : memref<1x1000xi32, #tpu.memory_space<vmem>> -> memref<1000xi32, #tpu.memory_space<vmem>>
      %dma_start3A_251 = tpu.memref_slice %arg4[%add3A_19] : memref<160000xi32, #tpu.memory_space<hbm>> -> memref<1000xi32, #tpu.memory_space<hbm>>
      %dma_start3A_252 = arith.constant 0 : i32
      %dma_start3A_253 = tpu.memref_slice %arg8[%run_scoped3A_20, %dma_start3A_252] : memref<5x1000xi32, #tpu.memory_space<vmem>> -> memref<1x1000xi32, #tpu.memory_space<vmem>>
      %dma_start3A_254 = tpu.memref_squeeze %dma_start3A_253 : memref<1x1000xi32, #tpu.memory_space<vmem>> -> memref<1000xi32, #tpu.memory_space<vmem>>
      %dma_start3A_255 = tpu.memref_slice %arg4[%add3A_19] : memref<160000xi32, #tpu.memory_space<hbm>> -> memref<1000xi32, #tpu.memory_space<hbm>>
      tpu.enqueue_dma source(%dma_start3A_255 : memref<1000xi32, #tpu.memory_space<hbm>>) target(%dma_start3A_254 : memref<1000xi32, #tpu.memory_space<vmem>>) target_semaphore(%run_scoped3A_247 : memref<!tpu.dma_semaphore, #tpu.memory_space<semaphore_mem>>)
      %dma_wait3A_256 = arith.constant 0 : i32
      %dma_wait3A_257 = tpu.memref_slice %arg8[%run_scoped3A_20, %dma_wait3A_256] : memref<5x1000xi32, #tpu.memory_space<vmem>> -> memref<1x1000xi32, #tpu.memory_space<vmem>>
      %dma_wait3A_258 = tpu.memref_squeeze %dma_wait3A_257 : memref<1x1000xi32, #tpu.memory_space<vmem>> -> memref<1000xi32, #tpu.memory_space<vmem>>
      %dma_wait3A_259 = tpu.memref_slice %arg4[%add3A_19] : memref<160000xi32, #tpu.memory_space<hbm>> -> memref<1000xi32, #tpu.memory_space<hbm>>
      %dma_wait3A_260 = arith.constant 0 : i32
      %dma_wait3A_261 = tpu.memref_slice %arg8[%run_scoped3A_20, %dma_wait3A_260] : memref<5x1000xi32, #tpu.memory_space<vmem>> -> memref<1x1000xi32, #tpu.memory_space<vmem>>
      %dma_wait3A_262 = tpu.memref_squeeze %dma_wait3A_261 : memref<1x1000xi32, #tpu.memory_space<vmem>> -> memref<1000xi32, #tpu.memory_space<vmem>>
      %dma_wait3A_263 = tpu.memref_slice %arg4[%add3A_19] : memref<160000xi32, #tpu.memory_space<hbm>> -> memref<1000xi32, #tpu.memory_space<hbm>>
      tpu.wait_dma2 semaphore(%run_scoped3A_247 : memref<!tpu.dma_semaphore, #tpu.memory_space<semaphore_mem>>) src(%dma_wait3A_263 : memref<1000xi32, #tpu.memory_space<hbm>>) dst(%dma_wait3A_262 : memref<1000xi32, #tpu.memory_space<vmem>>)
      tpu.yield
    }) : () -> ()
    %add3A_21 = arith.constant 4000 : i32
    %add3A_22 = arith.addi %add3A, %add3A_21 : i32
    %run_scoped3A_23 = arith.constant 4 : i32
    "tpu.region"() ({
      %run_scoped3A_247 = tpu.sem_alloc : memref<!tpu.dma_semaphore, #tpu.memory_space<semaphore_mem>>
      %dma_start3A_248 = arith.constant 0 : i32
      %dma_start3A_249 = tpu.memref_slice %arg8[%run_scoped3A_23, %dma_start3A_248] : memref<5x1000xi32, #tpu.memory_space<vmem>> -> memref<1x1000xi32, #tpu.memory_space<vmem>>
      %dma_start3A_250 = tpu.memref_squeeze %dma_start3A_249 : memref<1x1000xi32, #tpu.memory_space<vmem>> -> memref<1000xi32, #tpu.memory_space<vmem>>
      %dma_start3A_251 = tpu.memref_slice %arg4[%add3A_22] : memref<160000xi32, #tpu.memory_space<hbm>> -> memref<1000xi32, #tpu.memory_space<hbm>>
      %dma_start3A_252 = arith.constant 0 : i32
      %dma_start3A_253 = tpu.memref_slice %arg8[%run_scoped3A_23, %dma_start3A_252] : memref<5x1000xi32, #tpu.memory_space<vmem>> -> memref<1x1000xi32, #tpu.memory_space<vmem>>
      %dma_start3A_254 = tpu.memref_squeeze %dma_start3A_253 : memref<1x1000xi32, #tpu.memory_space<vmem>> -> memref<1000xi32, #tpu.memory_space<vmem>>
      %dma_start3A_255 = tpu.memref_slice %arg4[%add3A_22] : memref<160000xi32, #tpu.memory_space<hbm>> -> memref<1000xi32, #tpu.memory_space<hbm>>
      tpu.enqueue_dma source(%dma_start3A_255 : memref<1000xi32, #tpu.memory_space<hbm>>) target(%dma_start3A_254 : memref<1000xi32, #tpu.memory_space<vmem>>) target_semaphore(%run_scoped3A_247 : memref<!tpu.dma_semaphore, #tpu.memory_space<semaphore_mem>>)
      %dma_wait3A_256 = arith.constant 0 : i32
      %dma_wait3A_257 = tpu.memref_slice %arg8[%run_scoped3A_23, %dma_wait3A_256] : memref<5x1000xi32, #tpu.memory_space<vmem>> -> memref<1x1000xi32, #tpu.memory_space<vmem>>
      %dma_wait3A_258 = tpu.memref_squeeze %dma_wait3A_257 : memref<1x1000xi32, #tpu.memory_space<vmem>> -> memref<1000xi32, #tpu.memory_space<vmem>>
      %dma_wait3A_259 = tpu.memref_slice %arg4[%add3A_22] : memref<160000xi32, #tpu.memory_space<hbm>> -> memref<1000xi32, #tpu.memory_space<hbm>>
      %dma_wait3A_260 = arith.constant 0 : i32
      %dma_wait3A_261 = tpu.memref_slice %arg8[%run_scoped3A_23, %dma_wait3A_260] : memref<5x1000xi32, #tpu.memory_space<vmem>> -> memref<1x1000xi32, #tpu.memory_space<vmem>>
      %dma_wait3A_262 = tpu.memref_squeeze %dma_wait3A_261 : memref<1x1000xi32, #tpu.memory_space<vmem>> -> memref<1000xi32, #tpu.memory_space<vmem>>
      %dma_wait3A_263 = tpu.memref_slice %arg4[%add3A_22] : memref<160000xi32, #tpu.memory_space<hbm>> -> memref<1000xi32, #tpu.memory_space<hbm>>
      tpu.wait_dma2 semaphore(%run_scoped3A_247 : memref<!tpu.dma_semaphore, #tpu.memory_space<semaphore_mem>>) src(%dma_wait3A_263 : memref<1000xi32, #tpu.memory_space<hbm>>) dst(%dma_wait3A_262 : memref<1000xi32, #tpu.memory_space<vmem>>)
      tpu.yield
    }) : () -> ()
    %barrier3A = arith.constant 0 : index
    tpu.barrier barrier_id(%barrier3A)
    %dma_start3A = arith.constant 0 : i32
    %dma_start3A_24 = arith.constant 0 : i32
    %dma_start3A_25 = arith.constant 0 : i32
    %dma_start3A_26 = tpu.memref_slice %arg9[%dma_start3A, %dma_start3A_24, %dma_start3A_25] : memref<2x1000x16xf32, #tpu.memory_space<vmem>> -> memref<1x1000x16xf32, #tpu.memory_space<vmem>>
    %dma_start3A_27 = tpu.memref_squeeze %dma_start3A_26 : memref<1x1000x16xf32, #tpu.memory_space<vmem>> -> memref<1000x16xf32, #tpu.memory_space<vmem>>
    %dma_start3A_28 = arith.constant 0 : i32
    %dma_start3A_29 = tpu.memref_slice %arg7[%dma_start3A_28] : memref<5000xi32, #tpu.memory_space<vmem>> -> memref<1000xi32, #tpu.memory_space<vmem>>
    %dma_start3A_30 = arith.constant 0 : i32
    %dma_start3A_31 = arith.constant 0 : i32
    %dma_start3A_32 = tpu.memref_slice %arg2[%dma_start3A_30, %dma_start3A_31] : memref<10000x16xf32, #tpu.memory_space<hbm>> -> memref<10000x16xf32, #tpu.memory_space<hbm>>
    tpu.enqueue_indirect_dma source(%dma_start3A_32 : memref<10000x16xf32, #tpu.memory_space<hbm>>) target(%dma_start3A_27 : memref<1000x16xf32, #tpu.memory_space<vmem>>) offsets(%dma_start3A_29 : memref<1000xi32, #tpu.memory_space<vmem>>) semaphore(%arg11 : memref<!tpu.dma_semaphore, #tpu.memory_space<semaphore_mem>>)
    %dma_start3A_33 = arith.constant 1 : i32
    %dma_start3A_34 = arith.constant 0 : i32
    %dma_start3A_35 = arith.constant 0 : i32
    %dma_start3A_36 = tpu.memref_slice %arg9[%dma_start3A_33, %dma_start3A_34, %dma_start3A_35] : memref<2x1000x16xf32, #tpu.memory_space<vmem>> -> memref<1x1000x16xf32, #tpu.memory_space<vmem>>
    %dma_start3A_37 = tpu.memref_squeeze %dma_start3A_36 : memref<1x1000x16xf32, #tpu.memory_space<vmem>> -> memref<1000x16xf32, #tpu.memory_space<vmem>>
    %dma_start3A_38 = arith.constant 1000 : i32
    %dma_start3A_39 = tpu.memref_slice %arg7[%dma_start3A_38] : memref<5000xi32, #tpu.memory_space<vmem>> -> memref<1000xi32, #tpu.memory_space<vmem>>
    %dma_start3A_40 = arith.constant 0 : i32
    %dma_start3A_41 = arith.constant 0 : i32
    %dma_start3A_42 = tpu.memref_slice %arg2[%dma_start3A_40, %dma_start3A_41] : memref<10000x16xf32, #tpu.memory_space<hbm>> -> memref<10000x16xf32, #tpu.memory_space<hbm>>
    tpu.enqueue_indirect_dma source(%dma_start3A_42 : memref<10000x16xf32, #tpu.memory_space<hbm>>) target(%dma_start3A_37 : memref<1000x16xf32, #tpu.memory_space<vmem>>) offsets(%dma_start3A_39 : memref<1000xi32, #tpu.memory_space<vmem>>) semaphore(%arg11 : memref<!tpu.dma_semaphore, #tpu.memory_space<semaphore_mem>>)
    %dma_wait3A = arith.constant 0 : i32
    %dma_wait3A_43 = arith.constant 0 : i32
    %dma_wait3A_44 = arith.constant 0 : i32
    %dma_wait3A_45 = tpu.memref_slice %arg9[%dma_wait3A, %dma_wait3A_43, %dma_wait3A_44] : memref<2x1000x16xf32, #tpu.memory_space<vmem>> -> memref<1x1000x16xf32, #tpu.memory_space<vmem>>
    %dma_wait3A_46 = tpu.memref_squeeze %dma_wait3A_45 : memref<1x1000x16xf32, #tpu.memory_space<vmem>> -> memref<1000x16xf32, #tpu.memory_space<vmem>>
    %dma_wait3A_47 = arith.constant 0 : i32
    %dma_wait3A_48 = tpu.memref_slice %arg7[%dma_wait3A_47] : memref<5000xi32, #tpu.memory_space<vmem>> -> memref<1000xi32, #tpu.memory_space<vmem>>
    %dma_wait3A_49 = arith.constant 0 : i32
    %dma_wait3A_50 = arith.constant 0 : i32
    %dma_wait3A_51 = tpu.memref_slice %arg2[%dma_wait3A_49, %dma_wait3A_50] : memref<10000x16xf32, #tpu.memory_space<hbm>> -> memref<10000x16xf32, #tpu.memory_space<hbm>>
    tpu.wait_indirect_dma semaphore(%arg11 : memref<!tpu.dma_semaphore, #tpu.memory_space<semaphore_mem>>) src(%dma_wait3A_51 : memref<10000x16xf32, #tpu.memory_space<hbm>>) dst(%dma_wait3A_46 : memref<1000x16xf32, #tpu.memory_space<vmem>>)
    %dma_start3A_52 = arith.constant 0 : i32
    %dma_start3A_53 = arith.constant 0 : i32
    %dma_start3A_54 = arith.constant 0 : i32
    %dma_start3A_55 = arith.constant 0 : i32
    %dma_start3A_56 = tpu.memref_slice %arg9[%dma_start3A_52, %dma_start3A_54, %dma_start3A_55] : memref<2x1000x16xf32, #tpu.memory_space<vmem>> -> memref<1x1000x16xf32, #tpu.memory_space<vmem>>
    %dma_start3A_57 = tpu.memref_squeeze %dma_start3A_56 : memref<1x1000x16xf32, #tpu.memory_space<vmem>> -> memref<1000x16xf32, #tpu.memory_space<vmem>>
    %dma_start3A_58 = arith.constant 0 : i32
    %dma_start3A_59 = tpu.memref_slice %arg8[%dma_start3A_53, %dma_start3A_58] : memref<5x1000xi32, #tpu.memory_space<vmem>> -> memref<1x1000xi32, #tpu.memory_space<vmem>>
    %dma_start3A_60 = tpu.memref_squeeze %dma_start3A_59 : memref<1x1000xi32, #tpu.memory_space<vmem>> -> memref<1000xi32, #tpu.memory_space<vmem>>
    %dma_start3A_61 = arith.constant 0 : i32
    %dma_start3A_62 = arith.constant 0 : i32
    %dma_start3A_63 = tpu.memref_slice %arg6[%dma_start3A_61, %dma_start3A_62] : memref<10240x16xf32, #tpu.memory_space<vmem_shared>> -> memref<10240x16xf32, #tpu.memory_space<vmem_shared>>
    tpu.enqueue_indirect_dma source(%dma_start3A_57 : memref<1000x16xf32, #tpu.memory_space<vmem>>) target(%dma_start3A_63 : memref<10240x16xf32, #tpu.memory_space<vmem_shared>>) offsets(%dma_start3A_60 : memref<1000xi32, #tpu.memory_space<vmem>>) semaphore(%arg12 : memref<!tpu.dma_semaphore, #tpu.memory_space<semaphore_mem>>) {add = true}
    %dma_wait3A_64 = arith.constant 0 : i32
    %dma_wait3A_65 = arith.constant 0 : i32
    %dma_wait3A_66 = arith.constant 0 : i32
    %dma_wait3A_67 = arith.constant 0 : i32
    %dma_wait3A_68 = tpu.memref_slice %arg9[%dma_wait3A_64, %dma_wait3A_66, %dma_wait3A_67] : memref<2x1000x16xf32, #tpu.memory_space<vmem>> -> memref<1x1000x16xf32, #tpu.memory_space<vmem>>
    %dma_wait3A_69 = tpu.memref_squeeze %dma_wait3A_68 : memref<1x1000x16xf32, #tpu.memory_space<vmem>> -> memref<1000x16xf32, #tpu.memory_space<vmem>>
    %dma_wait3A_70 = arith.constant 0 : i32
    %dma_wait3A_71 = tpu.memref_slice %arg8[%dma_wait3A_65, %dma_wait3A_70] : memref<5x1000xi32, #tpu.memory_space<vmem>> -> memref<1x1000xi32, #tpu.memory_space<vmem>>
    %dma_wait3A_72 = tpu.memref_squeeze %dma_wait3A_71 : memref<1x1000xi32, #tpu.memory_space<vmem>> -> memref<1000xi32, #tpu.memory_space<vmem>>
    %dma_wait3A_73 = arith.constant 0 : i32
    %dma_wait3A_74 = arith.constant 0 : i32
    %dma_wait3A_75 = tpu.memref_slice %arg6[%dma_wait3A_73, %dma_wait3A_74] : memref<10240x16xf32, #tpu.memory_space<vmem_shared>> -> memref<10240x16xf32, #tpu.memory_space<vmem_shared>>
    tpu.wait_indirect_dma semaphore(%arg12 : memref<!tpu.dma_semaphore, #tpu.memory_space<semaphore_mem>>) src(%dma_wait3A_69 : memref<1000x16xf32, #tpu.memory_space<vmem>>) dst(%dma_wait3A_75 : memref<10240x16xf32, #tpu.memory_space<vmem_shared>>)
    %dma_start3A_76 = arith.constant 0 : i32
    %dma_start3A_77 = arith.constant 0 : i32
    %dma_start3A_78 = arith.constant 0 : i32
    %dma_start3A_79 = tpu.memref_slice %arg9[%dma_start3A_76, %dma_start3A_77, %dma_start3A_78] : memref<2x1000x16xf32, #tpu.memory_space<vmem>> -> memref<1x1000x16xf32, #tpu.memory_space<vmem>>
    %dma_start3A_80 = tpu.memref_squeeze %dma_start3A_79 : memref<1x1000x16xf32, #tpu.memory_space<vmem>> -> memref<1000x16xf32, #tpu.memory_space<vmem>>
    %dma_start3A_81 = arith.constant 2000 : i32
    %dma_start3A_82 = tpu.memref_slice %arg7[%dma_start3A_81] : memref<5000xi32, #tpu.memory_space<vmem>> -> memref<1000xi32, #tpu.memory_space<vmem>>
    %dma_start3A_83 = arith.constant 0 : i32
    %dma_start3A_84 = arith.constant 0 : i32
    %dma_start3A_85 = tpu.memref_slice %arg2[%dma_start3A_83, %dma_start3A_84] : memref<10000x16xf32, #tpu.memory_space<hbm>> -> memref<10000x16xf32, #tpu.memory_space<hbm>>
    tpu.enqueue_indirect_dma source(%dma_start3A_85 : memref<10000x16xf32, #tpu.memory_space<hbm>>) target(%dma_start3A_80 : memref<1000x16xf32, #tpu.memory_space<vmem>>) offsets(%dma_start3A_82 : memref<1000xi32, #tpu.memory_space<vmem>>) semaphore(%arg11 : memref<!tpu.dma_semaphore, #tpu.memory_space<semaphore_mem>>)
    %dma_wait3A_86 = arith.constant 1 : i32
    %dma_wait3A_87 = arith.constant 0 : i32
    %dma_wait3A_88 = arith.constant 0 : i32
    %dma_wait3A_89 = tpu.memref_slice %arg9[%dma_wait3A_86, %dma_wait3A_87, %dma_wait3A_88] : memref<2x1000x16xf32, #tpu.memory_space<vmem>> -> memref<1x1000x16xf32, #tpu.memory_space<vmem>>
    %dma_wait3A_90 = tpu.memref_squeeze %dma_wait3A_89 : memref<1x1000x16xf32, #tpu.memory_space<vmem>> -> memref<1000x16xf32, #tpu.memory_space<vmem>>
    %dma_wait3A_91 = arith.constant 1000 : i32
    %dma_wait3A_92 = tpu.memref_slice %arg7[%dma_wait3A_91] : memref<5000xi32, #tpu.memory_space<vmem>> -> memref<1000xi32, #tpu.memory_space<vmem>>
    %dma_wait3A_93 = arith.constant 0 : i32
    %dma_wait3A_94 = arith.constant 0 : i32
    %dma_wait3A_95 = tpu.memref_slice %arg2[%dma_wait3A_93, %dma_wait3A_94] : memref<10000x16xf32, #tpu.memory_space<hbm>> -> memref<10000x16xf32, #tpu.memory_space<hbm>>
    tpu.wait_indirect_dma semaphore(%arg11 : memref<!tpu.dma_semaphore, #tpu.memory_space<semaphore_mem>>) src(%dma_wait3A_95 : memref<10000x16xf32, #tpu.memory_space<hbm>>) dst(%dma_wait3A_90 : memref<1000x16xf32, #tpu.memory_space<vmem>>)
    %dma_start3A_96 = arith.constant 1 : i32
    %dma_start3A_97 = arith.constant 1 : i32
    %dma_start3A_98 = arith.constant 0 : i32
    %dma_start3A_99 = arith.constant 0 : i32
    %dma_start3A_100 = tpu.memref_slice %arg9[%dma_start3A_96, %dma_start3A_98, %dma_start3A_99] : memref<2x1000x16xf32, #tpu.memory_space<vmem>> -> memref<1x1000x16xf32, #tpu.memory_space<vmem>>
    %dma_start3A_101 = tpu.memref_squeeze %dma_start3A_100 : memref<1x1000x16xf32, #tpu.memory_space<vmem>> -> memref<1000x16xf32, #tpu.memory_space<vmem>>
    %dma_start3A_102 = arith.constant 0 : i32
    %dma_start3A_103 = tpu.memref_slice %arg8[%dma_start3A_97, %dma_start3A_102] : memref<5x1000xi32, #tpu.memory_space<vmem>> -> memref<1x1000xi32, #tpu.memory_space<vmem>>
    %dma_start3A_104 = tpu.memref_squeeze %dma_start3A_103 : memref<1x1000xi32, #tpu.memory_space<vmem>> -> memref<1000xi32, #tpu.memory_space<vmem>>
    %dma_start3A_105 = arith.constant 0 : i32
    %dma_start3A_106 = arith.constant 0 : i32
    %dma_start3A_107 = tpu.memref_slice %arg6[%dma_start3A_105, %dma_start3A_106] : memref<10240x16xf32, #tpu.memory_space<vmem_shared>> -> memref<10240x16xf32, #tpu.memory_space<vmem_shared>>
    tpu.enqueue_indirect_dma source(%dma_start3A_101 : memref<1000x16xf32, #tpu.memory_space<vmem>>) target(%dma_start3A_107 : memref<10240x16xf32, #tpu.memory_space<vmem_shared>>) offsets(%dma_start3A_104 : memref<1000xi32, #tpu.memory_space<vmem>>) semaphore(%arg12 : memref<!tpu.dma_semaphore, #tpu.memory_space<semaphore_mem>>) {add = true}
    %dma_wait3A_108 = arith.constant 1 : i32
    %dma_wait3A_109 = arith.constant 1 : i32
    %dma_wait3A_110 = arith.constant 0 : i32
    %dma_wait3A_111 = arith.constant 0 : i32
    %dma_wait3A_112 = tpu.memref_slice %arg9[%dma_wait3A_108, %dma_wait3A_110, %dma_wait3A_111] : memref<2x1000x16xf32, #tpu.memory_space<vmem>> -> memref<1x1000x16xf32, #tpu.memory_space<vmem>>
    %dma_wait3A_113 = tpu.memref_squeeze %dma_wait3A_112 : memref<1x1000x16xf32, #tpu.memory_space<vmem>> -> memref<1000x16xf32, #tpu.memory_space<vmem>>
    %dma_wait3A_114 = arith.constant 0 : i32
    %dma_wait3A_115 = tpu.memref_slice %arg8[%dma_wait3A_109, %dma_wait3A_114] : memref<5x1000xi32, #tpu.memory_space<vmem>> -> memref<1x1000xi32, #tpu.memory_space<vmem>>
    %dma_wait3A_116 = tpu.memref_squeeze %dma_wait3A_115 : memref<1x1000xi32, #tpu.memory_space<vmem>> -> memref<1000xi32, #tpu.memory_space<vmem>>
    %dma_wait3A_117 = arith.constant 0 : i32
    %dma_wait3A_118 = arith.constant 0 : i32
    %dma_wait3A_119 = tpu.memref_slice %arg6[%dma_wait3A_117, %dma_wait3A_118] : memref<10240x16xf32, #tpu.memory_space<vmem_shared>> -> memref<10240x16xf32, #tpu.memory_space<vmem_shared>>
    tpu.wait_indirect_dma semaphore(%arg12 : memref<!tpu.dma_semaphore, #tpu.memory_space<semaphore_mem>>) src(%dma_wait3A_113 : memref<1000x16xf32, #tpu.memory_space<vmem>>) dst(%dma_wait3A_119 : memref<10240x16xf32, #tpu.memory_space<vmem_shared>>)
    %dma_start3A_120 = arith.constant 1 : i32
    %dma_start3A_121 = arith.constant 0 : i32
    %dma_start3A_122 = arith.constant 0 : i32
    %dma_start3A_123 = tpu.memref_slice %arg9[%dma_start3A_120, %dma_start3A_121, %dma_start3A_122] : memref<2x1000x16xf32, #tpu.memory_space<vmem>> -> memref<1x1000x16xf32, #tpu.memory_space<vmem>>
    %dma_start3A_124 = tpu.memref_squeeze %dma_start3A_123 : memref<1x1000x16xf32, #tpu.memory_space<vmem>> -> memref<1000x16xf32, #tpu.memory_space<vmem>>
    %dma_start3A_125 = arith.constant 3000 : i32
    %dma_start3A_126 = tpu.memref_slice %arg7[%dma_start3A_125] : memref<5000xi32, #tpu.memory_space<vmem>> -> memref<1000xi32, #tpu.memory_space<vmem>>
    %dma_start3A_127 = arith.constant 0 : i32
    %dma_start3A_128 = arith.constant 0 : i32
    %dma_start3A_129 = tpu.memref_slice %arg2[%dma_start3A_127, %dma_start3A_128] : memref<10000x16xf32, #tpu.memory_space<hbm>> -> memref<10000x16xf32, #tpu.memory_space<hbm>>
    tpu.enqueue_indirect_dma source(%dma_start3A_129 : memref<10000x16xf32, #tpu.memory_space<hbm>>) target(%dma_start3A_124 : memref<1000x16xf32, #tpu.memory_space<vmem>>) offsets(%dma_start3A_126 : memref<1000xi32, #tpu.memory_space<vmem>>) semaphore(%arg11 : memref<!tpu.dma_semaphore, #tpu.memory_space<semaphore_mem>>)
    %dma_wait3A_130 = arith.constant 0 : i32
    %dma_wait3A_131 = arith.constant 0 : i32
    %dma_wait3A_132 = arith.constant 0 : i32
    %dma_wait3A_133 = tpu.memref_slice %arg9[%dma_wait3A_130, %dma_wait3A_131, %dma_wait3A_132] : memref<2x1000x16xf32, #tpu.memory_space<vmem>> -> memref<1x1000x16xf32, #tpu.memory_space<vmem>>
    %dma_wait3A_134 = tpu.memref_squeeze %dma_wait3A_133 : memref<1x1000x16xf32, #tpu.memory_space<vmem>> -> memref<1000x16xf32, #tpu.memory_space<vmem>>
    %dma_wait3A_135 = arith.constant 2000 : i32
    %dma_wait3A_136 = tpu.memref_slice %arg7[%dma_wait3A_135] : memref<5000xi32, #tpu.memory_space<vmem>> -> memref<1000xi32, #tpu.memory_space<vmem>>
    %dma_wait3A_137 = arith.constant 0 : i32
    %dma_wait3A_138 = arith.constant 0 : i32
    %dma_wait3A_139 = tpu.memref_slice %arg2[%dma_wait3A_137, %dma_wait3A_138] : memref<10000x16xf32, #tpu.memory_space<hbm>> -> memref<10000x16xf32, #tpu.memory_space<hbm>>
    tpu.wait_indirect_dma semaphore(%arg11 : memref<!tpu.dma_semaphore, #tpu.memory_space<semaphore_mem>>) src(%dma_wait3A_139 : memref<10000x16xf32, #tpu.memory_space<hbm>>) dst(%dma_wait3A_134 : memref<1000x16xf32, #tpu.memory_space<vmem>>)
    %dma_start3A_140 = arith.constant 0 : i32
    %dma_start3A_141 = arith.constant 2 : i32
    %dma_start3A_142 = arith.constant 0 : i32
    %dma_start3A_143 = arith.constant 0 : i32
    %dma_start3A_144 = tpu.memref_slice %arg9[%dma_start3A_140, %dma_start3A_142, %dma_start3A_143] : memref<2x1000x16xf32, #tpu.memory_space<vmem>> -> memref<1x1000x16xf32, #tpu.memory_space<vmem>>
    %dma_start3A_145 = tpu.memref_squeeze %dma_start3A_144 : memref<1x1000x16xf32, #tpu.memory_space<vmem>> -> memref<1000x16xf32, #tpu.memory_space<vmem>>
    %dma_start3A_146 = arith.constant 0 : i32
    %dma_start3A_147 = tpu.memref_slice %arg8[%dma_start3A_141, %dma_start3A_146] : memref<5x1000xi32, #tpu.memory_space<vmem>> -> memref<1x1000xi32, #tpu.memory_space<vmem>>
    %dma_start3A_148 = tpu.memref_squeeze %dma_start3A_147 : memref<1x1000xi32, #tpu.memory_space<vmem>> -> memref<1000xi32, #tpu.memory_space<vmem>>
    %dma_start3A_149 = arith.constant 0 : i32
    %dma_start3A_150 = arith.constant 0 : i32
    %dma_start3A_151 = tpu.memref_slice %arg6[%dma_start3A_149, %dma_start3A_150] : memref<10240x16xf32, #tpu.memory_space<vmem_shared>> -> memref<10240x16xf32, #tpu.memory_space<vmem_shared>>
    tpu.enqueue_indirect_dma source(%dma_start3A_145 : memref<1000x16xf32, #tpu.memory_space<vmem>>) target(%dma_start3A_151 : memref<10240x16xf32, #tpu.memory_space<vmem_shared>>) offsets(%dma_start3A_148 : memref<1000xi32, #tpu.memory_space<vmem>>) semaphore(%arg12 : memref<!tpu.dma_semaphore, #tpu.memory_space<semaphore_mem>>) {add = true}
    %dma_wait3A_152 = arith.constant 0 : i32
    %dma_wait3A_153 = arith.constant 2 : i32
    %dma_wait3A_154 = arith.constant 0 : i32
    %dma_wait3A_155 = arith.constant 0 : i32
    %dma_wait3A_156 = tpu.memref_slice %arg9[%dma_wait3A_152, %dma_wait3A_154, %dma_wait3A_155] : memref<2x1000x16xf32, #tpu.memory_space<vmem>> -> memref<1x1000x16xf32, #tpu.memory_space<vmem>>
    %dma_wait3A_157 = tpu.memref_squeeze %dma_wait3A_156 : memref<1x1000x16xf32, #tpu.memory_space<vmem>> -> memref<1000x16xf32, #tpu.memory_space<vmem>>
    %dma_wait3A_158 = arith.constant 0 : i32
    %dma_wait3A_159 = tpu.memref_slice %arg8[%dma_wait3A_153, %dma_wait3A_158] : memref<5x1000xi32, #tpu.memory_space<vmem>> -> memref<1x1000xi32, #tpu.memory_space<vmem>>
    %dma_wait3A_160 = tpu.memref_squeeze %dma_wait3A_159 : memref<1x1000xi32, #tpu.memory_space<vmem>> -> memref<1000xi32, #tpu.memory_space<vmem>>
    %dma_wait3A_161 = arith.constant 0 : i32
    %dma_wait3A_162 = arith.constant 0 : i32
    %dma_wait3A_163 = tpu.memref_slice %arg6[%dma_wait3A_161, %dma_wait3A_162] : memref<10240x16xf32, #tpu.memory_space<vmem_shared>> -> memref<10240x16xf32, #tpu.memory_space<vmem_shared>>
    tpu.wait_indirect_dma semaphore(%arg12 : memref<!tpu.dma_semaphore, #tpu.memory_space<semaphore_mem>>) src(%dma_wait3A_157 : memref<1000x16xf32, #tpu.memory_space<vmem>>) dst(%dma_wait3A_163 : memref<10240x16xf32, #tpu.memory_space<vmem_shared>>)
    %dma_start3A_164 = arith.constant 0 : i32
    %dma_start3A_165 = arith.constant 0 : i32
    %dma_start3A_166 = arith.constant 0 : i32
    %dma_start3A_167 = tpu.memref_slice %arg9[%dma_start3A_164, %dma_start3A_165, %dma_start3A_166] : memref<2x1000x16xf32, #tpu.memory_space<vmem>> -> memref<1x1000x16xf32, #tpu.memory_space<vmem>>
    %dma_start3A_168 = tpu.memref_squeeze %dma_start3A_167 : memref<1x1000x16xf32, #tpu.memory_space<vmem>> -> memref<1000x16xf32, #tpu.memory_space<vmem>>
    %dma_start3A_169 = arith.constant 4000 : i32
    %dma_start3A_170 = tpu.memref_slice %arg7[%dma_start3A_169] : memref<5000xi32, #tpu.memory_space<vmem>> -> memref<1000xi32, #tpu.memory_space<vmem>>
    %dma_start3A_171 = arith.constant 0 : i32
    %dma_start3A_172 = arith.constant 0 : i32
    %dma_start3A_173 = tpu.memref_slice %arg2[%dma_start3A_171, %dma_start3A_172] : memref<10000x16xf32, #tpu.memory_space<hbm>> -> memref<10000x16xf32, #tpu.memory_space<hbm>>
    tpu.enqueue_indirect_dma source(%dma_start3A_173 : memref<10000x16xf32, #tpu.memory_space<hbm>>) target(%dma_start3A_168 : memref<1000x16xf32, #tpu.memory_space<vmem>>) offsets(%dma_start3A_170 : memref<1000xi32, #tpu.memory_space<vmem>>) semaphore(%arg11 : memref<!tpu.dma_semaphore, #tpu.memory_space<semaphore_mem>>)
    %dma_wait3A_174 = arith.constant 1 : i32
    %dma_wait3A_175 = arith.constant 0 : i32
    %dma_wait3A_176 = arith.constant 0 : i32
    %dma_wait3A_177 = tpu.memref_slice %arg9[%dma_wait3A_174, %dma_wait3A_175, %dma_wait3A_176] : memref<2x1000x16xf32, #tpu.memory_space<vmem>> -> memref<1x1000x16xf32, #tpu.memory_space<vmem>>
    %dma_wait3A_178 = tpu.memref_squeeze %dma_wait3A_177 : memref<1x1000x16xf32, #tpu.memory_space<vmem>> -> memref<1000x16xf32, #tpu.memory_space<vmem>>
    %dma_wait3A_179 = arith.constant 3000 : i32
    %dma_wait3A_180 = tpu.memref_slice %arg7[%dma_wait3A_179] : memref<5000xi32, #tpu.memory_space<vmem>> -> memref<1000xi32, #tpu.memory_space<vmem>>
    %dma_wait3A_181 = arith.constant 0 : i32
    %dma_wait3A_182 = arith.constant 0 : i32
    %dma_wait3A_183 = tpu.memref_slice %arg2[%dma_wait3A_181, %dma_wait3A_182] : memref<10000x16xf32, #tpu.memory_space<hbm>> -> memref<10000x16xf32, #tpu.memory_space<hbm>>
    tpu.wait_indirect_dma semaphore(%arg11 : memref<!tpu.dma_semaphore, #tpu.memory_space<semaphore_mem>>) src(%dma_wait3A_183 : memref<10000x16xf32, #tpu.memory_space<hbm>>) dst(%dma_wait3A_178 : memref<1000x16xf32, #tpu.memory_space<vmem>>)
    %dma_start3A_184 = arith.constant 1 : i32
    %dma_start3A_185 = arith.constant 3 : i32
    %dma_start3A_186 = arith.constant 0 : i32
    %dma_start3A_187 = arith.constant 0 : i32
    %dma_start3A_188 = tpu.memref_slice %arg9[%dma_start3A_184, %dma_start3A_186, %dma_start3A_187] : memref<2x1000x16xf32, #tpu.memory_space<vmem>> -> memref<1x1000x16xf32, #tpu.memory_space<vmem>>
    %dma_start3A_189 = tpu.memref_squeeze %dma_start3A_188 : memref<1x1000x16xf32, #tpu.memory_space<vmem>> -> memref<1000x16xf32, #tpu.memory_space<vmem>>
    %dma_start3A_190 = arith.constant 0 : i32
    %dma_start3A_191 = tpu.memref_slice %arg8[%dma_start3A_185, %dma_start3A_190] : memref<5x1000xi32, #tpu.memory_space<vmem>> -> memref<1x1000xi32, #tpu.memory_space<vmem>>
    %dma_start3A_192 = tpu.memref_squeeze %dma_start3A_191 : memref<1x1000xi32, #tpu.memory_space<vmem>> -> memref<1000xi32, #tpu.memory_space<vmem>>
    %dma_start3A_193 = arith.constant 0 : i32
    %dma_start3A_194 = arith.constant 0 : i32
    %dma_start3A_195 = tpu.memref_slice %arg6[%dma_start3A_193, %dma_start3A_194] : memref<10240x16xf32, #tpu.memory_space<vmem_shared>> -> memref<10240x16xf32, #tpu.memory_space<vmem_shared>>
    tpu.enqueue_indirect_dma source(%dma_start3A_189 : memref<1000x16xf32, #tpu.memory_space<vmem>>) target(%dma_start3A_195 : memref<10240x16xf32, #tpu.memory_space<vmem_shared>>) offsets(%dma_start3A_192 : memref<1000xi32, #tpu.memory_space<vmem>>) semaphore(%arg12 : memref<!tpu.dma_semaphore, #tpu.memory_space<semaphore_mem>>) {add = true}
    %dma_wait3A_196 = arith.constant 0 : i32
    %dma_wait3A_197 = arith.constant 0 : i32
    %dma_wait3A_198 = arith.constant 0 : i32
    %dma_wait3A_199 = tpu.memref_slice %arg9[%dma_wait3A_196, %dma_wait3A_197, %dma_wait3A_198] : memref<2x1000x16xf32, #tpu.memory_space<vmem>> -> memref<1x1000x16xf32, #tpu.memory_space<vmem>>
    %dma_wait3A_200 = tpu.memref_squeeze %dma_wait3A_199 : memref<1x1000x16xf32, #tpu.memory_space<vmem>> -> memref<1000x16xf32, #tpu.memory_space<vmem>>
    %dma_wait3A_201 = arith.constant 4000 : i32
    %dma_wait3A_202 = tpu.memref_slice %arg7[%dma_wait3A_201] : memref<5000xi32, #tpu.memory_space<vmem>> -> memref<1000xi32, #tpu.memory_space<vmem>>
    %dma_wait3A_203 = arith.constant 0 : i32
    %dma_wait3A_204 = arith.constant 0 : i32
    %dma_wait3A_205 = tpu.memref_slice %arg2[%dma_wait3A_203, %dma_wait3A_204] : memref<10000x16xf32, #tpu.memory_space<hbm>> -> memref<10000x16xf32, #tpu.memory_space<hbm>>
    tpu.wait_indirect_dma semaphore(%arg11 : memref<!tpu.dma_semaphore, #tpu.memory_space<semaphore_mem>>) src(%dma_wait3A_205 : memref<10000x16xf32, #tpu.memory_space<hbm>>) dst(%dma_wait3A_200 : memref<1000x16xf32, #tpu.memory_space<vmem>>)
    %dma_start3A_206 = arith.constant 0 : i32
    %dma_start3A_207 = arith.constant 4 : i32
    %dma_start3A_208 = arith.constant 0 : i32
    %dma_start3A_209 = arith.constant 0 : i32
    %dma_start3A_210 = tpu.memref_slice %arg9[%dma_start3A_206, %dma_start3A_208, %dma_start3A_209] : memref<2x1000x16xf32, #tpu.memory_space<vmem>> -> memref<1x1000x16xf32, #tpu.memory_space<vmem>>
    %dma_start3A_211 = tpu.memref_squeeze %dma_start3A_210 : memref<1x1000x16xf32, #tpu.memory_space<vmem>> -> memref<1000x16xf32, #tpu.memory_space<vmem>>
    %dma_start3A_212 = arith.constant 0 : i32
    %dma_start3A_213 = tpu.memref_slice %arg8[%dma_start3A_207, %dma_start3A_212] : memref<5x1000xi32, #tpu.memory_space<vmem>> -> memref<1x1000xi32, #tpu.memory_space<vmem>>
    %dma_start3A_214 = tpu.memref_squeeze %dma_start3A_213 : memref<1x1000xi32, #tpu.memory_space<vmem>> -> memref<1000xi32, #tpu.memory_space<vmem>>
    %dma_start3A_215 = arith.constant 0 : i32
    %dma_start3A_216 = arith.constant 0 : i32
    %dma_start3A_217 = tpu.memref_slice %arg6[%dma_start3A_215, %dma_start3A_216] : memref<10240x16xf32, #tpu.memory_space<vmem_shared>> -> memref<10240x16xf32, #tpu.memory_space<vmem_shared>>
    tpu.enqueue_indirect_dma source(%dma_start3A_211 : memref<1000x16xf32, #tpu.memory_space<vmem>>) target(%dma_start3A_217 : memref<10240x16xf32, #tpu.memory_space<vmem_shared>>) offsets(%dma_start3A_214 : memref<1000xi32, #tpu.memory_space<vmem>>) semaphore(%arg12 : memref<!tpu.dma_semaphore, #tpu.memory_space<semaphore_mem>>) {add = true}
    %dma_wait3A_218 = arith.constant 1 : i32
    %dma_wait3A_219 = arith.constant 3 : i32
    %dma_wait3A_220 = arith.constant 0 : i32
    %dma_wait3A_221 = arith.constant 0 : i32
    %dma_wait3A_222 = tpu.memref_slice %arg9[%dma_wait3A_218, %dma_wait3A_220, %dma_wait3A_221] : memref<2x1000x16xf32, #tpu.memory_space<vmem>> -> memref<1x1000x16xf32, #tpu.memory_space<vmem>>
    %dma_wait3A_223 = tpu.memref_squeeze %dma_wait3A_222 : memref<1x1000x16xf32, #tpu.memory_space<vmem>> -> memref<1000x16xf32, #tpu.memory_space<vmem>>
    %dma_wait3A_224 = arith.constant 0 : i32
    %dma_wait3A_225 = tpu.memref_slice %arg8[%dma_wait3A_219, %dma_wait3A_224] : memref<5x1000xi32, #tpu.memory_space<vmem>> -> memref<1x1000xi32, #tpu.memory_space<vmem>>
    %dma_wait3A_226 = tpu.memref_squeeze %dma_wait3A_225 : memref<1x1000xi32, #tpu.memory_space<vmem>> -> memref<1000xi32, #tpu.memory_space<vmem>>
    %dma_wait3A_227 = arith.constant 0 : i32
    %dma_wait3A_228 = arith.constant 0 : i32
    %dma_wait3A_229 = tpu.memref_slice %arg6[%dma_wait3A_227, %dma_wait3A_228] : memref<10240x16xf32, #tpu.memory_space<vmem_shared>> -> memref<10240x16xf32, #tpu.memory_space<vmem_shared>>
    tpu.wait_indirect_dma semaphore(%arg12 : memref<!tpu.dma_semaphore, #tpu.memory_space<semaphore_mem>>) src(%dma_wait3A_223 : memref<1000x16xf32, #tpu.memory_space<vmem>>) dst(%dma_wait3A_229 : memref<10240x16xf32, #tpu.memory_space<vmem_shared>>)
    %dma_wait3A_230 = arith.constant 0 : i32
    %dma_wait3A_231 = arith.constant 4 : i32
    %dma_wait3A_232 = arith.constant 0 : i32
    %dma_wait3A_233 = arith.constant 0 : i32
    %dma_wait3A_234 = tpu.memref_slice %arg9[%dma_wait3A_230, %dma_wait3A_232, %dma_wait3A_233] : memref<2x1000x16xf32, #tpu.memory_space<vmem>> -> memref<1x1000x16xf32, #tpu.memory_space<vmem>>
    %dma_wait3A_235 = tpu.memref_squeeze %dma_wait3A_234 : memref<1x1000x16xf32, #tpu.memory_space<vmem>> -> memref<1000x16xf32, #tpu.memory_space<vmem>>
    %dma_wait3A_236 = arith.constant 0 : i32
    %dma_wait3A_237 = tpu.memref_slice %arg8[%dma_wait3A_231, %dma_wait3A_236] : memref<5x1000xi32, #tpu.memory_space<vmem>> -> memref<1x1000xi32, #tpu.memory_space<vmem>>
    %dma_wait3A_238 = tpu.memref_squeeze %dma_wait3A_237 : memref<1x1000xi32, #tpu.memory_space<vmem>> -> memref<1000xi32, #tpu.memory_space<vmem>>
    %dma_wait3A_239 = arith.constant 0 : i32
    %dma_wait3A_240 = arith.constant 0 : i32
    %dma_wait3A_241 = tpu.memref_slice %arg6[%dma_wait3A_239, %dma_wait3A_240] : memref<10240x16xf32, #tpu.memory_space<vmem_shared>> -> memref<10240x16xf32, #tpu.memory_space<vmem_shared>>
    tpu.wait_indirect_dma semaphore(%arg12 : memref<!tpu.dma_semaphore, #tpu.memory_space<semaphore_mem>>) src(%dma_wait3A_235 : memref<1000x16xf32, #tpu.memory_space<vmem>>) dst(%dma_wait3A_241 : memref<10240x16xf32, #tpu.memory_space<vmem_shared>>)
    %barrier3A_242 = arith.constant 0 : index
    tpu.barrier barrier_id(%barrier3A_242)
    %mul3A_243 = arith.constant 640 : i32
    %mul3A_244 = arith.muli %arg1, %mul3A_243 : i32
    %mul3A_245 = arith.constant 640 : i32
    %mul3A_246 = arith.muli %arg1, %mul3A_245 : i32
    "tpu.region"() ({
      %run_scoped3A_247 = tpu.sem_alloc : memref<!tpu.dma_semaphore, #tpu.memory_space<semaphore_mem>>
      %dma_start3A_248 = arith.constant 0 : i32
      %dma_start3A_249 = tpu.memref_slice %arg5[%arg0, %mul3A_246, %dma_start3A_248] : memref<2x10240x16xf32, #tpu.memory_space<hbm>> -> memref<1x640x16xf32, #tpu.memory_space<hbm>>
      %dma_start3A_250 = tpu.memref_squeeze %dma_start3A_249 : memref<1x640x16xf32, #tpu.memory_space<hbm>> -> memref<640x16xf32, #tpu.memory_space<hbm>>
      %dma_start3A_251 = arith.constant 0 : i32
      %dma_start3A_252 = tpu.memref_slice %arg6[%mul3A_244, %dma_start3A_251] : memref<10240x16xf32, #tpu.memory_space<vmem_shared>> -> memref<640x16xf32, #tpu.memory_space<vmem_shared>>
      tpu.enqueue_dma source(%dma_start3A_252 : memref<640x16xf32, #tpu.memory_space<vmem_shared>>) target(%dma_start3A_250 : memref<640x16xf32, #tpu.memory_space<hbm>>) target_semaphore(%run_scoped3A_247 : memref<!tpu.dma_semaphore, #tpu.memory_space<semaphore_mem>>)
      %dma_wait3A_253 = arith.constant 0 : i32
      %dma_wait3A_254 = tpu.memref_slice %arg5[%arg0, %mul3A_246, %dma_wait3A_253] : memref<2x10240x16xf32, #tpu.memory_space<hbm>> -> memref<1x640x16xf32, #tpu.memory_space<hbm>>
      %dma_wait3A_255 = tpu.memref_squeeze %dma_wait3A_254 : memref<1x640x16xf32, #tpu.memory_space<hbm>> -> memref<640x16xf32, #tpu.memory_space<hbm>>
      %dma_wait3A_256 = arith.constant 0 : i32
      %dma_wait3A_257 = tpu.memref_slice %arg6[%mul3A_244, %dma_wait3A_256] : memref<10240x16xf32, #tpu.memory_space<vmem_shared>> -> memref<640x16xf32, #tpu.memory_space<vmem_shared>>
      tpu.wait_dma2 semaphore(%run_scoped3A_247 : memref<!tpu.dma_semaphore, #tpu.memory_space<semaphore_mem>>) src(%dma_wait3A_257 : memref<640x16xf32, #tpu.memory_space<vmem_shared>>) dst(%dma_wait3A_255 : memref<640x16xf32, #tpu.memory_space<hbm>>)
      tpu.yield
    }) : () -> ()
    return
  }
}

#map = affine_map<(d0, d1) -> (0, 0)>
#map1 = affine_map<(d0, d1) -> (0)>
#map2 = affine_map<(d0, d1) -> (0, 0, 0)>
module attributes {stable_mosaic.version = 14 : i64} {
  func.func @_sc_gs_body(%arg0: i32, %arg1: i32, %arg2: memref<10000x16xf32, #tpu.memory_space<hbm>>, %arg3: memref<160000xi32, #tpu.memory_space<hbm>>, %arg4: memref<160000xi32, #tpu.memory_space<hbm>>, %arg5: memref<2x10240x16xf32, #tpu.memory_space<hbm>>, %arg6: memref<10240x16xf32, #tpu.memory_space<vmem_shared>>, %arg7: memref<5000xi32, #tpu.memory_space<vmem>>, %arg8: memref<5x1000xi32, #tpu.memory_space<vmem>>, %arg9: memref<2x1000x16xf32, #tpu.memory_space<vmem>>, %arg10: memref<640x16xf32, #tpu.memory_space<vmem>>, %arg11: memref<!tpu.dma_semaphore, #tpu.memory_space<semaphore_mem>>, %arg12: memref<!tpu.dma_semaphore, #tpu.memory_space<semaphore_mem>>) attributes {dimension_semantics = [#tpu.dimension_semantics<core_parallel>, #tpu.dimension_semantics<subcore_parallel>], iteration_bounds = array<i64: 2, 16>, scalar_prefetch = 0 : i64, scratch_operands = 7 : i64, tpu.core_type = #tpu.core_type<sc_vector_subcore>, window_params = [{transform_indices = #map}, {transform_indices = #map1}, {transform_indices = #map1}, {transform_indices = #map2}]} {
    %scan3A = arith.constant 0 : i32
    %scan3A_0 = arith.constant 0 : i32
    %scan3A_1 = arith.constant 640 : i32
    %scan3A_2 = arith.addi %scan3A_0, %scan3A_1 : i32
    %scan3A_3 = arith.constant 1 : i32
    scf.for %scan3A_247 = %scan3A_0 to %scan3A_2 step %scan3A_3  : i32 {
      %broadcast_in_dim3A = arith.constant 0.000000e+00 : f32
      %broadcast_in_dim3A_248 = vector.broadcast %broadcast_in_dim3A : f32 to vector<16xf32>
      %swap3A = arith.index_cast %scan3A_247 : i32 to index
      %swap3A_249 = arith.constant 0 : index
      %swap3A_250 = tpu.vector_load %arg10[%swap3A, %swap3A_249] {strides = array<i32>} : memref<640x16xf32, #tpu.memory_space<vmem>>, vector<1x16xf32>,
      %swap3A_251 = vector.shape_cast %swap3A_250 : vector<1x16xf32> to vector<16xf32>
      %swap3A_252 = vector.shape_cast %broadcast_in_dim3A_248 : vector<16xf32> to vector<1x16xf32>
      tpu.vector_store %arg10[%swap3A, %swap3A_249], %swap3A_252 {strides = array<i32>} : memref<640x16xf32, #tpu.memory_space<vmem>>, vector<1x16xf32>,
    }
    %scan3A_4 = arith.constant 640 : i32
    %mul3A = arith.constant 640 : i32
    %mul3A_5 = arith.muli %arg1, %mul3A : i32
    "tpu.region"() ({
      %run_scoped3A_247 = tpu.sem_alloc : memref<!tpu.dma_semaphore, #tpu.memory_space<semaphore_mem>>
      %dma_start3A_248 = arith.constant 0 : i32
      %dma_start3A_249 = tpu.memref_slice %arg6[%mul3A_5, %dma_start3A_248] : memref<10240x16xf32, #tpu.memory_space<vmem_shared>> -> memref<640x16xf32, #tpu.memory_space<vmem_shared>>
      %dma_start3A_250 = arith.constant 0 : i32
      %dma_start3A_251 = tpu.memref_slice %arg6[%mul3A_5, %dma_start3A_250] : memref<10240x16xf32, #tpu.memory_space<vmem_shared>> -> memref<640x16xf32, #tpu.memory_space<vmem_shared>>
      tpu.enqueue_dma source(%arg10 : memref<640x16xf32, #tpu.memory_space<vmem>>) target(%dma_start3A_251 : memref<640x16xf32, #tpu.memory_space<vmem_shared>>) target_semaphore(%run_scoped3A_247 : memref<!tpu.dma_semaphore, #tpu.memory_space<semaphore_mem>>)
      %dma_wait3A_252 = arith.constant 0 : i32
      %dma_wait3A_253 = tpu.memref_slice %arg6[%mul3A_5, %dma_wait3A_252] : memref<10240x16xf32, #tpu.memory_space<vmem_shared>> -> memref<640x16xf32, #tpu.memory_space<vmem_shared>>
      %dma_wait3A_254 = arith.constant 0 : i32
      %dma_wait3A_255 = tpu.memref_slice %arg6[%mul3A_5, %dma_wait3A_254] : memref<10240x16xf32, #tpu.memory_space<vmem_shared>> -> memref<640x16xf32, #tpu.memory_space<vmem_shared>>
      tpu.wait_dma2 semaphore(%run_scoped3A_247 : memref<!tpu.dma_semaphore, #tpu.memory_space<semaphore_mem>>) src(%arg10 : memref<640x16xf32, #tpu.memory_space<vmem>>) dst(%dma_wait3A_255 : memref<640x16xf32, #tpu.memory_space<vmem_shared>>)
      tpu.yield
    }) : () -> ()
    %mul3A_6 = arith.constant 80000 : i32
    %mul3A_7 = arith.muli %arg0, %mul3A_6 : i32
    %mul3A_8 = arith.constant 5000 : i32
    %mul3A_9 = arith.muli %arg1, %mul3A_8 : i32
    %add3A = arith.addi %mul3A_7, %mul3A_9 : i32
    "tpu.region"() ({
      %run_scoped3A_247 = tpu.sem_alloc : memref<!tpu.dma_semaphore, #tpu.memory_space<semaphore_mem>>
      %dma_start3A_248 = tpu.memref_slice %arg3[%add3A] : memref<160000xi32, #tpu.memory_space<hbm>> -> memref<5000xi32, #tpu.memory_space<hbm>>
      %dma_start3A_249 = tpu.memref_slice %arg3[%add3A] : memref<160000xi32, #tpu.memory_space<hbm>> -> memref<5000xi32, #tpu.memory_space<hbm>>
      tpu.enqueue_dma source(%dma_start3A_249 : memref<5000xi32, #tpu.memory_space<hbm>>) target(%arg7 : memref<5000xi32, #tpu.memory_space<vmem>>) target_semaphore(%run_scoped3A_247 : memref<!tpu.dma_semaphore, #tpu.memory_space<semaphore_mem>>)
      %dma_wait3A_250 = tpu.memref_slice %arg3[%add3A] : memref<160000xi32, #tpu.memory_space<hbm>> -> memref<5000xi32, #tpu.memory_space<hbm>>
      %dma_wait3A_251 = tpu.memref_slice %arg3[%add3A] : memref<160000xi32, #tpu.memory_space<hbm>> -> memref<5000xi32, #tpu.memory_space<hbm>>
      tpu.wait_dma2 semaphore(%run_scoped3A_247 : memref<!tpu.dma_semaphore, #tpu.memory_space<semaphore_mem>>) src(%dma_wait3A_251 : memref<5000xi32, #tpu.memory_space<hbm>>) dst(%arg7 : memref<5000xi32, #tpu.memory_space<vmem>>)
      tpu.yield
    }) : () -> ()
    %add3A_10 = arith.constant 0 : i32
    %add3A_11 = arith.addi %add3A, %add3A_10 : i32
    %run_scoped3A = arith.constant 0 : i32
    "tpu.region"() ({
      %run_scoped3A_247 = tpu.sem_alloc : memref<!tpu.dma_semaphore, #tpu.memory_space<semaphore_mem>>
      %dma_start3A_248 = arith.constant 0 : i32
      %dma_start3A_249 = tpu.memref_slice %arg8[%run_scoped3A, %dma_start3A_248] : memref<5x1000xi32, #tpu.memory_space<vmem>> -> memref<1x1000xi32, #tpu.memory_space<vmem>>
      %dma_start3A_250 = tpu.memref_squeeze %dma_start3A_249 : memref<1x1000xi32, #tpu.memory_space<vmem>> -> memref<1000xi32, #tpu.memory_space<vmem>>
      %dma_start3A_251 = tpu.memref_slice %arg4[%add3A_11] : memref<160000xi32, #tpu.memory_space<hbm>> -> memref<1000xi32, #tpu.memory_space<hbm>>
      %dma_start3A_252 = arith.constant 0 : i32
      %dma_start3A_253 = tpu.memref_slice %arg8[%run_scoped3A, %dma_start3A_252] : memref<5x1000xi32, #tpu.memory_space<vmem>> -> memref<1x1000xi32, #tpu.memory_space<vmem>>
      %dma_start3A_254 = tpu.memref_squeeze %dma_start3A_253 : memref<1x1000xi32, #tpu.memory_space<vmem>> -> memref<1000xi32, #tpu.memory_space<vmem>>
      %dma_start3A_255 = tpu.memref_slice %arg4[%add3A_11] : memref<160000xi32, #tpu.memory_space<hbm>> -> memref<1000xi32, #tpu.memory_space<hbm>>
      tpu.enqueue_dma source(%dma_start3A_255 : memref<1000xi32, #tpu.memory_space<hbm>>) target(%dma_start3A_254 : memref<1000xi32, #tpu.memory_space<vmem>>) target_semaphore(%run_scoped3A_247 : memref<!tpu.dma_semaphore, #tpu.memory_space<semaphore_mem>>)
      %dma_wait3A_256 = arith.constant 0 : i32
      %dma_wait3A_257 = tpu.memref_slice %arg8[%run_scoped3A, %dma_wait3A_256] : memref<5x1000xi32, #tpu.memory_space<vmem>> -> memref<1x1000xi32, #tpu.memory_space<vmem>>
      %dma_wait3A_258 = tpu.memref_squeeze %dma_wait3A_257 : memref<1x1000xi32, #tpu.memory_space<vmem>> -> memref<1000xi32, #tpu.memory_space<vmem>>
      %dma_wait3A_259 = tpu.memref_slice %arg4[%add3A_11] : memref<160000xi32, #tpu.memory_space<hbm>> -> memref<1000xi32, #tpu.memory_space<hbm>>
      %dma_wait3A_260 = arith.constant 0 : i32
      %dma_wait3A_261 = tpu.memref_slice %arg8[%run_scoped3A, %dma_wait3A_260] : memref<5x1000xi32, #tpu.memory_space<vmem>> -> memref<1x1000xi32, #tpu.memory_space<vmem>>
      %dma_wait3A_262 = tpu.memref_squeeze %dma_wait3A_261 : memref<1x1000xi32, #tpu.memory_space<vmem>> -> memref<1000xi32, #tpu.memory_space<vmem>>
      %dma_wait3A_263 = tpu.memref_slice %arg4[%add3A_11] : memref<160000xi32, #tpu.memory_space<hbm>> -> memref<1000xi32, #tpu.memory_space<hbm>>
      tpu.wait_dma2 semaphore(%run_scoped3A_247 : memref<!tpu.dma_semaphore, #tpu.memory_space<semaphore_mem>>) src(%dma_wait3A_263 : memref<1000xi32, #tpu.memory_space<hbm>>) dst(%dma_wait3A_262 : memref<1000xi32, #tpu.memory_space<vmem>>)
      tpu.yield
    }) : () -> ()
    %add3A_12 = arith.constant 1000 : i32
    %add3A_13 = arith.addi %add3A, %add3A_12 : i32
    %run_scoped3A_14 = arith.constant 1 : i32
    "tpu.region"() ({
      %run_scoped3A_247 = tpu.sem_alloc : memref<!tpu.dma_semaphore, #tpu.memory_space<semaphore_mem>>
      %dma_start3A_248 = arith.constant 0 : i32
      %dma_start3A_249 = tpu.memref_slice %arg8[%run_scoped3A_14, %dma_start3A_248] : memref<5x1000xi32, #tpu.memory_space<vmem>> -> memref<1x1000xi32, #tpu.memory_space<vmem>>
      %dma_start3A_250 = tpu.memref_squeeze %dma_start3A_249 : memref<1x1000xi32, #tpu.memory_space<vmem>> -> memref<1000xi32, #tpu.memory_space<vmem>>
      %dma_start3A_251 = tpu.memref_slice %arg4[%add3A_13] : memref<160000xi32, #tpu.memory_space<hbm>> -> memref<1000xi32, #tpu.memory_space<hbm>>
      %dma_start3A_252 = arith.constant 0 : i32
      %dma_start3A_253 = tpu.memref_slice %arg8[%run_scoped3A_14, %dma_start3A_252] : memref<5x1000xi32, #tpu.memory_space<vmem>> -> memref<1x1000xi32, #tpu.memory_space<vmem>>
      %dma_start3A_254 = tpu.memref_squeeze %dma_start3A_253 : memref<1x1000xi32, #tpu.memory_space<vmem>> -> memref<1000xi32, #tpu.memory_space<vmem>>
      %dma_start3A_255 = tpu.memref_slice %arg4[%add3A_13] : memref<160000xi32, #tpu.memory_space<hbm>> -> memref<1000xi32, #tpu.memory_space<hbm>>
      tpu.enqueue_dma source(%dma_start3A_255 : memref<1000xi32, #tpu.memory_space<hbm>>) target(%dma_start3A_254 : memref<1000xi32, #tpu.memory_space<vmem>>) target_semaphore(%run_scoped3A_247 : memref<!tpu.dma_semaphore, #tpu.memory_space<semaphore_mem>>)
      %dma_wait3A_256 = arith.constant 0 : i32
      %dma_wait3A_257 = tpu.memref_slice %arg8[%run_scoped3A_14, %dma_wait3A_256] : memref<5x1000xi32, #tpu.memory_space<vmem>> -> memref<1x1000xi32, #tpu.memory_space<vmem>>
      %dma_wait3A_258 = tpu.memref_squeeze %dma_wait3A_257 : memref<1x1000xi32, #tpu.memory_space<vmem>> -> memref<1000xi32, #tpu.memory_space<vmem>>
      %dma_wait3A_259 = tpu.memref_slice %arg4[%add3A_13] : memref<160000xi32, #tpu.memory_space<hbm>> -> memref<1000xi32, #tpu.memory_space<hbm>>
      %dma_wait3A_260 = arith.constant 0 : i32
      %dma_wait3A_261 = tpu.memref_slice %arg8[%run_scoped3A_14, %dma_wait3A_260] : memref<5x1000xi32, #tpu.memory_space<vmem>> -> memref<1x1000xi32, #tpu.memory_space<vmem>>
      %dma_wait3A_262 = tpu.memref_squeeze %dma_wait3A_261 : memref<1x1000xi32, #tpu.memory_space<vmem>> -> memref<1000xi32, #tpu.memory_space<vmem>>
      %dma_wait3A_263 = tpu.memref_slice %arg4[%add3A_13] : memref<160000xi32, #tpu.memory_space<hbm>> -> memref<1000xi32, #tpu.memory_space<hbm>>
      tpu.wait_dma2 semaphore(%run_scoped3A_247 : memref<!tpu.dma_semaphore, #tpu.memory_space<semaphore_mem>>) src(%dma_wait3A_263 : memref<1000xi32, #tpu.memory_space<hbm>>) dst(%dma_wait3A_262 : memref<1000xi32, #tpu.memory_space<vmem>>)
      tpu.yield
    }) : () -> ()
    %add3A_15 = arith.constant 2000 : i32
    %add3A_16 = arith.addi %add3A, %add3A_15 : i32
    %run_scoped3A_17 = arith.constant 2 : i32
    "tpu.region"() ({
      %run_scoped3A_247 = tpu.sem_alloc : memref<!tpu.dma_semaphore, #tpu.memory_space<semaphore_mem>>
      %dma_start3A_248 = arith.constant 0 : i32
      %dma_start3A_249 = tpu.memref_slice %arg8[%run_scoped3A_17, %dma_start3A_248] : memref<5x1000xi32, #tpu.memory_space<vmem>> -> memref<1x1000xi32, #tpu.memory_space<vmem>>
      %dma_start3A_250 = tpu.memref_squeeze %dma_start3A_249 : memref<1x1000xi32, #tpu.memory_space<vmem>> -> memref<1000xi32, #tpu.memory_space<vmem>>
      %dma_start3A_251 = tpu.memref_slice %arg4[%add3A_16] : memref<160000xi32, #tpu.memory_space<hbm>> -> memref<1000xi32, #tpu.memory_space<hbm>>
      %dma_start3A_252 = arith.constant 0 : i32
      %dma_start3A_253 = tpu.memref_slice %arg8[%run_scoped3A_17, %dma_start3A_252] : memref<5x1000xi32, #tpu.memory_space<vmem>> -> memref<1x1000xi32, #tpu.memory_space<vmem>>
      %dma_start3A_254 = tpu.memref_squeeze %dma_start3A_253 : memref<1x1000xi32, #tpu.memory_space<vmem>> -> memref<1000xi32, #tpu.memory_space<vmem>>
      %dma_start3A_255 = tpu.memref_slice %arg4[%add3A_16] : memref<160000xi32, #tpu.memory_space<hbm>> -> memref<1000xi32, #tpu.memory_space<hbm>>
      tpu.enqueue_dma source(%dma_start3A_255 : memref<1000xi32, #tpu.memory_space<hbm>>) target(%dma_start3A_254 : memref<1000xi32, #tpu.memory_space<vmem>>) target_semaphore(%run_scoped3A_247 : memref<!tpu.dma_semaphore, #tpu.memory_space<semaphore_mem>>)
      %dma_wait3A_256 = arith.constant 0 : i32
      %dma_wait3A_257 = tpu.memref_slice %arg8[%run_scoped3A_17, %dma_wait3A_256] : memref<5x1000xi32, #tpu.memory_space<vmem>> -> memref<1x1000xi32, #tpu.memory_space<vmem>>
      %dma_wait3A_258 = tpu.memref_squeeze %dma_wait3A_257 : memref<1x1000xi32, #tpu.memory_space<vmem>> -> memref<1000xi32, #tpu.memory_space<vmem>>
      %dma_wait3A_259 = tpu.memref_slice %arg4[%add3A_16] : memref<160000xi32, #tpu.memory_space<hbm>> -> memref<1000xi32, #tpu.memory_space<hbm>>
      %dma_wait3A_260 = arith.constant 0 : i32
      %dma_wait3A_261 = tpu.memref_slice %arg8[%run_scoped3A_17, %dma_wait3A_260] : memref<5x1000xi32, #tpu.memory_space<vmem>> -> memref<1x1000xi32, #tpu.memory_space<vmem>>
      %dma_wait3A_262 = tpu.memref_squeeze %dma_wait3A_261 : memref<1x1000xi32, #tpu.memory_space<vmem>> -> memref<1000xi32, #tpu.memory_space<vmem>>
      %dma_wait3A_263 = tpu.memref_slice %arg4[%add3A_16] : memref<160000xi32, #tpu.memory_space<hbm>> -> memref<1000xi32, #tpu.memory_space<hbm>>
      tpu.wait_dma2 semaphore(%run_scoped3A_247 : memref<!tpu.dma_semaphore, #tpu.memory_space<semaphore_mem>>) src(%dma_wait3A_263 : memref<1000xi32, #tpu.memory_space<hbm>>) dst(%dma_wait3A_262 : memref<1000xi32, #tpu.memory_space<vmem>>)
      tpu.yield
    }) : () -> ()
    %add3A_18 = arith.constant 3000 : i32
    %add3A_19 = arith.addi %add3A, %add3A_18 : i32
    %run_scoped3A_20 = arith.constant 3 : i32
    "tpu.region"() ({
      %run_scoped3A_247 = tpu.sem_alloc : memref<!tpu.dma_semaphore, #tpu.memory_space<semaphore_mem>>
      %dma_start3A_248 = arith.constant 0 : i32
      %dma_start3A_249 = tpu.memref_slice %arg8[%run_scoped3A_20, %dma_start3A_248] : memref<5x1000xi32, #tpu.memory_space<vmem>> -> memref<1x1000xi32, #tpu.memory_space<vmem>>
      %dma_start3A_250 = tpu.memref_squeeze %dma_start3A_249 : memref<1x1000xi32, #tpu.memory_space<vmem>> -> memref<1000xi32, #tpu.memory_space<vmem>>
      %dma_start3A_251 = tpu.memref_slice %arg4[%add3A_19] : memref<160000xi32, #tpu.memory_space<hbm>> -> memref<1000xi32, #tpu.memory_space<hbm>>
      %dma_start3A_252 = arith.constant 0 : i32
      %dma_start3A_253 = tpu.memref_slice %arg8[%run_scoped3A_20, %dma_start3A_252] : memref<5x1000xi32, #tpu.memory_space<vmem>> -> memref<1x1000xi32, #tpu.memory_space<vmem>>
      %dma_start3A_254 = tpu.memref_squeeze %dma_start3A_253 : memref<1x1000xi32, #tpu.memory_space<vmem>> -> memref<1000xi32, #tpu.memory_space<vmem>>
      %dma_start3A_255 = tpu.memref_slice %arg4[%add3A_19] : memref<160000xi32, #tpu.memory_space<hbm>> -> memref<1000xi32, #tpu.memory_space<hbm>>
      tpu.enqueue_dma source(%dma_start3A_255 : memref<1000xi32, #tpu.memory_space<hbm>>) target(%dma_start3A_254 : memref<1000xi32, #tpu.memory_space<vmem>>) target_semaphore(%run_scoped3A_247 : memref<!tpu.dma_semaphore, #tpu.memory_space<semaphore_mem>>)
      %dma_wait3A_256 = arith.constant 0 : i32
      %dma_wait3A_257 = tpu.memref_slice %arg8[%run_scoped3A_20, %dma_wait3A_256] : memref<5x1000xi32, #tpu.memory_space<vmem>> -> memref<1x1000xi32, #tpu.memory_space<vmem>>
      %dma_wait3A_258 = tpu.memref_squeeze %dma_wait3A_257 : memref<1x1000xi32, #tpu.memory_space<vmem>> -> memref<1000xi32, #tpu.memory_space<vmem>>
      %dma_wait3A_259 = tpu.memref_slice %arg4[%add3A_19] : memref<160000xi32, #tpu.memory_space<hbm>> -> memref<1000xi32, #tpu.memory_space<hbm>>
      %dma_wait3A_260 = arith.constant 0 : i32
      %dma_wait3A_261 = tpu.memref_slice %arg8[%run_scoped3A_20, %dma_wait3A_260] : memref<5x1000xi32, #tpu.memory_space<vmem>> -> memref<1x1000xi32, #tpu.memory_space<vmem>>
      %dma_wait3A_262 = tpu.memref_squeeze %dma_wait3A_261 : memref<1x1000xi32, #tpu.memory_space<vmem>> -> memref<1000xi32, #tpu.memory_space<vmem>>
      %dma_wait3A_263 = tpu.memref_slice %arg4[%add3A_19] : memref<160000xi32, #tpu.memory_space<hbm>> -> memref<1000xi32, #tpu.memory_space<hbm>>
      tpu.wait_dma2 semaphore(%run_scoped3A_247 : memref<!tpu.dma_semaphore, #tpu.memory_space<semaphore_mem>>) src(%dma_wait3A_263 : memref<1000xi32, #tpu.memory_space<hbm>>) dst(%dma_wait3A_262 : memref<1000xi32, #tpu.memory_space<vmem>>)
      tpu.yield
    }) : () -> ()
    %add3A_21 = arith.constant 4000 : i32
    %add3A_22 = arith.addi %add3A, %add3A_21 : i32
    %run_scoped3A_23 = arith.constant 4 : i32
    "tpu.region"() ({
      %run_scoped3A_247 = tpu.sem_alloc : memref<!tpu.dma_semaphore, #tpu.memory_space<semaphore_mem>>
      %dma_start3A_248 = arith.constant 0 : i32
      %dma_start3A_249 = tpu.memref_slice %arg8[%run_scoped3A_23, %dma_start3A_248] : memref<5x1000xi32, #tpu.memory_space<vmem>> -> memref<1x1000xi32, #tpu.memory_space<vmem>>
      %dma_start3A_250 = tpu.memref_squeeze %dma_start3A_249 : memref<1x1000xi32, #tpu.memory_space<vmem>> -> memref<1000xi32, #tpu.memory_space<vmem>>
      %dma_start3A_251 = tpu.memref_slice %arg4[%add3A_22] : memref<160000xi32, #tpu.memory_space<hbm>> -> memref<1000xi32, #tpu.memory_space<hbm>>
      %dma_start3A_252 = arith.constant 0 : i32
      %dma_start3A_253 = tpu.memref_slice %arg8[%run_scoped3A_23, %dma_start3A_252] : memref<5x1000xi32, #tpu.memory_space<vmem>> -> memref<1x1000xi32, #tpu.memory_space<vmem>>
      %dma_start3A_254 = tpu.memref_squeeze %dma_start3A_253 : memref<1x1000xi32, #tpu.memory_space<vmem>> -> memref<1000xi32, #tpu.memory_space<vmem>>
      %dma_start3A_255 = tpu.memref_slice %arg4[%add3A_22] : memref<160000xi32, #tpu.memory_space<hbm>> -> memref<1000xi32, #tpu.memory_space<hbm>>
      tpu.enqueue_dma source(%dma_start3A_255 : memref<1000xi32, #tpu.memory_space<hbm>>) target(%dma_start3A_254 : memref<1000xi32, #tpu.memory_space<vmem>>) target_semaphore(%run_scoped3A_247 : memref<!tpu.dma_semaphore, #tpu.memory_space<semaphore_mem>>)
      %dma_wait3A_256 = arith.constant 0 : i32
      %dma_wait3A_257 = tpu.memref_slice %arg8[%run_scoped3A_23, %dma_wait3A_256] : memref<5x1000xi32, #tpu.memory_space<vmem>> -> memref<1x1000xi32, #tpu.memory_space<vmem>>
      %dma_wait3A_258 = tpu.memref_squeeze %dma_wait3A_257 : memref<1x1000xi32, #tpu.memory_space<vmem>> -> memref<1000xi32, #tpu.memory_space<vmem>>
      %dma_wait3A_259 = tpu.memref_slice %arg4[%add3A_22] : memref<160000xi32, #tpu.memory_space<hbm>> -> memref<1000xi32, #tpu.memory_space<hbm>>
      %dma_wait3A_260 = arith.constant 0 : i32
      %dma_wait3A_261 = tpu.memref_slice %arg8[%run_scoped3A_23, %dma_wait3A_260] : memref<5x1000xi32, #tpu.memory_space<vmem>> -> memref<1x1000xi32, #tpu.memory_space<vmem>>
      %dma_wait3A_262 = tpu.memref_squeeze %dma_wait3A_261 : memref<1x1000xi32, #tpu.memory_space<vmem>> -> memref<1000xi32, #tpu.memory_space<vmem>>
      %dma_wait3A_263 = tpu.memref_slice %arg4[%add3A_22] : memref<160000xi32, #tpu.memory_space<hbm>> -> memref<1000xi32, #tpu.memory_space<hbm>>
      tpu.wait_dma2 semaphore(%run_scoped3A_247 : memref<!tpu.dma_semaphore, #tpu.memory_space<semaphore_mem>>) src(%dma_wait3A_263 : memref<1000xi32, #tpu.memory_space<hbm>>) dst(%dma_wait3A_262 : memref<1000xi32, #tpu.memory_space<vmem>>)
      tpu.yield
    }) : () -> ()
    %barrier3A = arith.constant 0 : index
    tpu.barrier barrier_id(%barrier3A)
    %dma_start3A = arith.constant 0 : i32
    %dma_start3A_24 = arith.constant 0 : i32
    %dma_start3A_25 = arith.constant 0 : i32
    %dma_start3A_26 = tpu.memref_slice %arg9[%dma_start3A, %dma_start3A_24, %dma_start3A_25] : memref<2x1000x16xf32, #tpu.memory_space<vmem>> -> memref<1x1000x16xf32, #tpu.memory_space<vmem>>
    %dma_start3A_27 = tpu.memref_squeeze %dma_start3A_26 : memref<1x1000x16xf32, #tpu.memory_space<vmem>> -> memref<1000x16xf32, #tpu.memory_space<vmem>>
    %dma_start3A_28 = arith.constant 0 : i32
    %dma_start3A_29 = tpu.memref_slice %arg7[%dma_start3A_28] : memref<5000xi32, #tpu.memory_space<vmem>> -> memref<1000xi32, #tpu.memory_space<vmem>>
    %dma_start3A_30 = arith.constant 0 : i32
    %dma_start3A_31 = arith.constant 0 : i32
    %dma_start3A_32 = tpu.memref_slice %arg2[%dma_start3A_30, %dma_start3A_31] : memref<10000x16xf32, #tpu.memory_space<hbm>> -> memref<10000x16xf32, #tpu.memory_space<hbm>>
    tpu.enqueue_indirect_dma source(%dma_start3A_32 : memref<10000x16xf32, #tpu.memory_space<hbm>>) target(%dma_start3A_27 : memref<1000x16xf32, #tpu.memory_space<vmem>>) offsets(%dma_start3A_29 : memref<1000xi32, #tpu.memory_space<vmem>>) semaphore(%arg11 : memref<!tpu.dma_semaphore, #tpu.memory_space<semaphore_mem>>)
    %dma_start3A_33 = arith.constant 1 : i32
    %dma_start3A_34 = arith.constant 0 : i32
    %dma_start3A_35 = arith.constant 0 : i32
    %dma_start3A_36 = tpu.memref_slice %arg9[%dma_start3A_33, %dma_start3A_34, %dma_start3A_35] : memref<2x1000x16xf32, #tpu.memory_space<vmem>> -> memref<1x1000x16xf32, #tpu.memory_space<vmem>>
    %dma_start3A_37 = tpu.memref_squeeze %dma_start3A_36 : memref<1x1000x16xf32, #tpu.memory_space<vmem>> -> memref<1000x16xf32, #tpu.memory_space<vmem>>
    %dma_start3A_38 = arith.constant 1000 : i32
    %dma_start3A_39 = tpu.memref_slice %arg7[%dma_start3A_38] : memref<5000xi32, #tpu.memory_space<vmem>> -> memref<1000xi32, #tpu.memory_space<vmem>>
    %dma_start3A_40 = arith.constant 0 : i32
    %dma_start3A_41 = arith.constant 0 : i32
    %dma_start3A_42 = tpu.memref_slice %arg2[%dma_start3A_40, %dma_start3A_41] : memref<10000x16xf32, #tpu.memory_space<hbm>> -> memref<10000x16xf32, #tpu.memory_space<hbm>>
    tpu.enqueue_indirect_dma source(%dma_start3A_42 : memref<10000x16xf32, #tpu.memory_space<hbm>>) target(%dma_start3A_37 : memref<1000x16xf32, #tpu.memory_space<vmem>>) offsets(%dma_start3A_39 : memref<1000xi32, #tpu.memory_space<vmem>>) semaphore(%arg11 : memref<!tpu.dma_semaphore, #tpu.memory_space<semaphore_mem>>)
    %dma_wait3A = arith.constant 0 : i32
    %dma_wait3A_43 = arith.constant 0 : i32
    %dma_wait3A_44 = arith.constant 0 : i32
    %dma_wait3A_45 = tpu.memref_slice %arg9[%dma_wait3A, %dma_wait3A_43, %dma_wait3A_44] : memref<2x1000x16xf32, #tpu.memory_space<vmem>> -> memref<1x1000x16xf32, #tpu.memory_space<vmem>>
    %dma_wait3A_46 = tpu.memref_squeeze %dma_wait3A_45 : memref<1x1000x16xf32, #tpu.memory_space<vmem>> -> memref<1000x16xf32, #tpu.memory_space<vmem>>
    %dma_wait3A_47 = arith.constant 0 : i32
    %dma_wait3A_48 = tpu.memref_slice %arg7[%dma_wait3A_47] : memref<5000xi32, #tpu.memory_space<vmem>> -> memref<1000xi32, #tpu.memory_space<vmem>>
    %dma_wait3A_49 = arith.constant 0 : i32
    %dma_wait3A_50 = arith.constant 0 : i32
    %dma_wait3A_51 = tpu.memref_slice %arg2[%dma_wait3A_49, %dma_wait3A_50] : memref<10000x16xf32, #tpu.memory_space<hbm>> -> memref<10000x16xf32, #tpu.memory_space<hbm>>
    tpu.wait_indirect_dma semaphore(%arg11 : memref<!tpu.dma_semaphore, #tpu.memory_space<semaphore_mem>>) src(%dma_wait3A_51 : memref<10000x16xf32, #tpu.memory_space<hbm>>) dst(%dma_wait3A_46 : memref<1000x16xf32, #tpu.memory_space<vmem>>)
    %dma_start3A_52 = arith.constant 0 : i32
    %dma_start3A_53 = arith.constant 0 : i32
    %dma_start3A_54 = arith.constant 0 : i32
    %dma_start3A_55 = arith.constant 0 : i32
    %dma_start3A_56 = tpu.memref_slice %arg9[%dma_start3A_52, %dma_start3A_54, %dma_start3A_55] : memref<2x1000x16xf32, #tpu.memory_space<vmem>> -> memref<1x1000x16xf32, #tpu.memory_space<vmem>>
    %dma_start3A_57 = tpu.memref_squeeze %dma_start3A_56 : memref<1x1000x16xf32, #tpu.memory_space<vmem>> -> memref<1000x16xf32, #tpu.memory_space<vmem>>
    %dma_start3A_58 = arith.constant 0 : i32
    %dma_start3A_59 = tpu.memref_slice %arg8[%dma_start3A_53, %dma_start3A_58] : memref<5x1000xi32, #tpu.memory_space<vmem>> -> memref<1x1000xi32, #tpu.memory_space<vmem>>
    %dma_start3A_60 = tpu.memref_squeeze %dma_start3A_59 : memref<1x1000xi32, #tpu.memory_space<vmem>> -> memref<1000xi32, #tpu.memory_space<vmem>>
    %dma_start3A_61 = arith.constant 0 : i32
    %dma_start3A_62 = arith.constant 0 : i32
    %dma_start3A_63 = tpu.memref_slice %arg6[%dma_start3A_61, %dma_start3A_62] : memref<10240x16xf32, #tpu.memory_space<vmem_shared>> -> memref<10240x16xf32, #tpu.memory_space<vmem_shared>>
    tpu.enqueue_indirect_dma source(%dma_start3A_57 : memref<1000x16xf32, #tpu.memory_space<vmem>>) target(%dma_start3A_63 : memref<10240x16xf32, #tpu.memory_space<vmem_shared>>) offsets(%dma_start3A_60 : memref<1000xi32, #tpu.memory_space<vmem>>) semaphore(%arg12 : memref<!tpu.dma_semaphore, #tpu.memory_space<semaphore_mem>>) {add = true}
    %dma_wait3A_64 = arith.constant 0 : i32
    %dma_wait3A_65 = arith.constant 0 : i32
    %dma_wait3A_66 = arith.constant 0 : i32
    %dma_wait3A_67 = arith.constant 0 : i32
    %dma_wait3A_68 = tpu.memref_slice %arg9[%dma_wait3A_64, %dma_wait3A_66, %dma_wait3A_67] : memref<2x1000x16xf32, #tpu.memory_space<vmem>> -> memref<1x1000x16xf32, #tpu.memory_space<vmem>>
    %dma_wait3A_69 = tpu.memref_squeeze %dma_wait3A_68 : memref<1x1000x16xf32, #tpu.memory_space<vmem>> -> memref<1000x16xf32, #tpu.memory_space<vmem>>
    %dma_wait3A_70 = arith.constant 0 : i32
    %dma_wait3A_71 = tpu.memref_slice %arg8[%dma_wait3A_65, %dma_wait3A_70] : memref<5x1000xi32, #tpu.memory_space<vmem>> -> memref<1x1000xi32, #tpu.memory_space<vmem>>
    %dma_wait3A_72 = tpu.memref_squeeze %dma_wait3A_71 : memref<1x1000xi32, #tpu.memory_space<vmem>> -> memref<1000xi32, #tpu.memory_space<vmem>>
    %dma_wait3A_73 = arith.constant 0 : i32
    %dma_wait3A_74 = arith.constant 0 : i32
    %dma_wait3A_75 = tpu.memref_slice %arg6[%dma_wait3A_73, %dma_wait3A_74] : memref<10240x16xf32, #tpu.memory_space<vmem_shared>> -> memref<10240x16xf32, #tpu.memory_space<vmem_shared>>
    tpu.wait_indirect_dma semaphore(%arg12 : memref<!tpu.dma_semaphore, #tpu.memory_space<semaphore_mem>>) src(%dma_wait3A_69 : memref<1000x16xf32, #tpu.memory_space<vmem>>) dst(%dma_wait3A_75 : memref<10240x16xf32, #tpu.memory_space<vmem_shared>>)
    %dma_start3A_76 = arith.constant 0 : i32
    %dma_start3A_77 = arith.constant 0 : i32
    %dma_start3A_78 = arith.constant 0 : i32
    %dma_start3A_79 = tpu.memref_slice %arg9[%dma_start3A_76, %dma_start3A_77, %dma_start3A_78] : memref<2x1000x16xf32, #tpu.memory_space<vmem>> -> memref<1x1000x16xf32, #tpu.memory_space<vmem>>
    %dma_start3A_80 = tpu.memref_squeeze %dma_start3A_79 : memref<1x1000x16xf32, #tpu.memory_space<vmem>> -> memref<1000x16xf32, #tpu.memory_space<vmem>>
    %dma_start3A_81 = arith.constant 2000 : i32
    %dma_start3A_82 = tpu.memref_slice %arg7[%dma_start3A_81] : memref<5000xi32, #tpu.memory_space<vmem>> -> memref<1000xi32, #tpu.memory_space<vmem>>
    %dma_start3A_83 = arith.constant 0 : i32
    %dma_start3A_84 = arith.constant 0 : i32
    %dma_start3A_85 = tpu.memref_slice %arg2[%dma_start3A_83, %dma_start3A_84] : memref<10000x16xf32, #tpu.memory_space<hbm>> -> memref<10000x16xf32, #tpu.memory_space<hbm>>
    tpu.enqueue_indirect_dma source(%dma_start3A_85 : memref<10000x16xf32, #tpu.memory_space<hbm>>) target(%dma_start3A_80 : memref<1000x16xf32, #tpu.memory_space<vmem>>) offsets(%dma_start3A_82 : memref<1000xi32, #tpu.memory_space<vmem>>) semaphore(%arg11 : memref<!tpu.dma_semaphore, #tpu.memory_space<semaphore_mem>>)
    %dma_wait3A_86 = arith.constant 1 : i32
    %dma_wait3A_87 = arith.constant 0 : i32
    %dma_wait3A_88 = arith.constant 0 : i32
    %dma_wait3A_89 = tpu.memref_slice %arg9[%dma_wait3A_86, %dma_wait3A_87, %dma_wait3A_88] : memref<2x1000x16xf32, #tpu.memory_space<vmem>> -> memref<1x1000x16xf32, #tpu.memory_space<vmem>>
    %dma_wait3A_90 = tpu.memref_squeeze %dma_wait3A_89 : memref<1x1000x16xf32, #tpu.memory_space<vmem>> -> memref<1000x16xf32, #tpu.memory_space<vmem>>
    %dma_wait3A_91 = arith.constant 1000 : i32
    %dma_wait3A_92 = tpu.memref_slice %arg7[%dma_wait3A_91] : memref<5000xi32, #tpu.memory_space<vmem>> -> memref<1000xi32, #tpu.memory_space<vmem>>
    %dma_wait3A_93 = arith.constant 0 : i32
    %dma_wait3A_94 = arith.constant 0 : i32
    %dma_wait3A_95 = tpu.memref_slice %arg2[%dma_wait3A_93, %dma_wait3A_94] : memref<10000x16xf32, #tpu.memory_space<hbm>> -> memref<10000x16xf32, #tpu.memory_space<hbm>>
    tpu.wait_indirect_dma semaphore(%arg11 : memref<!tpu.dma_semaphore, #tpu.memory_space<semaphore_mem>>) src(%dma_wait3A_95 : memref<10000x16xf32, #tpu.memory_space<hbm>>) dst(%dma_wait3A_90 : memref<1000x16xf32, #tpu.memory_space<vmem>>)
    %dma_start3A_96 = arith.constant 1 : i32
    %dma_start3A_97 = arith.constant 1 : i32
    %dma_start3A_98 = arith.constant 0 : i32
    %dma_start3A_99 = arith.constant 0 : i32
    %dma_start3A_100 = tpu.memref_slice %arg9[%dma_start3A_96, %dma_start3A_98, %dma_start3A_99] : memref<2x1000x16xf32, #tpu.memory_space<vmem>> -> memref<1x1000x16xf32, #tpu.memory_space<vmem>>
    %dma_start3A_101 = tpu.memref_squeeze %dma_start3A_100 : memref<1x1000x16xf32, #tpu.memory_space<vmem>> -> memref<1000x16xf32, #tpu.memory_space<vmem>>
    %dma_start3A_102 = arith.constant 0 : i32
    %dma_start3A_103 = tpu.memref_slice %arg8[%dma_start3A_97, %dma_start3A_102] : memref<5x1000xi32, #tpu.memory_space<vmem>> -> memref<1x1000xi32, #tpu.memory_space<vmem>>
    %dma_start3A_104 = tpu.memref_squeeze %dma_start3A_103 : memref<1x1000xi32, #tpu.memory_space<vmem>> -> memref<1000xi32, #tpu.memory_space<vmem>>
    %dma_start3A_105 = arith.constant 0 : i32
    %dma_start3A_106 = arith.constant 0 : i32
    %dma_start3A_107 = tpu.memref_slice %arg6[%dma_start3A_105, %dma_start3A_106] : memref<10240x16xf32, #tpu.memory_space<vmem_shared>> -> memref<10240x16xf32, #tpu.memory_space<vmem_shared>>
    tpu.enqueue_indirect_dma source(%dma_start3A_101 : memref<1000x16xf32, #tpu.memory_space<vmem>>) target(%dma_start3A_107 : memref<10240x16xf32, #tpu.memory_space<vmem_shared>>) offsets(%dma_start3A_104 : memref<1000xi32, #tpu.memory_space<vmem>>) semaphore(%arg12 : memref<!tpu.dma_semaphore, #tpu.memory_space<semaphore_mem>>) {add = true}
    %dma_wait3A_108 = arith.constant 1 : i32
    %dma_wait3A_109 = arith.constant 1 : i32
    %dma_wait3A_110 = arith.constant 0 : i32
    %dma_wait3A_111 = arith.constant 0 : i32
    %dma_wait3A_112 = tpu.memref_slice %arg9[%dma_wait3A_108, %dma_wait3A_110, %dma_wait3A_111] : memref<2x1000x16xf32, #tpu.memory_space<vmem>> -> memref<1x1000x16xf32, #tpu.memory_space<vmem>>
    %dma_wait3A_113 = tpu.memref_squeeze %dma_wait3A_112 : memref<1x1000x16xf32, #tpu.memory_space<vmem>> -> memref<1000x16xf32, #tpu.memory_space<vmem>>
    %dma_wait3A_114 = arith.constant 0 : i32
    %dma_wait3A_115 = tpu.memref_slice %arg8[%dma_wait3A_109, %dma_wait3A_114] : memref<5x1000xi32, #tpu.memory_space<vmem>> -> memref<1x1000xi32, #tpu.memory_space<vmem>>
    %dma_wait3A_116 = tpu.memref_squeeze %dma_wait3A_115 : memref<1x1000xi32, #tpu.memory_space<vmem>> -> memref<1000xi32, #tpu.memory_space<vmem>>
    %dma_wait3A_117 = arith.constant 0 : i32
    %dma_wait3A_118 = arith.constant 0 : i32
    %dma_wait3A_119 = tpu.memref_slice %arg6[%dma_wait3A_117, %dma_wait3A_118] : memref<10240x16xf32, #tpu.memory_space<vmem_shared>> -> memref<10240x16xf32, #tpu.memory_space<vmem_shared>>
    tpu.wait_indirect_dma semaphore(%arg12 : memref<!tpu.dma_semaphore, #tpu.memory_space<semaphore_mem>>) src(%dma_wait3A_113 : memref<1000x16xf32, #tpu.memory_space<vmem>>) dst(%dma_wait3A_119 : memref<10240x16xf32, #tpu.memory_space<vmem_shared>>)
    %dma_start3A_120 = arith.constant 1 : i32
    %dma_start3A_121 = arith.constant 0 : i32
    %dma_start3A_122 = arith.constant 0 : i32
    %dma_start3A_123 = tpu.memref_slice %arg9[%dma_start3A_120, %dma_start3A_121, %dma_start3A_122] : memref<2x1000x16xf32, #tpu.memory_space<vmem>> -> memref<1x1000x16xf32, #tpu.memory_space<vmem>>
    %dma_start3A_124 = tpu.memref_squeeze %dma_start3A_123 : memref<1x1000x16xf32, #tpu.memory_space<vmem>> -> memref<1000x16xf32, #tpu.memory_space<vmem>>
    %dma_start3A_125 = arith.constant 3000 : i32
    %dma_start3A_126 = tpu.memref_slice %arg7[%dma_start3A_125] : memref<5000xi32, #tpu.memory_space<vmem>> -> memref<1000xi32, #tpu.memory_space<vmem>>
    %dma_start3A_127 = arith.constant 0 : i32
    %dma_start3A_128 = arith.constant 0 : i32
    %dma_start3A_129 = tpu.memref_slice %arg2[%dma_start3A_127, %dma_start3A_128] : memref<10000x16xf32, #tpu.memory_space<hbm>> -> memref<10000x16xf32, #tpu.memory_space<hbm>>
    tpu.enqueue_indirect_dma source(%dma_start3A_129 : memref<10000x16xf32, #tpu.memory_space<hbm>>) target(%dma_start3A_124 : memref<1000x16xf32, #tpu.memory_space<vmem>>) offsets(%dma_start3A_126 : memref<1000xi32, #tpu.memory_space<vmem>>) semaphore(%arg11 : memref<!tpu.dma_semaphore, #tpu.memory_space<semaphore_mem>>)
    %dma_wait3A_130 = arith.constant 0 : i32
    %dma_wait3A_131 = arith.constant 0 : i32
    %dma_wait3A_132 = arith.constant 0 : i32
    %dma_wait3A_133 = tpu.memref_slice %arg9[%dma_wait3A_130, %dma_wait3A_131, %dma_wait3A_132] : memref<2x1000x16xf32, #tpu.memory_space<vmem>> -> memref<1x1000x16xf32, #tpu.memory_space<vmem>>
    %dma_wait3A_134 = tpu.memref_squeeze %dma_wait3A_133 : memref<1x1000x16xf32, #tpu.memory_space<vmem>> -> memref<1000x16xf32, #tpu.memory_space<vmem>>
    %dma_wait3A_135 = arith.constant 2000 : i32
    %dma_wait3A_136 = tpu.memref_slice %arg7[%dma_wait3A_135] : memref<5000xi32, #tpu.memory_space<vmem>> -> memref<1000xi32, #tpu.memory_space<vmem>>
    %dma_wait3A_137 = arith.constant 0 : i32
    %dma_wait3A_138 = arith.constant 0 : i32
    %dma_wait3A_139 = tpu.memref_slice %arg2[%dma_wait3A_137, %dma_wait3A_138] : memref<10000x16xf32, #tpu.memory_space<hbm>> -> memref<10000x16xf32, #tpu.memory_space<hbm>>
    tpu.wait_indirect_dma semaphore(%arg11 : memref<!tpu.dma_semaphore, #tpu.memory_space<semaphore_mem>>) src(%dma_wait3A_139 : memref<10000x16xf32, #tpu.memory_space<hbm>>) dst(%dma_wait3A_134 : memref<1000x16xf32, #tpu.memory_space<vmem>>)
    %dma_start3A_140 = arith.constant 0 : i32
    %dma_start3A_141 = arith.constant 2 : i32
    %dma_start3A_142 = arith.constant 0 : i32
    %dma_start3A_143 = arith.constant 0 : i32
    %dma_start3A_144 = tpu.memref_slice %arg9[%dma_start3A_140, %dma_start3A_142, %dma_start3A_143] : memref<2x1000x16xf32, #tpu.memory_space<vmem>> -> memref<1x1000x16xf32, #tpu.memory_space<vmem>>
    %dma_start3A_145 = tpu.memref_squeeze %dma_start3A_144 : memref<1x1000x16xf32, #tpu.memory_space<vmem>> -> memref<1000x16xf32, #tpu.memory_space<vmem>>
    %dma_start3A_146 = arith.constant 0 : i32
    %dma_start3A_147 = tpu.memref_slice %arg8[%dma_start3A_141, %dma_start3A_146] : memref<5x1000xi32, #tpu.memory_space<vmem>> -> memref<1x1000xi32, #tpu.memory_space<vmem>>
    %dma_start3A_148 = tpu.memref_squeeze %dma_start3A_147 : memref<1x1000xi32, #tpu.memory_space<vmem>> -> memref<1000xi32, #tpu.memory_space<vmem>>
    %dma_start3A_149 = arith.constant 0 : i32
    %dma_start3A_150 = arith.constant 0 : i32
    %dma_start3A_151 = tpu.memref_slice %arg6[%dma_start3A_149, %dma_start3A_150] : memref<10240x16xf32, #tpu.memory_space<vmem_shared>> -> memref<10240x16xf32, #tpu.memory_space<vmem_shared>>
    tpu.enqueue_indirect_dma source(%dma_start3A_145 : memref<1000x16xf32, #tpu.memory_space<vmem>>) target(%dma_start3A_151 : memref<10240x16xf32, #tpu.memory_space<vmem_shared>>) offsets(%dma_start3A_148 : memref<1000xi32, #tpu.memory_space<vmem>>) semaphore(%arg12 : memref<!tpu.dma_semaphore, #tpu.memory_space<semaphore_mem>>) {add = true}
    %dma_wait3A_152 = arith.constant 0 : i32
    %dma_wait3A_153 = arith.constant 2 : i32
    %dma_wait3A_154 = arith.constant 0 : i32
    %dma_wait3A_155 = arith.constant 0 : i32
    %dma_wait3A_156 = tpu.memref_slice %arg9[%dma_wait3A_152, %dma_wait3A_154, %dma_wait3A_155] : memref<2x1000x16xf32, #tpu.memory_space<vmem>> -> memref<1x1000x16xf32, #tpu.memory_space<vmem>>
    %dma_wait3A_157 = tpu.memref_squeeze %dma_wait3A_156 : memref<1x1000x16xf32, #tpu.memory_space<vmem>> -> memref<1000x16xf32, #tpu.memory_space<vmem>>
    %dma_wait3A_158 = arith.constant 0 : i32
    %dma_wait3A_159 = tpu.memref_slice %arg8[%dma_wait3A_153, %dma_wait3A_158] : memref<5x1000xi32, #tpu.memory_space<vmem>> -> memref<1x1000xi32, #tpu.memory_space<vmem>>
    %dma_wait3A_160 = tpu.memref_squeeze %dma_wait3A_159 : memref<1x1000xi32, #tpu.memory_space<vmem>> -> memref<1000xi32, #tpu.memory_space<vmem>>
    %dma_wait3A_161 = arith.constant 0 : i32
    %dma_wait3A_162 = arith.constant 0 : i32
    %dma_wait3A_163 = tpu.memref_slice %arg6[%dma_wait3A_161, %dma_wait3A_162] : memref<10240x16xf32, #tpu.memory_space<vmem_shared>> -> memref<10240x16xf32, #tpu.memory_space<vmem_shared>>
    tpu.wait_indirect_dma semaphore(%arg12 : memref<!tpu.dma_semaphore, #tpu.memory_space<semaphore_mem>>) src(%dma_wait3A_157 : memref<1000x16xf32, #tpu.memory_space<vmem>>) dst(%dma_wait3A_163 : memref<10240x16xf32, #tpu.memory_space<vmem_shared>>)
    %dma_start3A_164 = arith.constant 0 : i32
    %dma_start3A_165 = arith.constant 0 : i32
    %dma_start3A_166 = arith.constant 0 : i32
    %dma_start3A_167 = tpu.memref_slice %arg9[%dma_start3A_164, %dma_start3A_165, %dma_start3A_166] : memref<2x1000x16xf32, #tpu.memory_space<vmem>> -> memref<1x1000x16xf32, #tpu.memory_space<vmem>>
    %dma_start3A_168 = tpu.memref_squeeze %dma_start3A_167 : memref<1x1000x16xf32, #tpu.memory_space<vmem>> -> memref<1000x16xf32, #tpu.memory_space<vmem>>
    %dma_start3A_169 = arith.constant 4000 : i32
    %dma_start3A_170 = tpu.memref_slice %arg7[%dma_start3A_169] : memref<5000xi32, #tpu.memory_space<vmem>> -> memref<1000xi32, #tpu.memory_space<vmem>>
    %dma_start3A_171 = arith.constant 0 : i32
    %dma_start3A_172 = arith.constant 0 : i32
    %dma_start3A_173 = tpu.memref_slice %arg2[%dma_start3A_171, %dma_start3A_172] : memref<10000x16xf32, #tpu.memory_space<hbm>> -> memref<10000x16xf32, #tpu.memory_space<hbm>>
    tpu.enqueue_indirect_dma source(%dma_start3A_173 : memref<10000x16xf32, #tpu.memory_space<hbm>>) target(%dma_start3A_168 : memref<1000x16xf32, #tpu.memory_space<vmem>>) offsets(%dma_start3A_170 : memref<1000xi32, #tpu.memory_space<vmem>>) semaphore(%arg11 : memref<!tpu.dma_semaphore, #tpu.memory_space<semaphore_mem>>)
    %dma_wait3A_174 = arith.constant 1 : i32
    %dma_wait3A_175 = arith.constant 0 : i32
    %dma_wait3A_176 = arith.constant 0 : i32
    %dma_wait3A_177 = tpu.memref_slice %arg9[%dma_wait3A_174, %dma_wait3A_175, %dma_wait3A_176] : memref<2x1000x16xf32, #tpu.memory_space<vmem>> -> memref<1x1000x16xf32, #tpu.memory_space<vmem>>
    %dma_wait3A_178 = tpu.memref_squeeze %dma_wait3A_177 : memref<1x1000x16xf32, #tpu.memory_space<vmem>> -> memref<1000x16xf32, #tpu.memory_space<vmem>>
    %dma_wait3A_179 = arith.constant 3000 : i32
    %dma_wait3A_180 = tpu.memref_slice %arg7[%dma_wait3A_179] : memref<5000xi32, #tpu.memory_space<vmem>> -> memref<1000xi32, #tpu.memory_space<vmem>>
    %dma_wait3A_181 = arith.constant 0 : i32
    %dma_wait3A_182 = arith.constant 0 : i32
    %dma_wait3A_183 = tpu.memref_slice %arg2[%dma_wait3A_181, %dma_wait3A_182] : memref<10000x16xf32, #tpu.memory_space<hbm>> -> memref<10000x16xf32, #tpu.memory_space<hbm>>
    tpu.wait_indirect_dma semaphore(%arg11 : memref<!tpu.dma_semaphore, #tpu.memory_space<semaphore_mem>>) src(%dma_wait3A_183 : memref<10000x16xf32, #tpu.memory_space<hbm>>) dst(%dma_wait3A_178 : memref<1000x16xf32, #tpu.memory_space<vmem>>)
    %dma_start3A_184 = arith.constant 1 : i32
    %dma_start3A_185 = arith.constant 3 : i32
    %dma_start3A_186 = arith.constant 0 : i32
    %dma_start3A_187 = arith.constant 0 : i32
    %dma_start3A_188 = tpu.memref_slice %arg9[%dma_start3A_184, %dma_start3A_186, %dma_start3A_187] : memref<2x1000x16xf32, #tpu.memory_space<vmem>> -> memref<1x1000x16xf32, #tpu.memory_space<vmem>>
    %dma_start3A_189 = tpu.memref_squeeze %dma_start3A_188 : memref<1x1000x16xf32, #tpu.memory_space<vmem>> -> memref<1000x16xf32, #tpu.memory_space<vmem>>
    %dma_start3A_190 = arith.constant 0 : i32
    %dma_start3A_191 = tpu.memref_slice %arg8[%dma_start3A_185, %dma_start3A_190] : memref<5x1000xi32, #tpu.memory_space<vmem>> -> memref<1x1000xi32, #tpu.memory_space<vmem>>
    %dma_start3A_192 = tpu.memref_squeeze %dma_start3A_191 : memref<1x1000xi32, #tpu.memory_space<vmem>> -> memref<1000xi32, #tpu.memory_space<vmem>>
    %dma_start3A_193 = arith.constant 0 : i32
    %dma_start3A_194 = arith.constant 0 : i32
    %dma_start3A_195 = tpu.memref_slice %arg6[%dma_start3A_193, %dma_start3A_194] : memref<10240x16xf32, #tpu.memory_space<vmem_shared>> -> memref<10240x16xf32, #tpu.memory_space<vmem_shared>>
    tpu.enqueue_indirect_dma source(%dma_start3A_189 : memref<1000x16xf32, #tpu.memory_space<vmem>>) target(%dma_start3A_195 : memref<10240x16xf32, #tpu.memory_space<vmem_shared>>) offsets(%dma_start3A_192 : memref<1000xi32, #tpu.memory_space<vmem>>) semaphore(%arg12 : memref<!tpu.dma_semaphore, #tpu.memory_space<semaphore_mem>>) {add = true}
    %dma_wait3A_196 = arith.constant 0 : i32
    %dma_wait3A_197 = arith.constant 0 : i32
    %dma_wait3A_198 = arith.constant 0 : i32
    %dma_wait3A_199 = tpu.memref_slice %arg9[%dma_wait3A_196, %dma_wait3A_197, %dma_wait3A_198] : memref<2x1000x16xf32, #tpu.memory_space<vmem>> -> memref<1x1000x16xf32, #tpu.memory_space<vmem>>
    %dma_wait3A_200 = tpu.memref_squeeze %dma_wait3A_199 : memref<1x1000x16xf32, #tpu.memory_space<vmem>> -> memref<1000x16xf32, #tpu.memory_space<vmem>>
    %dma_wait3A_201 = arith.constant 4000 : i32
    %dma_wait3A_202 = tpu.memref_slice %arg7[%dma_wait3A_201] : memref<5000xi32, #tpu.memory_space<vmem>> -> memref<1000xi32, #tpu.memory_space<vmem>>
    %dma_wait3A_203 = arith.constant 0 : i32
    %dma_wait3A_204 = arith.constant 0 : i32
    %dma_wait3A_205 = tpu.memref_slice %arg2[%dma_wait3A_203, %dma_wait3A_204] : memref<10000x16xf32, #tpu.memory_space<hbm>> -> memref<10000x16xf32, #tpu.memory_space<hbm>>
    tpu.wait_indirect_dma semaphore(%arg11 : memref<!tpu.dma_semaphore, #tpu.memory_space<semaphore_mem>>) src(%dma_wait3A_205 : memref<10000x16xf32, #tpu.memory_space<hbm>>) dst(%dma_wait3A_200 : memref<1000x16xf32, #tpu.memory_space<vmem>>)
    %dma_start3A_206 = arith.constant 0 : i32
    %dma_start3A_207 = arith.constant 4 : i32
    %dma_start3A_208 = arith.constant 0 : i32
    %dma_start3A_209 = arith.constant 0 : i32
    %dma_start3A_210 = tpu.memref_slice %arg9[%dma_start3A_206, %dma_start3A_208, %dma_start3A_209] : memref<2x1000x16xf32, #tpu.memory_space<vmem>> -> memref<1x1000x16xf32, #tpu.memory_space<vmem>>
    %dma_start3A_211 = tpu.memref_squeeze %dma_start3A_210 : memref<1x1000x16xf32, #tpu.memory_space<vmem>> -> memref<1000x16xf32, #tpu.memory_space<vmem>>
    %dma_start3A_212 = arith.constant 0 : i32
    %dma_start3A_213 = tpu.memref_slice %arg8[%dma_start3A_207, %dma_start3A_212] : memref<5x1000xi32, #tpu.memory_space<vmem>> -> memref<1x1000xi32, #tpu.memory_space<vmem>>
    %dma_start3A_214 = tpu.memref_squeeze %dma_start3A_213 : memref<1x1000xi32, #tpu.memory_space<vmem>> -> memref<1000xi32, #tpu.memory_space<vmem>>
    %dma_start3A_215 = arith.constant 0 : i32
    %dma_start3A_216 = arith.constant 0 : i32
    %dma_start3A_217 = tpu.memref_slice %arg6[%dma_start3A_215, %dma_start3A_216] : memref<10240x16xf32, #tpu.memory_space<vmem_shared>> -> memref<10240x16xf32, #tpu.memory_space<vmem_shared>>
    tpu.enqueue_indirect_dma source(%dma_start3A_211 : memref<1000x16xf32, #tpu.memory_space<vmem>>) target(%dma_start3A_217 : memref<10240x16xf32, #tpu.memory_space<vmem_shared>>) offsets(%dma_start3A_214 : memref<1000xi32, #tpu.memory_space<vmem>>) semaphore(%arg12 : memref<!tpu.dma_semaphore, #tpu.memory_space<semaphore_mem>>) {add = true}
    %dma_wait3A_218 = arith.constant 1 : i32
    %dma_wait3A_219 = arith.constant 3 : i32
    %dma_wait3A_220 = arith.constant 0 : i32
    %dma_wait3A_221 = arith.constant 0 : i32
    %dma_wait3A_222 = tpu.memref_slice %arg9[%dma_wait3A_218, %dma_wait3A_220, %dma_wait3A_221] : memref<2x1000x16xf32, #tpu.memory_space<vmem>> -> memref<1x1000x16xf32, #tpu.memory_space<vmem>>
    %dma_wait3A_223 = tpu.memref_squeeze %dma_wait3A_222 : memref<1x1000x16xf32, #tpu.memory_space<vmem>> -> memref<1000x16xf32, #tpu.memory_space<vmem>>
    %dma_wait3A_224 = arith.constant 0 : i32
    %dma_wait3A_225 = tpu.memref_slice %arg8[%dma_wait3A_219, %dma_wait3A_224] : memref<5x1000xi32, #tpu.memory_space<vmem>> -> memref<1x1000xi32, #tpu.memory_space<vmem>>
    %dma_wait3A_226 = tpu.memref_squeeze %dma_wait3A_225 : memref<1x1000xi32, #tpu.memory_space<vmem>> -> memref<1000xi32, #tpu.memory_space<vmem>>
    %dma_wait3A_227 = arith.constant 0 : i32
    %dma_wait3A_228 = arith.constant 0 : i32
    %dma_wait3A_229 = tpu.memref_slice %arg6[%dma_wait3A_227, %dma_wait3A_228] : memref<10240x16xf32, #tpu.memory_space<vmem_shared>> -> memref<10240x16xf32, #tpu.memory_space<vmem_shared>>
    tpu.wait_indirect_dma semaphore(%arg12 : memref<!tpu.dma_semaphore, #tpu.memory_space<semaphore_mem>>) src(%dma_wait3A_223 : memref<1000x16xf32, #tpu.memory_space<vmem>>) dst(%dma_wait3A_229 : memref<10240x16xf32, #tpu.memory_space<vmem_shared>>)
    %dma_wait3A_230 = arith.constant 0 : i32
    %dma_wait3A_231 = arith.constant 4 : i32
    %dma_wait3A_232 = arith.constant 0 : i32
    %dma_wait3A_233 = arith.constant 0 : i32
    %dma_wait3A_234 = tpu.memref_slice %arg9[%dma_wait3A_230, %dma_wait3A_232, %dma_wait3A_233] : memref<2x1000x16xf32, #tpu.memory_space<vmem>> -> memref<1x1000x16xf32, #tpu.memory_space<vmem>>
    %dma_wait3A_235 = tpu.memref_squeeze %dma_wait3A_234 : memref<1x1000x16xf32, #tpu.memory_space<vmem>> -> memref<1000x16xf32, #tpu.memory_space<vmem>>
    %dma_wait3A_236 = arith.constant 0 : i32
    %dma_wait3A_237 = tpu.memref_slice %arg8[%dma_wait3A_231, %dma_wait3A_236] : memref<5x1000xi32, #tpu.memory_space<vmem>> -> memref<1x1000xi32, #tpu.memory_space<vmem>>
    %dma_wait3A_238 = tpu.memref_squeeze %dma_wait3A_237 : memref<1x1000xi32, #tpu.memory_space<vmem>> -> memref<1000xi32, #tpu.memory_space<vmem>>
    %dma_wait3A_239 = arith.constant 0 : i32
    %dma_wait3A_240 = arith.constant 0 : i32
    %dma_wait3A_241 = tpu.memref_slice %arg6[%dma_wait3A_239, %dma_wait3A_240] : memref<10240x16xf32, #tpu.memory_space<vmem_shared>> -> memref<10240x16xf32, #tpu.memory_space<vmem_shared>>
    tpu.wait_indirect_dma semaphore(%arg12 : memref<!tpu.dma_semaphore, #tpu.memory_space<semaphore_mem>>) src(%dma_wait3A_235 : memref<1000x16xf32, #tpu.memory_space<vmem>>) dst(%dma_wait3A_241 : memref<10240x16xf32, #tpu.memory_space<vmem_shared>>)
    %barrier3A_242 = arith.constant 0 : index
    tpu.barrier barrier_id(%barrier3A_242)
    %mul3A_243 = arith.constant 640 : i32
    %mul3A_244 = arith.muli %arg1, %mul3A_243 : i32
    %mul3A_245 = arith.constant 640 : i32
    %mul3A_246 = arith.muli %arg1, %mul3A_245 : i32
    "tpu.region"() ({
      %run_scoped3A_247 = tpu.sem_alloc : memref<!tpu.dma_semaphore, #tpu.memory_space<semaphore_mem>>
      %dma_start3A_248 = arith.constant 0 : i32
      %dma_start3A_249 = tpu.memref_slice %arg5[%arg0, %mul3A_246, %dma_start3A_248] : memref<2x10240x16xf32, #tpu.memory_space<hbm>> -> memref<1x640x16xf32, #tpu.memory_space<hbm>>
      %dma_start3A_250 = tpu.memref_squeeze %dma_start3A_249 : memref<1x640x16xf32, #tpu.memory_space<hbm>> -> memref<640x16xf32, #tpu.memory_space<hbm>>
      %dma_start3A_251 = arith.constant 0 : i32
      %dma_start3A_252 = tpu.memref_slice %arg6[%mul3A_244, %dma_start3A_251] : memref<10240x16xf32, #tpu.memory_space<vmem_shared>> -> memref<640x16xf32, #tpu.memory_space<vmem_shared>>
      tpu.enqueue_dma source(%dma_start3A_252 : memref<640x16xf32, #tpu.memory_space<vmem_shared>>) target(%dma_start3A_250 : memref<640x16xf32, #tpu.memory_space<hbm>>) target_semaphore(%run_scoped3A_247 : memref<!tpu.dma_semaphore, #tpu.memory_space<semaphore_mem>>)
      %dma_wait3A_253 = arith.constant 0 : i32
      %dma_wait3A_254 = tpu.memref_slice %arg5[%arg0, %mul3A_246, %dma_wait3A_253] : memref<2x10240x16xf32, #tpu.memory_space<hbm>> -> memref<1x640x16xf32, #tpu.memory_space<hbm>>
      %dma_wait3A_255 = tpu.memref_squeeze %dma_wait3A_254 : memref<1x640x16xf32, #tpu.memory_space<hbm>> -> memref<640x16xf32, #tpu.memory_space<hbm>>
      %dma_wait3A_256 = arith.constant 0 : i32
      %dma_wait3A_257 = tpu.memref_slice %arg6[%mul3A_244, %dma_wait3A_256] : memref<10240x16xf32, #tpu.memory_space<vmem_shared>> -> memref<640x16xf32, #tpu.memory_space<vmem_shared>>
      tpu.wait_dma2 semaphore(%run_scoped3A_247 : memref<!tpu.dma_semaphore, #tpu.memory_space<semaphore_mem>>) src(%dma_wait3A_257 : memref<640x16xf32, #tpu.memory_space<vmem_shared>>) dst(%dma_wait3A_255 : memref<640x16xf32, #tpu.memory_space<hbm>>)
      tpu.yield
    }) : () -> ()
    return
  }
}

module attributes {stable_mosaic.version = 14 : i64} {
  func.func @_edge_body(%arg0: i32, %arg1: memref<2000x4xf32, #tpu.memory_space<vmem>>, %arg2: memref<2000x128xf32, #tpu.memory_space<vmem>>, %arg3: memref<4x256xf32, #tpu.memory_space<vmem>>, %arg4: memref<1x256xf32, #tpu.memory_space<vmem>>, %arg5: memref<256x1024xf32, #tpu.memory_space<vmem>>, %arg6: memref<1x1024xf32, #tpu.memory_space<vmem>>, %arg7: memref<1024x2048xf32, #tpu.memory_space<vmem>>, %arg8: memref<1x2048xf32, #tpu.memory_space<vmem>>, %arg9: memref<2000x16xf32, #tpu.memory_space<vmem>>) attributes {dimension_semantics = [#tpu.dimension_semantics<arbitrary>], iteration_bounds = array<i64: 64>, scalar_prefetch = 0 : i64, scratch_operands = 0 : i64, tpu.core_type = #tpu.core_type<tc>, window_params = [{transform_indices = @transform_0, window_bounds = array<i64: 2000, 4>}, {transform_indices = @transform_1, window_bounds = array<i64: 2000, 128>}, {pipeline_mode = #tpu.pipeline_mode<synchronous>, transform_indices = @transform_2, window_bounds = array<i64: 4, 256>}, {pipeline_mode = #tpu.pipeline_mode<synchronous>, transform_indices = @transform_3, window_bounds = array<i64: 1, 256>}, {pipeline_mode = #tpu.pipeline_mode<synchronous>, transform_indices = @transform_4, window_bounds = array<i64: 256, 1024>}, {pipeline_mode = #tpu.pipeline_mode<synchronous>, transform_indices = @transform_5, window_bounds = array<i64: 1, 1024>}, {pipeline_mode = #tpu.pipeline_mode<synchronous>, transform_indices = @transform_6, window_bounds = array<i64: 1024, 2048>}, {pipeline_mode = #tpu.pipeline_mode<synchronous>, transform_indices = @transform_7, window_bounds = array<i64: 1, 2048>}, {transform_indices = @transform_8, window_bounds = array<i64: 2000, 16>}]} {
    %get3A = arith.constant 0 : index
    %get3A_0 = arith.constant 0 : index
    %get3A_1 = vector.load %arg1[%get3A, %get3A_0] : memref<2000x4xf32, #tpu.memory_space<vmem>>, vector<1000x4xf32>
    %get3A_2 = arith.constant 0 : index
    %get3A_3 = arith.constant 0 : index
    %get3A_4 = vector.load %arg3[%get3A_2, %get3A_3] : memref<4x256xf32, #tpu.memory_space<vmem>>, vector<4x256xf32>
    %dot_general3A = arith.constant dense<0.000000e+00> : vector<1000x256xf32>
    %dot_general3A_5 = tpu.matmul %get3A_1, %get3A_4, %dot_general3A {dimension_numbers = #tpu.dot_dimension_numbers<[1], [0], [0], [1], [0, 0, 1, 1], [], []>, transpose_lhs_hint = false} : vector<1000x4xf32>, vector<4x256xf32>, vector<1000x256xf32> -> vector<1000x256xf32>
    %get3A_6 = arith.constant 0 : index
    %get3A_7 = arith.constant 0 : index
    %get3A_8 = vector.load %arg4[%get3A_6, %get3A_7] : memref<1x256xf32, #tpu.memory_space<vmem>>, vector<1x256xf32>
    %add3A = vector.broadcast %get3A_8 : vector<1x256xf32> to vector<1000x256xf32>
    %add3A_9 = arith.addf %dot_general3A_5, %add3A : vector<1000x256xf32>
    %gt3A = arith.constant 0.000000e+00 : f32
    %gt3A_10 = vector.broadcast %gt3A : f32 to vector<1000x256xf32>
    %gt3A_11 = arith.cmpf ogt, %add3A_9, %gt3A_10 : vector<1000x256xf32>
    %exp3A = math.exp %add3A_9 : vector<1000x256xf32>
    %sub3A = arith.constant 1.000000e+00 : f32
    %sub3A_12 = vector.broadcast %sub3A : f32 to vector<1000x256xf32>
    %sub3A_13 = arith.subf %exp3A, %sub3A_12 : vector<1000x256xf32>
    %select_n3A = arith.select %gt3A_11, %add3A_9, %sub3A_13 : vector<1000x256xi1>, vector<1000x256xf32>
    %get3A_14 = arith.constant 0 : index
    %get3A_15 = arith.constant 0 : index
    %get3A_16 = vector.load %arg5[%get3A_14, %get3A_15] : memref<256x1024xf32, #tpu.memory_space<vmem>>, vector<256x1024xf32>
    %dot_general3A_17 = arith.constant dense<0.000000e+00> : vector<1000x1024xf32>
    %dot_general3A_18 = tpu.matmul %select_n3A, %get3A_16, %dot_general3A_17 {dimension_numbers = #tpu.dot_dimension_numbers<[1], [0], [0], [1], [0, 0, 1, 1], [], []>, transpose_lhs_hint = false} : vector<1000x256xf32>, vector<256x1024xf32>, vector<1000x1024xf32> -> vector<1000x1024xf32>
    %get3A_19 = arith.constant 0 : index
    %get3A_20 = arith.constant 0 : index
    %get3A_21 = vector.load %arg6[%get3A_19, %get3A_20] : memref<1x1024xf32, #tpu.memory_space<vmem>>, vector<1x1024xf32>
    %add3A_22 = vector.broadcast %get3A_21 : vector<1x1024xf32> to vector<1000x1024xf32>
    %add3A_23 = arith.addf %dot_general3A_18, %add3A_22 : vector<1000x1024xf32>
    %gt3A_24 = arith.constant 0.000000e+00 : f32
    %gt3A_25 = vector.broadcast %gt3A_24 : f32 to vector<1000x1024xf32>
    %gt3A_26 = arith.cmpf ogt, %add3A_23, %gt3A_25 : vector<1000x1024xf32>
    %exp3A_27 = math.exp %add3A_23 : vector<1000x1024xf32>
    %sub3A_28 = arith.constant 1.000000e+00 : f32
    %sub3A_29 = vector.broadcast %sub3A_28 : f32 to vector<1000x1024xf32>
    %sub3A_30 = arith.subf %exp3A_27, %sub3A_29 : vector<1000x1024xf32>
    %select_n3A_31 = arith.select %gt3A_26, %add3A_23, %sub3A_30 : vector<1000x1024xi1>, vector<1000x1024xf32>
    %get3A_32 = arith.constant 0 : index
    %get3A_33 = arith.constant 0 : index
    %get3A_34 = vector.load %arg7[%get3A_32, %get3A_33] : memref<1024x2048xf32, #tpu.memory_space<vmem>>, vector<1024x2048xf32>
    %dot_general3A_35 = arith.constant dense<0.000000e+00> : vector<1000x2048xf32>
    %dot_general3A_36 = tpu.matmul %select_n3A_31, %get3A_34, %dot_general3A_35 {dimension_numbers = #tpu.dot_dimension_numbers<[1], [0], [0], [1], [0, 0, 1, 1], [], []>, transpose_lhs_hint = false} : vector<1000x1024xf32>, vector<1024x2048xf32>, vector<1000x2048xf32> -> vector<1000x2048xf32>
    %get3A_37 = arith.constant 0 : index
    %get3A_38 = arith.constant 0 : index
    %get3A_39 = vector.load %arg8[%get3A_37, %get3A_38] : memref<1x2048xf32, #tpu.memory_space<vmem>>, vector<1x2048xf32>
    %add3A_40 = vector.broadcast %get3A_39 : vector<1x2048xf32> to vector<1000x2048xf32>
    %add3A_41 = arith.addf %dot_general3A_36, %add3A_40 : vector<1000x2048xf32>
    %gt3A_42 = arith.constant 0.000000e+00 : f32
    %gt3A_43 = vector.broadcast %gt3A_42 : f32 to vector<1000x2048xf32>
    %gt3A_44 = arith.cmpf ogt, %add3A_41, %gt3A_43 : vector<1000x2048xf32>
    %exp3A_45 = math.exp %add3A_41 : vector<1000x2048xf32>
    %sub3A_46 = arith.constant 1.000000e+00 : f32
    %sub3A_47 = vector.broadcast %sub3A_46 : f32 to vector<1000x2048xf32>
    %sub3A_48 = arith.subf %exp3A_45, %sub3A_47 : vector<1000x2048xf32>
    %select_n3A_49 = arith.select %gt3A_44, %add3A_41, %sub3A_48 : vector<1000x2048xi1>, vector<1000x2048xf32>
    %get3A_50 = arith.constant 0 : index
    %get3A_51 = arith.constant 0 : index
    %get3A_52 = vector.load %arg2[%get3A_50, %get3A_51] : memref<2000x128xf32, #tpu.memory_space<vmem>>, vector<1000x128xf32>
    %slice3A = vector.extract_strided_slice %select_n3A_49 {offsets = [0, 0], sizes = [1000, 128], strides = [1, 1]} : vector<1000x2048xf32> to vector<1000x128xf32>
    %mul3A = arith.mulf %get3A_52, %slice3A : vector<1000x128xf32>
    %reduce_sum3A = arith.constant dense<0.000000e+00> : vector<1000xf32>
    %reduce_sum3A_53 = vector.multi_reduction <add>, %mul3A, %reduce_sum3A [1] : vector<1000x128xf32> to vector<1000xf32>
    %broadcast_in_dim3A = vector.shape_cast %reduce_sum3A_53 : vector<1000xf32> to vector<1000x1xf32>
    %swap3A = arith.constant 0 : index
    %swap3A_54 = arith.constant 0 : index
    %swap3A_55 = vector.load %arg9[%swap3A, %swap3A_54] : memref<2000x16xf32, #tpu.memory_space<vmem>>, vector<1000x1xf32>
    tpu.vector_store %arg9[%swap3A, %swap3A_54], %broadcast_in_dim3A {strides = array<i32>} : memref<2000x16xf32, #tpu.memory_space<vmem>>, vector<1000x1xf32>,
    %slice3A_56 = vector.extract_strided_slice %select_n3A_49 {offsets = [0, 128], sizes = [1000, 128], strides = [1, 1]} : vector<1000x2048xf32> to vector<1000x128xf32>
    %mul3A_57 = arith.mulf %get3A_52, %slice3A_56 : vector<1000x128xf32>
    %reduce_sum3A_58 = arith.constant dense<0.000000e+00> : vector<1000xf32>
    %reduce_sum3A_59 = vector.multi_reduction <add>, %mul3A_57, %reduce_sum3A_58 [1] : vector<1000x128xf32> to vector<1000xf32>
    %broadcast_in_dim3A_60 = vector.shape_cast %reduce_sum3A_59 : vector<1000xf32> to vector<1000x1xf32>
    %swap3A_61 = arith.constant 0 : index
    %swap3A_62 = arith.constant 1 : index
    %swap3A_63 = vector.load %arg9[%swap3A_61, %swap3A_62] : memref<2000x16xf32, #tpu.memory_space<vmem>>, vector<1000x1xf32>
    tpu.vector_store %arg9[%swap3A_61, %swap3A_62], %broadcast_in_dim3A_60 {strides = array<i32>} : memref<2000x16xf32, #tpu.memory_space<vmem>>, vector<1000x1xf32>,
    %slice3A_64 = vector.extract_strided_slice %select_n3A_49 {offsets = [0, 256], sizes = [1000, 128], strides = [1, 1]} : vector<1000x2048xf32> to vector<1000x128xf32>
    %mul3A_65 = arith.mulf %get3A_52, %slice3A_64 : vector<1000x128xf32>
    %reduce_sum3A_66 = arith.constant dense<0.000000e+00> : vector<1000xf32>
    %reduce_sum3A_67 = vector.multi_reduction <add>, %mul3A_65, %reduce_sum3A_66 [1] : vector<1000x128xf32> to vector<1000xf32>
    %broadcast_in_dim3A_68 = vector.shape_cast %reduce_sum3A_67 : vector<1000xf32> to vector<1000x1xf32>
    %swap3A_69 = arith.constant 0 : index
    %swap3A_70 = arith.constant 2 : index
    %swap3A_71 = vector.load %arg9[%swap3A_69, %swap3A_70] : memref<2000x16xf32, #tpu.memory_space<vmem>>, vector<1000x1xf32>
    tpu.vector_store %arg9[%swap3A_69, %swap3A_70], %broadcast_in_dim3A_68 {strides = array<i32>} : memref<2000x16xf32, #tpu.memory_space<vmem>>, vector<1000x1xf32>,
    %slice3A_72 = vector.extract_strided_slice %select_n3A_49 {offsets = [0, 384], sizes = [1000, 128], strides = [1, 1]} : vector<1000x2048xf32> to vector<1000x128xf32>
    %mul3A_73 = arith.mulf %get3A_52, %slice3A_72 : vector<1000x128xf32>
    %reduce_sum3A_74 = arith.constant dense<0.000000e+00> : vector<1000xf32>
    %reduce_sum3A_75 = vector.multi_reduction <add>, %mul3A_73, %reduce_sum3A_74 [1] : vector<1000x128xf32> to vector<1000xf32>
    %broadcast_in_dim3A_76 = vector.shape_cast %reduce_sum3A_75 : vector<1000xf32> to vector<1000x1xf32>
    %swap3A_77 = arith.constant 0 : index
    %swap3A_78 = arith.constant 3 : index
    %swap3A_79 = vector.load %arg9[%swap3A_77, %swap3A_78] : memref<2000x16xf32, #tpu.memory_space<vmem>>, vector<1000x1xf32>
    tpu.vector_store %arg9[%swap3A_77, %swap3A_78], %broadcast_in_dim3A_76 {strides = array<i32>} : memref<2000x16xf32, #tpu.memory_space<vmem>>, vector<1000x1xf32>,
    %slice3A_80 = vector.extract_strided_slice %select_n3A_49 {offsets = [0, 512], sizes = [1000, 128], strides = [1, 1]} : vector<1000x2048xf32> to vector<1000x128xf32>
    %mul3A_81 = arith.mulf %get3A_52, %slice3A_80 : vector<1000x128xf32>
    %reduce_sum3A_82 = arith.constant dense<0.000000e+00> : vector<1000xf32>
    %reduce_sum3A_83 = vector.multi_reduction <add>, %mul3A_81, %reduce_sum3A_82 [1] : vector<1000x128xf32> to vector<1000xf32>
    %broadcast_in_dim3A_84 = vector.shape_cast %reduce_sum3A_83 : vector<1000xf32> to vector<1000x1xf32>
    %swap3A_85 = arith.constant 0 : index
    %swap3A_86 = arith.constant 4 : index
    %swap3A_87 = vector.load %arg9[%swap3A_85, %swap3A_86] : memref<2000x16xf32, #tpu.memory_space<vmem>>, vector<1000x1xf32>
    tpu.vector_store %arg9[%swap3A_85, %swap3A_86], %broadcast_in_dim3A_84 {strides = array<i32>} : memref<2000x16xf32, #tpu.memory_space<vmem>>, vector<1000x1xf32>,
    %slice3A_88 = vector.extract_strided_slice %select_n3A_49 {offsets = [0, 640], sizes = [1000, 128], strides = [1, 1]} : vector<1000x2048xf32> to vector<1000x128xf32>
    %mul3A_89 = arith.mulf %get3A_52, %slice3A_88 : vector<1000x128xf32>
    %reduce_sum3A_90 = arith.constant dense<0.000000e+00> : vector<1000xf32>
    %reduce_sum3A_91 = vector.multi_reduction <add>, %mul3A_89, %reduce_sum3A_90 [1] : vector<1000x128xf32> to vector<1000xf32>
    %broadcast_in_dim3A_92 = vector.shape_cast %reduce_sum3A_91 : vector<1000xf32> to vector<1000x1xf32>
    %swap3A_93 = arith.constant 0 : index
    %swap3A_94 = arith.constant 5 : index
    %swap3A_95 = vector.load %arg9[%swap3A_93, %swap3A_94] : memref<2000x16xf32, #tpu.memory_space<vmem>>, vector<1000x1xf32>
    tpu.vector_store %arg9[%swap3A_93, %swap3A_94], %broadcast_in_dim3A_92 {strides = array<i32>} : memref<2000x16xf32, #tpu.memory_space<vmem>>, vector<1000x1xf32>,
    %slice3A_96 = vector.extract_strided_slice %select_n3A_49 {offsets = [0, 768], sizes = [1000, 128], strides = [1, 1]} : vector<1000x2048xf32> to vector<1000x128xf32>
    %mul3A_97 = arith.mulf %get3A_52, %slice3A_96 : vector<1000x128xf32>
    %reduce_sum3A_98 = arith.constant dense<0.000000e+00> : vector<1000xf32>
    %reduce_sum3A_99 = vector.multi_reduction <add>, %mul3A_97, %reduce_sum3A_98 [1] : vector<1000x128xf32> to vector<1000xf32>
    %broadcast_in_dim3A_100 = vector.shape_cast %reduce_sum3A_99 : vector<1000xf32> to vector<1000x1xf32>
    %swap3A_101 = arith.constant 0 : index
    %swap3A_102 = arith.constant 6 : index
    %swap3A_103 = vector.load %arg9[%swap3A_101, %swap3A_102] : memref<2000x16xf32, #tpu.memory_space<vmem>>, vector<1000x1xf32>
    tpu.vector_store %arg9[%swap3A_101, %swap3A_102], %broadcast_in_dim3A_100 {strides = array<i32>} : memref<2000x16xf32, #tpu.memory_space<vmem>>, vector<1000x1xf32>,
    %slice3A_104 = vector.extract_strided_slice %select_n3A_49 {offsets = [0, 896], sizes = [1000, 128], strides = [1, 1]} : vector<1000x2048xf32> to vector<1000x128xf32>
    %mul3A_105 = arith.mulf %get3A_52, %slice3A_104 : vector<1000x128xf32>
    %reduce_sum3A_106 = arith.constant dense<0.000000e+00> : vector<1000xf32>
    %reduce_sum3A_107 = vector.multi_reduction <add>, %mul3A_105, %reduce_sum3A_106 [1] : vector<1000x128xf32> to vector<1000xf32>
    %broadcast_in_dim3A_108 = vector.shape_cast %reduce_sum3A_107 : vector<1000xf32> to vector<1000x1xf32>
    %swap3A_109 = arith.constant 0 : index
    %swap3A_110 = arith.constant 7 : index
    %swap3A_111 = vector.load %arg9[%swap3A_109, %swap3A_110] : memref<2000x16xf32, #tpu.memory_space<vmem>>, vector<1000x1xf32>
    tpu.vector_store %arg9[%swap3A_109, %swap3A_110], %broadcast_in_dim3A_108 {strides = array<i32>} : memref<2000x16xf32, #tpu.memory_space<vmem>>, vector<1000x1xf32>,
    %slice3A_112 = vector.extract_strided_slice %select_n3A_49 {offsets = [0, 1024], sizes = [1000, 128], strides = [1, 1]} : vector<1000x2048xf32> to vector<1000x128xf32>
    %mul3A_113 = arith.mulf %get3A_52, %slice3A_112 : vector<1000x128xf32>
    %reduce_sum3A_114 = arith.constant dense<0.000000e+00> : vector<1000xf32>
    %reduce_sum3A_115 = vector.multi_reduction <add>, %mul3A_113, %reduce_sum3A_114 [1] : vector<1000x128xf32> to vector<1000xf32>
    %broadcast_in_dim3A_116 = vector.shape_cast %reduce_sum3A_115 : vector<1000xf32> to vector<1000x1xf32>
    %swap3A_117 = arith.constant 0 : index
    %swap3A_118 = arith.constant 8 : index
    %swap3A_119 = vector.load %arg9[%swap3A_117, %swap3A_118] : memref<2000x16xf32, #tpu.memory_space<vmem>>, vector<1000x1xf32>
    tpu.vector_store %arg9[%swap3A_117, %swap3A_118], %broadcast_in_dim3A_116 {strides = array<i32>} : memref<2000x16xf32, #tpu.memory_space<vmem>>, vector<1000x1xf32>,
    %slice3A_120 = vector.extract_strided_slice %select_n3A_49 {offsets = [0, 1152], sizes = [1000, 128], strides = [1, 1]} : vector<1000x2048xf32> to vector<1000x128xf32>
    %mul3A_121 = arith.mulf %get3A_52, %slice3A_120 : vector<1000x128xf32>
    %reduce_sum3A_122 = arith.constant dense<0.000000e+00> : vector<1000xf32>
    %reduce_sum3A_123 = vector.multi_reduction <add>, %mul3A_121, %reduce_sum3A_122 [1] : vector<1000x128xf32> to vector<1000xf32>
    %broadcast_in_dim3A_124 = vector.shape_cast %reduce_sum3A_123 : vector<1000xf32> to vector<1000x1xf32>
    %swap3A_125 = arith.constant 0 : index
    %swap3A_126 = arith.constant 9 : index
    %swap3A_127 = vector.load %arg9[%swap3A_125, %swap3A_126] : memref<2000x16xf32, #tpu.memory_space<vmem>>, vector<1000x1xf32>
    tpu.vector_store %arg9[%swap3A_125, %swap3A_126], %broadcast_in_dim3A_124 {strides = array<i32>} : memref<2000x16xf32, #tpu.memory_space<vmem>>, vector<1000x1xf32>,
    %slice3A_128 = vector.extract_strided_slice %select_n3A_49 {offsets = [0, 1280], sizes = [1000, 128], strides = [1, 1]} : vector<1000x2048xf32> to vector<1000x128xf32>
    %mul3A_129 = arith.mulf %get3A_52, %slice3A_128 : vector<1000x128xf32>
    %reduce_sum3A_130 = arith.constant dense<0.000000e+00> : vector<1000xf32>
    %reduce_sum3A_131 = vector.multi_reduction <add>, %mul3A_129, %reduce_sum3A_130 [1] : vector<1000x128xf32> to vector<1000xf32>
    %broadcast_in_dim3A_132 = vector.shape_cast %reduce_sum3A_131 : vector<1000xf32> to vector<1000x1xf32>
    %swap3A_133 = arith.constant 0 : index
    %swap3A_134 = arith.constant 10 : index
    %swap3A_135 = vector.load %arg9[%swap3A_133, %swap3A_134] : memref<2000x16xf32, #tpu.memory_space<vmem>>, vector<1000x1xf32>
    tpu.vector_store %arg9[%swap3A_133, %swap3A_134], %broadcast_in_dim3A_132 {strides = array<i32>} : memref<2000x16xf32, #tpu.memory_space<vmem>>, vector<1000x1xf32>,
    %slice3A_136 = vector.extract_strided_slice %select_n3A_49 {offsets = [0, 1408], sizes = [1000, 128], strides = [1, 1]} : vector<1000x2048xf32> to vector<1000x128xf32>
    %mul3A_137 = arith.mulf %get3A_52, %slice3A_136 : vector<1000x128xf32>
    %reduce_sum3A_138 = arith.constant dense<0.000000e+00> : vector<1000xf32>
    %reduce_sum3A_139 = vector.multi_reduction <add>, %mul3A_137, %reduce_sum3A_138 [1] : vector<1000x128xf32> to vector<1000xf32>
    %broadcast_in_dim3A_140 = vector.shape_cast %reduce_sum3A_139 : vector<1000xf32> to vector<1000x1xf32>
    %swap3A_141 = arith.constant 0 : index
    %swap3A_142 = arith.constant 11 : index
    %swap3A_143 = vector.load %arg9[%swap3A_141, %swap3A_142] : memref<2000x16xf32, #tpu.memory_space<vmem>>, vector<1000x1xf32>
    tpu.vector_store %arg9[%swap3A_141, %swap3A_142], %broadcast_in_dim3A_140 {strides = array<i32>} : memref<2000x16xf32, #tpu.memory_space<vmem>>, vector<1000x1xf32>,
    %slice3A_144 = vector.extract_strided_slice %select_n3A_49 {offsets = [0, 1536], sizes = [1000, 128], strides = [1, 1]} : vector<1000x2048xf32> to vector<1000x128xf32>
    %mul3A_145 = arith.mulf %get3A_52, %slice3A_144 : vector<1000x128xf32>
    %reduce_sum3A_146 = arith.constant dense<0.000000e+00> : vector<1000xf32>
    %reduce_sum3A_147 = vector.multi_reduction <add>, %mul3A_145, %reduce_sum3A_146 [1] : vector<1000x128xf32> to vector<1000xf32>
    %broadcast_in_dim3A_148 = vector.shape_cast %reduce_sum3A_147 : vector<1000xf32> to vector<1000x1xf32>
    %swap3A_149 = arith.constant 0 : index
    %swap3A_150 = arith.constant 12 : index
    %swap3A_151 = vector.load %arg9[%swap3A_149, %swap3A_150] : memref<2000x16xf32, #tpu.memory_space<vmem>>, vector<1000x1xf32>
    tpu.vector_store %arg9[%swap3A_149, %swap3A_150], %broadcast_in_dim3A_148 {strides = array<i32>} : memref<2000x16xf32, #tpu.memory_space<vmem>>, vector<1000x1xf32>,
    %slice3A_152 = vector.extract_strided_slice %select_n3A_49 {offsets = [0, 1664], sizes = [1000, 128], strides = [1, 1]} : vector<1000x2048xf32> to vector<1000x128xf32>
    %mul3A_153 = arith.mulf %get3A_52, %slice3A_152 : vector<1000x128xf32>
    %reduce_sum3A_154 = arith.constant dense<0.000000e+00> : vector<1000xf32>
    %reduce_sum3A_155 = vector.multi_reduction <add>, %mul3A_153, %reduce_sum3A_154 [1] : vector<1000x128xf32> to vector<1000xf32>
    %broadcast_in_dim3A_156 = vector.shape_cast %reduce_sum3A_155 : vector<1000xf32> to vector<1000x1xf32>
    %swap3A_157 = arith.constant 0 : index
    %swap3A_158 = arith.constant 13 : index
    %swap3A_159 = vector.load %arg9[%swap3A_157, %swap3A_158] : memref<2000x16xf32, #tpu.memory_space<vmem>>, vector<1000x1xf32>
    tpu.vector_store %arg9[%swap3A_157, %swap3A_158], %broadcast_in_dim3A_156 {strides = array<i32>} : memref<2000x16xf32, #tpu.memory_space<vmem>>, vector<1000x1xf32>,
    %slice3A_160 = vector.extract_strided_slice %select_n3A_49 {offsets = [0, 1792], sizes = [1000, 128], strides = [1, 1]} : vector<1000x2048xf32> to vector<1000x128xf32>
    %mul3A_161 = arith.mulf %get3A_52, %slice3A_160 : vector<1000x128xf32>
    %reduce_sum3A_162 = arith.constant dense<0.000000e+00> : vector<1000xf32>
    %reduce_sum3A_163 = vector.multi_reduction <add>, %mul3A_161, %reduce_sum3A_162 [1] : vector<1000x128xf32> to vector<1000xf32>
    %broadcast_in_dim3A_164 = vector.shape_cast %reduce_sum3A_163 : vector<1000xf32> to vector<1000x1xf32>
    %swap3A_165 = arith.constant 0 : index
    %swap3A_166 = arith.constant 14 : index
    %swap3A_167 = vector.load %arg9[%swap3A_165, %swap3A_166] : memref<2000x16xf32, #tpu.memory_space<vmem>>, vector<1000x1xf32>
    tpu.vector_store %arg9[%swap3A_165, %swap3A_166], %broadcast_in_dim3A_164 {strides = array<i32>} : memref<2000x16xf32, #tpu.memory_space<vmem>>, vector<1000x1xf32>,
    %slice3A_168 = vector.extract_strided_slice %select_n3A_49 {offsets = [0, 1920], sizes = [1000, 128], strides = [1, 1]} : vector<1000x2048xf32> to vector<1000x128xf32>
    %mul3A_169 = arith.mulf %get3A_52, %slice3A_168 : vector<1000x128xf32>
    %reduce_sum3A_170 = arith.constant dense<0.000000e+00> : vector<1000xf32>
    %reduce_sum3A_171 = vector.multi_reduction <add>, %mul3A_169, %reduce_sum3A_170 [1] : vector<1000x128xf32> to vector<1000xf32>
    %broadcast_in_dim3A_172 = vector.shape_cast %reduce_sum3A_171 : vector<1000xf32> to vector<1000x1xf32>
    %swap3A_173 = arith.constant 0 : index
    %swap3A_174 = arith.constant 15 : index
    %swap3A_175 = vector.load %arg9[%swap3A_173, %swap3A_174] : memref<2000x16xf32, #tpu.memory_space<vmem>>, vector<1000x1xf32>
    tpu.vector_store %arg9[%swap3A_173, %swap3A_174], %broadcast_in_dim3A_172 {strides = array<i32>} : memref<2000x16xf32, #tpu.memory_space<vmem>>, vector<1000x1xf32>,
    %get3A_176 = arith.constant 1000 : index
    %get3A_177 = arith.constant 0 : index
    %get3A_178 = vector.load %arg1[%get3A_176, %get3A_177] : memref<2000x4xf32, #tpu.memory_space<vmem>>, vector<1000x4xf32>
    %get3A_179 = arith.constant 0 : index
    %get3A_180 = arith.constant 0 : index
    %get3A_181 = vector.load %arg3[%get3A_179, %get3A_180] : memref<4x256xf32, #tpu.memory_space<vmem>>, vector<4x256xf32>
    %dot_general3A_182 = arith.constant dense<0.000000e+00> : vector<1000x256xf32>
    %dot_general3A_183 = tpu.matmul %get3A_178, %get3A_181, %dot_general3A_182 {dimension_numbers = #tpu.dot_dimension_numbers<[1], [0], [0], [1], [0, 0, 1, 1], [], []>, transpose_lhs_hint = false} : vector<1000x4xf32>, vector<4x256xf32>, vector<1000x256xf32> -> vector<1000x256xf32>
    %get3A_184 = arith.constant 0 : index
    %get3A_185 = arith.constant 0 : index
    %get3A_186 = vector.load %arg4[%get3A_184, %get3A_185] : memref<1x256xf32, #tpu.memory_space<vmem>>, vector<1x256xf32>
    %add3A_187 = vector.broadcast %get3A_186 : vector<1x256xf32> to vector<1000x256xf32>
    %add3A_188 = arith.addf %dot_general3A_183, %add3A_187 : vector<1000x256xf32>
    %gt3A_189 = arith.constant 0.000000e+00 : f32
    %gt3A_190 = vector.broadcast %gt3A_189 : f32 to vector<1000x256xf32>
    %gt3A_191 = arith.cmpf ogt, %add3A_188, %gt3A_190 : vector<1000x256xf32>
    %exp3A_192 = math.exp %add3A_188 : vector<1000x256xf32>
    %sub3A_193 = arith.constant 1.000000e+00 : f32
    %sub3A_194 = vector.broadcast %sub3A_193 : f32 to vector<1000x256xf32>
    %sub3A_195 = arith.subf %exp3A_192, %sub3A_194 : vector<1000x256xf32>
    %select_n3A_196 = arith.select %gt3A_191, %add3A_188, %sub3A_195 : vector<1000x256xi1>, vector<1000x256xf32>
    %get3A_197 = arith.constant 0 : index
    %get3A_198 = arith.constant 0 : index
    %get3A_199 = vector.load %arg5[%get3A_197, %get3A_198] : memref<256x1024xf32, #tpu.memory_space<vmem>>, vector<256x1024xf32>
    %dot_general3A_200 = arith.constant dense<0.000000e+00> : vector<1000x1024xf32>
    %dot_general3A_201 = tpu.matmul %select_n3A_196, %get3A_199, %dot_general3A_200 {dimension_numbers = #tpu.dot_dimension_numbers<[1], [0], [0], [1], [0, 0, 1, 1], [], []>, transpose_lhs_hint = false} : vector<1000x256xf32>, vector<256x1024xf32>, vector<1000x1024xf32> -> vector<1000x1024xf32>
    %get3A_202 = arith.constant 0 : index
    %get3A_203 = arith.constant 0 : index
    %get3A_204 = vector.load %arg6[%get3A_202, %get3A_203] : memref<1x1024xf32, #tpu.memory_space<vmem>>, vector<1x1024xf32>
    %add3A_205 = vector.broadcast %get3A_204 : vector<1x1024xf32> to vector<1000x1024xf32>
    %add3A_206 = arith.addf %dot_general3A_201, %add3A_205 : vector<1000x1024xf32>
    %gt3A_207 = arith.constant 0.000000e+00 : f32
    %gt3A_208 = vector.broadcast %gt3A_207 : f32 to vector<1000x1024xf32>
    %gt3A_209 = arith.cmpf ogt, %add3A_206, %gt3A_208 : vector<1000x1024xf32>
    %exp3A_210 = math.exp %add3A_206 : vector<1000x1024xf32>
    %sub3A_211 = arith.constant 1.000000e+00 : f32
    %sub3A_212 = vector.broadcast %sub3A_211 : f32 to vector<1000x1024xf32>
    %sub3A_213 = arith.subf %exp3A_210, %sub3A_212 : vector<1000x1024xf32>
    %select_n3A_214 = arith.select %gt3A_209, %add3A_206, %sub3A_213 : vector<1000x1024xi1>, vector<1000x1024xf32>
    %get3A_215 = arith.constant 0 : index
    %get3A_216 = arith.constant 0 : index
    %get3A_217 = vector.load %arg7[%get3A_215, %get3A_216] : memref<1024x2048xf32, #tpu.memory_space<vmem>>, vector<1024x2048xf32>
    %dot_general3A_218 = arith.constant dense<0.000000e+00> : vector<1000x2048xf32>
    %dot_general3A_219 = tpu.matmul %select_n3A_214, %get3A_217, %dot_general3A_218 {dimension_numbers = #tpu.dot_dimension_numbers<[1], [0], [0], [1], [0, 0, 1, 1], [], []>, transpose_lhs_hint = false} : vector<1000x1024xf32>, vector<1024x2048xf32>, vector<1000x2048xf32> -> vector<1000x2048xf32>
    %get3A_220 = arith.constant 0 : index
    %get3A_221 = arith.constant 0 : index
    %get3A_222 = vector.load %arg8[%get3A_220, %get3A_221] : memref<1x2048xf32, #tpu.memory_space<vmem>>, vector<1x2048xf32>
    %add3A_223 = vector.broadcast %get3A_222 : vector<1x2048xf32> to vector<1000x2048xf32>
    %add3A_224 = arith.addf %dot_general3A_219, %add3A_223 : vector<1000x2048xf32>
    %gt3A_225 = arith.constant 0.000000e+00 : f32
    %gt3A_226 = vector.broadcast %gt3A_225 : f32 to vector<1000x2048xf32>
    %gt3A_227 = arith.cmpf ogt, %add3A_224, %gt3A_226 : vector<1000x2048xf32>
    %exp3A_228 = math.exp %add3A_224 : vector<1000x2048xf32>
    %sub3A_229 = arith.constant 1.000000e+00 : f32
    %sub3A_230 = vector.broadcast %sub3A_229 : f32 to vector<1000x2048xf32>
    %sub3A_231 = arith.subf %exp3A_228, %sub3A_230 : vector<1000x2048xf32>
    %select_n3A_232 = arith.select %gt3A_227, %add3A_224, %sub3A_231 : vector<1000x2048xi1>, vector<1000x2048xf32>
    %get3A_233 = arith.constant 1000 : index
    %get3A_234 = arith.constant 0 : index
    %get3A_235 = vector.load %arg2[%get3A_233, %get3A_234] : memref<2000x128xf32, #tpu.memory_space<vmem>>, vector<1000x128xf32>
    %slice3A_236 = vector.extract_strided_slice %select_n3A_232 {offsets = [0, 0], sizes = [1000, 128], strides = [1, 1]} : vector<1000x2048xf32> to vector<1000x128xf32>
    %mul3A_237 = arith.mulf %get3A_235, %slice3A_236 : vector<1000x128xf32>
    %reduce_sum3A_238 = arith.constant dense<0.000000e+00> : vector<1000xf32>
    %reduce_sum3A_239 = vector.multi_reduction <add>, %mul3A_237, %reduce_sum3A_238 [1] : vector<1000x128xf32> to vector<1000xf32>
    %broadcast_in_dim3A_240 = vector.shape_cast %reduce_sum3A_239 : vector<1000xf32> to vector<1000x1xf32>
    %swap3A_241 = arith.constant 1000 : index
    %swap3A_242 = arith.constant 0 : index
    %swap3A_243 = vector.load %arg9[%swap3A_241, %swap3A_242] : memref<2000x16xf32, #tpu.memory_space<vmem>>, vector<1000x1xf32>
    tpu.vector_store %arg9[%swap3A_241, %swap3A_242], %broadcast_in_dim3A_240 {strides = array<i32>} : memref<2000x16xf32, #tpu.memory_space<vmem>>, vector<1000x1xf32>,
    %slice3A_244 = vector.extract_strided_slice %select_n3A_232 {offsets = [0, 128], sizes = [1000, 128], strides = [1, 1]} : vector<1000x2048xf32> to vector<1000x128xf32>
    %mul3A_245 = arith.mulf %get3A_235, %slice3A_244 : vector<1000x128xf32>
    %reduce_sum3A_246 = arith.constant dense<0.000000e+00> : vector<1000xf32>
    %reduce_sum3A_247 = vector.multi_reduction <add>, %mul3A_245, %reduce_sum3A_246 [1] : vector<1000x128xf32> to vector<1000xf32>
    %broadcast_in_dim3A_248 = vector.shape_cast %reduce_sum3A_247 : vector<1000xf32> to vector<1000x1xf32>
    %swap3A_249 = arith.constant 1000 : index
    %swap3A_250 = arith.constant 1 : index
    %swap3A_251 = vector.load %arg9[%swap3A_249, %swap3A_250] : memref<2000x16xf32, #tpu.memory_space<vmem>>, vector<1000x1xf32>
    tpu.vector_store %arg9[%swap3A_249, %swap3A_250], %broadcast_in_dim3A_248 {strides = array<i32>} : memref<2000x16xf32, #tpu.memory_space<vmem>>, vector<1000x1xf32>,
    %slice3A_252 = vector.extract_strided_slice %select_n3A_232 {offsets = [0, 256], sizes = [1000, 128], strides = [1, 1]} : vector<1000x2048xf32> to vector<1000x128xf32>
    %mul3A_253 = arith.mulf %get3A_235, %slice3A_252 : vector<1000x128xf32>
    %reduce_sum3A_254 = arith.constant dense<0.000000e+00> : vector<1000xf32>
    %reduce_sum3A_255 = vector.multi_reduction <add>, %mul3A_253, %reduce_sum3A_254 [1] : vector<1000x128xf32> to vector<1000xf32>
    %broadcast_in_dim3A_256 = vector.shape_cast %reduce_sum3A_255 : vector<1000xf32> to vector<1000x1xf32>
    %swap3A_257 = arith.constant 1000 : index
    %swap3A_258 = arith.constant 2 : index
    %swap3A_259 = vector.load %arg9[%swap3A_257, %swap3A_258] : memref<2000x16xf32, #tpu.memory_space<vmem>>, vector<1000x1xf32>
    tpu.vector_store %arg9[%swap3A_257, %swap3A_258], %broadcast_in_dim3A_256 {strides = array<i32>} : memref<2000x16xf32, #tpu.memory_space<vmem>>, vector<1000x1xf32>,
    %slice3A_260 = vector.extract_strided_slice %select_n3A_232 {offsets = [0, 384], sizes = [1000, 128], strides = [1, 1]} : vector<1000x2048xf32> to vector<1000x128xf32>
    %mul3A_261 = arith.mulf %get3A_235, %slice3A_260 : vector<1000x128xf32>
    %reduce_sum3A_262 = arith.constant dense<0.000000e+00> : vector<1000xf32>
    %reduce_sum3A_263 = vector.multi_reduction <add>, %mul3A_261, %reduce_sum3A_262 [1] : vector<1000x128xf32> to vector<1000xf32>
    %broadcast_in_dim3A_264 = vector.shape_cast %reduce_sum3A_263 : vector<1000xf32> to vector<1000x1xf32>
    %swap3A_265 = arith.constant 1000 : index
    %swap3A_266 = arith.constant 3 : index
    %swap3A_267 = vector.load %arg9[%swap3A_265, %swap3A_266] : memref<2000x16xf32, #tpu.memory_space<vmem>>, vector<1000x1xf32>
    tpu.vector_store %arg9[%swap3A_265, %swap3A_266], %broadcast_in_dim3A_264 {strides = array<i32>} : memref<2000x16xf32, #tpu.memory_space<vmem>>, vector<1000x1xf32>,
    %slice3A_268 = vector.extract_strided_slice %select_n3A_232 {offsets = [0, 512], sizes = [1000, 128], strides = [1, 1]} : vector<1000x2048xf32> to vector<1000x128xf32>
    %mul3A_269 = arith.mulf %get3A_235, %slice3A_268 : vector<1000x128xf32>
    %reduce_sum3A_270 = arith.constant dense<0.000000e+00> : vector<1000xf32>
    %reduce_sum3A_271 = vector.multi_reduction <add>, %mul3A_269, %reduce_sum3A_270 [1] : vector<1000x128xf32> to vector<1000xf32>
    %broadcast_in_dim3A_272 = vector.shape_cast %reduce_sum3A_271 : vector<1000xf32> to vector<1000x1xf32>
    %swap3A_273 = arith.constant 1000 : index
    %swap3A_274 = arith.constant 4 : index
    %swap3A_275 = vector.load %arg9[%swap3A_273, %swap3A_274] : memref<2000x16xf32, #tpu.memory_space<vmem>>, vector<1000x1xf32>
    tpu.vector_store %arg9[%swap3A_273, %swap3A_274], %broadcast_in_dim3A_272 {strides = array<i32>} : memref<2000x16xf32, #tpu.memory_space<vmem>>, vector<1000x1xf32>,
    %slice3A_276 = vector.extract_strided_slice %select_n3A_232 {offsets = [0, 640], sizes = [1000, 128], strides = [1, 1]} : vector<1000x2048xf32> to vector<1000x128xf32>
    %mul3A_277 = arith.mulf %get3A_235, %slice3A_276 : vector<1000x128xf32>
    %reduce_sum3A_278 = arith.constant dense<0.000000e+00> : vector<1000xf32>
    %reduce_sum3A_279 = vector.multi_reduction <add>, %mul3A_277, %reduce_sum3A_278 [1] : vector<1000x128xf32> to vector<1000xf32>
    %broadcast_in_dim3A_280 = vector.shape_cast %reduce_sum3A_279 : vector<1000xf32> to vector<1000x1xf32>
    %swap3A_281 = arith.constant 1000 : index
    %swap3A_282 = arith.constant 5 : index
    %swap3A_283 = vector.load %arg9[%swap3A_281, %swap3A_282] : memref<2000x16xf32, #tpu.memory_space<vmem>>, vector<1000x1xf32>
    tpu.vector_store %arg9[%swap3A_281, %swap3A_282], %broadcast_in_dim3A_280 {strides = array<i32>} : memref<2000x16xf32, #tpu.memory_space<vmem>>, vector<1000x1xf32>,
    %slice3A_284 = vector.extract_strided_slice %select_n3A_232 {offsets = [0, 768], sizes = [1000, 128], strides = [1, 1]} : vector<1000x2048xf32> to vector<1000x128xf32>
    %mul3A_285 = arith.mulf %get3A_235, %slice3A_284 : vector<1000x128xf32>
    %reduce_sum3A_286 = arith.constant dense<0.000000e+00> : vector<1000xf32>
    %reduce_sum3A_287 = vector.multi_reduction <add>, %mul3A_285, %reduce_sum3A_286 [1] : vector<1000x128xf32> to vector<1000xf32>
    %broadcast_in_dim3A_288 = vector.shape_cast %reduce_sum3A_287 : vector<1000xf32> to vector<1000x1xf32>
    %swap3A_289 = arith.constant 1000 : index
    %swap3A_290 = arith.constant 6 : index
    %swap3A_291 = vector.load %arg9[%swap3A_289, %swap3A_290] : memref<2000x16xf32, #tpu.memory_space<vmem>>, vector<1000x1xf32>
    tpu.vector_store %arg9[%swap3A_289, %swap3A_290], %broadcast_in_dim3A_288 {strides = array<i32>} : memref<2000x16xf32, #tpu.memory_space<vmem>>, vector<1000x1xf32>,
    %slice3A_292 = vector.extract_strided_slice %select_n3A_232 {offsets = [0, 896], sizes = [1000, 128], strides = [1, 1]} : vector<1000x2048xf32> to vector<1000x128xf32>
    %mul3A_293 = arith.mulf %get3A_235, %slice3A_292 : vector<1000x128xf32>
    %reduce_sum3A_294 = arith.constant dense<0.000000e+00> : vector<1000xf32>
    %reduce_sum3A_295 = vector.multi_reduction <add>, %mul3A_293, %reduce_sum3A_294 [1] : vector<1000x128xf32> to vector<1000xf32>
    %broadcast_in_dim3A_296 = vector.shape_cast %reduce_sum3A_295 : vector<1000xf32> to vector<1000x1xf32>
    %swap3A_297 = arith.constant 1000 : index
    %swap3A_298 = arith.constant 7 : index
    %swap3A_299 = vector.load %arg9[%swap3A_297, %swap3A_298] : memref<2000x16xf32, #tpu.memory_space<vmem>>, vector<1000x1xf32>
    tpu.vector_store %arg9[%swap3A_297, %swap3A_298], %broadcast_in_dim3A_296 {strides = array<i32>} : memref<2000x16xf32, #tpu.memory_space<vmem>>, vector<1000x1xf32>,
    %slice3A_300 = vector.extract_strided_slice %select_n3A_232 {offsets = [0, 1024], sizes = [1000, 128], strides = [1, 1]} : vector<1000x2048xf32> to vector<1000x128xf32>
    %mul3A_301 = arith.mulf %get3A_235, %slice3A_300 : vector<1000x128xf32>
    %reduce_sum3A_302 = arith.constant dense<0.000000e+00> : vector<1000xf32>
    %reduce_sum3A_303 = vector.multi_reduction <add>, %mul3A_301, %reduce_sum3A_302 [1] : vector<1000x128xf32> to vector<1000xf32>
    %broadcast_in_dim3A_304 = vector.shape_cast %reduce_sum3A_303 : vector<1000xf32> to vector<1000x1xf32>
    %swap3A_305 = arith.constant 1000 : index
    %swap3A_306 = arith.constant 8 : index
    %swap3A_307 = vector.load %arg9[%swap3A_305, %swap3A_306] : memref<2000x16xf32, #tpu.memory_space<vmem>>, vector<1000x1xf32>
    tpu.vector_store %arg9[%swap3A_305, %swap3A_306], %broadcast_in_dim3A_304 {strides = array<i32>} : memref<2000x16xf32, #tpu.memory_space<vmem>>, vector<1000x1xf32>,
    %slice3A_308 = vector.extract_strided_slice %select_n3A_232 {offsets = [0, 1152], sizes = [1000, 128], strides = [1, 1]} : vector<1000x2048xf32> to vector<1000x128xf32>
    %mul3A_309 = arith.mulf %get3A_235, %slice3A_308 : vector<1000x128xf32>
    %reduce_sum3A_310 = arith.constant dense<0.000000e+00> : vector<1000xf32>
    %reduce_sum3A_311 = vector.multi_reduction <add>, %mul3A_309, %reduce_sum3A_310 [1] : vector<1000x128xf32> to vector<1000xf32>
    %broadcast_in_dim3A_312 = vector.shape_cast %reduce_sum3A_311 : vector<1000xf32> to vector<1000x1xf32>
    %swap3A_313 = arith.constant 1000 : index
    %swap3A_314 = arith.constant 9 : index
    %swap3A_315 = vector.load %arg9[%swap3A_313, %swap3A_314] : memref<2000x16xf32, #tpu.memory_space<vmem>>, vector<1000x1xf32>
    tpu.vector_store %arg9[%swap3A_313, %swap3A_314], %broadcast_in_dim3A_312 {strides = array<i32>} : memref<2000x16xf32, #tpu.memory_space<vmem>>, vector<1000x1xf32>,
    %slice3A_316 = vector.extract_strided_slice %select_n3A_232 {offsets = [0, 1280], sizes = [1000, 128], strides = [1, 1]} : vector<1000x2048xf32> to vector<1000x128xf32>
    %mul3A_317 = arith.mulf %get3A_235, %slice3A_316 : vector<1000x128xf32>
    %reduce_sum3A_318 = arith.constant dense<0.000000e+00> : vector<1000xf32>
    %reduce_sum3A_319 = vector.multi_reduction <add>, %mul3A_317, %reduce_sum3A_318 [1] : vector<1000x128xf32> to vector<1000xf32>
    %broadcast_in_dim3A_320 = vector.shape_cast %reduce_sum3A_319 : vector<1000xf32> to vector<1000x1xf32>
    %swap3A_321 = arith.constant 1000 : index
    %swap3A_322 = arith.constant 10 : index
    %swap3A_323 = vector.load %arg9[%swap3A_321, %swap3A_322] : memref<2000x16xf32, #tpu.memory_space<vmem>>, vector<1000x1xf32>
    tpu.vector_store %arg9[%swap3A_321, %swap3A_322], %broadcast_in_dim3A_320 {strides = array<i32>} : memref<2000x16xf32, #tpu.memory_space<vmem>>, vector<1000x1xf32>,
    %slice3A_324 = vector.extract_strided_slice %select_n3A_232 {offsets = [0, 1408], sizes = [1000, 128], strides = [1, 1]} : vector<1000x2048xf32> to vector<1000x128xf32>
    %mul3A_325 = arith.mulf %get3A_235, %slice3A_324 : vector<1000x128xf32>
    %reduce_sum3A_326 = arith.constant dense<0.000000e+00> : vector<1000xf32>
    %reduce_sum3A_327 = vector.multi_reduction <add>, %mul3A_325, %reduce_sum3A_326 [1] : vector<1000x128xf32> to vector<1000xf32>
    %broadcast_in_dim3A_328 = vector.shape_cast %reduce_sum3A_327 : vector<1000xf32> to vector<1000x1xf32>
    %swap3A_329 = arith.constant 1000 : index
    %swap3A_330 = arith.constant 11 : index
    %swap3A_331 = vector.load %arg9[%swap3A_329, %swap3A_330] : memref<2000x16xf32, #tpu.memory_space<vmem>>, vector<1000x1xf32>
    tpu.vector_store %arg9[%swap3A_329, %swap3A_330], %broadcast_in_dim3A_328 {strides = array<i32>} : memref<2000x16xf32, #tpu.memory_space<vmem>>, vector<1000x1xf32>,
    %slice3A_332 = vector.extract_strided_slice %select_n3A_232 {offsets = [0, 1536], sizes = [1000, 128], strides = [1, 1]} : vector<1000x2048xf32> to vector<1000x128xf32>
    %mul3A_333 = arith.mulf %get3A_235, %slice3A_332 : vector<1000x128xf32>
    %reduce_sum3A_334 = arith.constant dense<0.000000e+00> : vector<1000xf32>
    %reduce_sum3A_335 = vector.multi_reduction <add>, %mul3A_333, %reduce_sum3A_334 [1] : vector<1000x128xf32> to vector<1000xf32>
    %broadcast_in_dim3A_336 = vector.shape_cast %reduce_sum3A_335 : vector<1000xf32> to vector<1000x1xf32>
    %swap3A_337 = arith.constant 1000 : index
    %swap3A_338 = arith.constant 12 : index
    %swap3A_339 = vector.load %arg9[%swap3A_337, %swap3A_338] : memref<2000x16xf32, #tpu.memory_space<vmem>>, vector<1000x1xf32>
    tpu.vector_store %arg9[%swap3A_337, %swap3A_338], %broadcast_in_dim3A_336 {strides = array<i32>} : memref<2000x16xf32, #tpu.memory_space<vmem>>, vector<1000x1xf32>,
    %slice3A_340 = vector.extract_strided_slice %select_n3A_232 {offsets = [0, 1664], sizes = [1000, 128], strides = [1, 1]} : vector<1000x2048xf32> to vector<1000x128xf32>
    %mul3A_341 = arith.mulf %get3A_235, %slice3A_340 : vector<1000x128xf32>
    %reduce_sum3A_342 = arith.constant dense<0.000000e+00> : vector<1000xf32>
    %reduce_sum3A_343 = vector.multi_reduction <add>, %mul3A_341, %reduce_sum3A_342 [1] : vector<1000x128xf32> to vector<1000xf32>
    %broadcast_in_dim3A_344 = vector.shape_cast %reduce_sum3A_343 : vector<1000xf32> to vector<1000x1xf32>
    %swap3A_345 = arith.constant 1000 : index
    %swap3A_346 = arith.constant 13 : index
    %swap3A_347 = vector.load %arg9[%swap3A_345, %swap3A_346] : memref<2000x16xf32, #tpu.memory_space<vmem>>, vector<1000x1xf32>
    tpu.vector_store %arg9[%swap3A_345, %swap3A_346], %broadcast_in_dim3A_344 {strides = array<i32>} : memref<2000x16xf32, #tpu.memory_space<vmem>>, vector<1000x1xf32>,
    %slice3A_348 = vector.extract_strided_slice %select_n3A_232 {offsets = [0, 1792], sizes = [1000, 128], strides = [1, 1]} : vector<1000x2048xf32> to vector<1000x128xf32>
    %mul3A_349 = arith.mulf %get3A_235, %slice3A_348 : vector<1000x128xf32>
    %reduce_sum3A_350 = arith.constant dense<0.000000e+00> : vector<1000xf32>
    %reduce_sum3A_351 = vector.multi_reduction <add>, %mul3A_349, %reduce_sum3A_350 [1] : vector<1000x128xf32> to vector<1000xf32>
    %broadcast_in_dim3A_352 = vector.shape_cast %reduce_sum3A_351 : vector<1000xf32> to vector<1000x1xf32>
    %swap3A_353 = arith.constant 1000 : index
    %swap3A_354 = arith.constant 14 : index
    %swap3A_355 = vector.load %arg9[%swap3A_353, %swap3A_354] : memref<2000x16xf32, #tpu.memory_space<vmem>>, vector<1000x1xf32>
    tpu.vector_store %arg9[%swap3A_353, %swap3A_354], %broadcast_in_dim3A_352 {strides = array<i32>} : memref<2000x16xf32, #tpu.memory_space<vmem>>, vector<1000x1xf32>,
    %slice3A_356 = vector.extract_strided_slice %select_n3A_232 {offsets = [0, 1920], sizes = [1000, 128], strides = [1, 1]} : vector<1000x2048xf32> to vector<1000x128xf32>
    %mul3A_357 = arith.mulf %get3A_235, %slice3A_356 : vector<1000x128xf32>
    %reduce_sum3A_358 = arith.constant dense<0.000000e+00> : vector<1000xf32>
    %reduce_sum3A_359 = vector.multi_reduction <add>, %mul3A_357, %reduce_sum3A_358 [1] : vector<1000x128xf32> to vector<1000xf32>
    %broadcast_in_dim3A_360 = vector.shape_cast %reduce_sum3A_359 : vector<1000xf32> to vector<1000x1xf32>
    %swap3A_361 = arith.constant 1000 : index
    %swap3A_362 = arith.constant 15 : index
    %swap3A_363 = vector.load %arg9[%swap3A_361, %swap3A_362] : memref<2000x16xf32, #tpu.memory_space<vmem>>, vector<1000x1xf32>
    tpu.vector_store %arg9[%swap3A_361, %swap3A_362], %broadcast_in_dim3A_360 {strides = array<i32>} : memref<2000x16xf32, #tpu.memory_space<vmem>>, vector<1000x1xf32>,
    return
  }
  func.func @transform_0(%arg0: i32) -> (i32, i32) {
    %add3A = arith.constant 16 : i32
    %add3A_0 = arith.addi %arg0, %add3A : i32
    %c0_i32 = arith.constant 0 : i32
    %c0_i32_1 = arith.constant 0 : i32
    return %add3A_0, %c0_i32 : i32, i32
  }
  func.func @transform_1(%arg0: i32) -> (i32, i32) {
    %c0_i32 = arith.constant 0 : i32
    %c0_i32_0 = arith.constant 0 : i32
    return %arg0, %c0_i32 : i32, i32
  }
  func.func @transform_2(%arg0: i32) -> (i32, i32) {
    %c0_i32 = arith.constant 0 : i32
    %c0_i32_0 = arith.constant 0 : i32
    %c0_i32_1 = arith.constant 0 : i32
    return %c0_i32, %c0_i32_0 : i32, i32
  }
  func.func @transform_3(%arg0: i32) -> (i32, i32) {
    %c0_i32 = arith.constant 0 : i32
    %c0_i32_0 = arith.constant 0 : i32
    %c0_i32_1 = arith.constant 0 : i32
    return %c0_i32, %c0_i32_0 : i32, i32
  }
  func.func @transform_4(%arg0: i32) -> (i32, i32) {
    %c0_i32 = arith.constant 0 : i32
    %c0_i32_0 = arith.constant 0 : i32
    %c0_i32_1 = arith.constant 0 : i32
    return %c0_i32, %c0_i32_0 : i32, i32
  }
  func.func @transform_5(%arg0: i32) -> (i32, i32) {
    %c0_i32 = arith.constant 0 : i32
    %c0_i32_0 = arith.constant 0 : i32
    %c0_i32_1 = arith.constant 0 : i32
    return %c0_i32, %c0_i32_0 : i32, i32
  }
  func.func @transform_6(%arg0: i32) -> (i32, i32) {
    %c0_i32 = arith.constant 0 : i32
    %c0_i32_0 = arith.constant 0 : i32
    %c0_i32_1 = arith.constant 0 : i32
    return %c0_i32, %c0_i32_0 : i32, i32
  }
  func.func @transform_7(%arg0: i32) -> (i32, i32) {
    %c0_i32 = arith.constant 0 : i32
    %c0_i32_0 = arith.constant 0 : i32
    %c0_i32_1 = arith.constant 0 : i32
    return %c0_i32, %c0_i32_0 : i32, i32
  }
  func.func @transform_8(%arg0: i32) -> (i32, i32) {
    %c0_i32 = arith.constant 0 : i32
    %c0_i32_0 = arith.constant 0 : i32
    return %arg0, %c0_i32 : i32, i32
  }
}

module attributes {stable_mosaic.version = 14 : i64} {
  func.func @_edge_body(%arg0: i32, %arg1: memref<2000x4xf32, #tpu.memory_space<vmem>>, %arg2: memref<2000x128xf32, #tpu.memory_space<vmem>>, %arg3: memref<4x256xf32, #tpu.memory_space<vmem>>, %arg4: memref<1x256xf32, #tpu.memory_space<vmem>>, %arg5: memref<256x1024xf32, #tpu.memory_space<vmem>>, %arg6: memref<1x1024xf32, #tpu.memory_space<vmem>>, %arg7: memref<1024x2048xf32, #tpu.memory_space<vmem>>, %arg8: memref<1x2048xf32, #tpu.memory_space<vmem>>, %arg9: memref<2000x16xf32, #tpu.memory_space<vmem>>) attributes {dimension_semantics = [#tpu.dimension_semantics<arbitrary>], iteration_bounds = array<i64: 16>, scalar_prefetch = 0 : i64, scratch_operands = 0 : i64, tpu.core_type = #tpu.core_type<tc>, window_params = [{transform_indices = @transform_0, window_bounds = array<i64: 2000, 4>}, {transform_indices = @transform_1, window_bounds = array<i64: 2000, 128>}, {pipeline_mode = #tpu.pipeline_mode<synchronous>, transform_indices = @transform_2, window_bounds = array<i64: 4, 256>}, {pipeline_mode = #tpu.pipeline_mode<synchronous>, transform_indices = @transform_3, window_bounds = array<i64: 1, 256>}, {pipeline_mode = #tpu.pipeline_mode<synchronous>, transform_indices = @transform_4, window_bounds = array<i64: 256, 1024>}, {pipeline_mode = #tpu.pipeline_mode<synchronous>, transform_indices = @transform_5, window_bounds = array<i64: 1, 1024>}, {pipeline_mode = #tpu.pipeline_mode<synchronous>, transform_indices = @transform_6, window_bounds = array<i64: 1024, 2048>}, {pipeline_mode = #tpu.pipeline_mode<synchronous>, transform_indices = @transform_7, window_bounds = array<i64: 1, 2048>}, {transform_indices = @transform_8, window_bounds = array<i64: 2000, 16>}]} {
    %get3A = arith.constant 0 : index
    %get3A_0 = arith.constant 0 : index
    %get3A_1 = vector.load %arg1[%get3A, %get3A_0] : memref<2000x4xf32, #tpu.memory_space<vmem>>, vector<1000x4xf32>
    %get3A_2 = arith.constant 0 : index
    %get3A_3 = arith.constant 0 : index
    %get3A_4 = vector.load %arg3[%get3A_2, %get3A_3] : memref<4x256xf32, #tpu.memory_space<vmem>>, vector<4x256xf32>
    %dot_general3A = arith.constant dense<0.000000e+00> : vector<1000x256xf32>
    %dot_general3A_5 = tpu.matmul %get3A_1, %get3A_4, %dot_general3A {dimension_numbers = #tpu.dot_dimension_numbers<[1], [0], [0], [1], [0, 0, 1, 1], [], []>, transpose_lhs_hint = false} : vector<1000x4xf32>, vector<4x256xf32>, vector<1000x256xf32> -> vector<1000x256xf32>
    %get3A_6 = arith.constant 0 : index
    %get3A_7 = arith.constant 0 : index
    %get3A_8 = vector.load %arg4[%get3A_6, %get3A_7] : memref<1x256xf32, #tpu.memory_space<vmem>>, vector<1x256xf32>
    %add3A = vector.broadcast %get3A_8 : vector<1x256xf32> to vector<1000x256xf32>
    %add3A_9 = arith.addf %dot_general3A_5, %add3A : vector<1000x256xf32>
    %gt3A = arith.constant 0.000000e+00 : f32
    %gt3A_10 = vector.broadcast %gt3A : f32 to vector<1000x256xf32>
    %gt3A_11 = arith.cmpf ogt, %add3A_9, %gt3A_10 : vector<1000x256xf32>
    %exp3A = math.exp %add3A_9 : vector<1000x256xf32>
    %sub3A = arith.constant 1.000000e+00 : f32
    %sub3A_12 = vector.broadcast %sub3A : f32 to vector<1000x256xf32>
    %sub3A_13 = arith.subf %exp3A, %sub3A_12 : vector<1000x256xf32>
    %select_n3A = arith.select %gt3A_11, %add3A_9, %sub3A_13 : vector<1000x256xi1>, vector<1000x256xf32>
    %get3A_14 = arith.constant 0 : index
    %get3A_15 = arith.constant 0 : index
    %get3A_16 = vector.load %arg5[%get3A_14, %get3A_15] : memref<256x1024xf32, #tpu.memory_space<vmem>>, vector<256x1024xf32>
    %dot_general3A_17 = arith.constant dense<0.000000e+00> : vector<1000x1024xf32>
    %dot_general3A_18 = tpu.matmul %select_n3A, %get3A_16, %dot_general3A_17 {dimension_numbers = #tpu.dot_dimension_numbers<[1], [0], [0], [1], [0, 0, 1, 1], [], []>, transpose_lhs_hint = false} : vector<1000x256xf32>, vector<256x1024xf32>, vector<1000x1024xf32> -> vector<1000x1024xf32>
    %get3A_19 = arith.constant 0 : index
    %get3A_20 = arith.constant 0 : index
    %get3A_21 = vector.load %arg6[%get3A_19, %get3A_20] : memref<1x1024xf32, #tpu.memory_space<vmem>>, vector<1x1024xf32>
    %add3A_22 = vector.broadcast %get3A_21 : vector<1x1024xf32> to vector<1000x1024xf32>
    %add3A_23 = arith.addf %dot_general3A_18, %add3A_22 : vector<1000x1024xf32>
    %gt3A_24 = arith.constant 0.000000e+00 : f32
    %gt3A_25 = vector.broadcast %gt3A_24 : f32 to vector<1000x1024xf32>
    %gt3A_26 = arith.cmpf ogt, %add3A_23, %gt3A_25 : vector<1000x1024xf32>
    %exp3A_27 = math.exp %add3A_23 : vector<1000x1024xf32>
    %sub3A_28 = arith.constant 1.000000e+00 : f32
    %sub3A_29 = vector.broadcast %sub3A_28 : f32 to vector<1000x1024xf32>
    %sub3A_30 = arith.subf %exp3A_27, %sub3A_29 : vector<1000x1024xf32>
    %select_n3A_31 = arith.select %gt3A_26, %add3A_23, %sub3A_30 : vector<1000x1024xi1>, vector<1000x1024xf32>
    %get3A_32 = arith.constant 0 : index
    %get3A_33 = arith.constant 0 : index
    %get3A_34 = vector.load %arg7[%get3A_32, %get3A_33] : memref<1024x2048xf32, #tpu.memory_space<vmem>>, vector<1024x2048xf32>
    %dot_general3A_35 = arith.constant dense<0.000000e+00> : vector<1000x2048xf32>
    %dot_general3A_36 = tpu.matmul %select_n3A_31, %get3A_34, %dot_general3A_35 {dimension_numbers = #tpu.dot_dimension_numbers<[1], [0], [0], [1], [0, 0, 1, 1], [], []>, transpose_lhs_hint = false} : vector<1000x1024xf32>, vector<1024x2048xf32>, vector<1000x2048xf32> -> vector<1000x2048xf32>
    %get3A_37 = arith.constant 0 : index
    %get3A_38 = arith.constant 0 : index
    %get3A_39 = vector.load %arg8[%get3A_37, %get3A_38] : memref<1x2048xf32, #tpu.memory_space<vmem>>, vector<1x2048xf32>
    %add3A_40 = vector.broadcast %get3A_39 : vector<1x2048xf32> to vector<1000x2048xf32>
    %add3A_41 = arith.addf %dot_general3A_36, %add3A_40 : vector<1000x2048xf32>
    %gt3A_42 = arith.constant 0.000000e+00 : f32
    %gt3A_43 = vector.broadcast %gt3A_42 : f32 to vector<1000x2048xf32>
    %gt3A_44 = arith.cmpf ogt, %add3A_41, %gt3A_43 : vector<1000x2048xf32>
    %exp3A_45 = math.exp %add3A_41 : vector<1000x2048xf32>
    %sub3A_46 = arith.constant 1.000000e+00 : f32
    %sub3A_47 = vector.broadcast %sub3A_46 : f32 to vector<1000x2048xf32>
    %sub3A_48 = arith.subf %exp3A_45, %sub3A_47 : vector<1000x2048xf32>
    %select_n3A_49 = arith.select %gt3A_44, %add3A_41, %sub3A_48 : vector<1000x2048xi1>, vector<1000x2048xf32>
    %get3A_50 = arith.constant 0 : index
    %get3A_51 = arith.constant 0 : index
    %get3A_52 = vector.load %arg2[%get3A_50, %get3A_51] : memref<2000x128xf32, #tpu.memory_space<vmem>>, vector<1000x128xf32>
    %slice3A = vector.extract_strided_slice %select_n3A_49 {offsets = [0, 0], sizes = [1000, 128], strides = [1, 1]} : vector<1000x2048xf32> to vector<1000x128xf32>
    %mul3A = arith.mulf %get3A_52, %slice3A : vector<1000x128xf32>
    %reduce_sum3A = arith.constant dense<0.000000e+00> : vector<1000xf32>
    %reduce_sum3A_53 = vector.multi_reduction <add>, %mul3A, %reduce_sum3A [1] : vector<1000x128xf32> to vector<1000xf32>
    %broadcast_in_dim3A = vector.shape_cast %reduce_sum3A_53 : vector<1000xf32> to vector<1000x1xf32>
    %swap3A = arith.constant 0 : index
    %swap3A_54 = arith.constant 0 : index
    %swap3A_55 = vector.load %arg9[%swap3A, %swap3A_54] : memref<2000x16xf32, #tpu.memory_space<vmem>>, vector<1000x1xf32>
    tpu.vector_store %arg9[%swap3A, %swap3A_54], %broadcast_in_dim3A {strides = array<i32>} : memref<2000x16xf32, #tpu.memory_space<vmem>>, vector<1000x1xf32>,
    %slice3A_56 = vector.extract_strided_slice %select_n3A_49 {offsets = [0, 128], sizes = [1000, 128], strides = [1, 1]} : vector<1000x2048xf32> to vector<1000x128xf32>
    %mul3A_57 = arith.mulf %get3A_52, %slice3A_56 : vector<1000x128xf32>
    %reduce_sum3A_58 = arith.constant dense<0.000000e+00> : vector<1000xf32>
    %reduce_sum3A_59 = vector.multi_reduction <add>, %mul3A_57, %reduce_sum3A_58 [1] : vector<1000x128xf32> to vector<1000xf32>
    %broadcast_in_dim3A_60 = vector.shape_cast %reduce_sum3A_59 : vector<1000xf32> to vector<1000x1xf32>
    %swap3A_61 = arith.constant 0 : index
    %swap3A_62 = arith.constant 1 : index
    %swap3A_63 = vector.load %arg9[%swap3A_61, %swap3A_62] : memref<2000x16xf32, #tpu.memory_space<vmem>>, vector<1000x1xf32>
    tpu.vector_store %arg9[%swap3A_61, %swap3A_62], %broadcast_in_dim3A_60 {strides = array<i32>} : memref<2000x16xf32, #tpu.memory_space<vmem>>, vector<1000x1xf32>,
    %slice3A_64 = vector.extract_strided_slice %select_n3A_49 {offsets = [0, 256], sizes = [1000, 128], strides = [1, 1]} : vector<1000x2048xf32> to vector<1000x128xf32>
    %mul3A_65 = arith.mulf %get3A_52, %slice3A_64 : vector<1000x128xf32>
    %reduce_sum3A_66 = arith.constant dense<0.000000e+00> : vector<1000xf32>
    %reduce_sum3A_67 = vector.multi_reduction <add>, %mul3A_65, %reduce_sum3A_66 [1] : vector<1000x128xf32> to vector<1000xf32>
    %broadcast_in_dim3A_68 = vector.shape_cast %reduce_sum3A_67 : vector<1000xf32> to vector<1000x1xf32>
    %swap3A_69 = arith.constant 0 : index
    %swap3A_70 = arith.constant 2 : index
    %swap3A_71 = vector.load %arg9[%swap3A_69, %swap3A_70] : memref<2000x16xf32, #tpu.memory_space<vmem>>, vector<1000x1xf32>
    tpu.vector_store %arg9[%swap3A_69, %swap3A_70], %broadcast_in_dim3A_68 {strides = array<i32>} : memref<2000x16xf32, #tpu.memory_space<vmem>>, vector<1000x1xf32>,
    %slice3A_72 = vector.extract_strided_slice %select_n3A_49 {offsets = [0, 384], sizes = [1000, 128], strides = [1, 1]} : vector<1000x2048xf32> to vector<1000x128xf32>
    %mul3A_73 = arith.mulf %get3A_52, %slice3A_72 : vector<1000x128xf32>
    %reduce_sum3A_74 = arith.constant dense<0.000000e+00> : vector<1000xf32>
    %reduce_sum3A_75 = vector.multi_reduction <add>, %mul3A_73, %reduce_sum3A_74 [1] : vector<1000x128xf32> to vector<1000xf32>
    %broadcast_in_dim3A_76 = vector.shape_cast %reduce_sum3A_75 : vector<1000xf32> to vector<1000x1xf32>
    %swap3A_77 = arith.constant 0 : index
    %swap3A_78 = arith.constant 3 : index
    %swap3A_79 = vector.load %arg9[%swap3A_77, %swap3A_78] : memref<2000x16xf32, #tpu.memory_space<vmem>>, vector<1000x1xf32>
    tpu.vector_store %arg9[%swap3A_77, %swap3A_78], %broadcast_in_dim3A_76 {strides = array<i32>} : memref<2000x16xf32, #tpu.memory_space<vmem>>, vector<1000x1xf32>,
    %slice3A_80 = vector.extract_strided_slice %select_n3A_49 {offsets = [0, 512], sizes = [1000, 128], strides = [1, 1]} : vector<1000x2048xf32> to vector<1000x128xf32>
    %mul3A_81 = arith.mulf %get3A_52, %slice3A_80 : vector<1000x128xf32>
    %reduce_sum3A_82 = arith.constant dense<0.000000e+00> : vector<1000xf32>
    %reduce_sum3A_83 = vector.multi_reduction <add>, %mul3A_81, %reduce_sum3A_82 [1] : vector<1000x128xf32> to vector<1000xf32>
    %broadcast_in_dim3A_84 = vector.shape_cast %reduce_sum3A_83 : vector<1000xf32> to vector<1000x1xf32>
    %swap3A_85 = arith.constant 0 : index
    %swap3A_86 = arith.constant 4 : index
    %swap3A_87 = vector.load %arg9[%swap3A_85, %swap3A_86] : memref<2000x16xf32, #tpu.memory_space<vmem>>, vector<1000x1xf32>
    tpu.vector_store %arg9[%swap3A_85, %swap3A_86], %broadcast_in_dim3A_84 {strides = array<i32>} : memref<2000x16xf32, #tpu.memory_space<vmem>>, vector<1000x1xf32>,
    %slice3A_88 = vector.extract_strided_slice %select_n3A_49 {offsets = [0, 640], sizes = [1000, 128], strides = [1, 1]} : vector<1000x2048xf32> to vector<1000x128xf32>
    %mul3A_89 = arith.mulf %get3A_52, %slice3A_88 : vector<1000x128xf32>
    %reduce_sum3A_90 = arith.constant dense<0.000000e+00> : vector<1000xf32>
    %reduce_sum3A_91 = vector.multi_reduction <add>, %mul3A_89, %reduce_sum3A_90 [1] : vector<1000x128xf32> to vector<1000xf32>
    %broadcast_in_dim3A_92 = vector.shape_cast %reduce_sum3A_91 : vector<1000xf32> to vector<1000x1xf32>
    %swap3A_93 = arith.constant 0 : index
    %swap3A_94 = arith.constant 5 : index
    %swap3A_95 = vector.load %arg9[%swap3A_93, %swap3A_94] : memref<2000x16xf32, #tpu.memory_space<vmem>>, vector<1000x1xf32>
    tpu.vector_store %arg9[%swap3A_93, %swap3A_94], %broadcast_in_dim3A_92 {strides = array<i32>} : memref<2000x16xf32, #tpu.memory_space<vmem>>, vector<1000x1xf32>,
    %slice3A_96 = vector.extract_strided_slice %select_n3A_49 {offsets = [0, 768], sizes = [1000, 128], strides = [1, 1]} : vector<1000x2048xf32> to vector<1000x128xf32>
    %mul3A_97 = arith.mulf %get3A_52, %slice3A_96 : vector<1000x128xf32>
    %reduce_sum3A_98 = arith.constant dense<0.000000e+00> : vector<1000xf32>
    %reduce_sum3A_99 = vector.multi_reduction <add>, %mul3A_97, %reduce_sum3A_98 [1] : vector<1000x128xf32> to vector<1000xf32>
    %broadcast_in_dim3A_100 = vector.shape_cast %reduce_sum3A_99 : vector<1000xf32> to vector<1000x1xf32>
    %swap3A_101 = arith.constant 0 : index
    %swap3A_102 = arith.constant 6 : index
    %swap3A_103 = vector.load %arg9[%swap3A_101, %swap3A_102] : memref<2000x16xf32, #tpu.memory_space<vmem>>, vector<1000x1xf32>
    tpu.vector_store %arg9[%swap3A_101, %swap3A_102], %broadcast_in_dim3A_100 {strides = array<i32>} : memref<2000x16xf32, #tpu.memory_space<vmem>>, vector<1000x1xf32>,
    %slice3A_104 = vector.extract_strided_slice %select_n3A_49 {offsets = [0, 896], sizes = [1000, 128], strides = [1, 1]} : vector<1000x2048xf32> to vector<1000x128xf32>
    %mul3A_105 = arith.mulf %get3A_52, %slice3A_104 : vector<1000x128xf32>
    %reduce_sum3A_106 = arith.constant dense<0.000000e+00> : vector<1000xf32>
    %reduce_sum3A_107 = vector.multi_reduction <add>, %mul3A_105, %reduce_sum3A_106 [1] : vector<1000x128xf32> to vector<1000xf32>
    %broadcast_in_dim3A_108 = vector.shape_cast %reduce_sum3A_107 : vector<1000xf32> to vector<1000x1xf32>
    %swap3A_109 = arith.constant 0 : index
    %swap3A_110 = arith.constant 7 : index
    %swap3A_111 = vector.load %arg9[%swap3A_109, %swap3A_110] : memref<2000x16xf32, #tpu.memory_space<vmem>>, vector<1000x1xf32>
    tpu.vector_store %arg9[%swap3A_109, %swap3A_110], %broadcast_in_dim3A_108 {strides = array<i32>} : memref<2000x16xf32, #tpu.memory_space<vmem>>, vector<1000x1xf32>,
    %slice3A_112 = vector.extract_strided_slice %select_n3A_49 {offsets = [0, 1024], sizes = [1000, 128], strides = [1, 1]} : vector<1000x2048xf32> to vector<1000x128xf32>
    %mul3A_113 = arith.mulf %get3A_52, %slice3A_112 : vector<1000x128xf32>
    %reduce_sum3A_114 = arith.constant dense<0.000000e+00> : vector<1000xf32>
    %reduce_sum3A_115 = vector.multi_reduction <add>, %mul3A_113, %reduce_sum3A_114 [1] : vector<1000x128xf32> to vector<1000xf32>
    %broadcast_in_dim3A_116 = vector.shape_cast %reduce_sum3A_115 : vector<1000xf32> to vector<1000x1xf32>
    %swap3A_117 = arith.constant 0 : index
    %swap3A_118 = arith.constant 8 : index
    %swap3A_119 = vector.load %arg9[%swap3A_117, %swap3A_118] : memref<2000x16xf32, #tpu.memory_space<vmem>>, vector<1000x1xf32>
    tpu.vector_store %arg9[%swap3A_117, %swap3A_118], %broadcast_in_dim3A_116 {strides = array<i32>} : memref<2000x16xf32, #tpu.memory_space<vmem>>, vector<1000x1xf32>,
    %slice3A_120 = vector.extract_strided_slice %select_n3A_49 {offsets = [0, 1152], sizes = [1000, 128], strides = [1, 1]} : vector<1000x2048xf32> to vector<1000x128xf32>
    %mul3A_121 = arith.mulf %get3A_52, %slice3A_120 : vector<1000x128xf32>
    %reduce_sum3A_122 = arith.constant dense<0.000000e+00> : vector<1000xf32>
    %reduce_sum3A_123 = vector.multi_reduction <add>, %mul3A_121, %reduce_sum3A_122 [1] : vector<1000x128xf32> to vector<1000xf32>
    %broadcast_in_dim3A_124 = vector.shape_cast %reduce_sum3A_123 : vector<1000xf32> to vector<1000x1xf32>
    %swap3A_125 = arith.constant 0 : index
    %swap3A_126 = arith.constant 9 : index
    %swap3A_127 = vector.load %arg9[%swap3A_125, %swap3A_126] : memref<2000x16xf32, #tpu.memory_space<vmem>>, vector<1000x1xf32>
    tpu.vector_store %arg9[%swap3A_125, %swap3A_126], %broadcast_in_dim3A_124 {strides = array<i32>} : memref<2000x16xf32, #tpu.memory_space<vmem>>, vector<1000x1xf32>,
    %slice3A_128 = vector.extract_strided_slice %select_n3A_49 {offsets = [0, 1280], sizes = [1000, 128], strides = [1, 1]} : vector<1000x2048xf32> to vector<1000x128xf32>
    %mul3A_129 = arith.mulf %get3A_52, %slice3A_128 : vector<1000x128xf32>
    %reduce_sum3A_130 = arith.constant dense<0.000000e+00> : vector<1000xf32>
    %reduce_sum3A_131 = vector.multi_reduction <add>, %mul3A_129, %reduce_sum3A_130 [1] : vector<1000x128xf32> to vector<1000xf32>
    %broadcast_in_dim3A_132 = vector.shape_cast %reduce_sum3A_131 : vector<1000xf32> to vector<1000x1xf32>
    %swap3A_133 = arith.constant 0 : index
    %swap3A_134 = arith.constant 10 : index
    %swap3A_135 = vector.load %arg9[%swap3A_133, %swap3A_134] : memref<2000x16xf32, #tpu.memory_space<vmem>>, vector<1000x1xf32>
    tpu.vector_store %arg9[%swap3A_133, %swap3A_134], %broadcast_in_dim3A_132 {strides = array<i32>} : memref<2000x16xf32, #tpu.memory_space<vmem>>, vector<1000x1xf32>,
    %slice3A_136 = vector.extract_strided_slice %select_n3A_49 {offsets = [0, 1408], sizes = [1000, 128], strides = [1, 1]} : vector<1000x2048xf32> to vector<1000x128xf32>
    %mul3A_137 = arith.mulf %get3A_52, %slice3A_136 : vector<1000x128xf32>
    %reduce_sum3A_138 = arith.constant dense<0.000000e+00> : vector<1000xf32>
    %reduce_sum3A_139 = vector.multi_reduction <add>, %mul3A_137, %reduce_sum3A_138 [1] : vector<1000x128xf32> to vector<1000xf32>
    %broadcast_in_dim3A_140 = vector.shape_cast %reduce_sum3A_139 : vector<1000xf32> to vector<1000x1xf32>
    %swap3A_141 = arith.constant 0 : index
    %swap3A_142 = arith.constant 11 : index
    %swap3A_143 = vector.load %arg9[%swap3A_141, %swap3A_142] : memref<2000x16xf32, #tpu.memory_space<vmem>>, vector<1000x1xf32>
    tpu.vector_store %arg9[%swap3A_141, %swap3A_142], %broadcast_in_dim3A_140 {strides = array<i32>} : memref<2000x16xf32, #tpu.memory_space<vmem>>, vector<1000x1xf32>,
    %slice3A_144 = vector.extract_strided_slice %select_n3A_49 {offsets = [0, 1536], sizes = [1000, 128], strides = [1, 1]} : vector<1000x2048xf32> to vector<1000x128xf32>
    %mul3A_145 = arith.mulf %get3A_52, %slice3A_144 : vector<1000x128xf32>
    %reduce_sum3A_146 = arith.constant dense<0.000000e+00> : vector<1000xf32>
    %reduce_sum3A_147 = vector.multi_reduction <add>, %mul3A_145, %reduce_sum3A_146 [1] : vector<1000x128xf32> to vector<1000xf32>
    %broadcast_in_dim3A_148 = vector.shape_cast %reduce_sum3A_147 : vector<1000xf32> to vector<1000x1xf32>
    %swap3A_149 = arith.constant 0 : index
    %swap3A_150 = arith.constant 12 : index
    %swap3A_151 = vector.load %arg9[%swap3A_149, %swap3A_150] : memref<2000x16xf32, #tpu.memory_space<vmem>>, vector<1000x1xf32>
    tpu.vector_store %arg9[%swap3A_149, %swap3A_150], %broadcast_in_dim3A_148 {strides = array<i32>} : memref<2000x16xf32, #tpu.memory_space<vmem>>, vector<1000x1xf32>,
    %slice3A_152 = vector.extract_strided_slice %select_n3A_49 {offsets = [0, 1664], sizes = [1000, 128], strides = [1, 1]} : vector<1000x2048xf32> to vector<1000x128xf32>
    %mul3A_153 = arith.mulf %get3A_52, %slice3A_152 : vector<1000x128xf32>
    %reduce_sum3A_154 = arith.constant dense<0.000000e+00> : vector<1000xf32>
    %reduce_sum3A_155 = vector.multi_reduction <add>, %mul3A_153, %reduce_sum3A_154 [1] : vector<1000x128xf32> to vector<1000xf32>
    %broadcast_in_dim3A_156 = vector.shape_cast %reduce_sum3A_155 : vector<1000xf32> to vector<1000x1xf32>
    %swap3A_157 = arith.constant 0 : index
    %swap3A_158 = arith.constant 13 : index
    %swap3A_159 = vector.load %arg9[%swap3A_157, %swap3A_158] : memref<2000x16xf32, #tpu.memory_space<vmem>>, vector<1000x1xf32>
    tpu.vector_store %arg9[%swap3A_157, %swap3A_158], %broadcast_in_dim3A_156 {strides = array<i32>} : memref<2000x16xf32, #tpu.memory_space<vmem>>, vector<1000x1xf32>,
    %slice3A_160 = vector.extract_strided_slice %select_n3A_49 {offsets = [0, 1792], sizes = [1000, 128], strides = [1, 1]} : vector<1000x2048xf32> to vector<1000x128xf32>
    %mul3A_161 = arith.mulf %get3A_52, %slice3A_160 : vector<1000x128xf32>
    %reduce_sum3A_162 = arith.constant dense<0.000000e+00> : vector<1000xf32>
    %reduce_sum3A_163 = vector.multi_reduction <add>, %mul3A_161, %reduce_sum3A_162 [1] : vector<1000x128xf32> to vector<1000xf32>
    %broadcast_in_dim3A_164 = vector.shape_cast %reduce_sum3A_163 : vector<1000xf32> to vector<1000x1xf32>
    %swap3A_165 = arith.constant 0 : index
    %swap3A_166 = arith.constant 14 : index
    %swap3A_167 = vector.load %arg9[%swap3A_165, %swap3A_166] : memref<2000x16xf32, #tpu.memory_space<vmem>>, vector<1000x1xf32>
    tpu.vector_store %arg9[%swap3A_165, %swap3A_166], %broadcast_in_dim3A_164 {strides = array<i32>} : memref<2000x16xf32, #tpu.memory_space<vmem>>, vector<1000x1xf32>,
    %slice3A_168 = vector.extract_strided_slice %select_n3A_49 {offsets = [0, 1920], sizes = [1000, 128], strides = [1, 1]} : vector<1000x2048xf32> to vector<1000x128xf32>
    %mul3A_169 = arith.mulf %get3A_52, %slice3A_168 : vector<1000x128xf32>
    %reduce_sum3A_170 = arith.constant dense<0.000000e+00> : vector<1000xf32>
    %reduce_sum3A_171 = vector.multi_reduction <add>, %mul3A_169, %reduce_sum3A_170 [1] : vector<1000x128xf32> to vector<1000xf32>
    %broadcast_in_dim3A_172 = vector.shape_cast %reduce_sum3A_171 : vector<1000xf32> to vector<1000x1xf32>
    %swap3A_173 = arith.constant 0 : index
    %swap3A_174 = arith.constant 15 : index
    %swap3A_175 = vector.load %arg9[%swap3A_173, %swap3A_174] : memref<2000x16xf32, #tpu.memory_space<vmem>>, vector<1000x1xf32>
    tpu.vector_store %arg9[%swap3A_173, %swap3A_174], %broadcast_in_dim3A_172 {strides = array<i32>} : memref<2000x16xf32, #tpu.memory_space<vmem>>, vector<1000x1xf32>,
    %get3A_176 = arith.constant 1000 : index
    %get3A_177 = arith.constant 0 : index
    %get3A_178 = vector.load %arg1[%get3A_176, %get3A_177] : memref<2000x4xf32, #tpu.memory_space<vmem>>, vector<1000x4xf32>
    %get3A_179 = arith.constant 0 : index
    %get3A_180 = arith.constant 0 : index
    %get3A_181 = vector.load %arg3[%get3A_179, %get3A_180] : memref<4x256xf32, #tpu.memory_space<vmem>>, vector<4x256xf32>
    %dot_general3A_182 = arith.constant dense<0.000000e+00> : vector<1000x256xf32>
    %dot_general3A_183 = tpu.matmul %get3A_178, %get3A_181, %dot_general3A_182 {dimension_numbers = #tpu.dot_dimension_numbers<[1], [0], [0], [1], [0, 0, 1, 1], [], []>, transpose_lhs_hint = false} : vector<1000x4xf32>, vector<4x256xf32>, vector<1000x256xf32> -> vector<1000x256xf32>
    %get3A_184 = arith.constant 0 : index
    %get3A_185 = arith.constant 0 : index
    %get3A_186 = vector.load %arg4[%get3A_184, %get3A_185] : memref<1x256xf32, #tpu.memory_space<vmem>>, vector<1x256xf32>
    %add3A_187 = vector.broadcast %get3A_186 : vector<1x256xf32> to vector<1000x256xf32>
    %add3A_188 = arith.addf %dot_general3A_183, %add3A_187 : vector<1000x256xf32>
    %gt3A_189 = arith.constant 0.000000e+00 : f32
    %gt3A_190 = vector.broadcast %gt3A_189 : f32 to vector<1000x256xf32>
    %gt3A_191 = arith.cmpf ogt, %add3A_188, %gt3A_190 : vector<1000x256xf32>
    %exp3A_192 = math.exp %add3A_188 : vector<1000x256xf32>
    %sub3A_193 = arith.constant 1.000000e+00 : f32
    %sub3A_194 = vector.broadcast %sub3A_193 : f32 to vector<1000x256xf32>
    %sub3A_195 = arith.subf %exp3A_192, %sub3A_194 : vector<1000x256xf32>
    %select_n3A_196 = arith.select %gt3A_191, %add3A_188, %sub3A_195 : vector<1000x256xi1>, vector<1000x256xf32>
    %get3A_197 = arith.constant 0 : index
    %get3A_198 = arith.constant 0 : index
    %get3A_199 = vector.load %arg5[%get3A_197, %get3A_198] : memref<256x1024xf32, #tpu.memory_space<vmem>>, vector<256x1024xf32>
    %dot_general3A_200 = arith.constant dense<0.000000e+00> : vector<1000x1024xf32>
    %dot_general3A_201 = tpu.matmul %select_n3A_196, %get3A_199, %dot_general3A_200 {dimension_numbers = #tpu.dot_dimension_numbers<[1], [0], [0], [1], [0, 0, 1, 1], [], []>, transpose_lhs_hint = false} : vector<1000x256xf32>, vector<256x1024xf32>, vector<1000x1024xf32> -> vector<1000x1024xf32>
    %get3A_202 = arith.constant 0 : index
    %get3A_203 = arith.constant 0 : index
    %get3A_204 = vector.load %arg6[%get3A_202, %get3A_203] : memref<1x1024xf32, #tpu.memory_space<vmem>>, vector<1x1024xf32>
    %add3A_205 = vector.broadcast %get3A_204 : vector<1x1024xf32> to vector<1000x1024xf32>
    %add3A_206 = arith.addf %dot_general3A_201, %add3A_205 : vector<1000x1024xf32>
    %gt3A_207 = arith.constant 0.000000e+00 : f32
    %gt3A_208 = vector.broadcast %gt3A_207 : f32 to vector<1000x1024xf32>
    %gt3A_209 = arith.cmpf ogt, %add3A_206, %gt3A_208 : vector<1000x1024xf32>
    %exp3A_210 = math.exp %add3A_206 : vector<1000x1024xf32>
    %sub3A_211 = arith.constant 1.000000e+00 : f32
    %sub3A_212 = vector.broadcast %sub3A_211 : f32 to vector<1000x1024xf32>
    %sub3A_213 = arith.subf %exp3A_210, %sub3A_212 : vector<1000x1024xf32>
    %select_n3A_214 = arith.select %gt3A_209, %add3A_206, %sub3A_213 : vector<1000x1024xi1>, vector<1000x1024xf32>
    %get3A_215 = arith.constant 0 : index
    %get3A_216 = arith.constant 0 : index
    %get3A_217 = vector.load %arg7[%get3A_215, %get3A_216] : memref<1024x2048xf32, #tpu.memory_space<vmem>>, vector<1024x2048xf32>
    %dot_general3A_218 = arith.constant dense<0.000000e+00> : vector<1000x2048xf32>
    %dot_general3A_219 = tpu.matmul %select_n3A_214, %get3A_217, %dot_general3A_218 {dimension_numbers = #tpu.dot_dimension_numbers<[1], [0], [0], [1], [0, 0, 1, 1], [], []>, transpose_lhs_hint = false} : vector<1000x1024xf32>, vector<1024x2048xf32>, vector<1000x2048xf32> -> vector<1000x2048xf32>
    %get3A_220 = arith.constant 0 : index
    %get3A_221 = arith.constant 0 : index
    %get3A_222 = vector.load %arg8[%get3A_220, %get3A_221] : memref<1x2048xf32, #tpu.memory_space<vmem>>, vector<1x2048xf32>
    %add3A_223 = vector.broadcast %get3A_222 : vector<1x2048xf32> to vector<1000x2048xf32>
    %add3A_224 = arith.addf %dot_general3A_219, %add3A_223 : vector<1000x2048xf32>
    %gt3A_225 = arith.constant 0.000000e+00 : f32
    %gt3A_226 = vector.broadcast %gt3A_225 : f32 to vector<1000x2048xf32>
    %gt3A_227 = arith.cmpf ogt, %add3A_224, %gt3A_226 : vector<1000x2048xf32>
    %exp3A_228 = math.exp %add3A_224 : vector<1000x2048xf32>
    %sub3A_229 = arith.constant 1.000000e+00 : f32
    %sub3A_230 = vector.broadcast %sub3A_229 : f32 to vector<1000x2048xf32>
    %sub3A_231 = arith.subf %exp3A_228, %sub3A_230 : vector<1000x2048xf32>
    %select_n3A_232 = arith.select %gt3A_227, %add3A_224, %sub3A_231 : vector<1000x2048xi1>, vector<1000x2048xf32>
    %get3A_233 = arith.constant 1000 : index
    %get3A_234 = arith.constant 0 : index
    %get3A_235 = vector.load %arg2[%get3A_233, %get3A_234] : memref<2000x128xf32, #tpu.memory_space<vmem>>, vector<1000x128xf32>
    %slice3A_236 = vector.extract_strided_slice %select_n3A_232 {offsets = [0, 0], sizes = [1000, 128], strides = [1, 1]} : vector<1000x2048xf32> to vector<1000x128xf32>
    %mul3A_237 = arith.mulf %get3A_235, %slice3A_236 : vector<1000x128xf32>
    %reduce_sum3A_238 = arith.constant dense<0.000000e+00> : vector<1000xf32>
    %reduce_sum3A_239 = vector.multi_reduction <add>, %mul3A_237, %reduce_sum3A_238 [1] : vector<1000x128xf32> to vector<1000xf32>
    %broadcast_in_dim3A_240 = vector.shape_cast %reduce_sum3A_239 : vector<1000xf32> to vector<1000x1xf32>
    %swap3A_241 = arith.constant 1000 : index
    %swap3A_242 = arith.constant 0 : index
    %swap3A_243 = vector.load %arg9[%swap3A_241, %swap3A_242] : memref<2000x16xf32, #tpu.memory_space<vmem>>, vector<1000x1xf32>
    tpu.vector_store %arg9[%swap3A_241, %swap3A_242], %broadcast_in_dim3A_240 {strides = array<i32>} : memref<2000x16xf32, #tpu.memory_space<vmem>>, vector<1000x1xf32>,
    %slice3A_244 = vector.extract_strided_slice %select_n3A_232 {offsets = [0, 128], sizes = [1000, 128], strides = [1, 1]} : vector<1000x2048xf32> to vector<1000x128xf32>
    %mul3A_245 = arith.mulf %get3A_235, %slice3A_244 : vector<1000x128xf32>
    %reduce_sum3A_246 = arith.constant dense<0.000000e+00> : vector<1000xf32>
    %reduce_sum3A_247 = vector.multi_reduction <add>, %mul3A_245, %reduce_sum3A_246 [1] : vector<1000x128xf32> to vector<1000xf32>
    %broadcast_in_dim3A_248 = vector.shape_cast %reduce_sum3A_247 : vector<1000xf32> to vector<1000x1xf32>
    %swap3A_249 = arith.constant 1000 : index
    %swap3A_250 = arith.constant 1 : index
    %swap3A_251 = vector.load %arg9[%swap3A_249, %swap3A_250] : memref<2000x16xf32, #tpu.memory_space<vmem>>, vector<1000x1xf32>
    tpu.vector_store %arg9[%swap3A_249, %swap3A_250], %broadcast_in_dim3A_248 {strides = array<i32>} : memref<2000x16xf32, #tpu.memory_space<vmem>>, vector<1000x1xf32>,
    %slice3A_252 = vector.extract_strided_slice %select_n3A_232 {offsets = [0, 256], sizes = [1000, 128], strides = [1, 1]} : vector<1000x2048xf32> to vector<1000x128xf32>
    %mul3A_253 = arith.mulf %get3A_235, %slice3A_252 : vector<1000x128xf32>
    %reduce_sum3A_254 = arith.constant dense<0.000000e+00> : vector<1000xf32>
    %reduce_sum3A_255 = vector.multi_reduction <add>, %mul3A_253, %reduce_sum3A_254 [1] : vector<1000x128xf32> to vector<1000xf32>
    %broadcast_in_dim3A_256 = vector.shape_cast %reduce_sum3A_255 : vector<1000xf32> to vector<1000x1xf32>
    %swap3A_257 = arith.constant 1000 : index
    %swap3A_258 = arith.constant 2 : index
    %swap3A_259 = vector.load %arg9[%swap3A_257, %swap3A_258] : memref<2000x16xf32, #tpu.memory_space<vmem>>, vector<1000x1xf32>
    tpu.vector_store %arg9[%swap3A_257, %swap3A_258], %broadcast_in_dim3A_256 {strides = array<i32>} : memref<2000x16xf32, #tpu.memory_space<vmem>>, vector<1000x1xf32>,
    %slice3A_260 = vector.extract_strided_slice %select_n3A_232 {offsets = [0, 384], sizes = [1000, 128], strides = [1, 1]} : vector<1000x2048xf32> to vector<1000x128xf32>
    %mul3A_261 = arith.mulf %get3A_235, %slice3A_260 : vector<1000x128xf32>
    %reduce_sum3A_262 = arith.constant dense<0.000000e+00> : vector<1000xf32>
    %reduce_sum3A_263 = vector.multi_reduction <add>, %mul3A_261, %reduce_sum3A_262 [1] : vector<1000x128xf32> to vector<1000xf32>
    %broadcast_in_dim3A_264 = vector.shape_cast %reduce_sum3A_263 : vector<1000xf32> to vector<1000x1xf32>
    %swap3A_265 = arith.constant 1000 : index
    %swap3A_266 = arith.constant 3 : index
    %swap3A_267 = vector.load %arg9[%swap3A_265, %swap3A_266] : memref<2000x16xf32, #tpu.memory_space<vmem>>, vector<1000x1xf32>
    tpu.vector_store %arg9[%swap3A_265, %swap3A_266], %broadcast_in_dim3A_264 {strides = array<i32>} : memref<2000x16xf32, #tpu.memory_space<vmem>>, vector<1000x1xf32>,
    %slice3A_268 = vector.extract_strided_slice %select_n3A_232 {offsets = [0, 512], sizes = [1000, 128], strides = [1, 1]} : vector<1000x2048xf32> to vector<1000x128xf32>
    %mul3A_269 = arith.mulf %get3A_235, %slice3A_268 : vector<1000x128xf32>
    %reduce_sum3A_270 = arith.constant dense<0.000000e+00> : vector<1000xf32>
    %reduce_sum3A_271 = vector.multi_reduction <add>, %mul3A_269, %reduce_sum3A_270 [1] : vector<1000x128xf32> to vector<1000xf32>
    %broadcast_in_dim3A_272 = vector.shape_cast %reduce_sum3A_271 : vector<1000xf32> to vector<1000x1xf32>
    %swap3A_273 = arith.constant 1000 : index
    %swap3A_274 = arith.constant 4 : index
    %swap3A_275 = vector.load %arg9[%swap3A_273, %swap3A_274] : memref<2000x16xf32, #tpu.memory_space<vmem>>, vector<1000x1xf32>
    tpu.vector_store %arg9[%swap3A_273, %swap3A_274], %broadcast_in_dim3A_272 {strides = array<i32>} : memref<2000x16xf32, #tpu.memory_space<vmem>>, vector<1000x1xf32>,
    %slice3A_276 = vector.extract_strided_slice %select_n3A_232 {offsets = [0, 640], sizes = [1000, 128], strides = [1, 1]} : vector<1000x2048xf32> to vector<1000x128xf32>
    %mul3A_277 = arith.mulf %get3A_235, %slice3A_276 : vector<1000x128xf32>
    %reduce_sum3A_278 = arith.constant dense<0.000000e+00> : vector<1000xf32>
    %reduce_sum3A_279 = vector.multi_reduction <add>, %mul3A_277, %reduce_sum3A_278 [1] : vector<1000x128xf32> to vector<1000xf32>
    %broadcast_in_dim3A_280 = vector.shape_cast %reduce_sum3A_279 : vector<1000xf32> to vector<1000x1xf32>
    %swap3A_281 = arith.constant 1000 : index
    %swap3A_282 = arith.constant 5 : index
    %swap3A_283 = vector.load %arg9[%swap3A_281, %swap3A_282] : memref<2000x16xf32, #tpu.memory_space<vmem>>, vector<1000x1xf32>
    tpu.vector_store %arg9[%swap3A_281, %swap3A_282], %broadcast_in_dim3A_280 {strides = array<i32>} : memref<2000x16xf32, #tpu.memory_space<vmem>>, vector<1000x1xf32>,
    %slice3A_284 = vector.extract_strided_slice %select_n3A_232 {offsets = [0, 768], sizes = [1000, 128], strides = [1, 1]} : vector<1000x2048xf32> to vector<1000x128xf32>
    %mul3A_285 = arith.mulf %get3A_235, %slice3A_284 : vector<1000x128xf32>
    %reduce_sum3A_286 = arith.constant dense<0.000000e+00> : vector<1000xf32>
    %reduce_sum3A_287 = vector.multi_reduction <add>, %mul3A_285, %reduce_sum3A_286 [1] : vector<1000x128xf32> to vector<1000xf32>
    %broadcast_in_dim3A_288 = vector.shape_cast %reduce_sum3A_287 : vector<1000xf32> to vector<1000x1xf32>
    %swap3A_289 = arith.constant 1000 : index
    %swap3A_290 = arith.constant 6 : index
    %swap3A_291 = vector.load %arg9[%swap3A_289, %swap3A_290] : memref<2000x16xf32, #tpu.memory_space<vmem>>, vector<1000x1xf32>
    tpu.vector_store %arg9[%swap3A_289, %swap3A_290], %broadcast_in_dim3A_288 {strides = array<i32>} : memref<2000x16xf32, #tpu.memory_space<vmem>>, vector<1000x1xf32>,
    %slice3A_292 = vector.extract_strided_slice %select_n3A_232 {offsets = [0, 896], sizes = [1000, 128], strides = [1, 1]} : vector<1000x2048xf32> to vector<1000x128xf32>
    %mul3A_293 = arith.mulf %get3A_235, %slice3A_292 : vector<1000x128xf32>
    %reduce_sum3A_294 = arith.constant dense<0.000000e+00> : vector<1000xf32>
    %reduce_sum3A_295 = vector.multi_reduction <add>, %mul3A_293, %reduce_sum3A_294 [1] : vector<1000x128xf32> to vector<1000xf32>
    %broadcast_in_dim3A_296 = vector.shape_cast %reduce_sum3A_295 : vector<1000xf32> to vector<1000x1xf32>
    %swap3A_297 = arith.constant 1000 : index
    %swap3A_298 = arith.constant 7 : index
    %swap3A_299 = vector.load %arg9[%swap3A_297, %swap3A_298] : memref<2000x16xf32, #tpu.memory_space<vmem>>, vector<1000x1xf32>
    tpu.vector_store %arg9[%swap3A_297, %swap3A_298], %broadcast_in_dim3A_296 {strides = array<i32>} : memref<2000x16xf32, #tpu.memory_space<vmem>>, vector<1000x1xf32>,
    %slice3A_300 = vector.extract_strided_slice %select_n3A_232 {offsets = [0, 1024], sizes = [1000, 128], strides = [1, 1]} : vector<1000x2048xf32> to vector<1000x128xf32>
    %mul3A_301 = arith.mulf %get3A_235, %slice3A_300 : vector<1000x128xf32>
    %reduce_sum3A_302 = arith.constant dense<0.000000e+00> : vector<1000xf32>
    %reduce_sum3A_303 = vector.multi_reduction <add>, %mul3A_301, %reduce_sum3A_302 [1] : vector<1000x128xf32> to vector<1000xf32>
    %broadcast_in_dim3A_304 = vector.shape_cast %reduce_sum3A_303 : vector<1000xf32> to vector<1000x1xf32>
    %swap3A_305 = arith.constant 1000 : index
    %swap3A_306 = arith.constant 8 : index
    %swap3A_307 = vector.load %arg9[%swap3A_305, %swap3A_306] : memref<2000x16xf32, #tpu.memory_space<vmem>>, vector<1000x1xf32>
    tpu.vector_store %arg9[%swap3A_305, %swap3A_306], %broadcast_in_dim3A_304 {strides = array<i32>} : memref<2000x16xf32, #tpu.memory_space<vmem>>, vector<1000x1xf32>,
    %slice3A_308 = vector.extract_strided_slice %select_n3A_232 {offsets = [0, 1152], sizes = [1000, 128], strides = [1, 1]} : vector<1000x2048xf32> to vector<1000x128xf32>
    %mul3A_309 = arith.mulf %get3A_235, %slice3A_308 : vector<1000x128xf32>
    %reduce_sum3A_310 = arith.constant dense<0.000000e+00> : vector<1000xf32>
    %reduce_sum3A_311 = vector.multi_reduction <add>, %mul3A_309, %reduce_sum3A_310 [1] : vector<1000x128xf32> to vector<1000xf32>
    %broadcast_in_dim3A_312 = vector.shape_cast %reduce_sum3A_311 : vector<1000xf32> to vector<1000x1xf32>
    %swap3A_313 = arith.constant 1000 : index
    %swap3A_314 = arith.constant 9 : index
    %swap3A_315 = vector.load %arg9[%swap3A_313, %swap3A_314] : memref<2000x16xf32, #tpu.memory_space<vmem>>, vector<1000x1xf32>
    tpu.vector_store %arg9[%swap3A_313, %swap3A_314], %broadcast_in_dim3A_312 {strides = array<i32>} : memref<2000x16xf32, #tpu.memory_space<vmem>>, vector<1000x1xf32>,
    %slice3A_316 = vector.extract_strided_slice %select_n3A_232 {offsets = [0, 1280], sizes = [1000, 128], strides = [1, 1]} : vector<1000x2048xf32> to vector<1000x128xf32>
    %mul3A_317 = arith.mulf %get3A_235, %slice3A_316 : vector<1000x128xf32>
    %reduce_sum3A_318 = arith.constant dense<0.000000e+00> : vector<1000xf32>
    %reduce_sum3A_319 = vector.multi_reduction <add>, %mul3A_317, %reduce_sum3A_318 [1] : vector<1000x128xf32> to vector<1000xf32>
    %broadcast_in_dim3A_320 = vector.shape_cast %reduce_sum3A_319 : vector<1000xf32> to vector<1000x1xf32>
    %swap3A_321 = arith.constant 1000 : index
    %swap3A_322 = arith.constant 10 : index
    %swap3A_323 = vector.load %arg9[%swap3A_321, %swap3A_322] : memref<2000x16xf32, #tpu.memory_space<vmem>>, vector<1000x1xf32>
    tpu.vector_store %arg9[%swap3A_321, %swap3A_322], %broadcast_in_dim3A_320 {strides = array<i32>} : memref<2000x16xf32, #tpu.memory_space<vmem>>, vector<1000x1xf32>,
    %slice3A_324 = vector.extract_strided_slice %select_n3A_232 {offsets = [0, 1408], sizes = [1000, 128], strides = [1, 1]} : vector<1000x2048xf32> to vector<1000x128xf32>
    %mul3A_325 = arith.mulf %get3A_235, %slice3A_324 : vector<1000x128xf32>
    %reduce_sum3A_326 = arith.constant dense<0.000000e+00> : vector<1000xf32>
    %reduce_sum3A_327 = vector.multi_reduction <add>, %mul3A_325, %reduce_sum3A_326 [1] : vector<1000x128xf32> to vector<1000xf32>
    %broadcast_in_dim3A_328 = vector.shape_cast %reduce_sum3A_327 : vector<1000xf32> to vector<1000x1xf32>
    %swap3A_329 = arith.constant 1000 : index
    %swap3A_330 = arith.constant 11 : index
    %swap3A_331 = vector.load %arg9[%swap3A_329, %swap3A_330] : memref<2000x16xf32, #tpu.memory_space<vmem>>, vector<1000x1xf32>
    tpu.vector_store %arg9[%swap3A_329, %swap3A_330], %broadcast_in_dim3A_328 {strides = array<i32>} : memref<2000x16xf32, #tpu.memory_space<vmem>>, vector<1000x1xf32>,
    %slice3A_332 = vector.extract_strided_slice %select_n3A_232 {offsets = [0, 1536], sizes = [1000, 128], strides = [1, 1]} : vector<1000x2048xf32> to vector<1000x128xf32>
    %mul3A_333 = arith.mulf %get3A_235, %slice3A_332 : vector<1000x128xf32>
    %reduce_sum3A_334 = arith.constant dense<0.000000e+00> : vector<1000xf32>
    %reduce_sum3A_335 = vector.multi_reduction <add>, %mul3A_333, %reduce_sum3A_334 [1] : vector<1000x128xf32> to vector<1000xf32>
    %broadcast_in_dim3A_336 = vector.shape_cast %reduce_sum3A_335 : vector<1000xf32> to vector<1000x1xf32>
    %swap3A_337 = arith.constant 1000 : index
    %swap3A_338 = arith.constant 12 : index
    %swap3A_339 = vector.load %arg9[%swap3A_337, %swap3A_338] : memref<2000x16xf32, #tpu.memory_space<vmem>>, vector<1000x1xf32>
    tpu.vector_store %arg9[%swap3A_337, %swap3A_338], %broadcast_in_dim3A_336 {strides = array<i32>} : memref<2000x16xf32, #tpu.memory_space<vmem>>, vector<1000x1xf32>,
    %slice3A_340 = vector.extract_strided_slice %select_n3A_232 {offsets = [0, 1664], sizes = [1000, 128], strides = [1, 1]} : vector<1000x2048xf32> to vector<1000x128xf32>
    %mul3A_341 = arith.mulf %get3A_235, %slice3A_340 : vector<1000x128xf32>
    %reduce_sum3A_342 = arith.constant dense<0.000000e+00> : vector<1000xf32>
    %reduce_sum3A_343 = vector.multi_reduction <add>, %mul3A_341, %reduce_sum3A_342 [1] : vector<1000x128xf32> to vector<1000xf32>
    %broadcast_in_dim3A_344 = vector.shape_cast %reduce_sum3A_343 : vector<1000xf32> to vector<1000x1xf32>
    %swap3A_345 = arith.constant 1000 : index
    %swap3A_346 = arith.constant 13 : index
    %swap3A_347 = vector.load %arg9[%swap3A_345, %swap3A_346] : memref<2000x16xf32, #tpu.memory_space<vmem>>, vector<1000x1xf32>
    tpu.vector_store %arg9[%swap3A_345, %swap3A_346], %broadcast_in_dim3A_344 {strides = array<i32>} : memref<2000x16xf32, #tpu.memory_space<vmem>>, vector<1000x1xf32>,
    %slice3A_348 = vector.extract_strided_slice %select_n3A_232 {offsets = [0, 1792], sizes = [1000, 128], strides = [1, 1]} : vector<1000x2048xf32> to vector<1000x128xf32>
    %mul3A_349 = arith.mulf %get3A_235, %slice3A_348 : vector<1000x128xf32>
    %reduce_sum3A_350 = arith.constant dense<0.000000e+00> : vector<1000xf32>
    %reduce_sum3A_351 = vector.multi_reduction <add>, %mul3A_349, %reduce_sum3A_350 [1] : vector<1000x128xf32> to vector<1000xf32>
    %broadcast_in_dim3A_352 = vector.shape_cast %reduce_sum3A_351 : vector<1000xf32> to vector<1000x1xf32>
    %swap3A_353 = arith.constant 1000 : index
    %swap3A_354 = arith.constant 14 : index
    %swap3A_355 = vector.load %arg9[%swap3A_353, %swap3A_354] : memref<2000x16xf32, #tpu.memory_space<vmem>>, vector<1000x1xf32>
    tpu.vector_store %arg9[%swap3A_353, %swap3A_354], %broadcast_in_dim3A_352 {strides = array<i32>} : memref<2000x16xf32, #tpu.memory_space<vmem>>, vector<1000x1xf32>,
    %slice3A_356 = vector.extract_strided_slice %select_n3A_232 {offsets = [0, 1920], sizes = [1000, 128], strides = [1, 1]} : vector<1000x2048xf32> to vector<1000x128xf32>
    %mul3A_357 = arith.mulf %get3A_235, %slice3A_356 : vector<1000x128xf32>
    %reduce_sum3A_358 = arith.constant dense<0.000000e+00> : vector<1000xf32>
    %reduce_sum3A_359 = vector.multi_reduction <add>, %mul3A_357, %reduce_sum3A_358 [1] : vector<1000x128xf32> to vector<1000xf32>
    %broadcast_in_dim3A_360 = vector.shape_cast %reduce_sum3A_359 : vector<1000xf32> to vector<1000x1xf32>
    %swap3A_361 = arith.constant 1000 : index
    %swap3A_362 = arith.constant 15 : index
    %swap3A_363 = vector.load %arg9[%swap3A_361, %swap3A_362] : memref<2000x16xf32, #tpu.memory_space<vmem>>, vector<1000x1xf32>
    tpu.vector_store %arg9[%swap3A_361, %swap3A_362], %broadcast_in_dim3A_360 {strides = array<i32>} : memref<2000x16xf32, #tpu.memory_space<vmem>>, vector<1000x1xf32>,
    return
  }
  func.func @transform_0(%arg0: i32) -> (i32, i32) {
    %add3A = arith.constant 0 : i32
    %add3A_0 = arith.addi %arg0, %add3A : i32
    %c0_i32 = arith.constant 0 : i32
    %c0_i32_1 = arith.constant 0 : i32
    return %add3A_0, %c0_i32 : i32, i32
  }
  func.func @transform_1(%arg0: i32) -> (i32, i32) {
    %c0_i32 = arith.constant 0 : i32
    %c0_i32_0 = arith.constant 0 : i32
    return %arg0, %c0_i32 : i32, i32
  }
  func.func @transform_2(%arg0: i32) -> (i32, i32) {
    %c0_i32 = arith.constant 0 : i32
    %c0_i32_0 = arith.constant 0 : i32
    %c0_i32_1 = arith.constant 0 : i32
    return %c0_i32, %c0_i32_0 : i32, i32
  }
  func.func @transform_3(%arg0: i32) -> (i32, i32) {
    %c0_i32 = arith.constant 0 : i32
    %c0_i32_0 = arith.constant 0 : i32
    %c0_i32_1 = arith.constant 0 : i32
    return %c0_i32, %c0_i32_0 : i32, i32
  }
  func.func @transform_4(%arg0: i32) -> (i32, i32) {
    %c0_i32 = arith.constant 0 : i32
    %c0_i32_0 = arith.constant 0 : i32
    %c0_i32_1 = arith.constant 0 : i32
    return %c0_i32, %c0_i32_0 : i32, i32
  }
  func.func @transform_5(%arg0: i32) -> (i32, i32) {
    %c0_i32 = arith.constant 0 : i32
    %c0_i32_0 = arith.constant 0 : i32
    %c0_i32_1 = arith.constant 0 : i32
    return %c0_i32, %c0_i32_0 : i32, i32
  }
  func.func @transform_6(%arg0: i32) -> (i32, i32) {
    %c0_i32 = arith.constant 0 : i32
    %c0_i32_0 = arith.constant 0 : i32
    %c0_i32_1 = arith.constant 0 : i32
    return %c0_i32, %c0_i32_0 : i32, i32
  }
  func.func @transform_7(%arg0: i32) -> (i32, i32) {
    %c0_i32 = arith.constant 0 : i32
    %c0_i32_0 = arith.constant 0 : i32
    %c0_i32_1 = arith.constant 0 : i32
    return %c0_i32, %c0_i32_0 : i32, i32
  }
  func.func @transform_8(%arg0: i32) -> (i32, i32) {
    %c0_i32 = arith.constant 0 : i32
    %c0_i32_0 = arith.constant 0 : i32
    return %arg0, %c0_i32 : i32, i32
  }
}

module attributes {stable_mosaic.version = 14 : i64} {
  func.func @_root_body(%arg0: i32, %arg1: memref<1000x128xf32, #tpu.memory_space<vmem>>, %arg2: memref<2x1000x16xf32, #tpu.memory_space<vmem>>, %arg3: memref<2x1000x16xf32, #tpu.memory_space<vmem>>, %arg4: memref<128x16xf32, #tpu.memory_space<vmem>>, %arg5: memref<1x16xf32, #tpu.memory_space<vmem>>, %arg6: memref<1000x16xf32, #tpu.memory_space<vmem>>, %arg7: memref<1000x16xf32, #tpu.memory_space<vmem>>) attributes {dimension_semantics = [#tpu.dimension_semantics<arbitrary>], iteration_bounds = array<i64: 10>, scalar_prefetch = 0 : i64, scratch_operands = 0 : i64, tpu.core_type = #tpu.core_type<tc>, window_params = [{transform_indices = @transform_0, window_bounds = array<i64: 1000, 128>}, {transform_indices = @transform_1, window_bounds = array<i64: 2, 1000, 16>}, {transform_indices = @transform_2, window_bounds = array<i64: 2, 1000, 16>}, {pipeline_mode = #tpu.pipeline_mode<synchronous>, transform_indices = @transform_3, window_bounds = array<i64: 128, 16>}, {pipeline_mode = #tpu.pipeline_mode<synchronous>, transform_indices = @transform_4, window_bounds = array<i64: 1, 16>}, {transform_indices = @transform_5, window_bounds = array<i64: 1000, 16>}, {transform_indices = @transform_6, window_bounds = array<i64: 1000, 16>}]} {
    %get3A = arith.constant 0 : index
    %get3A_0 = arith.constant 0 : index
    %get3A_1 = vector.load %arg1[%get3A, %get3A_0] : memref<1000x128xf32, #tpu.memory_space<vmem>>, vector<1000x128xf32>
    %get3A_2 = arith.constant 0 : index
    %get3A_3 = arith.constant 0 : index
    %get3A_4 = vector.load %arg4[%get3A_2, %get3A_3] : memref<128x16xf32, #tpu.memory_space<vmem>>, vector<128x16xf32>
    %dot_general3A = arith.constant dense<0.000000e+00> : vector<1000x16xf32>
    %dot_general3A_5 = tpu.matmul %get3A_1, %get3A_4, %dot_general3A {dimension_numbers = #tpu.dot_dimension_numbers<[1], [0], [0], [1], [0, 0, 1, 1], [], []>, transpose_lhs_hint = false} : vector<1000x128xf32>, vector<128x16xf32>, vector<1000x16xf32> -> vector<1000x16xf32>
    %get3A_6 = arith.constant 0 : index
    %get3A_7 = arith.constant 0 : index
    %get3A_8 = arith.constant 0 : index
    %get3A_9 = vector.load %arg2[%get3A_6, %get3A_7, %get3A_8] : memref<2x1000x16xf32, #tpu.memory_space<vmem>>, vector<1x1000x16xf32>
    %get3A_10 = vector.shape_cast %get3A_9 : vector<1x1000x16xf32> to vector<1000x16xf32>
    %add3A = arith.addf %dot_general3A_5, %get3A_10 : vector<1000x16xf32>
    %get3A_11 = arith.constant 1 : index
    %get3A_12 = arith.constant 0 : index
    %get3A_13 = arith.constant 0 : index
    %get3A_14 = vector.load %arg2[%get3A_11, %get3A_12, %get3A_13] : memref<2x1000x16xf32, #tpu.memory_space<vmem>>, vector<1x1000x16xf32>
    %get3A_15 = vector.shape_cast %get3A_14 : vector<1x1000x16xf32> to vector<1000x16xf32>
    %add3A_16 = arith.addf %add3A, %get3A_15 : vector<1000x16xf32>
    %get3A_17 = arith.constant 0 : index
    %get3A_18 = arith.constant 0 : index
    %get3A_19 = arith.constant 0 : index
    %get3A_20 = vector.load %arg3[%get3A_17, %get3A_18, %get3A_19] : memref<2x1000x16xf32, #tpu.memory_space<vmem>>, vector<1x1000x16xf32>
    %get3A_21 = vector.shape_cast %get3A_20 : vector<1x1000x16xf32> to vector<1000x16xf32>
    %add3A_22 = arith.addf %add3A_16, %get3A_21 : vector<1000x16xf32>
    %get3A_23 = arith.constant 1 : index
    %get3A_24 = arith.constant 0 : index
    %get3A_25 = arith.constant 0 : index
    %get3A_26 = vector.load %arg3[%get3A_23, %get3A_24, %get3A_25] : memref<2x1000x16xf32, #tpu.memory_space<vmem>>, vector<1x1000x16xf32>
    %get3A_27 = vector.shape_cast %get3A_26 : vector<1x1000x16xf32> to vector<1000x16xf32>
    %add3A_28 = arith.addf %add3A_22, %get3A_27 : vector<1000x16xf32>
    %get3A_29 = arith.constant 0 : index
    %get3A_30 = arith.constant 0 : index
    %get3A_31 = vector.load %arg5[%get3A_29, %get3A_30] : memref<1x16xf32, #tpu.memory_space<vmem>>, vector<1x16xf32>
    %add3A_32 = vector.broadcast %get3A_31 : vector<1x16xf32> to vector<1000x16xf32>
    %add3A_33 = arith.addf %add3A_28, %add3A_32 : vector<1000x16xf32>
    %swap3A = arith.constant 0 : index
    %swap3A_34 = arith.constant 0 : index
    %swap3A_35 = vector.load %arg6[%swap3A, %swap3A_34] : memref<1000x16xf32, #tpu.memory_space<vmem>>, vector<1000x16xf32>
    tpu.vector_store %arg6[%swap3A, %swap3A_34], %add3A_33 {strides = array<i32>} : memref<1000x16xf32, #tpu.memory_space<vmem>>, vector<1000x16xf32>,
    %gt3A = arith.constant 0.000000e+00 : f32
    %gt3A_36 = vector.broadcast %gt3A : f32 to vector<1000x16xf32>
    %gt3A_37 = arith.cmpf ogt, %add3A_33, %gt3A_36 : vector<1000x16xf32>
    %exp3A = math.exp %add3A_33 : vector<1000x16xf32>
    %sub3A = arith.constant 1.000000e+00 : f32
    %sub3A_38 = vector.broadcast %sub3A : f32 to vector<1000x16xf32>
    %sub3A_39 = arith.subf %exp3A, %sub3A_38 : vector<1000x16xf32>
    %select_n3A = arith.select %gt3A_37, %add3A_33, %sub3A_39 : vector<1000x16xi1>, vector<1000x16xf32>
    %swap3A_40 = arith.constant 0 : index
    %swap3A_41 = arith.constant 0 : index
    %swap3A_42 = vector.load %arg7[%swap3A_40, %swap3A_41] : memref<1000x16xf32, #tpu.memory_space<vmem>>, vector<1000x16xf32>
    tpu.vector_store %arg7[%swap3A_40, %swap3A_41], %select_n3A {strides = array<i32>} : memref<1000x16xf32, #tpu.memory_space<vmem>>, vector<1000x16xf32>,
    return
  }
  func.func @transform_0(%arg0: i32) -> (i32, i32) {
    %c0_i32 = arith.constant 0 : i32
    %c0_i32_0 = arith.constant 0 : i32
    return %arg0, %c0_i32 : i32, i32
  }
  func.func @transform_1(%arg0: i32) -> (i32, i32, i32) {
    %c0_i32 = arith.constant 0 : i32
    %c0_i32_0 = arith.constant 0 : i32
    %c0_i32_1 = arith.constant 0 : i32
    return %c0_i32, %arg0, %c0_i32_0 : i32, i32, i32
  }
  func.func @transform_2(%arg0: i32) -> (i32, i32, i32) {
    %c0_i32 = arith.constant 0 : i32
    %c0_i32_0 = arith.constant 0 : i32
    %c0_i32_1 = arith.constant 0 : i32
    return %c0_i32, %arg0, %c0_i32_0 : i32, i32, i32
  }
  func.func @transform_3(%arg0: i32) -> (i32, i32) {
    %c0_i32 = arith.constant 0 : i32
    %c0_i32_0 = arith.constant 0 : i32
    %c0_i32_1 = arith.constant 0 : i32
    return %c0_i32, %c0_i32_0 : i32, i32
  }
  func.func @transform_4(%arg0: i32) -> (i32, i32) {
    %c0_i32 = arith.constant 0 : i32
    %c0_i32_0 = arith.constant 0 : i32
    %c0_i32_1 = arith.constant 0 : i32
    return %c0_i32, %c0_i32_0 : i32, i32
  }
  func.func @transform_5(%arg0: i32) -> (i32, i32) {
    %c0_i32 = arith.constant 0 : i32
    %c0_i32_0 = arith.constant 0 : i32
    return %arg0, %c0_i32 : i32, i32
  }
  func.func @transform_6(%arg0: i32) -> (i32, i32) {
    %c0_i32 = arith.constant 0 : i32
    %c0_i32_0 = arith.constant 0 : i32
    return %arg0, %c0_i32 : i32, i32
  }
}

module attributes {stable_mosaic.version = 14 : i64} {
  func.func @_gin_body(%arg0: i32, %arg1: memref<1000x16xf32, #tpu.memory_space<vmem>>, %arg2: memref<2x1000x16xf32, #tpu.memory_space<vmem>>, %arg3: memref<16x256xf32, #tpu.memory_space<vmem>>, %arg4: memref<1x256xf32, #tpu.memory_space<vmem>>, %arg5: memref<256x256xf32, #tpu.memory_space<vmem>>, %arg6: memref<1x256xf32, #tpu.memory_space<vmem>>, %arg7: memref<256x16xf32, #tpu.memory_space<vmem>>, %arg8: memref<1x16xf32, #tpu.memory_space<vmem>>, %arg9: memref<1000x16xf32, #tpu.memory_space<vmem>>, %arg10: memref<1000x16xf32, #tpu.memory_space<vmem>>) attributes {dimension_semantics = [#tpu.dimension_semantics<arbitrary>], iteration_bounds = array<i64: 10>, scalar_prefetch = 0 : i64, scratch_operands = 0 : i64, tpu.core_type = #tpu.core_type<tc>, window_params = [{transform_indices = @transform_0, window_bounds = array<i64: 1000, 16>}, {transform_indices = @transform_1, window_bounds = array<i64: 2, 1000, 16>}, {pipeline_mode = #tpu.pipeline_mode<synchronous>, transform_indices = @transform_2, window_bounds = array<i64: 16, 256>}, {pipeline_mode = #tpu.pipeline_mode<synchronous>, transform_indices = @transform_3, window_bounds = array<i64: 1, 256>}, {pipeline_mode = #tpu.pipeline_mode<synchronous>, transform_indices = @transform_4, window_bounds = array<i64: 256, 256>}, {pipeline_mode = #tpu.pipeline_mode<synchronous>, transform_indices = @transform_5, window_bounds = array<i64: 1, 256>}, {pipeline_mode = #tpu.pipeline_mode<synchronous>, transform_indices = @transform_6, window_bounds = array<i64: 256, 16>}, {pipeline_mode = #tpu.pipeline_mode<synchronous>, transform_indices = @transform_7, window_bounds = array<i64: 1, 16>}, {transform_indices = @transform_8, window_bounds = array<i64: 1000, 16>}, {transform_indices = @transform_9, window_bounds = array<i64: 1000, 16>}]} {
    %get3A = arith.constant 0 : index
    %get3A_0 = arith.constant 0 : index
    %get3A_1 = vector.load %arg1[%get3A, %get3A_0] : memref<1000x16xf32, #tpu.memory_space<vmem>>, vector<1000x16xf32>
    %get3A_2 = arith.constant 0 : index
    %get3A_3 = arith.constant 0 : index
    %get3A_4 = arith.constant 0 : index
    %get3A_5 = vector.load %arg2[%get3A_2, %get3A_3, %get3A_4] : memref<2x1000x16xf32, #tpu.memory_space<vmem>>, vector<1x1000x16xf32>
    %get3A_6 = vector.shape_cast %get3A_5 : vector<1x1000x16xf32> to vector<1000x16xf32>
    %add3A = arith.addf %get3A_1, %get3A_6 : vector<1000x16xf32>
    %get3A_7 = arith.constant 1 : index
    %get3A_8 = arith.constant 0 : index
    %get3A_9 = arith.constant 0 : index
    %get3A_10 = vector.load %arg2[%get3A_7, %get3A_8, %get3A_9] : memref<2x1000x16xf32, #tpu.memory_space<vmem>>, vector<1x1000x16xf32>
    %get3A_11 = vector.shape_cast %get3A_10 : vector<1x1000x16xf32> to vector<1000x16xf32>
    %add3A_12 = arith.addf %add3A, %get3A_11 : vector<1000x16xf32>
    %get3A_13 = arith.constant 0 : index
    %get3A_14 = arith.constant 0 : index
    %get3A_15 = vector.load %arg3[%get3A_13, %get3A_14] : memref<16x256xf32, #tpu.memory_space<vmem>>, vector<16x256xf32>
    %dot_general3A = arith.constant dense<0.000000e+00> : vector<1000x256xf32>
    %dot_general3A_16 = tpu.matmul %add3A_12, %get3A_15, %dot_general3A {dimension_numbers = #tpu.dot_dimension_numbers<[1], [0], [0], [1], [0, 0, 1, 1], [], []>, transpose_lhs_hint = false} : vector<1000x16xf32>, vector<16x256xf32>, vector<1000x256xf32> -> vector<1000x256xf32>
    %get3A_17 = arith.constant 0 : index
    %get3A_18 = arith.constant 0 : index
    %get3A_19 = vector.load %arg4[%get3A_17, %get3A_18] : memref<1x256xf32, #tpu.memory_space<vmem>>, vector<1x256xf32>
    %add3A_20 = vector.broadcast %get3A_19 : vector<1x256xf32> to vector<1000x256xf32>
    %add3A_21 = arith.addf %dot_general3A_16, %add3A_20 : vector<1000x256xf32>
    %gt3A = arith.constant 0.000000e+00 : f32
    %gt3A_22 = vector.broadcast %gt3A : f32 to vector<1000x256xf32>
    %gt3A_23 = arith.cmpf ogt, %add3A_21, %gt3A_22 : vector<1000x256xf32>
    %exp3A = math.exp %add3A_21 : vector<1000x256xf32>
    %sub3A = arith.constant 1.000000e+00 : f32
    %sub3A_24 = vector.broadcast %sub3A : f32 to vector<1000x256xf32>
    %sub3A_25 = arith.subf %exp3A, %sub3A_24 : vector<1000x256xf32>
    %select_n3A = arith.select %gt3A_23, %add3A_21, %sub3A_25 : vector<1000x256xi1>, vector<1000x256xf32>
    %get3A_26 = arith.constant 0 : index
    %get3A_27 = arith.constant 0 : index
    %get3A_28 = vector.load %arg5[%get3A_26, %get3A_27] : memref<256x256xf32, #tpu.memory_space<vmem>>, vector<256x256xf32>
    %dot_general3A_29 = arith.constant dense<0.000000e+00> : vector<1000x256xf32>
    %dot_general3A_30 = tpu.matmul %select_n3A, %get3A_28, %dot_general3A_29 {dimension_numbers = #tpu.dot_dimension_numbers<[1], [0], [0], [1], [0, 0, 1, 1], [], []>, transpose_lhs_hint = false} : vector<1000x256xf32>, vector<256x256xf32>, vector<1000x256xf32> -> vector<1000x256xf32>
    %get3A_31 = arith.constant 0 : index
    %get3A_32 = arith.constant 0 : index
    %get3A_33 = vector.load %arg6[%get3A_31, %get3A_32] : memref<1x256xf32, #tpu.memory_space<vmem>>, vector<1x256xf32>
    %add3A_34 = vector.broadcast %get3A_33 : vector<1x256xf32> to vector<1000x256xf32>
    %add3A_35 = arith.addf %dot_general3A_30, %add3A_34 : vector<1000x256xf32>
    %gt3A_36 = arith.constant 0.000000e+00 : f32
    %gt3A_37 = vector.broadcast %gt3A_36 : f32 to vector<1000x256xf32>
    %gt3A_38 = arith.cmpf ogt, %add3A_35, %gt3A_37 : vector<1000x256xf32>
    %exp3A_39 = math.exp %add3A_35 : vector<1000x256xf32>
    %sub3A_40 = arith.constant 1.000000e+00 : f32
    %sub3A_41 = vector.broadcast %sub3A_40 : f32 to vector<1000x256xf32>
    %sub3A_42 = arith.subf %exp3A_39, %sub3A_41 : vector<1000x256xf32>
    %select_n3A_43 = arith.select %gt3A_38, %add3A_35, %sub3A_42 : vector<1000x256xi1>, vector<1000x256xf32>
    %get3A_44 = arith.constant 0 : index
    %get3A_45 = arith.constant 0 : index
    %get3A_46 = vector.load %arg7[%get3A_44, %get3A_45] : memref<256x16xf32, #tpu.memory_space<vmem>>, vector<256x16xf32>
    %dot_general3A_47 = arith.constant dense<0.000000e+00> : vector<1000x16xf32>
    %dot_general3A_48 = tpu.matmul %select_n3A_43, %get3A_46, %dot_general3A_47 {dimension_numbers = #tpu.dot_dimension_numbers<[1], [0], [0], [1], [0, 0, 1, 1], [], []>, transpose_lhs_hint = false} : vector<1000x256xf32>, vector<256x16xf32>, vector<1000x16xf32> -> vector<1000x16xf32>
    %get3A_49 = arith.constant 0 : index
    %get3A_50 = arith.constant 0 : index
    %get3A_51 = vector.load %arg8[%get3A_49, %get3A_50] : memref<1x16xf32, #tpu.memory_space<vmem>>, vector<1x16xf32>
    %add3A_52 = vector.broadcast %get3A_51 : vector<1x16xf32> to vector<1000x16xf32>
    %add3A_53 = arith.addf %dot_general3A_48, %add3A_52 : vector<1000x16xf32>
    %swap3A = arith.constant 0 : index
    %swap3A_54 = arith.constant 0 : index
    %swap3A_55 = vector.load %arg9[%swap3A, %swap3A_54] : memref<1000x16xf32, #tpu.memory_space<vmem>>, vector<1000x16xf32>
    tpu.vector_store %arg9[%swap3A, %swap3A_54], %add3A_53 {strides = array<i32>} : memref<1000x16xf32, #tpu.memory_space<vmem>>, vector<1000x16xf32>,
    %gt3A_56 = arith.constant 0.000000e+00 : f32
    %gt3A_57 = vector.broadcast %gt3A_56 : f32 to vector<1000x16xf32>
    %gt3A_58 = arith.cmpf ogt, %add3A_53, %gt3A_57 : vector<1000x16xf32>
    %exp3A_59 = math.exp %add3A_53 : vector<1000x16xf32>
    %sub3A_60 = arith.constant 1.000000e+00 : f32
    %sub3A_61 = vector.broadcast %sub3A_60 : f32 to vector<1000x16xf32>
    %sub3A_62 = arith.subf %exp3A_59, %sub3A_61 : vector<1000x16xf32>
    %select_n3A_63 = arith.select %gt3A_58, %add3A_53, %sub3A_62 : vector<1000x16xi1>, vector<1000x16xf32>
    %swap3A_64 = arith.constant 0 : index
    %swap3A_65 = arith.constant 0 : index
    %swap3A_66 = vector.load %arg10[%swap3A_64, %swap3A_65] : memref<1000x16xf32, #tpu.memory_space<vmem>>, vector<1000x16xf32>
    tpu.vector_store %arg10[%swap3A_64, %swap3A_65], %select_n3A_63 {strides = array<i32>} : memref<1000x16xf32, #tpu.memory_space<vmem>>, vector<1000x16xf32>,
    return
  }
  func.func @transform_0(%arg0: i32) -> (i32, i32) {
    %c0_i32 = arith.constant 0 : i32
    %c0_i32_0 = arith.constant 0 : i32
    return %arg0, %c0_i32 : i32, i32
  }
  func.func @transform_1(%arg0: i32) -> (i32, i32, i32) {
    %c0_i32 = arith.constant 0 : i32
    %c0_i32_0 = arith.constant 0 : i32
    %c0_i32_1 = arith.constant 0 : i32
    return %c0_i32, %arg0, %c0_i32_0 : i32, i32, i32
  }
  func.func @transform_2(%arg0: i32) -> (i32, i32) {
    %c0_i32 = arith.constant 0 : i32
    %c0_i32_0 = arith.constant 0 : i32
    %c0_i32_1 = arith.constant 0 : i32
    return %c0_i32, %c0_i32_0 : i32, i32
  }
  func.func @transform_3(%arg0: i32) -> (i32, i32) {
    %c0_i32 = arith.constant 0 : i32
    %c0_i32_0 = arith.constant 0 : i32
    %c0_i32_1 = arith.constant 0 : i32
    return %c0_i32, %c0_i32_0 : i32, i32
  }
  func.func @transform_4(%arg0: i32) -> (i32, i32) {
    %c0_i32 = arith.constant 0 : i32
    %c0_i32_0 = arith.constant 0 : i32
    %c0_i32_1 = arith.constant 0 : i32
    return %c0_i32, %c0_i32_0 : i32, i32
  }
  func.func @transform_5(%arg0: i32) -> (i32, i32) {
    %c0_i32 = arith.constant 0 : i32
    %c0_i32_0 = arith.constant 0 : i32
    %c0_i32_1 = arith.constant 0 : i32
    return %c0_i32, %c0_i32_0 : i32, i32
  }
  func.func @transform_6(%arg0: i32) -> (i32, i32) {
    %c0_i32 = arith.constant 0 : i32
    %c0_i32_0 = arith.constant 0 : i32
    %c0_i32_1 = arith.constant 0 : i32
    return %c0_i32, %c0_i32_0 : i32, i32
  }
  func.func @transform_7(%arg0: i32) -> (i32, i32) {
    %c0_i32 = arith.constant 0 : i32
    %c0_i32_0 = arith.constant 0 : i32
    %c0_i32_1 = arith.constant 0 : i32
    return %c0_i32, %c0_i32_0 : i32, i32
  }
  func.func @transform_8(%arg0: i32) -> (i32, i32) {
    %c0_i32 = arith.constant 0 : i32
    %c0_i32_0 = arith.constant 0 : i32
    return %arg0, %c0_i32 : i32, i32
  }
  func.func @transform_9(%arg0: i32) -> (i32, i32) {
    %c0_i32 = arith.constant 0 : i32
    %c0_i32_0 = arith.constant 0 : i32
    return %arg0, %c0_i32 : i32, i32
  }
}

module attributes {stable_mosaic.version = 14 : i64} {
  func.func @_gin_body(%arg0: i32, %arg1: memref<1000x16xf32, #tpu.memory_space<vmem>>, %arg2: memref<2x1000x16xf32, #tpu.memory_space<vmem>>, %arg3: memref<16x256xf32, #tpu.memory_space<vmem>>, %arg4: memref<1x256xf32, #tpu.memory_space<vmem>>, %arg5: memref<256x256xf32, #tpu.memory_space<vmem>>, %arg6: memref<1x256xf32, #tpu.memory_space<vmem>>, %arg7: memref<256x16xf32, #tpu.memory_space<vmem>>, %arg8: memref<1x16xf32, #tpu.memory_space<vmem>>, %arg9: memref<1000x16xf32, #tpu.memory_space<vmem>>, %arg10: memref<1000x16xf32, #tpu.memory_space<vmem>>) attributes {dimension_semantics = [#tpu.dimension_semantics<arbitrary>], iteration_bounds = array<i64: 10>, scalar_prefetch = 0 : i64, scratch_operands = 0 : i64, tpu.core_type = #tpu.core_type<tc>, window_params = [{transform_indices = @transform_0, window_bounds = array<i64: 1000, 16>}, {transform_indices = @transform_1, window_bounds = array<i64: 2, 1000, 16>}, {pipeline_mode = #tpu.pipeline_mode<synchronous>, transform_indices = @transform_2, window_bounds = array<i64: 16, 256>}, {pipeline_mode = #tpu.pipeline_mode<synchronous>, transform_indices = @transform_3, window_bounds = array<i64: 1, 256>}, {pipeline_mode = #tpu.pipeline_mode<synchronous>, transform_indices = @transform_4, window_bounds = array<i64: 256, 256>}, {pipeline_mode = #tpu.pipeline_mode<synchronous>, transform_indices = @transform_5, window_bounds = array<i64: 1, 256>}, {pipeline_mode = #tpu.pipeline_mode<synchronous>, transform_indices = @transform_6, window_bounds = array<i64: 256, 16>}, {pipeline_mode = #tpu.pipeline_mode<synchronous>, transform_indices = @transform_7, window_bounds = array<i64: 1, 16>}, {transform_indices = @transform_8, window_bounds = array<i64: 1000, 16>}, {transform_indices = @transform_9, window_bounds = array<i64: 1000, 16>}]} {
    %get3A = arith.constant 0 : index
    %get3A_0 = arith.constant 0 : index
    %get3A_1 = vector.load %arg1[%get3A, %get3A_0] : memref<1000x16xf32, #tpu.memory_space<vmem>>, vector<1000x16xf32>
    %get3A_2 = arith.constant 0 : index
    %get3A_3 = arith.constant 0 : index
    %get3A_4 = arith.constant 0 : index
    %get3A_5 = vector.load %arg2[%get3A_2, %get3A_3, %get3A_4] : memref<2x1000x16xf32, #tpu.memory_space<vmem>>, vector<1x1000x16xf32>
    %get3A_6 = vector.shape_cast %get3A_5 : vector<1x1000x16xf32> to vector<1000x16xf32>
    %add3A = arith.addf %get3A_1, %get3A_6 : vector<1000x16xf32>
    %get3A_7 = arith.constant 1 : index
    %get3A_8 = arith.constant 0 : index
    %get3A_9 = arith.constant 0 : index
    %get3A_10 = vector.load %arg2[%get3A_7, %get3A_8, %get3A_9] : memref<2x1000x16xf32, #tpu.memory_space<vmem>>, vector<1x1000x16xf32>
    %get3A_11 = vector.shape_cast %get3A_10 : vector<1x1000x16xf32> to vector<1000x16xf32>
    %add3A_12 = arith.addf %add3A, %get3A_11 : vector<1000x16xf32>
    %get3A_13 = arith.constant 0 : index
    %get3A_14 = arith.constant 0 : index
    %get3A_15 = vector.load %arg3[%get3A_13, %get3A_14] : memref<16x256xf32, #tpu.memory_space<vmem>>, vector<16x256xf32>
    %dot_general3A = arith.constant dense<0.000000e+00> : vector<1000x256xf32>
    %dot_general3A_16 = tpu.matmul %add3A_12, %get3A_15, %dot_general3A {dimension_numbers = #tpu.dot_dimension_numbers<[1], [0], [0], [1], [0, 0, 1, 1], [], []>, transpose_lhs_hint = false} : vector<1000x16xf32>, vector<16x256xf32>, vector<1000x256xf32> -> vector<1000x256xf32>
    %get3A_17 = arith.constant 0 : index
    %get3A_18 = arith.constant 0 : index
    %get3A_19 = vector.load %arg4[%get3A_17, %get3A_18] : memref<1x256xf32, #tpu.memory_space<vmem>>, vector<1x256xf32>
    %add3A_20 = vector.broadcast %get3A_19 : vector<1x256xf32> to vector<1000x256xf32>
    %add3A_21 = arith.addf %dot_general3A_16, %add3A_20 : vector<1000x256xf32>
    %gt3A = arith.constant 0.000000e+00 : f32
    %gt3A_22 = vector.broadcast %gt3A : f32 to vector<1000x256xf32>
    %gt3A_23 = arith.cmpf ogt, %add3A_21, %gt3A_22 : vector<1000x256xf32>
    %exp3A = math.exp %add3A_21 : vector<1000x256xf32>
    %sub3A = arith.constant 1.000000e+00 : f32
    %sub3A_24 = vector.broadcast %sub3A : f32 to vector<1000x256xf32>
    %sub3A_25 = arith.subf %exp3A, %sub3A_24 : vector<1000x256xf32>
    %select_n3A = arith.select %gt3A_23, %add3A_21, %sub3A_25 : vector<1000x256xi1>, vector<1000x256xf32>
    %get3A_26 = arith.constant 0 : index
    %get3A_27 = arith.constant 0 : index
    %get3A_28 = vector.load %arg5[%get3A_26, %get3A_27] : memref<256x256xf32, #tpu.memory_space<vmem>>, vector<256x256xf32>
    %dot_general3A_29 = arith.constant dense<0.000000e+00> : vector<1000x256xf32>
    %dot_general3A_30 = tpu.matmul %select_n3A, %get3A_28, %dot_general3A_29 {dimension_numbers = #tpu.dot_dimension_numbers<[1], [0], [0], [1], [0, 0, 1, 1], [], []>, transpose_lhs_hint = false} : vector<1000x256xf32>, vector<256x256xf32>, vector<1000x256xf32> -> vector<1000x256xf32>
    %get3A_31 = arith.constant 0 : index
    %get3A_32 = arith.constant 0 : index
    %get3A_33 = vector.load %arg6[%get3A_31, %get3A_32] : memref<1x256xf32, #tpu.memory_space<vmem>>, vector<1x256xf32>
    %add3A_34 = vector.broadcast %get3A_33 : vector<1x256xf32> to vector<1000x256xf32>
    %add3A_35 = arith.addf %dot_general3A_30, %add3A_34 : vector<1000x256xf32>
    %gt3A_36 = arith.constant 0.000000e+00 : f32
    %gt3A_37 = vector.broadcast %gt3A_36 : f32 to vector<1000x256xf32>
    %gt3A_38 = arith.cmpf ogt, %add3A_35, %gt3A_37 : vector<1000x256xf32>
    %exp3A_39 = math.exp %add3A_35 : vector<1000x256xf32>
    %sub3A_40 = arith.constant 1.000000e+00 : f32
    %sub3A_41 = vector.broadcast %sub3A_40 : f32 to vector<1000x256xf32>
    %sub3A_42 = arith.subf %exp3A_39, %sub3A_41 : vector<1000x256xf32>
    %select_n3A_43 = arith.select %gt3A_38, %add3A_35, %sub3A_42 : vector<1000x256xi1>, vector<1000x256xf32>
    %get3A_44 = arith.constant 0 : index
    %get3A_45 = arith.constant 0 : index
    %get3A_46 = vector.load %arg7[%get3A_44, %get3A_45] : memref<256x16xf32, #tpu.memory_space<vmem>>, vector<256x16xf32>
    %dot_general3A_47 = arith.constant dense<0.000000e+00> : vector<1000x16xf32>
    %dot_general3A_48 = tpu.matmul %select_n3A_43, %get3A_46, %dot_general3A_47 {dimension_numbers = #tpu.dot_dimension_numbers<[1], [0], [0], [1], [0, 0, 1, 1], [], []>, transpose_lhs_hint = false} : vector<1000x256xf32>, vector<256x16xf32>, vector<1000x16xf32> -> vector<1000x16xf32>
    %get3A_49 = arith.constant 0 : index
    %get3A_50 = arith.constant 0 : index
    %get3A_51 = vector.load %arg8[%get3A_49, %get3A_50] : memref<1x16xf32, #tpu.memory_space<vmem>>, vector<1x16xf32>
    %add3A_52 = vector.broadcast %get3A_51 : vector<1x16xf32> to vector<1000x16xf32>
    %add3A_53 = arith.addf %dot_general3A_48, %add3A_52 : vector<1000x16xf32>
    %swap3A = arith.constant 0 : index
    %swap3A_54 = arith.constant 0 : index
    %swap3A_55 = vector.load %arg9[%swap3A, %swap3A_54] : memref<1000x16xf32, #tpu.memory_space<vmem>>, vector<1000x16xf32>
    tpu.vector_store %arg9[%swap3A, %swap3A_54], %add3A_53 {strides = array<i32>} : memref<1000x16xf32, #tpu.memory_space<vmem>>, vector<1000x16xf32>,
    %gt3A_56 = arith.constant 0.000000e+00 : f32
    %gt3A_57 = vector.broadcast %gt3A_56 : f32 to vector<1000x16xf32>
    %gt3A_58 = arith.cmpf ogt, %add3A_53, %gt3A_57 : vector<1000x16xf32>
    %exp3A_59 = math.exp %add3A_53 : vector<1000x16xf32>
    %sub3A_60 = arith.constant 1.000000e+00 : f32
    %sub3A_61 = vector.broadcast %sub3A_60 : f32 to vector<1000x16xf32>
    %sub3A_62 = arith.subf %exp3A_59, %sub3A_61 : vector<1000x16xf32>
    %select_n3A_63 = arith.select %gt3A_58, %add3A_53, %sub3A_62 : vector<1000x16xi1>, vector<1000x16xf32>
    %swap3A_64 = arith.constant 0 : index
    %swap3A_65 = arith.constant 0 : index
    %swap3A_66 = vector.load %arg10[%swap3A_64, %swap3A_65] : memref<1000x16xf32, #tpu.memory_space<vmem>>, vector<1000x16xf32>
    tpu.vector_store %arg10[%swap3A_64, %swap3A_65], %select_n3A_63 {strides = array<i32>} : memref<1000x16xf32, #tpu.memory_space<vmem>>, vector<1000x16xf32>,
    return
  }
  func.func @transform_0(%arg0: i32) -> (i32, i32) {
    %c0_i32 = arith.constant 0 : i32
    %c0_i32_0 = arith.constant 0 : i32
    return %arg0, %c0_i32 : i32, i32
  }
  func.func @transform_1(%arg0: i32) -> (i32, i32, i32) {
    %c0_i32 = arith.constant 0 : i32
    %c0_i32_0 = arith.constant 0 : i32
    %c0_i32_1 = arith.constant 0 : i32
    return %c0_i32, %arg0, %c0_i32_0 : i32, i32, i32
  }
  func.func @transform_2(%arg0: i32) -> (i32, i32) {
    %c0_i32 = arith.constant 0 : i32
    %c0_i32_0 = arith.constant 0 : i32
    %c0_i32_1 = arith.constant 0 : i32
    return %c0_i32, %c0_i32_0 : i32, i32
  }
  func.func @transform_3(%arg0: i32) -> (i32, i32) {
    %c0_i32 = arith.constant 0 : i32
    %c0_i32_0 = arith.constant 0 : i32
    %c0_i32_1 = arith.constant 0 : i32
    return %c0_i32, %c0_i32_0 : i32, i32
  }
  func.func @transform_4(%arg0: i32) -> (i32, i32) {
    %c0_i32 = arith.constant 0 : i32
    %c0_i32_0 = arith.constant 0 : i32
    %c0_i32_1 = arith.constant 0 : i32
    return %c0_i32, %c0_i32_0 : i32, i32
  }
  func.func @transform_5(%arg0: i32) -> (i32, i32) {
    %c0_i32 = arith.constant 0 : i32
    %c0_i32_0 = arith.constant 0 : i32
    %c0_i32_1 = arith.constant 0 : i32
    return %c0_i32, %c0_i32_0 : i32, i32
  }
  func.func @transform_6(%arg0: i32) -> (i32, i32) {
    %c0_i32 = arith.constant 0 : i32
    %c0_i32_0 = arith.constant 0 : i32
    %c0_i32_1 = arith.constant 0 : i32
    return %c0_i32, %c0_i32_0 : i32, i32
  }
  func.func @transform_7(%arg0: i32) -> (i32, i32) {
    %c0_i32 = arith.constant 0 : i32
    %c0_i32_0 = arith.constant 0 : i32
    %c0_i32_1 = arith.constant 0 : i32
    return %c0_i32, %c0_i32_0 : i32, i32
  }
  func.func @transform_8(%arg0: i32) -> (i32, i32) {
    %c0_i32 = arith.constant 0 : i32
    %c0_i32_0 = arith.constant 0 : i32
    return %arg0, %c0_i32 : i32, i32
  }
  func.func @transform_9(%arg0: i32) -> (i32, i32) {
    %c0_i32 = arith.constant 0 : i32
    %c0_i32_0 = arith.constant 0 : i32
    return %arg0, %c0_i32 : i32, i32
  }
}

</mosaic_0001>

<sc_bundles>
// kernel: kernel.13.cloned.1.call-start
scs
__scs_entry_jumppad:
0x0: {  	(pc) =	sbr.rel $0x88, $3  }
0x1: {  	(tag) =	ssettag $0x0;
	lr =	simm.s32 $0x1  }
0x2: {  	[smem:$0x3F8A] =	sst lr;
	_ =	strace $0xD0000000  }
0x3: {  	_ = 	snop  }
0x4: {  	_ = 	snop  }
0x5: {  	_ = 	snop  }
0x6: {  	_ = 	snop  }
0x7: {  	_ = 	snop  }
__scs_overlays_trampoline_lowered:
0x8: {  	[smem:$0x3F99] =	sst s0  }
0x9: {  	[smem:$0x3F9A] =	sst s1  }
0xa: {  	[smem:$0x3F9B] =	sst s2  }
0xb: {  	[smem:$0x3F9C] =	sst s3  }
0xc: {  	[smem:$0x3F9D] =	sst s4  }
0xd: {  	[smem:$0x3F9E] =	sst s5  }
0xe: {  	[smem:$0x3F9F] =	sst s6  }
0xf: {  	[smem:$0x3FA0] =	sst s7  }
0x10: {  	[smem:$0x3FA1] =	sst s8  }
0x11: {  	[smem:$0x3FA2] =	sst s9;
	s0 =	simm.s32 @!p0 $0x0  }
0x12: {  	s1 =	sld [smem:$0x3F88];
	s0 =	simm.s32 @p0 $0x1  }
0x13: {  	[smem:$0x3FA3] =	sst s0;
	s0 =	simm.s32 @!p1 $0x0  }
0x14: {  	s2 =	sld [smem:$0x3F87];
	s0 =	simm.s32 @p1 $0x1  }
0x15: {  	[smem:$0x3FA4] =	sst s0;
	s0 =	simm.s32 @!p2 $0x0  }
0x16: {  	s3 =	sld [smem:$0x3FDB];
	s0 =	simm.s32 @p2 $0x1  }
0x17: {  	s4 =	simm.s32 $0x1BF5;
	[smem:$0x3FA6] =	sst s0  }
0x18: {  	s0 =	sld [smem:$0x3F89];
	_ =	swait.ge [sflag:s4], $0x0  }
0x19: {  	s7 =	sld [smem:$0x3F8A]  }
0x1a: {  	s8 =	sadd.s32 $0xFFFFE003, lr  }
0x1b: {  	s9 =	sadd.s32 $0xFFFFFEF7, lr;
	s5 =	simm.s32 $0xFFFFFFFF;
	p2 =	slt.u32 s8, $0xFFFFF086  }
0x1c: {  	p1 =	slt.u32 s9, $0xF7A;
	s5 =	simm.s32 @!p2 $0x0  }
0x1d: {  	s5 =	simm.s32 @p1 $0x1;
	p0 =	seq.s32 s7, s2  }
0x1e: {  	s7 =	smul.u32 @!p0 $0xF7A, s2;
	p2 =	seq.s32 @!p0 s5, $0x0  }
0x1f: {  	s9 =	smul.u32 $0xF7A, s1;
	s8 =	simm.s32 @!p0 $0x1BF5;
	p2 =	por !p2, p0  }
0x20: {  	[sflag:s8] =	ssyncset.s32 @!p0 $0xFFFFF086;
	s6 =	sadd.s32 @!p0 s3, s7;
	s7 =	simm.s32 @!p0 $0x108  }
0x21: {  	s3 =	sadd.s32 s3, s9;
	s6 =	sadd.s32 @!p0 $0x88, s6;
	s7 =	simm.s32 @p2 $0x1082  }
0x22: {  	[simem:s7], [sflag:s8] =	dma.local @!p0 [hbm:s6], $0xF7A  }
0x23: {  	s9 =	sor.u32 $0xD0000000, s2;
	s6 =	simm.s32 $0x108;
	_ =	swait.ge @!p0 [sflag:s8], $0x0  }
0x24: {  	s3 =	sadd.s32 $0x88, s3;
	s6 =	simm.s32 @!p1 $0x1082;
	[sflag:s4] =	ssyncset.s32 $0xFFFFF086  }
0x25: {  	[simem:s6], [sflag:s4] =	dma.local [hbm:s3], $0xF7A  }
0x26: {  	[smem:$0x3F8A] =	sst s1;
	(tag) =	ssettag s2;
	_ =	strace s9  }
0x27: {  	s1 =	sld [smem:$0x3F9A]  }
0x28: {  	s2 =	sld [smem:$0x3F9B]  }
0x29: {  	s4 =	sld [smem:$0x3F9D]  }
0x2a: {  	p0 =	seq.s32 s5, $0x0;
	s5 =	sld [smem:$0x3F9E]  }
0x2b: {  	s6 =	sld [smem:$0x3F9F]  }
0x2c: {  	s7 =	sld [smem:$0x3FA0]  }
0x2d: {  	s3 =	simm.s32 $0x108;
	s8 =	sld [smem:$0x3FA1]  }
0x2e: {  	s3 =	simm.s32 @!p0 $0x1082;
	s9 =	sld [smem:$0x3FA2]  }
0x2f: {  	lr =	sadd.s32 s0, s3;
	s0 =	sld [smem:$0x3F99]  }
0x30: {  	s3 =	sld [smem:$0x3F9C]  }
0x31: {  	[smem:$0x3FA5] =	sst s10  }
0x32: {  	s10 =	sld [smem:$0x3FA3];
	_ =	sdelay $0x3  }
0x33: {  	p0 =	seq.s32 s10, $0x1;
	s10 =	sld [smem:$0x3FA5];
	_ =	sdelay $0x3  }
0x34: {  	[smem:$0x3FA5] =	sst s10  }
0x35: {  	s10 =	sld [smem:$0x3FA4];
	_ =	sdelay $0x3  }
0x36: {  	p1 =	seq.s32 s10, $0x1;
	s10 =	sld [smem:$0x3FA5];
	_ =	sdelay $0x3  }
0x37: {  	[smem:$0x3FA5] =	sst s10  }
0x38: {  	s10 =	sld [smem:$0x3FA6]  }
0x39: {  	_ = 	snop;
	(pc) =	sbr.ind lr, $3  }
0x3a: {  	_ = 	snop  }
0x3b: {  	_ = 	snop  }
0x3c: {  	p2 =	seq.s32 s10, $0x1;
	s10 =	sld [smem:$0x3FA5]  }
0x3d: {  	_ =	shalt  }
0x3e: {  	_ =	shalt  }
0x3f: {  	_ =	shalt  }
0x40: {  	_ =	shalt  }
0x41: {  	_ =	shalt  }
0x42: {  	_ =	shalt  }
0x43: {  	_ =	shalt  }
0x44: {  	_ =	shalt  }
0x45: {  	_ =	shalt  }
0x46: {  	_ =	shalt  }
0x47: {  	_ =	shalt  }
0x48: {  	_ =	shalt  }
0x49: {  	_ =	shalt  }
0x4a: {  	_ =	shalt  }
0x4b: {  	_ =	shalt  }
0x4c: {  	_ =	shalt  }
0x4d: {  	_ =	shalt  }
0x4e: {  	_ =	shalt  }
0x4f: {  	_ =	shalt  }
0x50: {  	_ =	shalt  }
0x51: {  	_ =	shalt  }
0x52: {  	_ =	shalt  }
0x53: {  	_ =	shalt  }
0x54: {  	_ =	shalt  }
0x55: {  	_ =	shalt  }
0x56: {  	_ =	shalt  }
0x57: {  	_ =	shalt  }
0x58: {  	_ =	shalt  }
0x59: {  	_ =	shalt  }
0x5a: {  	_ =	shalt  }
0x5b: {  	_ =	shalt  }
0x5c: {  	_ =	shalt  }
0x5d: {  	_ =	shalt  }
0x5e: {  	_ =	shalt  }
0x5f: {  	_ =	shalt  }
0x60: {  	_ =	shalt  }
0x61: {  	_ =	shalt  }
0x62: {  	_ =	shalt  }
0x63: {  	_ =	shalt  }
0x64: {  	_ =	shalt  }
0x65: {  	_ =	shalt  }
0x66: {  	_ =	shalt  }
0x67: {  	_ =	shalt  }
0x68: {  	_ =	shalt  }
0x69: {  	_ =	shalt  }
0x6a: {  	_ =	shalt  }
0x6b: {  	_ =	shalt  }
0x6c: {  	_ =	shalt  }
0x6d: {  	_ =	shalt  }
0x6e: {  	_ =	shalt  }
0x6f: {  	_ =	shalt  }
0x70: {  	_ =	shalt  }
0x71: {  	_ =	shalt  }
0x72: {  	_ =	shalt  }
0x73: {  	_ =	shalt  }
0x74: {  	_ =	shalt  }
0x75: {  	_ =	shalt  }
0x76: {  	_ =	shalt  }
0x77: {  	_ =	shalt  }
0x78: {  	_ =	shalt  }
0x79: {  	_ =	shalt  }
0x7a: {  	_ =	shalt  }
0x7b: {  	_ =	shalt  }
0x7c: {  	_ =	shalt  }
0x7d: {  	_ =	shalt  }
0x7e: {  	_ =	shalt  }
0x7f: {  	_ =	shalt  }
0x80: {  	_ =	shalt  }
0x81: {  	_ =	shalt  }
0x82: {  	_ =	shalt  }
0x83: {  	_ =	shalt  }
0x84: {  	_ =	shalt  }
0x85: {  	_ =	shalt  }
0x86: {  	_ =	shalt  }
0x87: {  	_ =	shalt  }
.Lfunc_end0:
.L_simem_size_0:
called_computation_lowered:
.L_overlay_start_0:
0x88: {  	s2 =	sld [smem:$0x3FD9]  }
0x89: {  	s3 =	sld [smem:$0x3FFE];
	_ =	sdelay $0x1  }
0x8a: {  	s1 =	srdreg.scid  }
0x8b: {  	s0 =	sand.u32 $0x1, s1  }
0x8c: {  	s17 =	sshll.u32 s0, $0xA;
	s2 =	sadd.s32 s3, s2  }
0x8d: {  	s2 =	sadd.s32 s2, s17  }
0x8e: {  	[smem:$0x3FB1] =	sst s2  }
0x8f: {  	_ = 	snop  }
0x90: {  	s18 =	sld [smem:$0x3FC9];
	(tm) =	ssettm $0x1  }
0x91: {  	s19 =	sld [smem:$0x3FFB];
	_ =	sdelay $0x3  }
0x92: {  	_ =	strace s19  }
0x93: {  	s2 =	sld [smem:$0x3FFC];
	_ =	sdelay $0x3  }
0x94: {  	_ =	strace s2  }
0x95: {  	s2 =	sld [smem:$0x3FFD];
	_ =	sdelay $0x3  }
0x96: {  	_ =	strace s2  }
0x97: {  	_ =	strace $0x8FFFFFFF  }
0x98: {  	s20 =	sld [smem:$0x3FDB];
	_ =	sdelay $0x1  }
0x99: {  	s4 =	simm.s32 $_scs_section_size  }
0x9a: {  	s5 =	simm.s32 $_size__tile_overlayer_lowered;
	s6 =	simm.s32 $_tile_overlayer_lowered  }
0x9b: {  	s7 =	simm.s32 $0x1BFF;
	s21 =	sshll.u32 s6, $0x1;
	s4 =	sadd.s32 s4, s20  }
0x9c: {  	s22 =	simm.s32 $0x0;
	s5 =	sshll.u32 s5, $0x1;
	s6 =	sadd.s32 s21, s4  }
0x9d: {  	[timem:s22], [sflag:s7] =	dma.local [hbm:s6], s5  }
0x9e: {  	_ =	swait.ge [sflag:s7], s5  }
0x9f: {  	s5 =	ssub.s32 $0x0, s5;
	[sflag:s7] =	ssyncset.done $0x0  }
0xa0: {  	[sflag:s7] =	ssyncadd.s32 s5;
	_ =	sdelay $0x1  }
0xa1: {  	s23 =	simm.s32 $0x1B8B  }
0xa2: {  	_ =	swait.ge [sflag:s23], $0x1  }
0xa3: {  	[sflag:s23] =	ssyncset.done $0x0  }
0xa4: {  	[sflag:s23] =	ssyncadd.s32 $0xFFFFFFFF  }
0xa5: {  	s5 =	sld [smem:$0x0]  }
0xa6: {  	s6 =	sand.u32 $0xFFFFFFFE, s1  }
0xa7: {  	p0 =	sne.s32 s1, s6  }
0xa8: {  	s6 =	sshll.u32 @p0 s6, $0xE  }
0xa9: {  	s6 =	sadd.s32 @p0 $0x11B8D, s6;
	s7 =	sshll.u32 @p0 s5, $0x11  }
0xaa: {  	s6 =	sor.u32 @p0 s7, s6  }
0xab: {  	[sflag:s6] =	ssyncadd.remote.s32 @p0 $0x1;
	_ =	sdelay $0x1  }
0xac: {  	s6 =	simm.s32 @p0 $0x1B8D  }
0xad: {  	_ =	swait.eq @p0 [sflag:s6], $0x1  }
0xae: {  	[sflag:s6] =	ssyncadd.s32 @p0 $0xFFFFFFFF  }
0xaf: {  	s7 =	sshll.u32 @!p0 s1, $0xE  }
0xb0: {  	s7 =	sor.u32 @!p0 $0x4000, s7;
	s6 =	simm.s32 @!p0 $0x1B8D  }
0xb1: {  	s5 =	sshll.u32 @!p0 s5, $0x11;
	s7 =	sadd.s32 @!p0 $0x11B8D, s7;
	_ =	swait.eq @!p0 [sflag:s6], $0x1  }
0xb2: {  	s5 =	sor.u32 @!p0 s5, s7;
	[sflag:s6] =	ssyncadd.s32 @!p0 $0xFFFFFFFF  }
0xb3: {  	s25 =	simm.s32 $0x1B8E;
	s24 =	sld [smem:$0x3FFE];
	[sflag:s5] =	ssyncadd.remote.s32 @!p0 $0x1  }
0xb4: {  	s26 =	simm.s32 $execute0_lowered;
	[smem:$0x3FD2] =	sst s25  }
0xb5: {  	s6 =	sshll.u32 s26, $0x1;
	_ =	strace $0x80000049;
	[dreg:$0x1] =	wrdreg $0xFFFFFFFF  }
0xb6: {  	s28 =	simm.s32 $_size_execute0_lowered;
	s4 =	sadd.s32 s4, s6;
	[dreg:$0x0] =	wrdreg $0x0  }
0xb7: {  	s6 =	sshll.u32 s28, $0x1;
	[dreg:$0x2] =	wrdreg s4  }
0xb8: {  	[dreg:$0x3] =	wrdreg s6  }
0xb9: {  	[dreg:$0x4] =	wrdreg $0xC0  }
0xba: {  	_ =	task [dreg:s22], $0x5FFFF  }
0xbb: {  	[dreg:$0x1] =	wrdreg $0xFFFFFFFF  }
0xbc: {  	[dreg:$0x0] =	wrdreg $0x60  }
0xbd: {  	[dreg:$0x2] =	wrdreg s18  }
0xbe: {  	[dreg:$0x3] =	wrdreg s24  }
0xbf: {  	[dreg:$0x4] =	wrdreg $0x9  }
0xc0: {  	_ =	task.clear_ibuf [dreg:s22], $0x5FFFF;
	_ =	strace $0x90000049  }
0xc1: {  	s29 =	simm.s32 $0x9;
	_ =	strace $0x8000004B  }
0xc2: {  	_ =	swait.ge [sflag:s29], $0x1  }
0xc3: {  	[sflag:s29] =	ssyncadd.s32 $0xFFFFFFFF  }
0xc4: {  	_ =	strace $0x9000004B  }
0xc5: {  	_ =	sfence  }
0xc6: {  	s30 =	sld [smem:$0x0];
	_ =	sdelay $0x2  }
0xc7: {  	s31 =	sshll.u32 s1, $0xD;
	s1 =	sshrl.u32 s1, $0x2  }
0xc8: {  	s4 =	sand.u32 $0x4000, s31;
	s1 =	sadd.s32 s1, s30  }
0xc9: {  	s0 =	sor.u32 s4, s0;
	s1 =	sshll.u32 s1, $0x11  }
0xca: {  	s0 =	sor.u32 s1, s0  }
0xcb: {  	s0 =	sadd.s32 $0x8F2B, s0  }
0xcc: {  	[sflag:s0] =	ssyncadd.remote.s32 $0x1  }
0xcd: {  	_ =	sfence.sel $0xFFFF  }
0xce: {  	[dreg:$0x0] =	wrdreg $0xFFFFFFFF;
	(pc) =	sbr.abs _section_cstart, $3  }
0xcf: {  	[dreg:$0x1] =	wrdreg $0xFFFFFFFF  }
0xd0: {  	_ =	task.clear_ibuf [dreg:s22], $0x2FFFF;
	_ =	strace $0x9FFFFFFF  }
0xd1: {  	(tm) =	ssettm $0x7FFFFFFF  }
tec
execute0_lowered:
.L_overlay_start_1:
0x0: {  	(tag) =	ssettag $0x1  }
0x1: {  	s1 =	srdreg.scid;
	s0 =	stileid.u32  }
0x2: {  	s18 =	sand.u32 $0x1, s1;
	s30 =	sshll.u32 s0, $0x1  }
0x3: {  	s12 =	sor.u32 s18, s30  }
0x4: {  	s2 =	rddreg [dreg:$0x0];
	s4 =	smul.u32 $0x7D, s12  }
0x5: {  	s10 =	rddreg [dreg:$0x1];
	s3 =	simm.s32 $0x0  }
0x6: {  	s5 =	simm.s32 $0x3;
	[smem:$0x7FF] =	sst s3;
	s4 =	sadd.s32 s4, s10  }
0x7: {  	s1 =	rddreg [dreg:$0x2];
	_ =	strace $0x8000004A;
	s4 =	sadd.s32 $0x9E00, s4  }
0x8: {  	[tilespmem:s3], [sflag:$0x3] =	stream.linear.gather [hbm4b:s4+s3], $0x3E8, $0x38;
	[tilespmem:$0xCC00] =	vst v63  }
0x9: {  	_ =	swait.ge [sflag:s5], $0x3E8  }
0xa: {  	[sflag:s5] =	ssyncset.done $0x0  }
0xb: {  	s6 =	simm.s32 $0xC8;
	s7 =	simm.s32 $0x400;
	[sflag:s5] =	ssyncadd.s32 $0xFFFFFC18  }
0xc: {  	[tilespmem:s7], [sflag:$0x1] =	stream.indirect.gather [hbm4b:s2+s6], $0x80, s3, s6, $0xb8;
	[tilespmem:$0xCC00] =	vst v63  }
0xd: {  	s8 =	simm.s32 $0x6800;
	s9 =	simm.s32 $0x1  }
0xe: {  	[tilespmem:s8], [sflag:$0x1] =	stream.indirect.gather [hbm4b:s2+s6], $0x80, s6, s6, $0xb8;
	[tilespmem:$0xCC00] =	vst v63  }
0xf: {  	s11 =	smul.u32 $0x3E80, s12;
	_ =	swait.ge [sflag:s9], $0x6400  }
0x10: {  	s13 =	sadd.s32 $0x202E00, s10;
	[sflag:s9] =	ssyncset.done $0x0  }
0x11: {  	s11 =	sadd.s32 s13, s11;
	s10 =	simm.s32 $0x2;
	[sflag:s9] =	ssyncadd.s32 $0xFFFF9C00  }
0x12: {  	[hbm4b:s11+s3] =	stream.linear.scatter [tilespmem:s7], [sflag:$0x2], $0x6400, $0x38;
	[tilespmem:$0xCC00] =	vst v63  }
0x13: {  	_ =	swait.ge [sflag:s10], $0x6400  }
0x14: {  	[sflag:s10] =	ssyncset.done $0x0  }
0x15: {  	s14 =	smul.u32 $0x1F400, s12;
	s12 =	simm.s32 $0x190;
	[sflag:s10] =	ssyncadd.s32 $0xFFFF9C00  }
0x16: {  	[tilespmem:s7], [sflag:$0x1] =	stream.indirect.gather [hbm4b:s2+s6], $0x80, s12, s6, $0xb8;
	[tilespmem:$0xCC00] =	vst v63  }
0x17: {  	s14 =	sshrl.u32 s14, $0x3;
	_ =	swait.ge [sflag:s9], $0x6400  }
0x18: {  	s19 =	sadd.s32 s13, s14;
	[sflag:s9] =	ssyncset.done $0x0  }
0x19: {  	s13 =	sadd.s32 $0xC80, s19;
	[sflag:s9] =	ssyncadd.s32 $0xFFFF9C00  }
0x1a: {  	[hbm4b:s13+s3] =	stream.linear.scatter [tilespmem:s8], [sflag:$0x2], $0x6400, $0x38;
	[tilespmem:$0xCC00] =	vst v63  }
0x1b: {  	_ =	swait.ge [sflag:s10], $0x6400  }
0x1c: {  	[sflag:s10] =	ssyncset.done $0x0  }
0x1d: {  	s14 =	simm.s32 $0x258;
	[sflag:s10] =	ssyncadd.s32 $0xFFFF9C00  }
0x1e: {  	[tilespmem:s8], [sflag:$0x1] =	stream.indirect.gather [hbm4b:s2+s6], $0x80, s14, s6, $0xb8;
	[tilespmem:$0xCC00] =	vst v63  }
0x1f: {  	_ =	swait.ge [sflag:s9], $0x6400  }
0x20: {  	[sflag:s9] =	ssyncset.done $0x0  }
0x21: {  	s15 =	sadd.s32 $0x1900, s19;
	[sflag:s9] =	ssyncadd.s32 $0xFFFF9C00  }
0x22: {  	[hbm4b:s15+s3] =	stream.linear.scatter [tilespmem:s7], [sflag:$0x2], $0x6400, $0x38;
	[tilespmem:$0xCC00] =	vst v63  }
0x23: {  	_ =	swait.ge [sflag:s10], $0x6400  }
0x24: {  	[sflag:s10] =	ssyncset.done $0x0  }
0x25: {  	s16 =	simm.s32 $0x320;
	[sflag:s10] =	ssyncadd.s32 $0xFFFF9C00  }
0x26: {  	[tilespmem:s7], [sflag:$0x1] =	stream.indirect.gather [hbm4b:s2+s6], $0x80, s16, s6, $0xb8;
	[tilespmem:$0xCC00] =	vst v63  }
0x27: {  	_ =	swait.ge [sflag:s9], $0x6400  }
0x28: {  	s20 =	ssub.s32 $0x2, s18;
	[sflag:s9] =	ssyncset.done $0x0  }
0x29: {  	s31 =	sshrl.u32 s20, $0x1;
	s17 =	sadd.s32 $0x2580, s19;
	[sflag:s9] =	ssyncadd.s32 $0xFFFF9C00  }
0x2a: {  	[hbm4b:s17+s3] =	stream.linear.scatter [tilespmem:s8], [sflag:$0x2], $0x6400, $0x38;
	[tilespmem:$0xCC00] =	vst v63  }
0x2b: {  	s18 =	sadd.s32 $0x3200, s19;
	s19 =	ssub.s32 s20, s31;
	_ =	swait.ge [sflag:s9], $0x6400  }
0x2c: {  	s19 =	smax.u32 s19, $0x1;
	[sflag:s9] =	ssyncset.done $0x0  }
0x2d: {  	p0 =	sne.s32 s19, $0x1;
	[sflag:s9] =	ssyncadd.s32 $0xFFFF9C00  }
0x2e: {  	[hbm4b:s18+s3] =	stream.linear.scatter [tilespmem:s7], [sflag:$0x2], $0x6400, $0x38;
	[tilespmem:$0xCC00] =	vst v63  }
.Ltmp0:
0x2f: {  	_ =	swait.ge [sflag:s10], $0x6400;
	(pc) =	sbr.rel @!p0 .LBB2_2-.Ltmp0, $4  }
0x30: {  	[sflag:s10] =	ssyncset.done $0x0  }
0x31: {  	[sflag:s10] =	ssyncadd.s32 $0xFFFF9C00  }
0x32: {  	_ =	swait.ge [sflag:s10], $0x6400  }
0x33: {  	s19 =	sadd.s32 $0xFFFFFFFF, s19;
	[sflag:s10] =	ssyncset.done $0x0  }
.LBB2_1:
0x34: {  	p0 =	sne.s32 s19, $0x1;
	s19 =	sadd.s32 $0xFFFFFFFF, s19;
	[sflag:s10] =	ssyncadd.s32 $0xFFFF9C00  }
0x35: {  	[tilespmem:s3], [sflag:$0x3] =	stream.linear.gather [hbm4b:s4+s3], $0x3E8, $0x38;
	[tilespmem:$0xCC00] =	vst v63  }
0x36: {  	_ =	swait.ge [sflag:s5], $0x3E8  }
0x37: {  	[sflag:s5] =	ssyncset.done $0x0  }
0x38: {  	[sflag:s5] =	ssyncadd.s32 $0xFFFFFC18  }
0x39: {  	[tilespmem:s7], [sflag:$0x1] =	stream.indirect.gather [hbm4b:s2+s6], $0x80, s3, s6, $0xb8;
	[tilespmem:$0xCC00] =	vst v63  }
0x3a: {  	_ = 	snop  }
0x3b: {  	[tilespmem:s8], [sflag:$0x1] =	stream.indirect.gather [hbm4b:s2+s6], $0x80, s6, s6, $0xb8;
	[tilespmem:$0xCC00] =	vst v63  }
0x3c: {  	_ =	swait.ge [sflag:s9], $0x6400  }
0x3d: {  	[sflag:s9] =	ssyncset.done $0x0  }
0x3e: {  	[sflag:s9] =	ssyncadd.s32 $0xFFFF9C00  }
0x3f: {  	[hbm4b:s11+s3] =	stream.linear.scatter [tilespmem:s7], [sflag:$0x2], $0x6400, $0x38;
	[tilespmem:$0xCC00] =	vst v63  }
0x40: {  	_ =	swait.ge [sflag:s10], $0x6400  }
0x41: {  	[sflag:s10] =	ssyncset.done $0x0  }
0x42: {  	[sflag:s10] =	ssyncadd.s32 $0xFFFF9C00  }
0x43: {  	[tilespmem:s7], [sflag:$0x1] =	stream.indirect.gather [hbm4b:s2+s6], $0x80, s12, s6, $0xb8;
	[tilespmem:$0xCC00] =	vst v63  }
0x44: {  	_ =	swait.ge [sflag:s9], $0x6400  }
0x45: {  	[sflag:s9] =	ssyncset.done $0x0  }
0x46: {  	[sflag:s9] =	ssyncadd.s32 $0xFFFF9C00  }
0x47: {  	[hbm4b:s13+s3] =	stream.linear.scatter [tilespmem:s8], [sflag:$0x2], $0x6400, $0x38;
	[tilespmem:$0xCC00] =	vst v63  }
0x48: {  	_ =	swait.ge [sflag:s10], $0x6400  }
0x49: {  	[sflag:s10] =	ssyncset.done $0x0  }
0x4a: {  	[sflag:s10] =	ssyncadd.s32 $0xFFFF9C00  }
0x4b: {  	[tilespmem:s8], [sflag:$0x1] =	stream.indirect.gather [hbm4b:s2+s6], $0x80, s14, s6, $0xb8;
	[tilespmem:$0xCC00] =	vst v63  }
0x4c: {  	_ =	swait.ge [sflag:s9], $0x6400  }
0x4d: {  	[sflag:s9] =	ssyncset.done $0x0  }
0x4e: {  	[sflag:s9] =	ssyncadd.s32 $0xFFFF9C00  }
0x4f: {  	[hbm4b:s15+s3] =	stream.linear.scatter [tilespmem:s7], [sflag:$0x2], $0x6400, $0x38;
	[tilespmem:$0xCC00] =	vst v63  }
0x50: {  	_ =	swait.ge [sflag:s10], $0x6400  }
0x51: {  	[sflag:s10] =	ssyncset.done $0x0  }
0x52: {  	[sflag:s10] =	ssyncadd.s32 $0xFFFF9C00  }
0x53: {  	[tilespmem:s7], [sflag:$0x1] =	stream.indirect.gather [hbm4b:s2+s6], $0x80, s16, s6, $0xb8;
	[tilespmem:$0xCC00] =	vst v63  }
0x54: {  	_ =	swait.ge [sflag:s9], $0x6400  }
0x55: {  	[sflag:s9] =	ssyncset.done $0x0  }
0x56: {  	[sflag:s9] =	ssyncadd.s32 $0xFFFF9C00  }
0x57: {  	[hbm4b:s17+s3] =	stream.linear.scatter [tilespmem:s8], [sflag:$0x2], $0x6400, $0x38;
	[tilespmem:$0xCC00] =	vst v63  }
0x58: {  	_ =	swait.ge [sflag:s9], $0x6400  }
0x59: {  	[sflag:s9] =	ssyncset.done $0x0  }
0x5a: {  	[sflag:s9] =	ssyncadd.s32 $0xFFFF9C00  }
0x5b: {  	[hbm4b:s18+s3] =	stream.linear.scatter [tilespmem:s7], [sflag:$0x2], $0x6400, $0x38;
	[tilespmem:$0xCC00] =	vst v63  }
.Ltmp1:
0x5c: {  	_ =	swait.ge [sflag:s10], $0x6400;
	(pc) =	sbr.rel @p0 .LBB2_1-.Ltmp1, $4  }
0x5d: {  	[sflag:s10] =	ssyncset.done $0x0  }
0x5e: {  	[sflag:s10] =	ssyncadd.s32 $0xFFFF9C00  }
0x5f: {  	_ =	swait.ge [sflag:s10], $0x6400  }
0x60: {  	[sflag:s10] =	ssyncset.done $0x0  }
.LBB2_2:
0x61: {  	[sflag:s10] =	ssyncadd.s32 $0xFFFF9C00  }
0x62: {  	_ =	sfence.sel $0x180000  }
0x63: {  	[bflag:$0x0] =	sbarrier.arrive $0xFFFF  }
0x64: {  	p0 =	sne.s32 s0, $0x0;
	_ =	strace $0x9000004A  }
0x65: {  	s0 =	sadd.s32 @!p0 $0x100000, s1;
	[bflag:$0x2] =	sbarrier.arrive $0xFFFF  }
0x66: {  	[sflag:s0] =	ssyncadd.tile.s32 @!p0 $0x1;
	_ =	shalt  }
.Lfunc_end2:
_tile_overlayer_lowered:
.L_overlay_start_2:
0x67: {  	(tag) =	ssettag $0x2  }
0x68: {  	s0 =	rddreg [dreg:$0x0];
	s2 =	stileid.u32  }
0x69: {  	s1 =	rddreg [dreg:$0x1];
	p0 =	sne.s32 s2, $0x0  }
0x6a: {  	s3 =	rddreg [dreg:$0x2];
	[bflag:$0x3] =	sbarrier.arrive $0xFFFF;
	s2 =	simm.s32 @!p0 $0x1C03  }
0x6b: {  	[timem:s3], [sflag:s2] =	dma.local @!p0 [hbm:s0], s1  }
0x6c: {  	s0 =	simm.s32 @!p0 $0x3  }
0x6d: {  	_ =	swait.ge @!p0 [sflag:s0], s1  }
0x6e: {  	s1 =	ssub.s32 @!p0 $0x0, s1;
	[sflag:s0] =	ssyncset.done @!p0 $0x0  }
0x6f: {  	[sflag:s0] =	ssyncadd.s32 @!p0 s1  }
0x70: {  	[bflag:$0x3] =	sbarrier.arrive $0xFFFF  }
0x71: {  	_ =	shalt  }

// kernel: kernel.16.cloned.1.call-start
scs
__scs_entry_jumppad:
0x0: {  	(pc) =	sbr.rel $0x88, $3  }
0x1: {  	(tag) =	ssettag $0x0;
	lr =	simm.s32 $0x1  }
0x2: {  	[smem:$0x3F8A] =	sst lr;
	_ =	strace $0xD0000000  }
0x3: {  	_ = 	snop  }
0x4: {  	_ = 	snop  }
0x5: {  	_ = 	snop  }
0x6: {  	_ = 	snop  }
0x7: {  	_ = 	snop  }
__scs_overlays_trampoline_lowered:
0x8: {  	[smem:$0x3F99] =	sst s0  }
0x9: {  	[smem:$0x3F9A] =	sst s1  }
0xa: {  	[smem:$0x3F9B] =	sst s2  }
0xb: {  	[smem:$0x3F9C] =	sst s3  }
0xc: {  	[smem:$0x3F9D] =	sst s4  }
0xd: {  	[smem:$0x3F9E] =	sst s5  }
0xe: {  	[smem:$0x3F9F] =	sst s6  }
0xf: {  	[smem:$0x3FA0] =	sst s7  }
0x10: {  	[smem:$0x3FA1] =	sst s8  }
0x11: {  	[smem:$0x3FA2] =	sst s9;
	s0 =	simm.s32 @!p0 $0x0  }
0x12: {  	s1 =	sld [smem:$0x3F88];
	s0 =	simm.s32 @p0 $0x1  }
0x13: {  	[smem:$0x3FA3] =	sst s0;
	s0 =	simm.s32 @!p1 $0x0  }
0x14: {  	s2 =	sld [smem:$0x3F87];
	s0 =	simm.s32 @p1 $0x1  }
0x15: {  	[smem:$0x3FA4] =	sst s0;
	s0 =	simm.s32 @!p2 $0x0  }
0x16: {  	s3 =	sld [smem:$0x3FDB];
	s0 =	simm.s32 @p2 $0x1  }
0x17: {  	s4 =	simm.s32 $0x1BF5;
	[smem:$0x3FA6] =	sst s0  }
0x18: {  	s0 =	sld [smem:$0x3F89];
	_ =	swait.ge [sflag:s4], $0x0  }
0x19: {  	s7 =	sld [smem:$0x3F8A]  }
0x1a: {  	s8 =	sadd.s32 $0xFFFFE003, lr  }
0x1b: {  	s9 =	sadd.s32 $0xFFFFFEF7, lr;
	s5 =	simm.s32 $0xFFFFFFFF;
	p2 =	slt.u32 s8, $0xFFFFF086  }
0x1c: {  	p1 =	slt.u32 s9, $0xF7A;
	s5 =	simm.s32 @!p2 $0x0  }
0x1d: {  	s5 =	simm.s32 @p1 $0x1;
	p0 =	seq.s32 s7, s2  }
0x1e: {  	s7 =	smul.u32 @!p0 $0xF7A, s2;
	p2 =	seq.s32 @!p0 s5, $0x0  }
0x1f: {  	s9 =	smul.u32 $0xF7A, s1;
	s8 =	simm.s32 @!p0 $0x1BF5;
	p2 =	por !p2, p0  }
0x20: {  	[sflag:s8] =	ssyncset.s32 @!p0 $0xFFFFF086;
	s6 =	sadd.s32 @!p0 s3, s7;
	s7 =	simm.s32 @!p0 $0x108  }
0x21: {  	s3 =	sadd.s32 s3, s9;
	s6 =	sadd.s32 @!p0 $0x88, s6;
	s7 =	simm.s32 @p2 $0x1082  }
0x22: {  	[simem:s7], [sflag:s8] =	dma.local @!p0 [hbm:s6], $0xF7A  }
0x23: {  	s9 =	sor.u32 $0xD0000000, s2;
	s6 =	simm.s32 $0x108;
	_ =	swait.ge @!p0 [sflag:s8], $0x0  }
0x24: {  	s3 =	sadd.s32 $0x88, s3;
	s6 =	simm.s32 @!p1 $0x1082;
	[sflag:s4] =	ssyncset.s32 $0xFFFFF086  }
0x25: {  	[simem:s6], [sflag:s4] =	dma.local [hbm:s3], $0xF7A  }
0x26: {  	[smem:$0x3F8A] =	sst s1;
	(tag) =	ssettag s2;
	_ =	strace s9  }
0x27: {  	s1 =	sld [smem:$0x3F9A]  }
0x28: {  	s2 =	sld [smem:$0x3F9B]  }
0x29: {  	s4 =	sld [smem:$0x3F9D]  }
0x2a: {  	p0 =	seq.s32 s5, $0x0;
	s5 =	sld [smem:$0x3F9E]  }
0x2b: {  	s6 =	sld [smem:$0x3F9F]  }
0x2c: {  	s7 =	sld [smem:$0x3FA0]  }
0x2d: {  	s3 =	simm.s32 $0x108;
	s8 =	sld [smem:$0x3FA1]  }
0x2e: {  	s3 =	simm.s32 @!p0 $0x1082;
	s9 =	sld [smem:$0x3FA2]  }
0x2f: {  	lr =	sadd.s32 s0, s3;
	s0 =	sld [smem:$0x3F99]  }
0x30: {  	s3 =	sld [smem:$0x3F9C]  }
0x31: {  	[smem:$0x3FA5] =	sst s10  }
0x32: {  	s10 =	sld [smem:$0x3FA3];
	_ =	sdelay $0x3  }
0x33: {  	p0 =	seq.s32 s10, $0x1;
	s10 =	sld [smem:$0x3FA5];
	_ =	sdelay $0x3  }
0x34: {  	[smem:$0x3FA5] =	sst s10  }
0x35: {  	s10 =	sld [smem:$0x3FA4];
	_ =	sdelay $0x3  }
0x36: {  	p1 =	seq.s32 s10, $0x1;
	s10 =	sld [smem:$0x3FA5];
	_ =	sdelay $0x3  }
0x37: {  	[smem:$0x3FA5] =	sst s10  }
0x38: {  	s10 =	sld [smem:$0x3FA6]  }
0x39: {  	_ = 	snop;
	(pc) =	sbr.ind lr, $3  }
0x3a: {  	_ = 	snop  }
0x3b: {  	_ = 	snop  }
0x3c: {  	p2 =	seq.s32 s10, $0x1;
	s10 =	sld [smem:$0x3FA5]  }
0x3d: {  	_ =	shalt  }
0x3e: {  	_ =	shalt  }
0x3f: {  	_ =	shalt  }
0x40: {  	_ =	shalt  }
0x41: {  	_ =	shalt  }
0x42: {  	_ =	shalt  }
0x43: {  	_ =	shalt  }
0x44: {  	_ =	shalt  }
0x45: {  	_ =	shalt  }
0x46: {  	_ =	shalt  }
0x47: {  	_ =	shalt  }
0x48: {  	_ =	shalt  }
0x49: {  	_ =	shalt  }
0x4a: {  	_ =	shalt  }
0x4b: {  	_ =	shalt  }
0x4c: {  	_ =	shalt  }
0x4d: {  	_ =	shalt  }
0x4e: {  	_ =	shalt  }
0x4f: {  	_ =	shalt  }
0x50: {  	_ =	shalt  }
0x51: {  	_ =	shalt  }
0x52: {  	_ =	shalt  }
0x53: {  	_ =	shalt  }
0x54: {  	_ =	shalt  }
0x55: {  	_ =	shalt  }
0x56: {  	_ =	shalt  }
0x57: {  	_ =	shalt  }
0x58: {  	_ =	shalt  }
0x59: {  	_ =	shalt  }
0x5a: {  	_ =	shalt  }
0x5b: {  	_ =	shalt  }
0x5c: {  	_ =	shalt  }
0x5d: {  	_ =	shalt  }
0x5e: {  	_ =	shalt  }
0x5f: {  	_ =	shalt  }
0x60: {  	_ =	shalt  }
0x61: {  	_ =	shalt  }
0x62: {  	_ =	shalt  }
0x63: {  	_ =	shalt  }
0x64: {  	_ =	shalt  }
0x65: {  	_ =	shalt  }
0x66: {  	_ =	shalt  }
0x67: {  	_ =	shalt  }
0x68: {  	_ =	shalt  }
0x69: {  	_ =	shalt  }
0x6a: {  	_ =	shalt  }
0x6b: {  	_ =	shalt  }
0x6c: {  	_ =	shalt  }
0x6d: {  	_ =	shalt  }
0x6e: {  	_ =	shalt  }
0x6f: {  	_ =	shalt  }
0x70: {  	_ =	shalt  }
0x71: {  	_ =	shalt  }
0x72: {  	_ =	shalt  }
0x73: {  	_ =	shalt  }
0x74: {  	_ =	shalt  }
0x75: {  	_ =	shalt  }
0x76: {  	_ =	shalt  }
0x77: {  	_ =	shalt  }
0x78: {  	_ =	shalt  }
0x79: {  	_ =	shalt  }
0x7a: {  	_ =	shalt  }
0x7b: {  	_ =	shalt  }
0x7c: {  	_ =	shalt  }
0x7d: {  	_ =	shalt  }
0x7e: {  	_ =	shalt  }
0x7f: {  	_ =	shalt  }
0x80: {  	_ =	shalt  }
0x81: {  	_ =	shalt  }
0x82: {  	_ =	shalt  }
0x83: {  	_ =	shalt  }
0x84: {  	_ =	shalt  }
0x85: {  	_ =	shalt  }
0x86: {  	_ =	shalt  }
0x87: {  	_ =	shalt  }
.Lfunc_end0:
.L_simem_size_0:
called_computation.1_lowered:
.L_overlay_start_0:
0x88: {  	s2 =	sld [smem:$0x3FD9]  }
0x89: {  	s3 =	sld [smem:$0x3FFE];
	_ =	sdelay $0x1  }
0x8a: {  	s1 =	srdreg.scid  }
0x8b: {  	s0 =	sand.u32 $0x1, s1  }
0x8c: {  	s17 =	sshll.u32 s0, $0xA;
	s2 =	sadd.s32 s3, s2  }
0x8d: {  	s2 =	sadd.s32 s2, s17  }
0x8e: {  	[smem:$0x3FB1] =	sst s2  }
0x8f: {  	_ = 	snop  }
0x90: {  	s18 =	sld [smem:$0x3FD0];
	(tm) =	ssettm $0x1  }
0x91: {  	s19 =	sld [smem:$0x3FFB];
	_ =	sdelay $0x3  }
0x92: {  	_ =	strace s19  }
0x93: {  	s2 =	sld [smem:$0x3FFC];
	_ =	sdelay $0x3  }
0x94: {  	_ =	strace s2  }
0x95: {  	s2 =	sld [smem:$0x3FFD];
	_ =	sdelay $0x3  }
0x96: {  	_ =	strace s2  }
0x97: {  	_ =	strace $0x8FFFFFFF  }
0x98: {  	s20 =	sld [smem:$0x3FDB];
	_ =	sdelay $0x1  }
0x99: {  	s4 =	simm.s32 $_scs_section_size  }
0x9a: {  	s5 =	simm.s32 $_size__tile_overlayer_lowered;
	s6 =	simm.s32 $_tile_overlayer_lowered  }
0x9b: {  	s7 =	simm.s32 $0x1BFF;
	s21 =	sshll.u32 s6, $0x1;
	s4 =	sadd.s32 s4, s20  }
0x9c: {  	s22 =	simm.s32 $0x0;
	s5 =	sshll.u32 s5, $0x1;
	s6 =	sadd.s32 s21, s4  }
0x9d: {  	[timem:s22], [sflag:s7] =	dma.local [hbm:s6], s5  }
0x9e: {  	_ =	swait.ge [sflag:s7], s5  }
0x9f: {  	s5 =	ssub.s32 $0x0, s5;
	[sflag:s7] =	ssyncset.done $0x0  }
0xa0: {  	[sflag:s7] =	ssyncadd.s32 s5;
	_ =	sdelay $0x1  }
0xa1: {  	s23 =	simm.s32 $0x1B8B  }
0xa2: {  	_ =	swait.ge [sflag:s23], $0x1  }
0xa3: {  	[sflag:s23] =	ssyncset.done $0x0  }
0xa4: {  	[sflag:s23] =	ssyncadd.s32 $0xFFFFFFFF  }
0xa5: {  	s5 =	sld [smem:$0x0]  }
0xa6: {  	s6 =	sand.u32 $0xFFFFFFFE, s1  }
0xa7: {  	p0 =	sne.s32 s1, s6  }
0xa8: {  	s6 =	sshll.u32 @p0 s6, $0xE  }
0xa9: {  	s6 =	sadd.s32 @p0 $0x11B8D, s6;
	s7 =	sshll.u32 @p0 s5, $0x11  }
0xaa: {  	s6 =	sor.u32 @p0 s7, s6  }
0xab: {  	[sflag:s6] =	ssyncadd.remote.s32 @p0 $0x1;
	_ =	sdelay $0x1  }
0xac: {  	s6 =	simm.s32 @p0 $0x1B8D  }
0xad: {  	_ =	swait.eq @p0 [sflag:s6], $0x1  }
0xae: {  	[sflag:s6] =	ssyncadd.s32 @p0 $0xFFFFFFFF  }
0xaf: {  	s7 =	sshll.u32 @!p0 s1, $0xE  }
0xb0: {  	s7 =	sor.u32 @!p0 $0x4000, s7;
	s6 =	simm.s32 @!p0 $0x1B8D  }
0xb1: {  	s5 =	sshll.u32 @!p0 s5, $0x11;
	s7 =	sadd.s32 @!p0 $0x11B8D, s7;
	_ =	swait.eq @!p0 [sflag:s6], $0x1  }
0xb2: {  	s5 =	sor.u32 @!p0 s5, s7;
	[sflag:s6] =	ssyncadd.s32 @!p0 $0xFFFFFFFF  }
0xb3: {  	s25 =	simm.s32 $0x1B8E;
	s24 =	sld [smem:$0x3FFE];
	[sflag:s5] =	ssyncadd.remote.s32 @!p0 $0x1  }
0xb4: {  	s26 =	simm.s32 $execute0_lowered;
	[smem:$0x3FD2] =	sst s25  }
0xb5: {  	s6 =	sshll.u32 s26, $0x1;
	_ =	strace $0x8000004F;
	[dreg:$0x1] =	wrdreg $0xFFFFFFFF  }
0xb6: {  	s28 =	simm.s32 $_size_execute0_lowered;
	s4 =	sadd.s32 s4, s6;
	[dreg:$0x0] =	wrdreg $0x0  }
0xb7: {  	s6 =	sshll.u32 s28, $0x1;
	[dreg:$0x2] =	wrdreg s4  }
0xb8: {  	[dreg:$0x3] =	wrdreg s6  }
0xb9: {  	[dreg:$0x4] =	wrdreg $0xC0  }
0xba: {  	_ =	task [dreg:s22], $0x5FFFF  }
0xbb: {  	[dreg:$0x1] =	wrdreg $0xFFFFFFFF  }
0xbc: {  	[dreg:$0x0] =	wrdreg $0x60  }
0xbd: {  	[dreg:$0x2] =	wrdreg s24  }
0xbe: {  	[dreg:$0x3] =	wrdreg s18  }
0xbf: {  	[dreg:$0x4] =	wrdreg $0x0  }
0xc0: {  	[dreg:$0x5] =	wrdreg $0x9  }
0xc1: {  	_ =	task.clear_ibuf [dreg:s22], $0x6FFFF;
	_ =	strace $0x9000004F  }
0xc2: {  	s29 =	simm.s32 $0x9;
	_ =	strace $0x80000051  }
0xc3: {  	_ =	swait.ge [sflag:s29], $0x1  }
0xc4: {  	[sflag:s29] =	ssyncadd.s32 $0xFFFFFFFF  }
0xc5: {  	_ =	strace $0x90000051  }
0xc6: {  	_ =	sfence  }
0xc7: {  	s30 =	sld [smem:$0x0];
	_ =	sdelay $0x2  }
0xc8: {  	s31 =	sshll.u32 s1, $0xD;
	s1 =	sshrl.u32 s1, $0x2  }
0xc9: {  	s4 =	sand.u32 $0x4000, s31;
	s1 =	sadd.s32 s1, s30  }
0xca: {  	s0 =	sor.u32 s4, s0;
	s1 =	sshll.u32 s1, $0x11  }
0xcb: {  	s0 =	sor.u32 s1, s0  }
0xcc: {  	s0 =	sadd.s32 $0x8F2B, s0  }
0xcd: {  	[sflag:s0] =	ssyncadd.remote.s32 $0x1  }
0xce: {  	_ =	sfence.sel $0xFFFF  }
0xcf: {  	[dreg:$0x0] =	wrdreg $0xFFFFFFFF;
	(pc) =	sbr.abs _section_cstart, $3  }
0xd0: {  	[dreg:$0x1] =	wrdreg $0xFFFFFFFF  }
0xd1: {  	_ =	task.clear_ibuf [dreg:s22], $0x2FFFF;
	_ =	strace $0x9FFFFFFF  }
0xd2: {  	(tm) =	ssettm $0x7FFFFFFF  }
0xd3: {  	_ =	shalt  }
tec
execute0_lowered:
.L_overlay_start_1:
0x0: {  	(tag) =	ssettag $0x1  }
0x1: {  	s4 =	rddreg [dreg:$0x0]  }
0x2: {  	s7 =	rddreg [dreg:$0x1]  }
0x3: {  	s0 =	srdreg.scid;
	s2 =	rddreg [dreg:$0x2]  }
0x4: {  	s1 =	rddreg [dreg:$0x3];
	s3 =	simm.s32 $0x0;
	s5 =	sand.u32 $0x1, s0  }
0x5: {  	s12 =	simm.s32 $0x2BE8;
	s0 =	stileid.u32;
	s6 =	smul.u32 $0x3E80, s5  }
0x6: {  	s13 =	simm.s32 $0x1;
	s14 =	simm.s32 $0x3E8;
	s8 =	smul.u32 $0x3E8, s0  }
0x7: {  	s15 =	simm.s32 $0x2;
	s18 =	simm.s32 $0x0;
	s29 =	smul.u32 $0x2800, s0  }
0x8: {  	[smem:$0x7FF] =	sst s3;
	s10 =	smul.u32 $0x28000, s5;
	s5 =	ssub.s32 $0x2, s5  }
0x9: {  	_ =	strace $0x80000050;
	s16 =	sshll.u32 s0, $0x6;
	s30 =	sshrl.u32 s5, $0x1  }
0xa: {  	s16 =	sor.u32 $0x1C03, s16;
	s6 =	sadd.s32 s8, s6;
	s10 =	sadd.s32 s29, s10  }
0xb: {  	s11 =	ssub.s32 s5, s30;
	s9 =	sshll.u32 s6, $0x1;
	s6 =	sshrl.u32 s6, $0x3  }
0xc: {  	s31 =	sshrl.u32 s10, $0x3;
	s8 =	smax.u32 s11, $0x1;
	s10 =	simm.s32 $0x3  }
0xd: {  	s11 =	simm.s32 $0x2800;
	s9 =	sadd.s32 s9, s4;
	s6 =	sadd.s32 s6, s4  }
0xe: {  	s4 =	sadd.s32 s29, s2;
	s7 =	sadd.s32 s7, s31;
	s5 =	sadd.s32 $0x4E00, s6  }
0xf: {  	v0 =	vimm.f32 $0.0e+00;
	s6 =	sadd.s32 $0xD4600, s9;
	s9 =	simm.s32 $0xA8E8;
	s17 =	sshrl.u32 s4, $0x3  }
.LBB2_1:
0x10: {  	s19 =	simm.s32 $0x40;
	s20 =	simm.s32 $0x0  }
.LBB2_2:
0x11: {  	p0 =	sne.s32 s19, $0x9FC0;
	[tilespmem:s20+$0xA8E8] =	vst v0;
	s20 =	smov.u32 s19;
	s19 =	sadd.s32 $0x40, s19  }
.Ltmp0:
0x12: {  	(pc) =	sbr.rel @p0 .LBB2_2-.Ltmp0, $2  }
0x13: {  	_ =	sdelay $0x2  }
0x14: {  	s20 =	sshra.s32 s20, $0x2  }
0x15: {  	[tilespmem:s20+$0xA8E8] =	vst v0  }
0x16: {  	[spmem:s4] =	stream.linear.scatter [tilespmem:s9], [sflag:$0x3], $0x2800, $0x38;
	[tilespmem:$0xD0E8] =	vst v63  }
0x17: {  	_ =	swait.ge [sflag:s10], $0x2800  }
0x18: {  	[sflag:s10] =	ssyncset.done $0x0  }
0x19: {  	[sflag:s10] =	ssyncadd.s32 $0xFFFFD800  }
0x1a: {  	[tilespmem:s11], [sflag:$0x3] =	stream.linear.gather [hbm4b:s5+s3], $0x3E8, $0x38;
	[tilespmem:$0xD0E8] =	vst v63  }
0x1b: {  	_ =	swait.ge [sflag:s10], $0x3E8  }
0x1c: {  	[sflag:s10] =	ssyncset.done $0x0  }
0x1d: {  	[sflag:s10] =	ssyncadd.s32 $0xFFFFFC18  }
0x1e: {  	[bflag:$0x0] =	sbarrier.arrive $0xFFFF  }
0x1f: {  	[tilespmem:s12], [sflag:$0x1] =	stream.linear.gather [hbm4b:s6+s3], $0x3E80, $0x38;
	[tilespmem:$0xD0E8] =	vst v63  }
0x20: {  	_ =	swait.ge [sflag:s13], $0x3E80  }
0x21: {  	[sflag:s13] =	ssyncset.done $0x0  }
0x22: {  	[sflag:s13] =	ssyncadd.s32 $0xFFFFC180  }
0x23: {  	[spmem:s2] =	stream.indirect.scatter.add.f32 [tilespmem:s12], [sflag:$0x2], $0x10, s11, s14, $0xb8;
	[tilespmem:$0xD0E8] =	vst v63  }
0x24: {  	_ =	swait.ge [sflag:s15], $0x3E80  }
0x25: {  	s18 =	sadd.s32 $0x1, s18;
	[sflag:s15] =	ssyncset.done $0x0  }
0x26: {  	p0 =	sne.s32 s18, s8;
	[sflag:s15] =	ssyncadd.s32 $0xFFFFC180  }
.Ltmp1:
0x27: {  	[bflag:$0x0] =	sbarrier.arrive $0xFFFF;
	(pc) =	sbr.rel @p0 .LBB2_1-.Ltmp1, $4  }
0x28: {  	[hbm:s7], [sflag:s16] =	dma.local [spmem:s17], $0x500  }
0x29: {  	_ =	swait.ge [sflag:s10], $0x500  }
0x2a: {  	[sflag:s10] =	ssyncset.done $0x0  }
0x2b: {  	[sflag:s10] =	ssyncadd.s32 $0xFFFFFB00  }
0x2c: {  	_ =	sfence.sel $0x180000  }
0x2d: {  	[bflag:$0x0] =	sbarrier.arrive $0xFFFF  }
0x2e: {  	p0 =	sne.s32 s0, $0x0;
	_ =	strace $0x90000050  }
0x2f: {  	s0 =	sadd.s32 @!p0 $0x100000, s1;
	[bflag:$0x2] =	sbarrier.arrive $0xFFFF  }
0x30: {  	[sflag:s0] =	ssyncadd.tile.s32 @!p0 $0x1;
	_ =	shalt  }
.Lfunc_end2:
_tile_overlayer_lowered:
.L_overlay_start_2:
0x31: {  	(tag) =	ssettag $0x2  }
0x32: {  	s0 =	rddreg [dreg:$0x0];
	s2 =	stileid.u32  }
0x33: {  	s1 =	rddreg [dreg:$0x1];
	p0 =	sne.s32 s2, $0x0  }
0x34: {  	s3 =	rddreg [dreg:$0x2];
	[bflag:$0x3] =	sbarrier.arrive $0xFFFF;
	s2 =	simm.s32 @!p0 $0x1C03  }
0x35: {  	[timem:s3], [sflag:s2] =	dma.local @!p0 [hbm:s0], s1  }
0x36: {  	s0 =	simm.s32 @!p0 $0x3  }
0x37: {  	_ =	swait.ge @!p0 [sflag:s0], s1  }
0x38: {  	s1 =	ssub.s32 @!p0 $0x0, s1;
	[sflag:s0] =	ssyncset.done @!p0 $0x0  }
0x39: {  	[sflag:s0] =	ssyncadd.s32 @!p0 s1  }
0x3a: {  	[bflag:$0x3] =	sbarrier.arrive $0xFFFF  }
0x3b: {  	_ =	shalt  }

// kernel: kernel.19.cloned.1.call-start
scs
__scs_entry_jumppad:
0x0: {  	(pc) =	sbr.rel $0x88, $3  }
0x1: {  	(tag) =	ssettag $0x0;
	lr =	simm.s32 $0x1  }
0x2: {  	[smem:$0x3F8A] =	sst lr;
	_ =	strace $0xD0000000  }
0x3: {  	_ = 	snop  }
0x4: {  	_ = 	snop  }
0x5: {  	_ = 	snop  }
0x6: {  	_ = 	snop  }
0x7: {  	_ = 	snop  }
__scs_overlays_trampoline_lowered:
0x8: {  	[smem:$0x3F99] =	sst s0  }
0x9: {  	[smem:$0x3F9A] =	sst s1  }
0xa: {  	[smem:$0x3F9B] =	sst s2  }
0xb: {  	[smem:$0x3F9C] =	sst s3  }
0xc: {  	[smem:$0x3F9D] =	sst s4  }
0xd: {  	[smem:$0x3F9E] =	sst s5  }
0xe: {  	[smem:$0x3F9F] =	sst s6  }
0xf: {  	[smem:$0x3FA0] =	sst s7  }
0x10: {  	[smem:$0x3FA1] =	sst s8  }
0x11: {  	[smem:$0x3FA2] =	sst s9;
	s0 =	simm.s32 @!p0 $0x0  }
0x12: {  	s1 =	sld [smem:$0x3F88];
	s0 =	simm.s32 @p0 $0x1  }
0x13: {  	[smem:$0x3FA3] =	sst s0;
	s0 =	simm.s32 @!p1 $0x0  }
0x14: {  	s2 =	sld [smem:$0x3F87];
	s0 =	simm.s32 @p1 $0x1  }
0x15: {  	[smem:$0x3FA4] =	sst s0;
	s0 =	simm.s32 @!p2 $0x0  }
0x16: {  	s3 =	sld [smem:$0x3FDB];
	s0 =	simm.s32 @p2 $0x1  }
0x17: {  	s4 =	simm.s32 $0x1BF5;
	[smem:$0x3FA6] =	sst s0  }
0x18: {  	s0 =	sld [smem:$0x3F89];
	_ =	swait.ge [sflag:s4], $0x0  }
0x19: {  	s7 =	sld [smem:$0x3F8A]  }
0x1a: {  	s8 =	sadd.s32 $0xFFFFE003, lr  }
0x1b: {  	s9 =	sadd.s32 $0xFFFFFEF7, lr;
	s5 =	simm.s32 $0xFFFFFFFF;
	p2 =	slt.u32 s8, $0xFFFFF086  }
0x1c: {  	p1 =	slt.u32 s9, $0xF7A;
	s5 =	simm.s32 @!p2 $0x0  }
0x1d: {  	s5 =	simm.s32 @p1 $0x1;
	p0 =	seq.s32 s7, s2  }
0x1e: {  	s7 =	smul.u32 @!p0 $0xF7A, s2;
	p2 =	seq.s32 @!p0 s5, $0x0  }
0x1f: {  	s9 =	smul.u32 $0xF7A, s1;
	s8 =	simm.s32 @!p0 $0x1BF5;
	p2 =	por !p2, p0  }
0x20: {  	[sflag:s8] =	ssyncset.s32 @!p0 $0xFFFFF086;
	s6 =	sadd.s32 @!p0 s3, s7;
	s7 =	simm.s32 @!p0 $0x108  }
0x21: {  	s3 =	sadd.s32 s3, s9;
	s6 =	sadd.s32 @!p0 $0x88, s6;
	s7 =	simm.s32 @p2 $0x1082  }
0x22: {  	[simem:s7], [sflag:s8] =	dma.local @!p0 [hbm:s6], $0xF7A  }
0x23: {  	s9 =	sor.u32 $0xD0000000, s2;
	s6 =	simm.s32 $0x108;
	_ =	swait.ge @!p0 [sflag:s8], $0x0  }
0x24: {  	s3 =	sadd.s32 $0x88, s3;
	s6 =	simm.s32 @!p1 $0x1082;
	[sflag:s4] =	ssyncset.s32 $0xFFFFF086  }
0x25: {  	[simem:s6], [sflag:s4] =	dma.local [hbm:s3], $0xF7A  }
0x26: {  	[smem:$0x3F8A] =	sst s1;
	(tag) =	ssettag s2;
	_ =	strace s9  }
0x27: {  	s1 =	sld [smem:$0x3F9A]  }
0x28: {  	s2 =	sld [smem:$0x3F9B]  }
0x29: {  	s4 =	sld [smem:$0x3F9D]  }
0x2a: {  	p0 =	seq.s32 s5, $0x0;
	s5 =	sld [smem:$0x3F9E]  }
0x2b: {  	s6 =	sld [smem:$0x3F9F]  }
0x2c: {  	s7 =	sld [smem:$0x3FA0]  }
0x2d: {  	s3 =	simm.s32 $0x108;
	s8 =	sld [smem:$0x3FA1]  }
0x2e: {  	s3 =	simm.s32 @!p0 $0x1082;
	s9 =	sld [smem:$0x3FA2]  }
0x2f: {  	lr =	sadd.s32 s0, s3;
	s0 =	sld [smem:$0x3F99]  }
0x30: {  	s3 =	sld [smem:$0x3F9C]  }
0x31: {  	[smem:$0x3FA5] =	sst s10  }
0x32: {  	s10 =	sld [smem:$0x3FA3];
	_ =	sdelay $0x3  }
0x33: {  	p0 =	seq.s32 s10, $0x1;
	s10 =	sld [smem:$0x3FA5];
	_ =	sdelay $0x3  }
0x34: {  	[smem:$0x3FA5] =	sst s10  }
0x35: {  	s10 =	sld [smem:$0x3FA4];
	_ =	sdelay $0x3  }
0x36: {  	p1 =	seq.s32 s10, $0x1;
	s10 =	sld [smem:$0x3FA5];
	_ =	sdelay $0x3  }
0x37: {  	[smem:$0x3FA5] =	sst s10  }
0x38: {  	s10 =	sld [smem:$0x3FA6]  }
0x39: {  	_ = 	snop;
	(pc) =	sbr.ind lr, $3  }
0x3a: {  	_ = 	snop  }
0x3b: {  	_ = 	snop  }
0x3c: {  	p2 =	seq.s32 s10, $0x1;
	s10 =	sld [smem:$0x3FA5]  }
0x3d: {  	_ =	shalt  }
0x3e: {  	_ =	shalt  }
0x3f: {  	_ =	shalt  }
0x40: {  	_ =	shalt  }
0x41: {  	_ =	shalt  }
0x42: {  	_ =	shalt  }
0x43: {  	_ =	shalt  }
0x44: {  	_ =	shalt  }
0x45: {  	_ =	shalt  }
0x46: {  	_ =	shalt  }
0x47: {  	_ =	shalt  }
0x48: {  	_ =	shalt  }
0x49: {  	_ =	shalt  }
0x4a: {  	_ =	shalt  }
0x4b: {  	_ =	shalt  }
0x4c: {  	_ =	shalt  }
0x4d: {  	_ =	shalt  }
0x4e: {  	_ =	shalt  }
0x4f: {  	_ =	shalt  }
0x50: {  	_ =	shalt  }
0x51: {  	_ =	shalt  }
0x52: {  	_ =	shalt  }
0x53: {  	_ =	shalt  }
0x54: {  	_ =	shalt  }
0x55: {  	_ =	shalt  }
0x56: {  	_ =	shalt  }
0x57: {  	_ =	shalt  }
0x58: {  	_ =	shalt  }
0x59: {  	_ =	shalt  }
0x5a: {  	_ =	shalt  }
0x5b: {  	_ =	shalt  }
0x5c: {  	_ =	shalt  }
0x5d: {  	_ =	shalt  }
0x5e: {  	_ =	shalt  }
0x5f: {  	_ =	shalt  }
0x60: {  	_ =	shalt  }
0x61: {  	_ =	shalt  }
0x62: {  	_ =	shalt  }
0x63: {  	_ =	shalt  }
0x64: {  	_ =	shalt  }
0x65: {  	_ =	shalt  }
0x66: {  	_ =	shalt  }
0x67: {  	_ =	shalt  }
0x68: {  	_ =	shalt  }
0x69: {  	_ =	shalt  }
0x6a: {  	_ =	shalt  }
0x6b: {  	_ =	shalt  }
0x6c: {  	_ =	shalt  }
0x6d: {  	_ =	shalt  }
0x6e: {  	_ =	shalt  }
0x6f: {  	_ =	shalt  }
0x70: {  	_ =	shalt  }
0x71: {  	_ =	shalt  }
0x72: {  	_ =	shalt  }
0x73: {  	_ =	shalt  }
0x74: {  	_ =	shalt  }
0x75: {  	_ =	shalt  }
0x76: {  	_ =	shalt  }
0x77: {  	_ =	shalt  }
0x78: {  	_ =	shalt  }
0x79: {  	_ =	shalt  }
0x7a: {  	_ =	shalt  }
0x7b: {  	_ =	shalt  }
0x7c: {  	_ =	shalt  }
0x7d: {  	_ =	shalt  }
0x7e: {  	_ =	shalt  }
0x7f: {  	_ =	shalt  }
0x80: {  	_ =	shalt  }
0x81: {  	_ =	shalt  }
0x82: {  	_ =	shalt  }
0x83: {  	_ =	shalt  }
0x84: {  	_ =	shalt  }
0x85: {  	_ =	shalt  }
0x86: {  	_ =	shalt  }
0x87: {  	_ =	shalt  }
.Lfunc_end0:
.L_simem_size_0:
called_computation.2_lowered:
.L_overlay_start_0:
0x88: {  	s2 =	sld [smem:$0x3FD9]  }
0x89: {  	s3 =	sld [smem:$0x3FFE];
	_ =	sdelay $0x1  }
0x8a: {  	s1 =	srdreg.scid  }
0x8b: {  	s0 =	sand.u32 $0x1, s1  }
0x8c: {  	s17 =	sshll.u32 s0, $0xA;
	s2 =	sadd.s32 s3, s2  }
0x8d: {  	s2 =	sadd.s32 s2, s17  }
0x8e: {  	[smem:$0x3FB1] =	sst s2  }
0x8f: {  	_ = 	snop  }
0x90: {  	s2 =	sld [smem:$0x3FC9];
	(tm) =	ssettm $0x1  }
0x91: {  	s18 =	sld [smem:$0x3FFB];
	_ =	sdelay $0x3  }
0x92: {  	_ =	strace s18  }
0x93: {  	s3 =	sld [smem:$0x3FFC];
	_ =	sdelay $0x3  }
0x94: {  	_ =	strace s3  }
0x95: {  	s3 =	sld [smem:$0x3FFD];
	_ =	sdelay $0x3  }
0x96: {  	_ =	strace s3  }
0x97: {  	_ =	strace $0x8FFFFFFF  }
0x98: {  	s19 =	sld [smem:$0x3FDB];
	_ =	sdelay $0x1  }
0x99: {  	s4 =	simm.s32 $_scs_section_size  }
0x9a: {  	s5 =	simm.s32 $_size__tile_overlayer_lowered;
	s6 =	simm.s32 $_tile_overlayer_lowered  }
0x9b: {  	s22 =	simm.s32 $0x1BFF;
	s21 =	sshll.u32 s6, $0x1;
	s3 =	sadd.s32 s4, s19  }
0x9c: {  	s7 =	simm.s32 $0x0;
	s20 =	sshll.u32 s5, $0x1;
	s5 =	sadd.s32 s21, s3  }
0x9d: {  	[timem:s7], [sflag:s22] =	dma.local [hbm:s5], s20  }
0x9e: {  	_ =	swait.ge [sflag:s22], s20  }
0x9f: {  	s4 =	ssub.s32 $0x0, s20;
	[sflag:s22] =	ssyncset.done $0x0  }
0xa0: {  	[sflag:s22] =	ssyncadd.s32 s4;
	_ =	sdelay $0x1  }
0xa1: {  	s23 =	simm.s32 $0x1B8B  }
0xa2: {  	_ =	swait.ge [sflag:s23], $0x1  }
0xa3: {  	[sflag:s23] =	ssyncset.done $0x0  }
0xa4: {  	s25 =	simm.s32 $0x1B8E;
	s24 =	sld [smem:$0x3FFE];
	[sflag:s23] =	ssyncadd.s32 $0xFFFFFFFF  }
0xa5: {  	s26 =	simm.s32 $execute0_lowered;
	[smem:$0x3FD2] =	sst s25  }
0xa6: {  	s5 =	sshll.u32 s26, $0x1;
	_ =	strace $0x80000046;
	[dreg:$0x1] =	wrdreg $0xFFFFFFFF  }
0xa7: {  	s28 =	simm.s32 $_size_execute0_lowered;
	s3 =	sadd.s32 s3, s5;
	[dreg:$0x0] =	wrdreg $0x0  }
0xa8: {  	s5 =	sshll.u32 s28, $0x1;
	[dreg:$0x2] =	wrdreg s3  }
0xa9: {  	[dreg:$0x3] =	wrdreg s5  }
0xaa: {  	[dreg:$0x4] =	wrdreg $0xC0  }
0xab: {  	_ =	task [dreg:s7], $0x5FFFF  }
0xac: {  	[dreg:$0x1] =	wrdreg $0xFFFFFFFF  }
0xad: {  	[dreg:$0x0] =	wrdreg $0x60  }
0xae: {  	[dreg:$0x2] =	wrdreg s2  }
0xaf: {  	[dreg:$0x3] =	wrdreg s24  }
0xb0: {  	[dreg:$0x4] =	wrdreg $0xA  }
0xb1: {  	_ =	task.clear_ibuf [dreg:s7], $0x5FFFF;
	_ =	strace $0x90000046  }
0xb2: {  	s29 =	simm.s32 $0xA;
	_ =	strace $0x80000048  }
0xb3: {  	_ =	swait.ge [sflag:s29], $0x1  }
0xb4: {  	[sflag:s29] =	ssyncadd.s32 $0xFFFFFFFF  }
0xb5: {  	_ =	strace $0x90000048  }
0xb6: {  	_ =	sfence  }
0xb7: {  	s30 =	sld [smem:$0x0];
	_ =	sdelay $0x2  }
0xb8: {  	s31 =	sshll.u32 s1, $0xD;
	s1 =	sshrl.u32 s1, $0x2  }
0xb9: {  	s3 =	sand.u32 $0x4000, s31;
	s1 =	sadd.s32 s1, s30  }
0xba: {  	s0 =	sor.u32 s3, s0;
	s1 =	sshll.u32 s1, $0x11  }
0xbb: {  	s0 =	sor.u32 s1, s0  }
0xbc: {  	s0 =	sadd.s32 $0x8F2B, s0  }
0xbd: {  	[sflag:s0] =	ssyncadd.remote.s32 $0x1  }
0xbe: {  	_ =	sfence.sel $0xFFFF  }
0xbf: {  	[dreg:$0x0] =	wrdreg $0xFFFFFFFF;
	(pc) =	sbr.abs _section_cstart, $3  }
0xc0: {  	[dreg:$0x1] =	wrdreg $0xFFFFFFFF  }
0xc1: {  	_ =	task.clear_ibuf [dreg:s7], $0x2FFFF;
	_ =	strace $0x9FFFFFFF  }
0xc2: {  	(tm) =	ssettm $0x7FFFFFFF  }
0xc3: {  	_ =	shalt  }
tec
execute0_lowered:
.L_overlay_start_1:
0x0: {  	(tag) =	ssettag $0x1  }
0x1: {  	s1 =	srdreg.scid;
	s0 =	stileid.u32  }
0x2: {  	s29 =	sand.u32 $0x1, s1;
	s31 =	sshll.u32 s0, $0x1  }
0x3: {  	s12 =	sor.u32 s29, s31  }
0x4: {  	s4 =	smul.u32 $0xFA0, s12  }
0x5: {  	s2 =	rddreg [dreg:$0x0]  }
0x6: {  	s10 =	rddreg [dreg:$0x1];
	s3 =	simm.s32 $0x0;
	s4 =	sshrl.u32 s4, $0x3  }
0x7: {  	s5 =	simm.s32 $0x3;
	[smem:$0x7FF] =	sst s3;
	s4 =	sadd.s32 s10, s4  }
0x8: {  	s1 =	rddreg [dreg:$0x2];
	_ =	strace $0x80000047;
	s4 =	sadd.s32 $0xADA0, s4  }
0x9: {  	[tilespmem:s3], [sflag:$0x3] =	stream.linear.gather [hbm4b:s4+s3], $0xFA0, $0x38;
	[tilespmem:$0x1A000] =	vst v63  }
0xa: {  	_ =	swait.ge [sflag:s5], $0xFA0  }
0xb: {  	[sflag:s5] =	ssyncset.done $0x0  }
0xc: {  	s6 =	simm.s32 $0x190;
	s7 =	simm.s32 $0x1000;
	[sflag:s5] =	ssyncadd.s32 $0xFFFFF060  }
0xd: {  	[tilespmem:s7], [sflag:$0x1] =	stream.indirect.gather [hbm4b:s2+s6], $0x80, s3, s6, $0xb8;
	[tilespmem:$0x1A000] =	vst v63  }
0xe: {  	s8 =	simm.s32 $0xD800;
	s9 =	simm.s32 $0x1  }
0xf: {  	[tilespmem:s8], [sflag:$0x1] =	stream.indirect.gather [hbm4b:s2+s6], $0x80, s6, s6, $0xb8;
	[tilespmem:$0x1A000] =	vst v63  }
0x10: {  	s11 =	smul.u32 $0xFA00, s12;
	_ =	swait.ge [sflag:s9], $0xC800  }
0x11: {  	s13 =	sadd.s32 $0xEE00, s10;
	[sflag:s9] =	ssyncset.done $0x0  }
0x12: {  	s11 =	sadd.s32 s13, s11;
	s10 =	simm.s32 $0x2;
	[sflag:s9] =	ssyncadd.s32 $0xFFFF3800  }
0x13: {  	[hbm4b:s11+s3] =	stream.linear.scatter [tilespmem:s7], [sflag:$0x2], $0xC800, $0x38;
	[tilespmem:$0x1A000] =	vst v63  }
0x14: {  	_ =	swait.ge [sflag:s10], $0xC800  }
0x15: {  	[sflag:s10] =	ssyncset.done $0x0  }
0x16: {  	s14 =	smul.u32 $0x7D000, s12;
	s12 =	simm.s32 $0x320;
	[sflag:s10] =	ssyncadd.s32 $0xFFFF3800  }
0x17: {  	[tilespmem:s7], [sflag:$0x1] =	stream.indirect.gather [hbm4b:s2+s6], $0x80, s12, s6, $0xb8;
	[tilespmem:$0x1A000] =	vst v63  }
0x18: {  	s14 =	sshrl.u32 s14, $0x3;
	_ =	swait.ge [sflag:s9], $0xC800  }
0x19: {  	s30 =	sadd.s32 s13, s14;
	[sflag:s9] =	ssyncset.done $0x0  }
0x1a: {  	s13 =	sadd.s32 $0x1900, s30;
	[sflag:s9] =	ssyncadd.s32 $0xFFFF3800  }
0x1b: {  	[hbm4b:s13+s3] =	stream.linear.scatter [tilespmem:s8], [sflag:$0x2], $0xC800, $0x38;
	[tilespmem:$0x1A000] =	vst v63  }
0x1c: {  	_ =	swait.ge [sflag:s10], $0xC800  }
0x1d: {  	[sflag:s10] =	ssyncset.done $0x0  }
0x1e: {  	s14 =	simm.s32 $0x4B0;
	[sflag:s10] =	ssyncadd.s32 $0xFFFF3800  }
0x1f: {  	[tilespmem:s8], [sflag:$0x1] =	stream.indirect.gather [hbm4b:s2+s6], $0x80, s14, s6, $0xb8;
	[tilespmem:$0x1A000] =	vst v63  }
0x20: {  	_ =	swait.ge [sflag:s9], $0xC800  }
0x21: {  	[sflag:s9] =	ssyncset.done $0x0  }
0x22: {  	s15 =	sadd.s32 $0x3200, s30;
	[sflag:s9] =	ssyncadd.s32 $0xFFFF3800  }
0x23: {  	[hbm4b:s15+s3] =	stream.linear.scatter [tilespmem:s7], [sflag:$0x2], $0xC800, $0x38;
	[tilespmem:$0x1A000] =	vst v63  }
0x24: {  	_ =	swait.ge [sflag:s10], $0xC800  }
0x25: {  	[sflag:s10] =	ssyncset.done $0x0  }
0x26: {  	s16 =	simm.s32 $0x640;
	[sflag:s10] =	ssyncadd.s32 $0xFFFF3800  }
0x27: {  	[tilespmem:s7], [sflag:$0x1] =	stream.indirect.gather [hbm4b:s2+s6], $0x80, s16, s6, $0xb8;
	[tilespmem:$0x1A000] =	vst v63  }
0x28: {  	_ =	swait.ge [sflag:s9], $0xC800  }
0x29: {  	[sflag:s9] =	ssyncset.done $0x0  }
0x2a: {  	s17 =	sadd.s32 $0x4B00, s30;
	[sflag:s9] =	ssyncadd.s32 $0xFFFF3800  }
0x2b: {  	[hbm4b:s17+s3] =	stream.linear.scatter [tilespmem:s8], [sflag:$0x2], $0xC800, $0x38;
	[tilespmem:$0x1A000] =	vst v63  }
0x2c: {  	_ =	swait.ge [sflag:s10], $0xC800  }
0x2d: {  	[sflag:s10] =	ssyncset.done $0x0  }
0x2e: {  	s18 =	simm.s32 $0x7D0;
	[sflag:s10] =	ssyncadd.s32 $0xFFFF3800  }
0x2f: {  	[tilespmem:s8], [sflag:$0x1] =	stream.indirect.gather [hbm4b:s2+s6], $0x80, s18, s6, $0xb8;
	[tilespmem:$0x1A000] =	vst v63  }
0x30: {  	_ =	swait.ge [sflag:s9], $0xC800  }
0x31: {  	[sflag:s9] =	ssyncset.done $0x0  }
0x32: {  	s19 =	sadd.s32 $0x6400, s30;
	[sflag:s9] =	ssyncadd.s32 $0xFFFF3800  }
0x33: {  	[hbm4b:s19+s3] =	stream.linear.scatter [tilespmem:s7], [sflag:$0x2], $0xC800, $0x38;
	[tilespmem:$0x1A000] =	vst v63  }
0x34: {  	_ =	swait.ge [sflag:s10], $0xC800  }
0x35: {  	[sflag:s10] =	ssyncset.done $0x0  }
0x36: {  	s20 =	simm.s32 $0x960;
	[sflag:s10] =	ssyncadd.s32 $0xFFFF3800  }
0x37: {  	[tilespmem:s7], [sflag:$0x1] =	stream.indirect.gather [hbm4b:s2+s6], $0x80, s20, s6, $0xb8;
	[tilespmem:$0x1A000] =	vst v63  }
0x38: {  	_ =	swait.ge [sflag:s9], $0xC800  }
0x39: {  	[sflag:s9] =	ssyncset.done $0x0  }
0x3a: {  	s21 =	sadd.s32 $0x7D00, s30;
	[sflag:s9] =	ssyncadd.s32 $0xFFFF3800  }
0x3b: {  	[hbm4b:s21+s3] =	stream.linear.scatter [tilespmem:s8], [sflag:$0x2], $0xC800, $0x38;
	[tilespmem:$0x1A000] =	vst v63  }
0x3c: {  	_ =	swait.ge [sflag:s10], $0xC800  }
0x3d: {  	[sflag:s10] =	ssyncset.done $0x0  }
0x3e: {  	s22 =	simm.s32 $0xAF0;
	[sflag:s10] =	ssyncadd.s32 $0xFFFF3800  }
0x3f: {  	[tilespmem:s8], [sflag:$0x1] =	stream.indirect.gather [hbm4b:s2+s6], $0x80, s22, s6, $0xb8;
	[tilespmem:$0x1A000] =	vst v63  }
0x40: {  	_ =	swait.ge [sflag:s9], $0xC800  }
0x41: {  	[sflag:s9] =	ssyncset.done $0x0  }
0x42: {  	s23 =	sadd.s32 $0x9600, s30;
	[sflag:s9] =	ssyncadd.s32 $0xFFFF3800  }
0x43: {  	[hbm4b:s23+s3] =	stream.linear.scatter [tilespmem:s7], [sflag:$0x2], $0xC800, $0x38;
	[tilespmem:$0x1A000] =	vst v63  }
0x44: {  	_ =	swait.ge [sflag:s10], $0xC800  }
0x45: {  	[sflag:s10] =	ssyncset.done $0x0  }
0x46: {  	s24 =	simm.s32 $0xC80;
	[sflag:s10] =	ssyncadd.s32 $0xFFFF3800  }
0x47: {  	[tilespmem:s7], [sflag:$0x1] =	stream.indirect.gather [hbm4b:s2+s6], $0x80, s24, s6, $0xb8;
	[tilespmem:$0x1A000] =	vst v63  }
0x48: {  	_ =	swait.ge [sflag:s9], $0xC800  }
0x49: {  	[sflag:s9] =	ssyncset.done $0x0  }
0x4a: {  	s25 =	sadd.s32 $0xAF00, s30;
	[sflag:s9] =	ssyncadd.s32 $0xFFFF3800  }
0x4b: {  	[hbm4b:s25+s3] =	stream.linear.scatter [tilespmem:s8], [sflag:$0x2], $0xC800, $0x38;
	[tilespmem:$0x1A000] =	vst v63  }
0x4c: {  	_ =	swait.ge [sflag:s10], $0xC800  }
0x4d: {  	[sflag:s10] =	ssyncset.done $0x0  }
0x4e: {  	s26 =	simm.s32 $0xE10;
	[sflag:s10] =	ssyncadd.s32 $0xFFFF3800  }
0x4f: {  	[tilespmem:s8], [sflag:$0x1] =	stream.indirect.gather [hbm4b:s2+s6], $0x80, s26, s6, $0xb8;
	[tilespmem:$0x1A000] =	vst v63  }
0x50: {  	_ =	swait.ge [sflag:s9], $0xC800  }
0x51: {  	s31 =	ssub.s32 $0x2, s29;
	s28 =	sadd.s32 $0xC800, s30;
	[sflag:s9] =	ssyncset.done $0x0  }
0x52: {  	s29 =	sadd.s32 $0xE100, s30;
	s30 =	sshrl.u32 s31, $0x1;
	[sflag:s9] =	ssyncadd.s32 $0xFFFF3800  }
0x53: {  	[hbm4b:s28+s3] =	stream.linear.scatter [tilespmem:s7], [sflag:$0x2], $0xC800, $0x38;
	[tilespmem:$0x1A000] =	vst v63  }
0x54: {  	s30 =	ssub.s32 s31, s30;
	_ =	swait.ge [sflag:s9], $0xC800  }
0x55: {  	s30 =	smax.u32 s30, $0x1;
	[sflag:s9] =	ssyncset.done $0x0  }
0x56: {  	p0 =	sne.s32 s30, $0x1;
	[sflag:s9] =	ssyncadd.s32 $0xFFFF3800  }
0x57: {  	[hbm4b:s29+s3] =	stream.linear.scatter [tilespmem:s8], [sflag:$0x2], $0xC800, $0x38;
	[tilespmem:$0x1A000] =	vst v63  }
.Ltmp0:
0x58: {  	_ =	swait.ge [sflag:s10], $0xC800;
	(pc) =	sbr.rel @!p0 .LBB2_2-.Ltmp0, $4  }
0x59: {  	[sflag:s10] =	ssyncset.done $0x0  }
0x5a: {  	[sflag:s10] =	ssyncadd.s32 $0xFFFF3800  }
0x5b: {  	_ =	swait.ge [sflag:s10], $0xC800  }
0x5c: {  	s30 =	sadd.s32 $0xFFFFFFFF, s30;
	[sflag:s10] =	ssyncset.done $0x0  }
.LBB2_1:
0x5d: {  	p0 =	sne.s32 s30, $0x1;
	s30 =	sadd.s32 $0xFFFFFFFF, s30;
	[sflag:s10] =	ssyncadd.s32 $0xFFFF3800  }
0x5e: {  	[tilespmem:s3], [sflag:$0x3] =	stream.linear.gather [hbm4b:s4+s3], $0xFA0, $0x38;
	[tilespmem:$0x1A000] =	vst v63  }
0x5f: {  	_ =	swait.ge [sflag:s5], $0xFA0  }
0x60: {  	[sflag:s5] =	ssyncset.done $0x0  }
0x61: {  	[sflag:s5] =	ssyncadd.s32 $0xFFFFF060  }
0x62: {  	[tilespmem:s7], [sflag:$0x1] =	stream.indirect.gather [hbm4b:s2+s6], $0x80, s3, s6, $0xb8;
	[tilespmem:$0x1A000] =	vst v63  }
0x63: {  	_ = 	snop  }
0x64: {  	[tilespmem:s8], [sflag:$0x1] =	stream.indirect.gather [hbm4b:s2+s6], $0x80, s6, s6, $0xb8;
	[tilespmem:$0x1A000] =	vst v63  }
0x65: {  	_ =	swait.ge [sflag:s9], $0xC800  }
0x66: {  	[sflag:s9] =	ssyncset.done $0x0  }
0x67: {  	[sflag:s9] =	ssyncadd.s32 $0xFFFF3800  }
0x68: {  	[hbm4b:s11+s3] =	stream.linear.scatter [tilespmem:s7], [sflag:$0x2], $0xC800, $0x38;
	[tilespmem:$0x1A000] =	vst v63  }
0x69: {  	_ =	swait.ge [sflag:s10], $0xC800  }
0x6a: {  	[sflag:s10] =	ssyncset.done $0x0  }
0x6b: {  	[sflag:s10] =	ssyncadd.s32 $0xFFFF3800  }
0x6c: {  	[tilespmem:s7], [sflag:$0x1] =	stream.indirect.gather [hbm4b:s2+s6], $0x80, s12, s6, $0xb8;
	[tilespmem:$0x1A000] =	vst v63  }
0x6d: {  	_ =	swait.ge [sflag:s9], $0xC800  }
0x6e: {  	[sflag:s9] =	ssyncset.done $0x0  }
0x6f: {  	[sflag:s9] =	ssyncadd.s32 $0xFFFF3800  }
0x70: {  	[hbm4b:s13+s3] =	stream.linear.scatter [tilespmem:s8], [sflag:$0x2], $0xC800, $0x38;
	[tilespmem:$0x1A000] =	vst v63  }
0x71: {  	_ =	swait.ge [sflag:s10], $0xC800  }
0x72: {  	[sflag:s10] =	ssyncset.done $0x0  }
0x73: {  	[sflag:s10] =	ssyncadd.s32 $0xFFFF3800  }
0x74: {  	[tilespmem:s8], [sflag:$0x1] =	stream.indirect.gather [hbm4b:s2+s6], $0x80, s14, s6, $0xb8;
	[tilespmem:$0x1A000] =	vst v63  }
0x75: {  	_ =	swait.ge [sflag:s9], $0xC800  }
0x76: {  	[sflag:s9] =	ssyncset.done $0x0  }
0x77: {  	[sflag:s9] =	ssyncadd.s32 $0xFFFF3800  }
0x78: {  	[hbm4b:s15+s3] =	stream.linear.scatter [tilespmem:s7], [sflag:$0x2], $0xC800, $0x38;
	[tilespmem:$0x1A000] =	vst v63  }
0x79: {  	_ =	swait.ge [sflag:s10], $0xC800  }
0x7a: {  	[sflag:s10] =	ssyncset.done $0x0  }
0x7b: {  	[sflag:s10] =	ssyncadd.s32 $0xFFFF3800  }
0x7c: {  	[tilespmem:s7], [sflag:$0x1] =	stream.indirect.gather [hbm4b:s2+s6], $0x80, s16, s6, $0xb8;
	[tilespmem:$0x1A000] =	vst v63  }
0x7d: {  	_ =	swait.ge [sflag:s9], $0xC800  }
0x7e: {  	[sflag:s9] =	ssyncset.done $0x0  }
0x7f: {  	[sflag:s9] =	ssyncadd.s32 $0xFFFF3800  }
0x80: {  	[hbm4b:s17+s3] =	stream.linear.scatter [tilespmem:s8], [sflag:$0x2], $0xC800, $0x38;
	[tilespmem:$0x1A000] =	vst v63  }
0x81: {  	_ =	swait.ge [sflag:s10], $0xC800  }
0x82: {  	[sflag:s10] =	ssyncset.done $0x0  }
0x83: {  	[sflag:s10] =	ssyncadd.s32 $0xFFFF3800  }
0x84: {  	[tilespmem:s8], [sflag:$0x1] =	stream.indirect.gather [hbm4b:s2+s6], $0x80, s18, s6, $0xb8;
	[tilespmem:$0x1A000] =	vst v63  }
0x85: {  	_ =	swait.ge [sflag:s9], $0xC800  }
0x86: {  	[sflag:s9] =	ssyncset.done $0x0  }
0x87: {  	[sflag:s9] =	ssyncadd.s32 $0xFFFF3800  }
0x88: {  	[hbm4b:s19+s3] =	stream.linear.scatter [tilespmem:s7], [sflag:$0x2], $0xC800, $0x38;
	[tilespmem:$0x1A000] =	vst v63  }
0x89: {  	_ =	swait.ge [sflag:s10], $0xC800  }
0x8a: {  	[sflag:s10] =	ssyncset.done $0x0  }
0x8b: {  	[sflag:s10] =	ssyncadd.s32 $0xFFFF3800  }
0x8c: {  	[tilespmem:s7], [sflag:$0x1] =	stream.indirect.gather [hbm4b:s2+s6], $0x80, s20, s6, $0xb8;
	[tilespmem:$0x1A000] =	vst v63  }
0x8d: {  	_ =	swait.ge [sflag:s9], $0xC800  }
0x8e: {  	[sflag:s9] =	ssyncset.done $0x0  }
0x8f: {  	[sflag:s9] =	ssyncadd.s32 $0xFFFF3800  }
0x90: {  	[hbm4b:s21+s3] =	stream.linear.scatter [tilespmem:s8], [sflag:$0x2], $0xC800, $0x38;
	[tilespmem:$0x1A000] =	vst v63  }
0x91: {  	_ =	swait.ge [sflag:s10], $0xC800  }
0x92: {  	[sflag:s10] =	ssyncset.done $0x0  }
0x93: {  	[sflag:s10] =	ssyncadd.s32 $0xFFFF3800  }
0x94: {  	[tilespmem:s8], [sflag:$0x1] =	stream.indirect.gather [hbm4b:s2+s6], $0x80, s22, s6, $0xb8;
	[tilespmem:$0x1A000] =	vst v63  }
0x95: {  	_ =	swait.ge [sflag:s9], $0xC800  }
0x96: {  	[sflag:s9] =	ssyncset.done $0x0  }
0x97: {  	[sflag:s9] =	ssyncadd.s32 $0xFFFF3800  }
0x98: {  	[hbm4b:s23+s3] =	stream.linear.scatter [tilespmem:s7], [sflag:$0x2], $0xC800, $0x38;
	[tilespmem:$0x1A000] =	vst v63  }
0x99: {  	_ =	swait.ge [sflag:s10], $0xC800  }
0x9a: {  	[sflag:s10] =	ssyncset.done $0x0  }
0x9b: {  	[sflag:s10] =	ssyncadd.s32 $0xFFFF3800  }
0x9c: {  	[tilespmem:s7], [sflag:$0x1] =	stream.indirect.gather [hbm4b:s2+s6], $0x80, s24, s6, $0xb8;
	[tilespmem:$0x1A000] =	vst v63  }
0x9d: {  	_ =	swait.ge [sflag:s9], $0xC800  }
0x9e: {  	[sflag:s9] =	ssyncset.done $0x0  }
0x9f: {  	[sflag:s9] =	ssyncadd.s32 $0xFFFF3800  }
0xa0: {  	[hbm4b:s25+s3] =	stream.linear.scatter [tilespmem:s8], [sflag:$0x2], $0xC800, $0x38;
	[tilespmem:$0x1A000] =	vst v63  }
0xa1: {  	_ =	swait.ge [sflag:s10], $0xC800  }
0xa2: {  	[sflag:s10] =	ssyncset.done $0x0  }
0xa3: {  	[sflag:s10] =	ssyncadd.s32 $0xFFFF3800  }
0xa4: {  	[tilespmem:s8], [sflag:$0x1] =	stream.indirect.gather [hbm4b:s2+s6], $0x80, s26, s6, $0xb8;
	[tilespmem:$0x1A000] =	vst v63  }
0xa5: {  	_ =	swait.ge [sflag:s9], $0xC800  }
0xa6: {  	[sflag:s9] =	ssyncset.done $0x0  }
0xa7: {  	[sflag:s9] =	ssyncadd.s32 $0xFFFF3800  }
0xa8: {  	[hbm4b:s28+s3] =	stream.linear.scatter [tilespmem:s7], [sflag:$0x2], $0xC800, $0x38;
	[tilespmem:$0x1A000] =	vst v63  }
0xa9: {  	_ =	swait.ge [sflag:s9], $0xC800  }
0xaa: {  	[sflag:s9] =	ssyncset.done $0x0  }
0xab: {  	[sflag:s9] =	ssyncadd.s32 $0xFFFF3800  }
0xac: {  	[hbm4b:s29+s3] =	stream.linear.scatter [tilespmem:s8], [sflag:$0x2], $0xC800, $0x38;
	[tilespmem:$0x1A000] =	vst v63  }
.Ltmp1:
0xad: {  	_ =	swait.ge [sflag:s10], $0xC800;
	(pc) =	sbr.rel @p0 .LBB2_1-.Ltmp1, $4  }
0xae: {  	[sflag:s10] =	ssyncset.done $0x0  }
0xaf: {  	[sflag:s10] =	ssyncadd.s32 $0xFFFF3800  }
0xb0: {  	_ =	swait.ge [sflag:s10], $0xC800  }
0xb1: {  	[sflag:s10] =	ssyncset.done $0x0  }
.LBB2_2:
0xb2: {  	[sflag:s10] =	ssyncadd.s32 $0xFFFF3800  }
0xb3: {  	_ =	sfence.sel $0x180000  }
0xb4: {  	[bflag:$0x0] =	sbarrier.arrive $0xFFFF  }
0xb5: {  	p0 =	sne.s32 s0, $0x0;
	_ =	strace $0x90000047  }
0xb6: {  	s0 =	sadd.s32 @!p0 $0x100000, s1;
	[bflag:$0x2] =	sbarrier.arrive $0xFFFF  }
0xb7: {  	[sflag:s0] =	ssyncadd.tile.s32 @!p0 $0x1;
	_ =	shalt  }
.Lfunc_end2:
_tile_overlayer_lowered:
.L_overlay_start_2:
0xb8: {  	(tag) =	ssettag $0x2  }
0xb9: {  	s0 =	rddreg [dreg:$0x0];
	s2 =	stileid.u32  }
0xba: {  	s1 =	rddreg [dreg:$0x1];
	p0 =	sne.s32 s2, $0x0  }
0xbb: {  	s3 =	rddreg [dreg:$0x2];
	[bflag:$0x3] =	sbarrier.arrive $0xFFFF;
	s2 =	simm.s32 @!p0 $0x1C03  }
0xbc: {  	[timem:s3], [sflag:s2] =	dma.local @!p0 [hbm:s0], s1  }
0xbd: {  	s0 =	simm.s32 @!p0 $0x3  }
0xbe: {  	_ =	swait.ge @!p0 [sflag:s0], s1  }
0xbf: {  	s1 =	ssub.s32 @!p0 $0x0, s1;
	[sflag:s0] =	ssyncset.done @!p0 $0x0  }
0xc0: {  	[sflag:s0] =	ssyncadd.s32 @!p0 s1  }
0xc1: {  	[bflag:$0x3] =	sbarrier.arrive $0xFFFF  }
0xc2: {  	_ =	shalt  }

// kernel: kernel.22.cloned.1.call-start
scs
__scs_entry_jumppad:
0x0: {  	(pc) =	sbr.rel $0x88, $3  }
0x1: {  	(tag) =	ssettag $0x0;
	lr =	simm.s32 $0x1  }
0x2: {  	[smem:$0x3F8A] =	sst lr;
	_ =	strace $0xD0000000  }
0x3: {  	_ = 	snop  }
0x4: {  	_ = 	snop  }
0x5: {  	_ = 	snop  }
0x6: {  	_ = 	snop  }
0x7: {  	_ = 	snop  }
__scs_overlays_trampoline_lowered:
0x8: {  	[smem:$0x3F99] =	sst s0  }
0x9: {  	[smem:$0x3F9A] =	sst s1  }
0xa: {  	[smem:$0x3F9B] =	sst s2  }
0xb: {  	[smem:$0x3F9C] =	sst s3  }
0xc: {  	[smem:$0x3F9D] =	sst s4  }
0xd: {  	[smem:$0x3F9E] =	sst s5  }
0xe: {  	[smem:$0x3F9F] =	sst s6  }
0xf: {  	[smem:$0x3FA0] =	sst s7  }
0x10: {  	[smem:$0x3FA1] =	sst s8  }
0x11: {  	[smem:$0x3FA2] =	sst s9;
	s0 =	simm.s32 @!p0 $0x0  }
0x12: {  	s1 =	sld [smem:$0x3F88];
	s0 =	simm.s32 @p0 $0x1  }
0x13: {  	[smem:$0x3FA3] =	sst s0;
	s0 =	simm.s32 @!p1 $0x0  }
0x14: {  	s2 =	sld [smem:$0x3F87];
	s0 =	simm.s32 @p1 $0x1  }
0x15: {  	[smem:$0x3FA4] =	sst s0;
	s0 =	simm.s32 @!p2 $0x0  }
0x16: {  	s3 =	sld [smem:$0x3FDB];
	s0 =	simm.s32 @p2 $0x1  }
0x17: {  	s4 =	simm.s32 $0x1BF5;
	[smem:$0x3FA6] =	sst s0  }
0x18: {  	s0 =	sld [smem:$0x3F89];
	_ =	swait.ge [sflag:s4], $0x0  }
0x19: {  	s7 =	sld [smem:$0x3F8A]  }
0x1a: {  	s8 =	sadd.s32 $0xFFFFE003, lr  }
0x1b: {  	s9 =	sadd.s32 $0xFFFFFEF7, lr;
	s5 =	simm.s32 $0xFFFFFFFF;
	p2 =	slt.u32 s8, $0xFFFFF086  }
0x1c: {  	p1 =	slt.u32 s9, $0xF7A;
	s5 =	simm.s32 @!p2 $0x0  }
0x1d: {  	s5 =	simm.s32 @p1 $0x1;
	p0 =	seq.s32 s7, s2  }
0x1e: {  	s7 =	smul.u32 @!p0 $0xF7A, s2;
	p2 =	seq.s32 @!p0 s5, $0x0  }
0x1f: {  	s9 =	smul.u32 $0xF7A, s1;
	s8 =	simm.s32 @!p0 $0x1BF5;
	p2 =	por !p2, p0  }
0x20: {  	[sflag:s8] =	ssyncset.s32 @!p0 $0xFFFFF086;
	s6 =	sadd.s32 @!p0 s3, s7;
	s7 =	simm.s32 @!p0 $0x108  }
0x21: {  	s3 =	sadd.s32 s3, s9;
	s6 =	sadd.s32 @!p0 $0x88, s6;
	s7 =	simm.s32 @p2 $0x1082  }
0x22: {  	[simem:s7], [sflag:s8] =	dma.local @!p0 [hbm:s6], $0xF7A  }
0x23: {  	s9 =	sor.u32 $0xD0000000, s2;
	s6 =	simm.s32 $0x108;
	_ =	swait.ge @!p0 [sflag:s8], $0x0  }
0x24: {  	s3 =	sadd.s32 $0x88, s3;
	s6 =	simm.s32 @!p1 $0x1082;
	[sflag:s4] =	ssyncset.s32 $0xFFFFF086  }
0x25: {  	[simem:s6], [sflag:s4] =	dma.local [hbm:s3], $0xF7A  }
0x26: {  	[smem:$0x3F8A] =	sst s1;
	(tag) =	ssettag s2;
	_ =	strace s9  }
0x27: {  	s1 =	sld [smem:$0x3F9A]  }
0x28: {  	s2 =	sld [smem:$0x3F9B]  }
0x29: {  	s4 =	sld [smem:$0x3F9D]  }
0x2a: {  	p0 =	seq.s32 s5, $0x0;
	s5 =	sld [smem:$0x3F9E]  }
0x2b: {  	s6 =	sld [smem:$0x3F9F]  }
0x2c: {  	s7 =	sld [smem:$0x3FA0]  }
0x2d: {  	s3 =	simm.s32 $0x108;
	s8 =	sld [smem:$0x3FA1]  }
0x2e: {  	s3 =	simm.s32 @!p0 $0x1082;
	s9 =	sld [smem:$0x3FA2]  }
0x2f: {  	lr =	sadd.s32 s0, s3;
	s0 =	sld [smem:$0x3F99]  }
0x30: {  	s3 =	sld [smem:$0x3F9C]  }
0x31: {  	[smem:$0x3FA5] =	sst s10  }
0x32: {  	s10 =	sld [smem:$0x3FA3];
	_ =	sdelay $0x3  }
0x33: {  	p0 =	seq.s32 s10, $0x1;
	s10 =	sld [smem:$0x3FA5];
	_ =	sdelay $0x3  }
0x34: {  	[smem:$0x3FA5] =	sst s10  }
0x35: {  	s10 =	sld [smem:$0x3FA4];
	_ =	sdelay $0x3  }
0x36: {  	p1 =	seq.s32 s10, $0x1;
	s10 =	sld [smem:$0x3FA5];
	_ =	sdelay $0x3  }
0x37: {  	[smem:$0x3FA5] =	sst s10  }
0x38: {  	s10 =	sld [smem:$0x3FA6]  }
0x39: {  	_ = 	snop;
	(pc) =	sbr.ind lr, $3  }
0x3a: {  	_ = 	snop  }
0x3b: {  	_ = 	snop  }
0x3c: {  	p2 =	seq.s32 s10, $0x1;
	s10 =	sld [smem:$0x3FA5]  }
0x3d: {  	_ =	shalt  }
0x3e: {  	_ =	shalt  }
0x3f: {  	_ =	shalt  }
0x40: {  	_ =	shalt  }
0x41: {  	_ =	shalt  }
0x42: {  	_ =	shalt  }
0x43: {  	_ =	shalt  }
0x44: {  	_ =	shalt  }
0x45: {  	_ =	shalt  }
0x46: {  	_ =	shalt  }
0x47: {  	_ =	shalt  }
0x48: {  	_ =	shalt  }
0x49: {  	_ =	shalt  }
0x4a: {  	_ =	shalt  }
0x4b: {  	_ =	shalt  }
0x4c: {  	_ =	shalt  }
0x4d: {  	_ =	shalt  }
0x4e: {  	_ =	shalt  }
0x4f: {  	_ =	shalt  }
0x50: {  	_ =	shalt  }
0x51: {  	_ =	shalt  }
0x52: {  	_ =	shalt  }
0x53: {  	_ =	shalt  }
0x54: {  	_ =	shalt  }
0x55: {  	_ =	shalt  }
0x56: {  	_ =	shalt  }
0x57: {  	_ =	shalt  }
0x58: {  	_ =	shalt  }
0x59: {  	_ =	shalt  }
0x5a: {  	_ =	shalt  }
0x5b: {  	_ =	shalt  }
0x5c: {  	_ =	shalt  }
0x5d: {  	_ =	shalt  }
0x5e: {  	_ =	shalt  }
0x5f: {  	_ =	shalt  }
0x60: {  	_ =	shalt  }
0x61: {  	_ =	shalt  }
0x62: {  	_ =	shalt  }
0x63: {  	_ =	shalt  }
0x64: {  	_ =	shalt  }
0x65: {  	_ =	shalt  }
0x66: {  	_ =	shalt  }
0x67: {  	_ =	shalt  }
0x68: {  	_ =	shalt  }
0x69: {  	_ =	shalt  }
0x6a: {  	_ =	shalt  }
0x6b: {  	_ =	shalt  }
0x6c: {  	_ =	shalt  }
0x6d: {  	_ =	shalt  }
0x6e: {  	_ =	shalt  }
0x6f: {  	_ =	shalt  }
0x70: {  	_ =	shalt  }
0x71: {  	_ =	shalt  }
0x72: {  	_ =	shalt  }
0x73: {  	_ =	shalt  }
0x74: {  	_ =	shalt  }
0x75: {  	_ =	shalt  }
0x76: {  	_ =	shalt  }
0x77: {  	_ =	shalt  }
0x78: {  	_ =	shalt  }
0x79: {  	_ =	shalt  }
0x7a: {  	_ =	shalt  }
0x7b: {  	_ =	shalt  }
0x7c: {  	_ =	shalt  }
0x7d: {  	_ =	shalt  }
0x7e: {  	_ =	shalt  }
0x7f: {  	_ =	shalt  }
0x80: {  	_ =	shalt  }
0x81: {  	_ =	shalt  }
0x82: {  	_ =	shalt  }
0x83: {  	_ =	shalt  }
0x84: {  	_ =	shalt  }
0x85: {  	_ =	shalt  }
0x86: {  	_ =	shalt  }
0x87: {  	_ =	shalt  }
.Lfunc_end0:
.L_simem_size_0:
called_computation.3_lowered:
.L_overlay_start_0:
0x88: {  	s2 =	sld [smem:$0x3FD9]  }
0x89: {  	s3 =	sld [smem:$0x3FFE];
	_ =	sdelay $0x1  }
0x8a: {  	s1 =	srdreg.scid  }
0x8b: {  	s0 =	sand.u32 $0x1, s1  }
0x8c: {  	s17 =	sshll.u32 s0, $0xA;
	s2 =	sadd.s32 s3, s2  }
0x8d: {  	s2 =	sadd.s32 s2, s17  }
0x8e: {  	[smem:$0x3FB1] =	sst s2  }
0x8f: {  	_ = 	snop  }
0x90: {  	(tm) =	ssettm $0x1  }
0x91: {  	s18 =	sld [smem:$0x3FFB];
	_ =	sdelay $0x3  }
0x92: {  	_ =	strace s18  }
0x93: {  	s2 =	sld [smem:$0x3FFC];
	_ =	sdelay $0x3  }
0x94: {  	_ =	strace s2  }
0x95: {  	s2 =	sld [smem:$0x3FFD];
	_ =	sdelay $0x3  }
0x96: {  	_ =	strace s2  }
0x97: {  	_ =	strace $0x8FFFFFFF  }
0x98: {  	s19 =	sld [smem:$0x3FDB];
	_ =	sdelay $0x1  }
0x99: {  	s20 =	simm.s32 $_scs_section_size  }
0x9a: {  	s4 =	simm.s32 $_size__tile_overlayer_lowered;
	s5 =	simm.s32 $_tile_overlayer_lowered  }
0x9b: {  	s6 =	simm.s32 $0x1BFF;
	s21 =	sshll.u32 s5, $0x1;
	s3 =	sadd.s32 s20, s19  }
0x9c: {  	s22 =	simm.s32 $0x0;
	s4 =	sshll.u32 s4, $0x1;
	s5 =	sadd.s32 s21, s3  }
0x9d: {  	[timem:s22], [sflag:s6] =	dma.local [hbm:s5], s4  }
0x9e: {  	_ =	swait.ge [sflag:s6], s4  }
0x9f: {  	s4 =	ssub.s32 $0x0, s4;
	[sflag:s6] =	ssyncset.done $0x0  }
0xa0: {  	[sflag:s6] =	ssyncadd.s32 s4;
	_ =	sdelay $0x1  }
0xa1: {  	s23 =	simm.s32 $0x1B8B  }
0xa2: {  	_ =	swait.ge [sflag:s23], $0x1  }
0xa3: {  	[sflag:s23] =	ssyncset.done $0x0  }
0xa4: {  	[sflag:s23] =	ssyncadd.s32 $0xFFFFFFFF  }
0xa5: {  	s4 =	sld [smem:$0x0]  }
0xa6: {  	s5 =	sand.u32 $0xFFFFFFFE, s1  }
0xa7: {  	p0 =	sne.s32 s1, s5  }
0xa8: {  	s5 =	sshll.u32 @p0 s5, $0xE  }
0xa9: {  	s5 =	sadd.s32 @p0 $0x11B8D, s5;
	s6 =	sshll.u32 @p0 s4, $0x11  }
0xaa: {  	s5 =	sor.u32 @p0 s6, s5  }
0xab: {  	[sflag:s5] =	ssyncadd.remote.s32 @p0 $0x1;
	_ =	sdelay $0x1  }
0xac: {  	s5 =	simm.s32 @p0 $0x1B8D  }
0xad: {  	_ =	swait.eq @p0 [sflag:s5], $0x1  }
0xae: {  	[sflag:s5] =	ssyncadd.s32 @p0 $0xFFFFFFFF  }
0xaf: {  	s6 =	sshll.u32 @!p0 s1, $0xE  }
0xb0: {  	s6 =	sor.u32 @!p0 $0x4000, s6;
	s5 =	simm.s32 @!p0 $0x1B8D  }
0xb1: {  	s4 =	sshll.u32 @!p0 s4, $0x11;
	s6 =	sadd.s32 @!p0 $0x11B8D, s6;
	_ =	swait.eq @!p0 [sflag:s5], $0x1  }
0xb2: {  	s4 =	sor.u32 @!p0 s4, s6;
	[sflag:s5] =	ssyncadd.s32 @!p0 $0xFFFFFFFF  }
0xb3: {  	s25 =	simm.s32 $0x1B8E;
	s24 =	sld [smem:$0x3FFE];
	[sflag:s4] =	ssyncadd.remote.s32 @!p0 $0x1  }
0xb4: {  	s26 =	simm.s32 $execute0_lowered;
	[smem:$0x3FD2] =	sst s25  }
0xb5: {  	s5 =	sshll.u32 s26, $0x1;
	_ =	strace $0x8000004C;
	[dreg:$0x1] =	wrdreg $0xFFFFFFFF  }
0xb6: {  	s28 =	simm.s32 $_size_execute0_lowered;
	s3 =	sadd.s32 s3, s5;
	[dreg:$0x0] =	wrdreg $0x0  }
0xb7: {  	s5 =	sshll.u32 s28, $0x1;
	[dreg:$0x2] =	wrdreg s3  }
0xb8: {  	[dreg:$0x3] =	wrdreg s5  }
0xb9: {  	[dreg:$0x4] =	wrdreg $0xC0  }
0xba: {  	_ =	task [dreg:s22], $0x5FFFF  }
0xbb: {  	[dreg:$0x1] =	wrdreg $0xFFFFFFFF  }
0xbc: {  	[dreg:$0x0] =	wrdreg $0x60  }
0xbd: {  	[dreg:$0x2] =	wrdreg s24  }
0xbe: {  	[dreg:$0x3] =	wrdreg $0x0  }
0xbf: {  	[dreg:$0x4] =	wrdreg $0xA  }
0xc0: {  	_ =	task.clear_ibuf [dreg:s22], $0x5FFFF;
	_ =	strace $0x9000004C  }
0xc1: {  	s29 =	simm.s32 $0xA;
	_ =	strace $0x8000004E  }
0xc2: {  	_ =	swait.ge [sflag:s29], $0x1  }
0xc3: {  	[sflag:s29] =	ssyncadd.s32 $0xFFFFFFFF  }
0xc4: {  	_ =	strace $0x9000004E  }
0xc5: {  	_ =	sfence  }
0xc6: {  	s30 =	sld [smem:$0x0];
	_ =	sdelay $0x2  }
0xc7: {  	s31 =	sshll.u32 s1, $0xD;
	s1 =	sshrl.u32 s1, $0x2  }
0xc8: {  	s4 =	sand.u32 $0x4000, s31;
	s1 =	sadd.s32 s1, s30  }
0xc9: {  	s0 =	sor.u32 s4, s0;
	s1 =	sshll.u32 s1, $0x11  }
0xca: {  	s0 =	sor.u32 s1, s0  }
0xcb: {  	s0 =	sadd.s32 $0x8F2B, s0  }
0xcc: {  	[sflag:s0] =	ssyncadd.remote.s32 $0x1  }
0xcd: {  	_ =	sfence.sel $0xFFFF  }
0xce: {  	[dreg:$0x0] =	wrdreg $0xFFFFFFFF;
	(pc) =	sbr.abs _section_cstart, $3  }
0xcf: {  	[dreg:$0x1] =	wrdreg $0xFFFFFFFF  }
0xd0: {  	_ =	task.clear_ibuf [dreg:s22], $0x2FFFF;
	_ =	strace $0x9FFFFFFF  }
0xd1: {  	(tm) =	ssettm $0x7FFFFFFF  }
tec
execute0_lowered:
.L_overlay_start_1:
0x0: {  	(tag) =	ssettag $0x1  }
0x1: {  	s6 =	rddreg [dreg:$0x0]  }
0x2: {  	s2 =	rddreg [dreg:$0x1]  }
0x3: {  	s0 =	srdreg.scid;
	s1 =	rddreg [dreg:$0x2]  }
0x4: {  	s3 =	simm.s32 $0x0;
	s15 =	simm.s32 $0xB4A0;
	s16 =	simm.s32 $0x3  }
0x5: {  	s17 =	simm.s32 $0x2800;
	s18 =	simm.s32 $0x2BE8;
	s4 =	sand.u32 $0x1, s0  }
0x6: {  	s19 =	simm.s32 $0x2FD0;
	s0 =	stileid.u32;
	s5 =	smul.u32 $0xFA00, s4  }
0x7: {  	s20 =	simm.s32 $0x33B8;
	s21 =	simm.s32 $0x37A0;
	s7 =	smul.u32 $0xFA0, s0  }
0x8: {  	s22 =	simm.s32 $0x7620;
	s23 =	simm.s32 $0x1;
	s8 =	smul.u32 $0x2800, s0  }
0x9: {  	[smem:$0x7FF] =	sst s3;
	s9 =	smul.u32 $0x28000, s4;
	s4 =	ssub.s32 $0x2, s4  }
0xa: {  	s25 =	sadd.s32 $0x4E00, s6;
	_ =	strace $0x8000004D;
	s26 =	sshrl.u32 s4, $0x1  }
0xb: {  	s5 =	sadd.s32 s7, s5;
	s9 =	sadd.s32 s8, s9;
	s14 =	ssub.s32 s4, s26  }
0xc: {  	s4 =	sadd.s32 s8, s2;
	s26 =	simm.s32 $0x0;
	s7 =	sshll.u32 s5, $0x1  }
0xd: {  	s24 =	sshrl.u32 s9, $0x3;
	s28 =	sshrl.u32 s5, $0x3;
	s30 =	sadd.s32 $0x80E8, s5  }
0xe: {  	s31 =	sadd.s32 $0x88B8, s5;
	s14 =	smax.u32 s14, $0x1;
	s12 =	sadd.s32 s7, s6  }
0xf: {  	s13 =	sadd.s32 s24, s6;
	s29 =	sadd.s32 s25, s28;
	s6 =	sshrl.u32 s30, $0x3  }
0x10: {  	s8 =	sshrl.u32 s31, $0x3;
	s24 =	simm.s32 $0x3E8;
	s5 =	sadd.s32 $0xFA0, s29  }
0x11: {  	s6 =	sadd.s32 s25, s6;
	s7 =	sadd.s32 $0x109A, s29;
	s8 =	sadd.s32 s25, s8  }
0x12: {  	s9 =	sadd.s32 $0xEE00, s12;
	s10 =	sadd.s32 $0xF5D0, s12;
	s11 =	sadd.s32 $0xFDA0, s12  }
0x13: {  	v0 =	vimm.f32 $0.0e+00;
	s12 =	sadd.s32 $0x10570, s12;
	s13 =	sadd.s32 $0x4D600, s13;
	s25 =	simm.s32 $0x2  }
.LBB2_1:
0x14: {  	s28 =	simm.s32 $0x40;
	s29 =	simm.s32 $0x0  }
.LBB2_2:
0x15: {  	p0 =	sne.s32 s28, $0x9FC0;
	[tilespmem:s29+$0xB4A0] =	vst v0;
	s29 =	smov.u32 s28;
	s28 =	sadd.s32 $0x40, s28  }
.Ltmp0:
0x16: {  	(pc) =	sbr.rel @p0 .LBB2_2-.Ltmp0, $2  }
0x17: {  	_ =	sdelay $0x2  }
0x18: {  	s29 =	sshra.s32 s29, $0x2  }
0x19: {  	[tilespmem:s29+$0xB4A0] =	vst v0  }
0x1a: {  	[spmem:s4] =	stream.linear.scatter [tilespmem:s15], [sflag:$0x3], $0x2800, $0x38;
	[tilespmem:$0xDCA0] =	vst v63  }
0x1b: {  	_ =	swait.ge [sflag:s16], $0x2800  }
0x1c: {  	[sflag:s16] =	ssyncset.done $0x0  }
0x1d: {  	[sflag:s16] =	ssyncadd.s32 $0xFFFFD800  }
0x1e: {  	[tilespmem:s17], [sflag:$0x3] =	stream.linear.gather [hbm4b:s5+s3], $0x3E8, $0x38;
	[tilespmem:$0xDCA0] =	vst v63  }
0x1f: {  	_ =	swait.ge [sflag:s16], $0x3E8  }
0x20: {  	[sflag:s16] =	ssyncset.done $0x0  }
0x21: {  	[sflag:s16] =	ssyncadd.s32 $0xFFFFFC18  }
0x22: {  	[tilespmem:s18], [sflag:$0x3] =	stream.linear.gather [hbm4b:s6+s3], $0x3E8, $0x38;
	[tilespmem:$0xDCA0] =	vst v63  }
0x23: {  	_ =	swait.ge [sflag:s16], $0x3E8  }
0x24: {  	[sflag:s16] =	ssyncset.done $0x0  }
0x25: {  	[sflag:s16] =	ssyncadd.s32 $0xFFFFFC18  }
0x26: {  	[tilespmem:s19], [sflag:$0x3] =	stream.linear.gather [hbm4b:s7+s3], $0x3E8, $0x38;
	[tilespmem:$0xDCA0] =	vst v63  }
0x27: {  	_ =	swait.ge [sflag:s16], $0x3E8  }
0x28: {  	[sflag:s16] =	ssyncset.done $0x0  }
0x29: {  	[sflag:s16] =	ssyncadd.s32 $0xFFFFFC18  }
0x2a: {  	[tilespmem:s20], [sflag:$0x3] =	stream.linear.gather [hbm4b:s8+s3], $0x3E8, $0x38;
	[tilespmem:$0xDCA0] =	vst v63  }
0x2b: {  	_ =	swait.ge [sflag:s16], $0x3E8  }
0x2c: {  	[sflag:s16] =	ssyncset.done $0x0  }
0x2d: {  	[sflag:s16] =	ssyncadd.s32 $0xFFFFFC18  }
0x2e: {  	[bflag:$0x0] =	sbarrier.arrive $0xFFFF  }
0x2f: {  	[tilespmem:s21], [sflag:$0x1] =	stream.linear.gather [hbm4b:s9+s3], $0x3E80, $0x38;
	[tilespmem:$0xDCA0] =	vst v63  }
0x30: {  	_ = 	snop  }
0x31: {  	[tilespmem:s22], [sflag:$0x1] =	stream.linear.gather [hbm4b:s10+s3], $0x3E80, $0x38;
	[tilespmem:$0xDCA0] =	vst v63  }
0x32: {  	_ =	swait.ge [sflag:s23], $0x3E80  }
0x33: {  	[sflag:s23] =	ssyncset.done $0x0  }
0x34: {  	[sflag:s23] =	ssyncadd.s32 $0xFFFFC180  }
0x35: {  	[spmem:s2] =	stream.indirect.scatter.add.f32 [tilespmem:s21], [sflag:$0x2], $0x10, s17, s24, $0xb8;
	[tilespmem:$0xDCA0] =	vst v63  }
0x36: {  	_ =	swait.ge [sflag:s25], $0x3E80  }
0x37: {  	[sflag:s25] =	ssyncset.done $0x0  }
0x38: {  	[sflag:s25] =	ssyncadd.s32 $0xFFFFC180  }
0x39: {  	[tilespmem:s21], [sflag:$0x1] =	stream.linear.gather [hbm4b:s11+s3], $0x3E80, $0x38;
	[tilespmem:$0xDCA0] =	vst v63  }
0x3a: {  	_ =	swait.ge [sflag:s23], $0x3E80  }
0x3b: {  	[sflag:s23] =	ssyncset.done $0x0  }
0x3c: {  	[sflag:s23] =	ssyncadd.s32 $0xFFFFC180  }
0x3d: {  	[spmem:s2] =	stream.indirect.scatter.add.f32 [tilespmem:s22], [sflag:$0x2], $0x10, s18, s24, $0xb8;
	[tilespmem:$0xDCA0] =	vst v63  }
0x3e: {  	_ =	swait.ge [sflag:s25], $0x3E80  }
0x3f: {  	[sflag:s25] =	ssyncset.done $0x0  }
0x40: {  	[sflag:s25] =	ssyncadd.s32 $0xFFFFC180  }
0x41: {  	[tilespmem:s22], [sflag:$0x1] =	stream.linear.gather [hbm4b:s12+s3], $0x3E80, $0x38;
	[tilespmem:$0xDCA0] =	vst v63  }
0x42: {  	_ =	swait.ge [sflag:s23], $0x3E80  }
0x43: {  	[sflag:s23] =	ssyncset.done $0x0  }
0x44: {  	[sflag:s23] =	ssyncadd.s32 $0xFFFFC180  }
0x45: {  	[spmem:s2] =	stream.indirect.scatter.add.f32 [tilespmem:s21], [sflag:$0x2], $0x10, s19, s24, $0xb8;
	[tilespmem:$0xDCA0] =	vst v63  }
0x46: {  	_ =	swait.ge [sflag:s23], $0x3E80  }
0x47: {  	[sflag:s23] =	ssyncset.done $0x0  }
0x48: {  	[sflag:s23] =	ssyncadd.s32 $0xFFFFC180  }
0x49: {  	[spmem:s2] =	stream.indirect.scatter.add.f32 [tilespmem:s22], [sflag:$0x2], $0x10, s20, s24, $0xb8;
	[tilespmem:$0xDCA0] =	vst v63  }
0x4a: {  	_ =	swait.ge [sflag:s25], $0x3E80  }
0x4b: {  	[sflag:s25] =	ssyncset.done $0x0  }
0x4c: {  	[sflag:s25] =	ssyncadd.s32 $0xFFFFC180  }
0x4d: {  	_ =	swait.ge [sflag:s25], $0x3E80  }
0x4e: {  	s28 =	sshll.u32 s0, $0x6;
	s26 =	sadd.s32 $0x1, s26;
	[sflag:s25] =	ssyncset.done $0x0  }
0x4f: {  	s31 =	sshrl.u32 s4, $0x3;
	p0 =	sne.s32 s26, s14;
	[sflag:s25] =	ssyncadd.s32 $0xFFFFC180  }
.Ltmp1:
0x50: {  	s28 =	sor.u32 $0x1C03, s28;
	[bflag:$0x0] =	sbarrier.arrive $0xFFFF;
	(pc) =	sbr.rel @p0 .LBB2_1-.Ltmp1, $4  }
0x51: {  	[hbm:s13], [sflag:s28] =	dma.local [spmem:s31], $0x500  }
0x52: {  	_ =	swait.ge [sflag:s16], $0x500  }
0x53: {  	[sflag:s16] =	ssyncset.done $0x0  }
0x54: {  	[sflag:s16] =	ssyncadd.s32 $0xFFFFFB00  }
0x55: {  	_ =	sfence.sel $0x180000  }
0x56: {  	[bflag:$0x0] =	sbarrier.arrive $0xFFFF  }
0x57: {  	p0 =	sne.s32 s0, $0x0;
	_ =	strace $0x9000004D  }
0x58: {  	s0 =	sadd.s32 @!p0 $0x100000, s1;
	[bflag:$0x2] =	sbarrier.arrive $0xFFFF  }
0x59: {  	[sflag:s0] =	ssyncadd.tile.s32 @!p0 $0x1;
	_ =	shalt  }
.Lfunc_end2:
_tile_overlayer_lowered:
.L_overlay_start_2:
0x5a: {  	(tag) =	ssettag $0x2  }
0x5b: {  	s0 =	rddreg [dreg:$0x0];
	s2 =	stileid.u32  }
0x5c: {  	s1 =	rddreg [dreg:$0x1];
	p0 =	sne.s32 s2, $0x0  }
0x5d: {  	s3 =	rddreg [dreg:$0x2];
	[bflag:$0x3] =	sbarrier.arrive $0xFFFF;
	s2 =	simm.s32 @!p0 $0x1C03  }
0x5e: {  	[timem:s3], [sflag:s2] =	dma.local @!p0 [hbm:s0], s1  }
0x5f: {  	s0 =	simm.s32 @!p0 $0x3  }
0x60: {  	_ =	swait.ge @!p0 [sflag:s0], s1  }
0x61: {  	s1 =	ssub.s32 @!p0 $0x0, s1;
	[sflag:s0] =	ssyncset.done @!p0 $0x0  }
0x62: {  	[sflag:s0] =	ssyncadd.s32 @!p0 s1  }
0x63: {  	[bflag:$0x3] =	sbarrier.arrive $0xFFFF  }
0x64: {  	_ =	shalt  }

// kernel: kernel.25.cloned.1.call-start
scs
__scs_entry_jumppad:
0x0: {  	(pc) =	sbr.rel $0x88, $3  }
0x1: {  	(tag) =	ssettag $0x0;
	lr =	simm.s32 $0x1  }
0x2: {  	[smem:$0x3F8A] =	sst lr;
	_ =	strace $0xD0000000  }
0x3: {  	_ = 	snop  }
0x4: {  	_ = 	snop  }
0x5: {  	_ = 	snop  }
0x6: {  	_ = 	snop  }
0x7: {  	_ = 	snop  }
__scs_overlays_trampoline_lowered:
0x8: {  	[smem:$0x3F99] =	sst s0  }
0x9: {  	[smem:$0x3F9A] =	sst s1  }
0xa: {  	[smem:$0x3F9B] =	sst s2  }
0xb: {  	[smem:$0x3F9C] =	sst s3  }
0xc: {  	[smem:$0x3F9D] =	sst s4  }
0xd: {  	[smem:$0x3F9E] =	sst s5  }
0xe: {  	[smem:$0x3F9F] =	sst s6  }
0xf: {  	[smem:$0x3FA0] =	sst s7  }
0x10: {  	[smem:$0x3FA1] =	sst s8  }
0x11: {  	[smem:$0x3FA2] =	sst s9;
	s0 =	simm.s32 @!p0 $0x0  }
0x12: {  	s1 =	sld [smem:$0x3F88];
	s0 =	simm.s32 @p0 $0x1  }
0x13: {  	[smem:$0x3FA3] =	sst s0;
	s0 =	simm.s32 @!p1 $0x0  }
0x14: {  	s2 =	sld [smem:$0x3F87];
	s0 =	simm.s32 @p1 $0x1  }
0x15: {  	[smem:$0x3FA4] =	sst s0;
	s0 =	simm.s32 @!p2 $0x0  }
0x16: {  	s3 =	sld [smem:$0x3FDB];
	s0 =	simm.s32 @p2 $0x1  }
0x17: {  	s4 =	simm.s32 $0x1BF5;
	[smem:$0x3FA6] =	sst s0  }
0x18: {  	s0 =	sld [smem:$0x3F89];
	_ =	swait.ge [sflag:s4], $0x0  }
0x19: {  	s7 =	sld [smem:$0x3F8A]  }
0x1a: {  	s8 =	sadd.s32 $0xFFFFE003, lr  }
0x1b: {  	s9 =	sadd.s32 $0xFFFFFEF7, lr;
	s5 =	simm.s32 $0xFFFFFFFF;
	p2 =	slt.u32 s8, $0xFFFFF086  }
0x1c: {  	p1 =	slt.u32 s9, $0xF7A;
	s5 =	simm.s32 @!p2 $0x0  }
0x1d: {  	s5 =	simm.s32 @p1 $0x1;
	p0 =	seq.s32 s7, s2  }
0x1e: {  	s7 =	smul.u32 @!p0 $0xF7A, s2;
	p2 =	seq.s32 @!p0 s5, $0x0  }
0x1f: {  	s9 =	smul.u32 $0xF7A, s1;
	s8 =	simm.s32 @!p0 $0x1BF5;
	p2 =	por !p2, p0  }
0x20: {  	[sflag:s8] =	ssyncset.s32 @!p0 $0xFFFFF086;
	s6 =	sadd.s32 @!p0 s3, s7;
	s7 =	simm.s32 @!p0 $0x108  }
0x21: {  	s3 =	sadd.s32 s3, s9;
	s6 =	sadd.s32 @!p0 $0x88, s6;
	s7 =	simm.s32 @p2 $0x1082  }
0x22: {  	[simem:s7], [sflag:s8] =	dma.local @!p0 [hbm:s6], $0xF7A  }
0x23: {  	s9 =	sor.u32 $0xD0000000, s2;
	s6 =	simm.s32 $0x108;
	_ =	swait.ge @!p0 [sflag:s8], $0x0  }
0x24: {  	s3 =	sadd.s32 $0x88, s3;
	s6 =	simm.s32 @!p1 $0x1082;
	[sflag:s4] =	ssyncset.s32 $0xFFFFF086  }
0x25: {  	[simem:s6], [sflag:s4] =	dma.local [hbm:s3], $0xF7A  }
0x26: {  	[smem:$0x3F8A] =	sst s1;
	(tag) =	ssettag s2;
	_ =	strace s9  }
0x27: {  	s1 =	sld [smem:$0x3F9A]  }
0x28: {  	s2 =	sld [smem:$0x3F9B]  }
0x29: {  	s4 =	sld [smem:$0x3F9D]  }
0x2a: {  	p0 =	seq.s32 s5, $0x0;
	s5 =	sld [smem:$0x3F9E]  }
0x2b: {  	s6 =	sld [smem:$0x3F9F]  }
0x2c: {  	s7 =	sld [smem:$0x3FA0]  }
0x2d: {  	s3 =	simm.s32 $0x108;
	s8 =	sld [smem:$0x3FA1]  }
0x2e: {  	s3 =	simm.s32 @!p0 $0x1082;
	s9 =	sld [smem:$0x3FA2]  }
0x2f: {  	lr =	sadd.s32 s0, s3;
	s0 =	sld [smem:$0x3F99]  }
0x30: {  	s3 =	sld [smem:$0x3F9C]  }
0x31: {  	[smem:$0x3FA5] =	sst s10  }
0x32: {  	s10 =	sld [smem:$0x3FA3];
	_ =	sdelay $0x3  }
0x33: {  	p0 =	seq.s32 s10, $0x1;
	s10 =	sld [smem:$0x3FA5];
	_ =	sdelay $0x3  }
0x34: {  	[smem:$0x3FA5] =	sst s10  }
0x35: {  	s10 =	sld [smem:$0x3FA4];
	_ =	sdelay $0x3  }
0x36: {  	p1 =	seq.s32 s10, $0x1;
	s10 =	sld [smem:$0x3FA5];
	_ =	sdelay $0x3  }
0x37: {  	[smem:$0x3FA5] =	sst s10  }
0x38: {  	s10 =	sld [smem:$0x3FA6]  }
0x39: {  	_ = 	snop;
	(pc) =	sbr.ind lr, $3  }
0x3a: {  	_ = 	snop  }
0x3b: {  	_ = 	snop  }
0x3c: {  	p2 =	seq.s32 s10, $0x1;
	s10 =	sld [smem:$0x3FA5]  }
0x3d: {  	_ =	shalt  }
0x3e: {  	_ =	shalt  }
0x3f: {  	_ =	shalt  }
0x40: {  	_ =	shalt  }
0x41: {  	_ =	shalt  }
0x42: {  	_ =	shalt  }
0x43: {  	_ =	shalt  }
0x44: {  	_ =	shalt  }
0x45: {  	_ =	shalt  }
0x46: {  	_ =	shalt  }
0x47: {  	_ =	shalt  }
0x48: {  	_ =	shalt  }
0x49: {  	_ =	shalt  }
0x4a: {  	_ =	shalt  }
0x4b: {  	_ =	shalt  }
0x4c: {  	_ =	shalt  }
0x4d: {  	_ =	shalt  }
0x4e: {  	_ =	shalt  }
0x4f: {  	_ =	shalt  }
0x50: {  	_ =	shalt  }
0x51: {  	_ =	shalt  }
0x52: {  	_ =	shalt  }
0x53: {  	_ =	shalt  }
0x54: {  	_ =	shalt  }
0x55: {  	_ =	shalt  }
0x56: {  	_ =	shalt  }
0x57: {  	_ =	shalt  }
0x58: {  	_ =	shalt  }
0x59: {  	_ =	shalt  }
0x5a: {  	_ =	shalt  }
0x5b: {  	_ =	shalt  }
0x5c: {  	_ =	shalt  }
0x5d: {  	_ =	shalt  }
0x5e: {  	_ =	shalt  }
0x5f: {  	_ =	shalt  }
0x60: {  	_ =	shalt  }
0x61: {  	_ =	shalt  }
0x62: {  	_ =	shalt  }
0x63: {  	_ =	shalt  }
0x64: {  	_ =	shalt  }
0x65: {  	_ =	shalt  }
0x66: {  	_ =	shalt  }
0x67: {  	_ =	shalt  }
0x68: {  	_ =	shalt  }
0x69: {  	_ =	shalt  }
0x6a: {  	_ =	shalt  }
0x6b: {  	_ =	shalt  }
0x6c: {  	_ =	shalt  }
0x6d: {  	_ =	shalt  }
0x6e: {  	_ =	shalt  }
0x6f: {  	_ =	shalt  }
0x70: {  	_ =	shalt  }
0x71: {  	_ =	shalt  }
0x72: {  	_ =	shalt  }
0x73: {  	_ =	shalt  }
0x74: {  	_ =	shalt  }
0x75: {  	_ =	shalt  }
0x76: {  	_ =	shalt  }
0x77: {  	_ =	shalt  }
0x78: {  	_ =	shalt  }
0x79: {  	_ =	shalt  }
0x7a: {  	_ =	shalt  }
0x7b: {  	_ =	shalt  }
0x7c: {  	_ =	shalt  }
0x7d: {  	_ =	shalt  }
0x7e: {  	_ =	shalt  }
0x7f: {  	_ =	shalt  }
0x80: {  	_ =	shalt  }
0x81: {  	_ =	shalt  }
0x82: {  	_ =	shalt  }
0x83: {  	_ =	shalt  }
0x84: {  	_ =	shalt  }
0x85: {  	_ =	shalt  }
0x86: {  	_ =	shalt  }
0x87: {  	_ =	shalt  }
.Lfunc_end0:
.L_simem_size_0:
called_computation.4_lowered:
.L_overlay_start_0:
0x88: {  	s2 =	sld [smem:$0x3FD9]  }
0x89: {  	s3 =	sld [smem:$0x3FFE];
	_ =	sdelay $0x1  }
0x8a: {  	s1 =	srdreg.scid  }
0x8b: {  	s0 =	sand.u32 $0x1, s1  }
0x8c: {  	s17 =	sshll.u32 s0, $0xA;
	s2 =	sadd.s32 s3, s2  }
0x8d: {  	s2 =	sadd.s32 s2, s17  }
0x8e: {  	[smem:$0x3FB1] =	sst s2  }
0x8f: {  	_ = 	snop  }
0x90: {  	s2 =	sld [smem:$0x3FD0];
	(tm) =	ssettm $0x1  }
0x91: {  	s18 =	sld [smem:$0x3FFB];
	_ =	sdelay $0x3  }
0x92: {  	_ =	strace s18  }
0x93: {  	s3 =	sld [smem:$0x3FFC];
	_ =	sdelay $0x3  }
0x94: {  	_ =	strace s3  }
0x95: {  	s3 =	sld [smem:$0x3FFD];
	_ =	sdelay $0x3  }
0x96: {  	_ =	strace s3  }
0x97: {  	_ =	strace $0x8FFFFFFF  }
0x98: {  	s19 =	sld [smem:$0x3FDB];
	_ =	sdelay $0x1  }
0x99: {  	s4 =	simm.s32 $_scs_section_size  }
0x9a: {  	s5 =	simm.s32 $_size__tile_overlayer_lowered;
	s6 =	simm.s32 $_tile_overlayer_lowered  }
0x9b: {  	s22 =	simm.s32 $0x1BFF;
	s21 =	sshll.u32 s6, $0x1;
	s3 =	sadd.s32 s4, s19  }
0x9c: {  	s7 =	simm.s32 $0x0;
	s20 =	sshll.u32 s5, $0x1;
	s5 =	sadd.s32 s21, s3  }
0x9d: {  	[timem:s7], [sflag:s22] =	dma.local [hbm:s5], s20  }
0x9e: {  	_ =	swait.ge [sflag:s22], s20  }
0x9f: {  	s4 =	ssub.s32 $0x0, s20;
	[sflag:s22] =	ssyncset.done $0x0  }
0xa0: {  	[sflag:s22] =	ssyncadd.s32 s4;
	_ =	sdelay $0x1  }
0xa1: {  	s23 =	simm.s32 $0x1B8B  }
0xa2: {  	_ =	swait.ge [sflag:s23], $0x1  }
0xa3: {  	[sflag:s23] =	ssyncset.done $0x0  }
0xa4: {  	s25 =	simm.s32 $0x1B8E;
	s24 =	sld [smem:$0x3FFE];
	[sflag:s23] =	ssyncadd.s32 $0xFFFFFFFF  }
0xa5: {  	s26 =	simm.s32 $execute0_lowered;
	[smem:$0x3FD2] =	sst s25  }
0xa6: {  	s5 =	sshll.u32 s26, $0x1;
	_ =	strace $0x80000052;
	[dreg:$0x1] =	wrdreg $0xFFFFFFFF  }
0xa7: {  	s28 =	simm.s32 $_size_execute0_lowered;
	s3 =	sadd.s32 s3, s5;
	[dreg:$0x0] =	wrdreg $0x0  }
0xa8: {  	s5 =	sshll.u32 s28, $0x1;
	[dreg:$0x2] =	wrdreg s3  }
0xa9: {  	[dreg:$0x3] =	wrdreg s5  }
0xaa: {  	[dreg:$0x4] =	wrdreg $0xC0  }
0xab: {  	_ =	task [dreg:s7], $0x5FFFF  }
0xac: {  	[dreg:$0x1] =	wrdreg $0xFFFFFFFF  }
0xad: {  	[dreg:$0x0] =	wrdreg $0x60  }
0xae: {  	[dreg:$0x2] =	wrdreg s24  }
0xaf: {  	[dreg:$0x3] =	wrdreg s2  }
0xb0: {  	[dreg:$0x4] =	wrdreg $0x0  }
0xb1: {  	[dreg:$0x5] =	wrdreg $0x9  }
0xb2: {  	_ =	task.clear_ibuf [dreg:s7], $0x6FFFF;
	_ =	strace $0x90000052  }
0xb3: {  	s29 =	simm.s32 $0x9;
	_ =	strace $0x80000054  }
0xb4: {  	_ =	swait.ge [sflag:s29], $0x1  }
0xb5: {  	[sflag:s29] =	ssyncadd.s32 $0xFFFFFFFF  }
0xb6: {  	_ =	strace $0x90000054  }
0xb7: {  	_ =	sfence  }
0xb8: {  	s30 =	sld [smem:$0x0];
	_ =	sdelay $0x2  }
0xb9: {  	s31 =	sshll.u32 s1, $0xD;
	s1 =	sshrl.u32 s1, $0x2  }
0xba: {  	s3 =	sand.u32 $0x4000, s31;
	s1 =	sadd.s32 s1, s30  }
0xbb: {  	s0 =	sor.u32 s3, s0;
	s1 =	sshll.u32 s1, $0x11  }
0xbc: {  	s0 =	sor.u32 s1, s0  }
0xbd: {  	s0 =	sadd.s32 $0x8F2B, s0  }
0xbe: {  	[sflag:s0] =	ssyncadd.remote.s32 $0x1  }
0xbf: {  	_ =	sfence.sel $0xFFFF  }
0xc0: {  	[dreg:$0x0] =	wrdreg $0xFFFFFFFF;
	(pc) =	sbr.abs _section_cstart, $3  }
0xc1: {  	[dreg:$0x1] =	wrdreg $0xFFFFFFFF  }
0xc2: {  	_ =	task.clear_ibuf [dreg:s7], $0x2FFFF;
	_ =	strace $0x9FFFFFFF  }
0xc3: {  	(tm) =	ssettm $0x7FFFFFFF  }
tec
execute0_lowered:
.L_overlay_start_1:
0x0: {  	(tag) =	ssettag $0x1  }
0x1: {  	s0 =	rddreg [dreg:$0x0]  }
0x2: {  	s1 =	rddreg [dreg:$0x1];
	s3 =	srdreg.scid  }
0x3: {  	s2 =	rddreg [dreg:$0x2];
	s6 =	stileid.u32  }
0x4: {  	s15 =	simm.s32 $0x3;
	s16 =	simm.s32 $0x2800;
	s17 =	simm.s32 $0x3B88  }
0x5: {  	s18 =	simm.s32 $0x3F70;
	s19 =	simm.s32 $0x4358;
	s20 =	simm.s32 $0x4740  }
0x6: {  	s28 =	simm.s32 $0x2;
	s29 =	simm.s32 $0x2FD0;
	s5 =	smul.u32 $0x1388, s6  }
0x7: {  	s30 =	simm.s32 $0x33B8;
	s7 =	sand.u32 $0x1, s3;
	s10 =	smul.u32 $0x2800, s6  }
0x8: {  	s31 =	simm.s32 $0x37A0;
	s3 =	simm.s32 $0x0;
	s4 =	smul.u32 $0x13880, s7  }
0x9: {  	[smem:$0x7FF] =	sst s3;
	s21 =	ssub.s32 $0x2, s7;
	s12 =	smul.u32 $0x28000, s7  }
0xa: {  	_ =	strace $0x80000053;
	s11 =	sshrl.u32 s21, $0x1;
	s8 =	sadd.s32 s5, s4  }
0xb: {  	s4 =	sadd.s32 $0xEE00, s0;
	s13 =	ssub.s32 s21, s11;
	s5 =	sadd.s32 s10, s2  }
0xc: {  	s12 =	sadd.s32 s10, s12;
	s21 =	simm.s32 $0x4B28;
	s9 =	sshrl.u32 s8, $0x3  }
0xd: {  	s23 =	sadd.s32 $0x3E8, s8;
	s25 =	sadd.s32 $0xBB8, s8;
	s26 =	sshrl.u32 s12, $0x3  }
0xe: {  	s13 =	smax.u32 s13, $0x1;
	s22 =	sadd.s32 s9, s0;
	s0 =	sadd.s32 $0x4E00, s0  }
0xf: {  	s24 =	sshrl.u32 s23, $0x3;
	s11 =	sshrl.u32 s25, $0x3;
	s12 =	sadd.s32 s1, s26  }
0x10: {  	s23 =	simm.s32 $0x4F10;
	s25 =	simm.s32 $0x8D90;
	s26 =	simm.s32 $0x1  }
0x11: {  	s6 =	sadd.s32 $0x9E00, s22;
	s7 =	sadd.s32 s0, s9;
	s8 =	sadd.s32 s0, s24  }
0x12: {  	s10 =	sadd.s32 s0, s11;
	s22 =	simm.s32 $0x3E8;
	s24 =	simm.s32 $0x2BE8  }
0x13: {  	v0 =	vimm.f32 $0.0e+00;
	s0 =	simm.s32 $0x0;
	s9 =	sadd.s32 $0xFA, s7;
	s11 =	sadd.s32 $0x1F4, s7  }
.LBB2_1:
0x14: {  	s1 =	simm.s32 $0x40;
	s14 =	simm.s32 $0x0  }
.LBB2_2:
0x15: {  	p0 =	sne.s32 s1, $0x9FC0;
	[tilespmem:s14+$0xCC10] =	vst v0;
	s14 =	smov.u32 s1;
	s1 =	sadd.s32 $0x40, s1  }
.Ltmp0:
0x16: {  	(pc) =	sbr.rel @p0 .LBB2_2-.Ltmp0, $2  }
0x17: {  	_ =	sdelay $0x2  }
0x18: {  	s14 =	sshra.s32 s14, $0x2  }
0x19: {  	[tilespmem:s14+$0xCC10] =	vst v0;
	s1 =	simm.s32 $0xCC10  }
0x1a: {  	[spmem:s5] =	stream.linear.scatter [tilespmem:s1], [sflag:$0x3], $0x2800, $0x38;
	[tilespmem:$0xF410] =	vst v63  }
0x1b: {  	_ =	swait.ge [sflag:s15], $0x2800  }
0x1c: {  	[sflag:s15] =	ssyncset.done $0x0  }
0x1d: {  	[sflag:s15] =	ssyncadd.s32 $0xFFFFD800  }
0x1e: {  	[tilespmem:s16], [sflag:$0x3] =	stream.linear.gather [hbm4b:s6+s3], $0x1388, $0x38;
	[tilespmem:$0xF410] =	vst v63  }
0x1f: {  	_ =	swait.ge [sflag:s15], $0x1388  }
0x20: {  	[sflag:s15] =	ssyncset.done $0x0  }
0x21: {  	[sflag:s15] =	ssyncadd.s32 $0xFFFFEC78  }
0x22: {  	[tilespmem:s17], [sflag:$0x3] =	stream.linear.gather [hbm4b:s7+s3], $0x3E8, $0x38;
	[tilespmem:$0xF410] =	vst v63  }
0x23: {  	_ =	swait.ge [sflag:s15], $0x3E8  }
0x24: {  	[sflag:s15] =	ssyncset.done $0x0  }
0x25: {  	[sflag:s15] =	ssyncadd.s32 $0xFFFFFC18  }
0x26: {  	[tilespmem:s18], [sflag:$0x3] =	stream.linear.gather [hbm4b:s8+s3], $0x3E8, $0x38;
	[tilespmem:$0xF410] =	vst v63  }
0x27: {  	_ =	swait.ge [sflag:s15], $0x3E8  }
0x28: {  	[sflag:s15] =	ssyncset.done $0x0  }
0x29: {  	[sflag:s15] =	ssyncadd.s32 $0xFFFFFC18  }
0x2a: {  	[tilespmem:s19], [sflag:$0x3] =	stream.linear.gather [hbm4b:s9+s3], $0x3E8, $0x38;
	[tilespmem:$0xF410] =	vst v63  }
0x2b: {  	_ =	swait.ge [sflag:s15], $0x3E8  }
0x2c: {  	[sflag:s15] =	ssyncset.done $0x0  }
0x2d: {  	[sflag:s15] =	ssyncadd.s32 $0xFFFFFC18  }
0x2e: {  	[tilespmem:s20], [sflag:$0x3] =	stream.linear.gather [hbm4b:s10+s3], $0x3E8, $0x38;
	[tilespmem:$0xF410] =	vst v63  }
0x2f: {  	_ =	swait.ge [sflag:s15], $0x3E8  }
0x30: {  	[sflag:s15] =	ssyncset.done $0x0  }
0x31: {  	[sflag:s15] =	ssyncadd.s32 $0xFFFFFC18  }
0x32: {  	[tilespmem:s21], [sflag:$0x3] =	stream.linear.gather [hbm4b:s11+s3], $0x3E8, $0x38;
	[tilespmem:$0xF410] =	vst v63  }
0x33: {  	_ =	swait.ge [sflag:s15], $0x3E8  }
0x34: {  	[sflag:s15] =	ssyncset.done $0x0  }
0x35: {  	[sflag:s15] =	ssyncadd.s32 $0xFFFFFC18  }
0x36: {  	[bflag:$0x0] =	sbarrier.arrive $0xFFFF  }
0x37: {  	[tilespmem:s23], [sflag:$0x1] =	stream.indirect.gather [hbm4b:s4+s22], $0x10, s16, s22, $0xb8;
	[tilespmem:$0xF410] =	vst v63  }
0x38: {  	_ = 	snop  }
0x39: {  	[tilespmem:s25], [sflag:$0x1] =	stream.indirect.gather [hbm4b:s4+s22], $0x10, s24, s22, $0xb8;
	[tilespmem:$0xF410] =	vst v63  }
0x3a: {  	_ =	swait.ge [sflag:s26], $0x3E80  }
0x3b: {  	[sflag:s26] =	ssyncset.done $0x0  }
0x3c: {  	[sflag:s26] =	ssyncadd.s32 $0xFFFFC180  }
0x3d: {  	[spmem:s2] =	stream.indirect.scatter.add.f32 [tilespmem:s23], [sflag:$0x2], $0x10, s17, s22, $0xb8;
	[tilespmem:$0xF410] =	vst v63  }
0x3e: {  	_ =	swait.ge [sflag:s28], $0x3E80  }
0x3f: {  	[sflag:s28] =	ssyncset.done $0x0  }
0x40: {  	[sflag:s28] =	ssyncadd.s32 $0xFFFFC180  }
0x41: {  	[tilespmem:s23], [sflag:$0x1] =	stream.indirect.gather [hbm4b:s4+s22], $0x10, s29, s22, $0xb8;
	[tilespmem:$0xF410] =	vst v63  }
0x42: {  	_ =	swait.ge [sflag:s26], $0x3E80  }
0x43: {  	[sflag:s26] =	ssyncset.done $0x0  }
0x44: {  	[sflag:s26] =	ssyncadd.s32 $0xFFFFC180  }
0x45: {  	[spmem:s2] =	stream.indirect.scatter.add.f32 [tilespmem:s25], [sflag:$0x2], $0x10, s18, s22, $0xb8;
	[tilespmem:$0xF410] =	vst v63  }
0x46: {  	_ =	swait.ge [sflag:s28], $0x3E80  }
0x47: {  	[sflag:s28] =	ssyncset.done $0x0  }
0x48: {  	[sflag:s28] =	ssyncadd.s32 $0xFFFFC180  }
0x49: {  	[tilespmem:s25], [sflag:$0x1] =	stream.indirect.gather [hbm4b:s4+s22], $0x10, s30, s22, $0xb8;
	[tilespmem:$0xF410] =	vst v63  }
0x4a: {  	_ =	swait.ge [sflag:s26], $0x3E80  }
0x4b: {  	[sflag:s26] =	ssyncset.done $0x0  }
0x4c: {  	[sflag:s26] =	ssyncadd.s32 $0xFFFFC180  }
0x4d: {  	[spmem:s2] =	stream.indirect.scatter.add.f32 [tilespmem:s23], [sflag:$0x2], $0x10, s19, s22, $0xb8;
	[tilespmem:$0xF410] =	vst v63  }
0x4e: {  	_ =	swait.ge [sflag:s28], $0x3E80  }
0x4f: {  	[sflag:s28] =	ssyncset.done $0x0  }
0x50: {  	[sflag:s28] =	ssyncadd.s32 $0xFFFFC180  }
0x51: {  	[tilespmem:s23], [sflag:$0x1] =	stream.indirect.gather [hbm4b:s4+s22], $0x10, s31, s22, $0xb8;
	[tilespmem:$0xF410] =	vst v63  }
0x52: {  	_ =	swait.ge [sflag:s26], $0x3E80  }
0x53: {  	[sflag:s26] =	ssyncset.done $0x0  }
0x54: {  	[sflag:s26] =	ssyncadd.s32 $0xFFFFC180  }
0x55: {  	[spmem:s2] =	stream.indirect.scatter.add.f32 [tilespmem:s25], [sflag:$0x2], $0x10, s20, s22, $0xb8;
	[tilespmem:$0xF410] =	vst v63  }
0x56: {  	_ =	swait.ge [sflag:s26], $0x3E80  }
0x57: {  	[sflag:s26] =	ssyncset.done $0x0  }
0x58: {  	[sflag:s26] =	ssyncadd.s32 $0xFFFFC180  }
0x59: {  	[spmem:s2] =	stream.indirect.scatter.add.f32 [tilespmem:s23], [sflag:$0x2], $0x10, s21, s22, $0xb8;
	[tilespmem:$0xF410] =	vst v63  }
0x5a: {  	_ =	swait.ge [sflag:s28], $0x3E80  }
0x5b: {  	[sflag:s28] =	ssyncset.done $0x0  }
0x5c: {  	[sflag:s28] =	ssyncadd.s32 $0xFFFFC180  }
0x5d: {  	s14 =	stileid.u32;
	_ =	swait.ge [sflag:s28], $0x3E80  }
0x5e: {  	s0 =	sadd.s32 $0x1, s0;
	s1 =	sshll.u32 s14, $0x6;
	[sflag:s28] =	ssyncset.done $0x0  }
0x5f: {  	s14 =	sshrl.u32 s5, $0x3;
	p0 =	sne.s32 s0, s13;
	[sflag:s28] =	ssyncadd.s32 $0xFFFFC180  }
.Ltmp1:
0x60: {  	s1 =	sor.u32 $0x1C03, s1;
	[bflag:$0x0] =	sbarrier.arrive $0xFFFF;
	(pc) =	sbr.rel @p0 .LBB2_1-.Ltmp1, $4  }
0x61: {  	[hbm:s12], [sflag:s1] =	dma.local [spmem:s14], $0x500  }
0x62: {  	_ =	swait.ge [sflag:s15], $0x500  }
0x63: {  	[sflag:s15] =	ssyncset.done $0x0  }
0x64: {  	[sflag:s15] =	ssyncadd.s32 $0xFFFFFB00  }
0x65: {  	_ =	sfence.sel $0x180000  }
0x66: {  	[bflag:$0x0] =	sbarrier.arrive $0xFFFF  }
0x67: {  	_ =	strace $0x90000053  }
0x68: {  	s0 =	stileid.u32;
	[bflag:$0x2] =	sbarrier.arrive $0xFFFF  }
0x69: {  	p0 =	sne.s32 s0, $0x0;
	s0 =	rddreg [dreg:$0x3]  }
0x6a: {  	s0 =	sadd.s32 @!p0 $0x100000, s0  }
0x6b: {  	[sflag:s0] =	ssyncadd.tile.s32 @!p0 $0x1;
	_ =	shalt  }
.Lfunc_end2:
_tile_overlayer_lowered:
.L_overlay_start_2:
0x6c: {  	(tag) =	ssettag $0x2  }
0x6d: {  	s0 =	rddreg [dreg:$0x0];
	s2 =	stileid.u32  }
0x6e: {  	s1 =	rddreg [dreg:$0x1];
	p0 =	sne.s32 s2, $0x0  }
0x6f: {  	s3 =	rddreg [dreg:$0x2];
	[bflag:$0x3] =	sbarrier.arrive $0xFFFF;
	s2 =	simm.s32 @!p0 $0x1C03  }
0x70: {  	[timem:s3], [sflag:s2] =	dma.local @!p0 [hbm:s0], s1  }
0x71: {  	s0 =	simm.s32 @!p0 $0x3  }
0x72: {  	_ =	swait.ge @!p0 [sflag:s0], s1  }
0x73: {  	s1 =	ssub.s32 @!p0 $0x0, s1;
	[sflag:s0] =	ssyncset.done @!p0 $0x0  }
0x74: {  	[sflag:s0] =	ssyncadd.s32 @!p0 s1  }
0x75: {  	[bflag:$0x3] =	sbarrier.arrive $0xFFFF  }
0x76: {  	_ =	shalt  }

// kernel: kernel.28.cloned.1.call-start
scs
__scs_entry_jumppad:
0x0: {  	(pc) =	sbr.rel $0x88, $3  }
0x1: {  	(tag) =	ssettag $0x0;
	lr =	simm.s32 $0x1  }
0x2: {  	[smem:$0x3F8A] =	sst lr;
	_ =	strace $0xD0000000  }
0x3: {  	_ = 	snop  }
0x4: {  	_ = 	snop  }
0x5: {  	_ = 	snop  }
0x6: {  	_ = 	snop  }
0x7: {  	_ = 	snop  }
__scs_overlays_trampoline_lowered:
0x8: {  	[smem:$0x3F99] =	sst s0  }
0x9: {  	[smem:$0x3F9A] =	sst s1  }
0xa: {  	[smem:$0x3F9B] =	sst s2  }
0xb: {  	[smem:$0x3F9C] =	sst s3  }
0xc: {  	[smem:$0x3F9D] =	sst s4  }
0xd: {  	[smem:$0x3F9E] =	sst s5  }
0xe: {  	[smem:$0x3F9F] =	sst s6  }
0xf: {  	[smem:$0x3FA0] =	sst s7  }
0x10: {  	[smem:$0x3FA1] =	sst s8  }
0x11: {  	[smem:$0x3FA2] =	sst s9;
	s0 =	simm.s32 @!p0 $0x0  }
0x12: {  	s1 =	sld [smem:$0x3F88];
	s0 =	simm.s32 @p0 $0x1  }
0x13: {  	[smem:$0x3FA3] =	sst s0;
	s0 =	simm.s32 @!p1 $0x0  }
0x14: {  	s2 =	sld [smem:$0x3F87];
	s0 =	simm.s32 @p1 $0x1  }
0x15: {  	[smem:$0x3FA4] =	sst s0;
	s0 =	simm.s32 @!p2 $0x0  }
0x16: {  	s3 =	sld [smem:$0x3FDB];
	s0 =	simm.s32 @p2 $0x1  }
0x17: {  	s4 =	simm.s32 $0x1BF5;
	[smem:$0x3FA6] =	sst s0  }
0x18: {  	s0 =	sld [smem:$0x3F89];
	_ =	swait.ge [sflag:s4], $0x0  }
0x19: {  	s7 =	sld [smem:$0x3F8A]  }
0x1a: {  	s8 =	sadd.s32 $0xFFFFE003, lr  }
0x1b: {  	s9 =	sadd.s32 $0xFFFFFEF7, lr;
	s5 =	simm.s32 $0xFFFFFFFF;
	p2 =	slt.u32 s8, $0xFFFFF086  }
0x1c: {  	p1 =	slt.u32 s9, $0xF7A;
	s5 =	simm.s32 @!p2 $0x0  }
0x1d: {  	s5 =	simm.s32 @p1 $0x1;
	p0 =	seq.s32 s7, s2  }
0x1e: {  	s7 =	smul.u32 @!p0 $0xF7A, s2;
	p2 =	seq.s32 @!p0 s5, $0x0  }
0x1f: {  	s9 =	smul.u32 $0xF7A, s1;
	s8 =	simm.s32 @!p0 $0x1BF5;
	p2 =	por !p2, p0  }
0x20: {  	[sflag:s8] =	ssyncset.s32 @!p0 $0xFFFFF086;
	s6 =	sadd.s32 @!p0 s3, s7;
	s7 =	simm.s32 @!p0 $0x108  }
0x21: {  	s3 =	sadd.s32 s3, s9;
	s6 =	sadd.s32 @!p0 $0x88, s6;
	s7 =	simm.s32 @p2 $0x1082  }
0x22: {  	[simem:s7], [sflag:s8] =	dma.local @!p0 [hbm:s6], $0xF7A  }
0x23: {  	s9 =	sor.u32 $0xD0000000, s2;
	s6 =	simm.s32 $0x108;
	_ =	swait.ge @!p0 [sflag:s8], $0x0  }
0x24: {  	s3 =	sadd.s32 $0x88, s3;
	s6 =	simm.s32 @!p1 $0x1082;
	[sflag:s4] =	ssyncset.s32 $0xFFFFF086  }
0x25: {  	[simem:s6], [sflag:s4] =	dma.local [hbm:s3], $0xF7A  }
0x26: {  	[smem:$0x3F8A] =	sst s1;
	(tag) =	ssettag s2;
	_ =	strace s9  }
0x27: {  	s1 =	sld [smem:$0x3F9A]  }
0x28: {  	s2 =	sld [smem:$0x3F9B]  }
0x29: {  	s4 =	sld [smem:$0x3F9D]  }
0x2a: {  	p0 =	seq.s32 s5, $0x0;
	s5 =	sld [smem:$0x3F9E]  }
0x2b: {  	s6 =	sld [smem:$0x3F9F]  }
0x2c: {  	s7 =	sld [smem:$0x3FA0]  }
0x2d: {  	s3 =	simm.s32 $0x108;
	s8 =	sld [smem:$0x3FA1]  }
0x2e: {  	s3 =	simm.s32 @!p0 $0x1082;
	s9 =	sld [smem:$0x3FA2]  }
0x2f: {  	lr =	sadd.s32 s0, s3;
	s0 =	sld [smem:$0x3F99]  }
0x30: {  	s3 =	sld [smem:$0x3F9C]  }
0x31: {  	[smem:$0x3FA5] =	sst s10  }
0x32: {  	s10 =	sld [smem:$0x3FA3];
	_ =	sdelay $0x3  }
0x33: {  	p0 =	seq.s32 s10, $0x1;
	s10 =	sld [smem:$0x3FA5];
	_ =	sdelay $0x3  }
0x34: {  	[smem:$0x3FA5] =	sst s10  }
0x35: {  	s10 =	sld [smem:$0x3FA4];
	_ =	sdelay $0x3  }
0x36: {  	p1 =	seq.s32 s10, $0x1;
	s10 =	sld [smem:$0x3FA5];
	_ =	sdelay $0x3  }
0x37: {  	[smem:$0x3FA5] =	sst s10  }
0x38: {  	s10 =	sld [smem:$0x3FA6]  }
0x39: {  	_ = 	snop;
	(pc) =	sbr.ind lr, $3  }
0x3a: {  	_ = 	snop  }
0x3b: {  	_ = 	snop  }
0x3c: {  	p2 =	seq.s32 s10, $0x1;
	s10 =	sld [smem:$0x3FA5]  }
0x3d: {  	_ =	shalt  }
0x3e: {  	_ =	shalt  }
0x3f: {  	_ =	shalt  }
0x40: {  	_ =	shalt  }
0x41: {  	_ =	shalt  }
0x42: {  	_ =	shalt  }
0x43: {  	_ =	shalt  }
0x44: {  	_ =	shalt  }
0x45: {  	_ =	shalt  }
0x46: {  	_ =	shalt  }
0x47: {  	_ =	shalt  }
0x48: {  	_ =	shalt  }
0x49: {  	_ =	shalt  }
0x4a: {  	_ =	shalt  }
0x4b: {  	_ =	shalt  }
0x4c: {  	_ =	shalt  }
0x4d: {  	_ =	shalt  }
0x4e: {  	_ =	shalt  }
0x4f: {  	_ =	shalt  }
0x50: {  	_ =	shalt  }
0x51: {  	_ =	shalt  }
0x52: {  	_ =	shalt  }
0x53: {  	_ =	shalt  }
0x54: {  	_ =	shalt  }
0x55: {  	_ =	shalt  }
0x56: {  	_ =	shalt  }
0x57: {  	_ =	shalt  }
0x58: {  	_ =	shalt  }
0x59: {  	_ =	shalt  }
0x5a: {  	_ =	shalt  }
0x5b: {  	_ =	shalt  }
0x5c: {  	_ =	shalt  }
0x5d: {  	_ =	shalt  }
0x5e: {  	_ =	shalt  }
0x5f: {  	_ =	shalt  }
0x60: {  	_ =	shalt  }
0x61: {  	_ =	shalt  }
0x62: {  	_ =	shalt  }
0x63: {  	_ =	shalt  }
0x64: {  	_ =	shalt  }
0x65: {  	_ =	shalt  }
0x66: {  	_ =	shalt  }
0x67: {  	_ =	shalt  }
0x68: {  	_ =	shalt  }
0x69: {  	_ =	shalt  }
0x6a: {  	_ =	shalt  }
0x6b: {  	_ =	shalt  }
0x6c: {  	_ =	shalt  }
0x6d: {  	_ =	shalt  }
0x6e: {  	_ =	shalt  }
0x6f: {  	_ =	shalt  }
0x70: {  	_ =	shalt  }
0x71: {  	_ =	shalt  }
0x72: {  	_ =	shalt  }
0x73: {  	_ =	shalt  }
0x74: {  	_ =	shalt  }
0x75: {  	_ =	shalt  }
0x76: {  	_ =	shalt  }
0x77: {  	_ =	shalt  }
0x78: {  	_ =	shalt  }
0x79: {  	_ =	shalt  }
0x7a: {  	_ =	shalt  }
0x7b: {  	_ =	shalt  }
0x7c: {  	_ =	shalt  }
0x7d: {  	_ =	shalt  }
0x7e: {  	_ =	shalt  }
0x7f: {  	_ =	shalt  }
0x80: {  	_ =	shalt  }
0x81: {  	_ =	shalt  }
0x82: {  	_ =	shalt  }
0x83: {  	_ =	shalt  }
0x84: {  	_ =	shalt  }
0x85: {  	_ =	shalt  }
0x86: {  	_ =	shalt  }
0x87: {  	_ =	shalt  }
.Lfunc_end0:
.L_simem_size_0:
called_computation.5_lowered:
.L_overlay_start_0:
0x88: {  	s2 =	sld [smem:$0x3FD9]  }
0x89: {  	s3 =	sld [smem:$0x3FFE];
	_ =	sdelay $0x1  }
0x8a: {  	s1 =	srdreg.scid  }
0x8b: {  	s0 =	sand.u32 $0x1, s1  }
0x8c: {  	s17 =	sshll.u32 s0, $0xA;
	s2 =	sadd.s32 s3, s2  }
0x8d: {  	s2 =	sadd.s32 s2, s17  }
0x8e: {  	[smem:$0x3FB1] =	sst s2  }
0x8f: {  	_ = 	snop  }
0x90: {  	s2 =	sld [smem:$0x3FD0];
	(tm) =	ssettm $0x1  }
0x91: {  	s18 =	sld [smem:$0x3FFB];
	_ =	sdelay $0x3  }
0x92: {  	_ =	strace s18  }
0x93: {  	s3 =	sld [smem:$0x3FFC];
	_ =	sdelay $0x3  }
0x94: {  	_ =	strace s3  }
0x95: {  	s3 =	sld [smem:$0x3FFD];
	_ =	sdelay $0x3  }
0x96: {  	_ =	strace s3  }
0x97: {  	_ =	strace $0x8FFFFFFF  }
0x98: {  	s19 =	sld [smem:$0x3FDB];
	_ =	sdelay $0x1  }
0x99: {  	s4 =	simm.s32 $_scs_section_size  }
0x9a: {  	s5 =	simm.s32 $_size__tile_overlayer_lowered;
	s6 =	simm.s32 $_tile_overlayer_lowered  }
0x9b: {  	s22 =	simm.s32 $0x1BFF;
	s21 =	sshll.u32 s6, $0x1;
	s3 =	sadd.s32 s4, s19  }
0x9c: {  	s7 =	simm.s32 $0x0;
	s20 =	sshll.u32 s5, $0x1;
	s5 =	sadd.s32 s21, s3  }
0x9d: {  	[timem:s7], [sflag:s22] =	dma.local [hbm:s5], s20  }
0x9e: {  	_ =	swait.ge [sflag:s22], s20  }
0x9f: {  	s4 =	ssub.s32 $0x0, s20;
	[sflag:s22] =	ssyncset.done $0x0  }
0xa0: {  	[sflag:s22] =	ssyncadd.s32 s4;
	_ =	sdelay $0x1  }
0xa1: {  	s23 =	simm.s32 $0x1B8B  }
0xa2: {  	_ =	swait.ge [sflag:s23], $0x1  }
0xa3: {  	[sflag:s23] =	ssyncset.done $0x0  }
0xa4: {  	s25 =	simm.s32 $0x1B8E;
	s24 =	sld [smem:$0x3FFE];
	[sflag:s23] =	ssyncadd.s32 $0xFFFFFFFF  }
0xa5: {  	s26 =	simm.s32 $execute0_lowered;
	[smem:$0x3FD2] =	sst s25  }
0xa6: {  	s5 =	sshll.u32 s26, $0x1;
	_ =	strace $0x80000055;
	[dreg:$0x1] =	wrdreg $0xFFFFFFFF  }
0xa7: {  	s28 =	simm.s32 $_size_execute0_lowered;
	s3 =	sadd.s32 s3, s5;
	[dreg:$0x0] =	wrdreg $0x0  }
0xa8: {  	s5 =	sshll.u32 s28, $0x1;
	[dreg:$0x2] =	wrdreg s3  }
0xa9: {  	[dreg:$0x3] =	wrdreg s5  }
0xaa: {  	[dreg:$0x4] =	wrdreg $0xC0  }
0xab: {  	_ =	task [dreg:s7], $0x5FFFF  }
0xac: {  	[dreg:$0x1] =	wrdreg $0xFFFFFFFF  }
0xad: {  	[dreg:$0x0] =	wrdreg $0x60  }
0xae: {  	[dreg:$0x2] =	wrdreg s24  }
0xaf: {  	[dreg:$0x3] =	wrdreg s2  }
0xb0: {  	[dreg:$0x4] =	wrdreg $0x0  }
0xb1: {  	[dreg:$0x5] =	wrdreg $0x9  }
0xb2: {  	_ =	task.clear_ibuf [dreg:s7], $0x6FFFF;
	_ =	strace $0x90000055  }
0xb3: {  	s29 =	simm.s32 $0x9;
	_ =	strace $0x80000057  }
0xb4: {  	_ =	swait.ge [sflag:s29], $0x1  }
0xb5: {  	[sflag:s29] =	ssyncadd.s32 $0xFFFFFFFF  }
0xb6: {  	_ =	strace $0x90000057  }
0xb7: {  	_ =	sfence  }
0xb8: {  	s30 =	sld [smem:$0x0];
	_ =	sdelay $0x2  }
0xb9: {  	s31 =	sshll.u32 s1, $0xD;
	s1 =	sshrl.u32 s1, $0x2  }
0xba: {  	s3 =	sand.u32 $0x4000, s31;
	s1 =	sadd.s32 s1, s30  }
0xbb: {  	s0 =	sor.u32 s3, s0;
	s1 =	sshll.u32 s1, $0x11  }
0xbc: {  	s0 =	sor.u32 s1, s0  }
0xbd: {  	s0 =	sadd.s32 $0x8F2B, s0  }
0xbe: {  	[sflag:s0] =	ssyncadd.remote.s32 $0x1  }
0xbf: {  	_ =	sfence.sel $0xFFFF  }
0xc0: {  	[dreg:$0x0] =	wrdreg $0xFFFFFFFF;
	(pc) =	sbr.abs _section_cstart, $3  }
0xc1: {  	[dreg:$0x1] =	wrdreg $0xFFFFFFFF  }
0xc2: {  	_ =	task.clear_ibuf [dreg:s7], $0x2FFFF;
	_ =	strace $0x9FFFFFFF  }
0xc3: {  	(tm) =	ssettm $0x7FFFFFFF  }
tec
execute0_lowered:
.L_overlay_start_1:
0x0: {  	(tag) =	ssettag $0x1  }
0x1: {  	s0 =	rddreg [dreg:$0x0]  }
0x2: {  	s1 =	rddreg [dreg:$0x1];
	s3 =	srdreg.scid  }
0x3: {  	s2 =	rddreg [dreg:$0x2];
	s6 =	stileid.u32  }
0x4: {  	s15 =	simm.s32 $0x3;
	s16 =	simm.s32 $0x2800;
	s17 =	simm.s32 $0x3B88  }
0x5: {  	s18 =	simm.s32 $0x3F70;
	s19 =	simm.s32 $0x4358;
	s20 =	simm.s32 $0x4740  }
0x6: {  	s28 =	simm.s32 $0x2;
	s29 =	simm.s32 $0x2FD0;
	s5 =	smul.u32 $0x1388, s6  }
0x7: {  	s30 =	simm.s32 $0x33B8;
	s7 =	sand.u32 $0x1, s3;
	s10 =	smul.u32 $0x2800, s6  }
0x8: {  	s31 =	simm.s32 $0x37A0;
	s3 =	simm.s32 $0x0;
	s4 =	smul.u32 $0x13880, s7  }
0x9: {  	[smem:$0x7FF] =	sst s3;
	s21 =	ssub.s32 $0x2, s7;
	s12 =	smul.u32 $0x28000, s7  }
0xa: {  	_ =	strace $0x80000056;
	s11 =	sshrl.u32 s21, $0x1;
	s8 =	sadd.s32 s5, s4  }
0xb: {  	s4 =	sadd.s32 $0xEE00, s0;
	s13 =	ssub.s32 s21, s11;
	s5 =	sadd.s32 s10, s2  }
0xc: {  	s12 =	sadd.s32 s10, s12;
	s21 =	simm.s32 $0x4B28;
	s9 =	sshrl.u32 s8, $0x3  }
0xd: {  	s23 =	sadd.s32 $0x3E8, s8;
	s25 =	sadd.s32 $0xBB8, s8;
	s26 =	sshrl.u32 s12, $0x3  }
0xe: {  	s13 =	smax.u32 s13, $0x1;
	s22 =	sadd.s32 s9, s0;
	s0 =	sadd.s32 $0x4E00, s0  }
0xf: {  	s24 =	sshrl.u32 s23, $0x3;
	s11 =	sshrl.u32 s25, $0x3;
	s12 =	sadd.s32 s1, s26  }
0x10: {  	s23 =	simm.s32 $0x4F10;
	s25 =	simm.s32 $0x8D90;
	s26 =	simm.s32 $0x1  }
0x11: {  	s6 =	sadd.s32 $0x9E00, s22;
	s7 =	sadd.s32 s0, s9;
	s8 =	sadd.s32 s0, s24  }
0x12: {  	s10 =	sadd.s32 s0, s11;
	s22 =	simm.s32 $0x3E8;
	s24 =	simm.s32 $0x2BE8  }
0x13: {  	v0 =	vimm.f32 $0.0e+00;
	s0 =	simm.s32 $0x0;
	s9 =	sadd.s32 $0xFA, s7;
	s11 =	sadd.s32 $0x1F4, s7  }
.LBB2_1:
0x14: {  	s1 =	simm.s32 $0x40;
	s14 =	simm.s32 $0x0  }
.LBB2_2:
0x15: {  	p0 =	sne.s32 s1, $0x9FC0;
	[tilespmem:s14+$0xCC10] =	vst v0;
	s14 =	smov.u32 s1;
	s1 =	sadd.s32 $0x40, s1  }
.Ltmp0:
0x16: {  	(pc) =	sbr.rel @p0 .LBB2_2-.Ltmp0, $2  }
0x17: {  	_ =	sdelay $0x2  }
0x18: {  	s14 =	sshra.s32 s14, $0x2  }
0x19: {  	[tilespmem:s14+$0xCC10] =	vst v0;
	s1 =	simm.s32 $0xCC10  }
0x1a: {  	[spmem:s5] =	stream.linear.scatter [tilespmem:s1], [sflag:$0x3], $0x2800, $0x38;
	[tilespmem:$0xF410] =	vst v63  }
0x1b: {  	_ =	swait.ge [sflag:s15], $0x2800  }
0x1c: {  	[sflag:s15] =	ssyncset.done $0x0  }
0x1d: {  	[sflag:s15] =	ssyncadd.s32 $0xFFFFD800  }
0x1e: {  	[tilespmem:s16], [sflag:$0x3] =	stream.linear.gather [hbm4b:s6+s3], $0x1388, $0x38;
	[tilespmem:$0xF410] =	vst v63  }
0x1f: {  	_ =	swait.ge [sflag:s15], $0x1388  }
0x20: {  	[sflag:s15] =	ssyncset.done $0x0  }
0x21: {  	[sflag:s15] =	ssyncadd.s32 $0xFFFFEC78  }
0x22: {  	[tilespmem:s17], [sflag:$0x3] =	stream.linear.gather [hbm4b:s7+s3], $0x3E8, $0x38;
	[tilespmem:$0xF410] =	vst v63  }
0x23: {  	_ =	swait.ge [sflag:s15], $0x3E8  }
0x24: {  	[sflag:s15] =	ssyncset.done $0x0  }
0x25: {  	[sflag:s15] =	ssyncadd.s32 $0xFFFFFC18  }
0x26: {  	[tilespmem:s18], [sflag:$0x3] =	stream.linear.gather [hbm4b:s8+s3], $0x3E8, $0x38;
	[tilespmem:$0xF410] =	vst v63  }
0x27: {  	_ =	swait.ge [sflag:s15], $0x3E8  }
0x28: {  	[sflag:s15] =	ssyncset.done $0x0  }
0x29: {  	[sflag:s15] =	ssyncadd.s32 $0xFFFFFC18  }
0x2a: {  	[tilespmem:s19], [sflag:$0x3] =	stream.linear.gather [hbm4b:s9+s3], $0x3E8, $0x38;
	[tilespmem:$0xF410] =	vst v63  }
0x2b: {  	_ =	swait.ge [sflag:s15], $0x3E8  }
0x2c: {  	[sflag:s15] =	ssyncset.done $0x0  }
0x2d: {  	[sflag:s15] =	ssyncadd.s32 $0xFFFFFC18  }
0x2e: {  	[tilespmem:s20], [sflag:$0x3] =	stream.linear.gather [hbm4b:s10+s3], $0x3E8, $0x38;
	[tilespmem:$0xF410] =	vst v63  }
0x2f: {  	_ =	swait.ge [sflag:s15], $0x3E8  }
0x30: {  	[sflag:s15] =	ssyncset.done $0x0  }
0x31: {  	[sflag:s15] =	ssyncadd.s32 $0xFFFFFC18  }
0x32: {  	[tilespmem:s21], [sflag:$0x3] =	stream.linear.gather [hbm4b:s11+s3], $0x3E8, $0x38;
	[tilespmem:$0xF410] =	vst v63  }
0x33: {  	_ =	swait.ge [sflag:s15], $0x3E8  }
0x34: {  	[sflag:s15] =	ssyncset.done $0x0  }
0x35: {  	[sflag:s15] =	ssyncadd.s32 $0xFFFFFC18  }
0x36: {  	[bflag:$0x0] =	sbarrier.arrive $0xFFFF  }
0x37: {  	[tilespmem:s23], [sflag:$0x1] =	stream.indirect.gather [hbm4b:s4+s22], $0x10, s16, s22, $0xb8;
	[tilespmem:$0xF410] =	vst v63  }
0x38: {  	_ = 	snop  }
0x39: {  	[tilespmem:s25], [sflag:$0x1] =	stream.indirect.gather [hbm4b:s4+s22], $0x10, s24, s22, $0xb8;
	[tilespmem:$0xF410] =	vst v63  }
0x3a: {  	_ =	swait.ge [sflag:s26], $0x3E80  }
0x3b: {  	[sflag:s26] =	ssyncset.done $0x0  }
0x3c: {  	[sflag:s26] =	ssyncadd.s32 $0xFFFFC180  }
0x3d: {  	[spmem:s2] =	stream.indirect.scatter.add.f32 [tilespmem:s23], [sflag:$0x2], $0x10, s17, s22, $0xb8;
	[tilespmem:$0xF410] =	vst v63  }
0x3e: {  	_ =	swait.ge [sflag:s28], $0x3E80  }
0x3f: {  	[sflag:s28] =	ssyncset.done $0x0  }
0x40: {  	[sflag:s28] =	ssyncadd.s32 $0xFFFFC180  }
0x41: {  	[tilespmem:s23], [sflag:$0x1] =	stream.indirect.gather [hbm4b:s4+s22], $0x10, s29, s22, $0xb8;
	[tilespmem:$0xF410] =	vst v63  }
0x42: {  	_ =	swait.ge [sflag:s26], $0x3E80  }
0x43: {  	[sflag:s26] =	ssyncset.done $0x0  }
0x44: {  	[sflag:s26] =	ssyncadd.s32 $0xFFFFC180  }
0x45: {  	[spmem:s2] =	stream.indirect.scatter.add.f32 [tilespmem:s25], [sflag:$0x2], $0x10, s18, s22, $0xb8;
	[tilespmem:$0xF410] =	vst v63  }
0x46: {  	_ =	swait.ge [sflag:s28], $0x3E80  }
0x47: {  	[sflag:s28] =	ssyncset.done $0x0  }
0x48: {  	[sflag:s28] =	ssyncadd.s32 $0xFFFFC180  }
0x49: {  	[tilespmem:s25], [sflag:$0x1] =	stream.indirect.gather [hbm4b:s4+s22], $0x10, s30, s22, $0xb8;
	[tilespmem:$0xF410] =	vst v63  }
0x4a: {  	_ =	swait.ge [sflag:s26], $0x3E80  }
0x4b: {  	[sflag:s26] =	ssyncset.done $0x0  }
0x4c: {  	[sflag:s26] =	ssyncadd.s32 $0xFFFFC180  }
0x4d: {  	[spmem:s2] =	stream.indirect.scatter.add.f32 [tilespmem:s23], [sflag:$0x2], $0x10, s19, s22, $0xb8;
	[tilespmem:$0xF410] =	vst v63  }
0x4e: {  	_ =	swait.ge [sflag:s28], $0x3E80  }
0x4f: {  	[sflag:s28] =	ssyncset.done $0x0  }
0x50: {  	[sflag:s28] =	ssyncadd.s32 $0xFFFFC180  }
0x51: {  	[tilespmem:s23], [sflag:$0x1] =	stream.indirect.gather [hbm4b:s4+s22], $0x10, s31, s22, $0xb8;
	[tilespmem:$0xF410] =	vst v63  }
0x52: {  	_ =	swait.ge [sflag:s26], $0x3E80  }
0x53: {  	[sflag:s26] =	ssyncset.done $0x0  }
0x54: {  	[sflag:s26] =	ssyncadd.s32 $0xFFFFC180  }
0x55: {  	[spmem:s2] =	stream.indirect.scatter.add.f32 [tilespmem:s25], [sflag:$0x2], $0x10, s20, s22, $0xb8;
	[tilespmem:$0xF410] =	vst v63  }
0x56: {  	_ =	swait.ge [sflag:s26], $0x3E80  }
0x57: {  	[sflag:s26] =	ssyncset.done $0x0  }
0x58: {  	[sflag:s26] =	ssyncadd.s32 $0xFFFFC180  }
0x59: {  	[spmem:s2] =	stream.indirect.scatter.add.f32 [tilespmem:s23], [sflag:$0x2], $0x10, s21, s22, $0xb8;
	[tilespmem:$0xF410] =	vst v63  }
0x5a: {  	_ =	swait.ge [sflag:s28], $0x3E80  }
0x5b: {  	[sflag:s28] =	ssyncset.done $0x0  }
0x5c: {  	[sflag:s28] =	ssyncadd.s32 $0xFFFFC180  }
0x5d: {  	s14 =	stileid.u32;
	_ =	swait.ge [sflag:s28], $0x3E80  }
0x5e: {  	s0 =	sadd.s32 $0x1, s0;
	s1 =	sshll.u32 s14, $0x6;
	[sflag:s28] =	ssyncset.done $0x0  }
0x5f: {  	s14 =	sshrl.u32 s5, $0x3;
	p0 =	sne.s32 s0, s13;
	[sflag:s28] =	ssyncadd.s32 $0xFFFFC180  }
.Ltmp1:
0x60: {  	s1 =	sor.u32 $0x1C03, s1;
	[bflag:$0x0] =	sbarrier.arrive $0xFFFF;
	(pc) =	sbr.rel @p0 .LBB2_1-.Ltmp1, $4  }
0x61: {  	[hbm:s12], [sflag:s1] =	dma.local [spmem:s14], $0x500  }
0x62: {  	_ =	swait.ge [sflag:s15], $0x500  }
0x63: {  	[sflag:s15] =	ssyncset.done $0x0  }
0x64: {  	[sflag:s15] =	ssyncadd.s32 $0xFFFFFB00  }
0x65: {  	_ =	sfence.sel $0x180000  }
0x66: {  	[bflag:$0x0] =	sbarrier.arrive $0xFFFF  }
0x67: {  	_ =	strace $0x90000056  }
0x68: {  	s0 =	stileid.u32;
	[bflag:$0x2] =	sbarrier.arrive $0xFFFF  }
0x69: {  	p0 =	sne.s32 s0, $0x0;
	s0 =	rddreg [dreg:$0x3]  }
0x6a: {  	s0 =	sadd.s32 @!p0 $0x100000, s0  }
0x6b: {  	[sflag:s0] =	ssyncadd.tile.s32 @!p0 $0x1;
	_ =	shalt  }
.Lfunc_end2:
_tile_overlayer_lowered:
.L_overlay_start_2:
0x6c: {  	(tag) =	ssettag $0x2  }
0x6d: {  	s0 =	rddreg [dreg:$0x0];
	s2 =	stileid.u32  }
0x6e: {  	s1 =	rddreg [dreg:$0x1];
	p0 =	sne.s32 s2, $0x0  }
0x6f: {  	s3 =	rddreg [dreg:$0x2];
	[bflag:$0x3] =	sbarrier.arrive $0xFFFF;
	s2 =	simm.s32 @!p0 $0x1C03  }
0x70: {  	[timem:s3], [sflag:s2] =	dma.local @!p0 [hbm:s0], s1  }
0x71: {  	s0 =	simm.s32 @!p0 $0x3  }
0x72: {  	_ =	swait.ge @!p0 [sflag:s0], s1  }
0x73: {  	s1 =	ssub.s32 @!p0 $0x0, s1;
	[sflag:s0] =	ssyncset.done @!p0 $0x0  }
0x74: {  	[sflag:s0] =	ssyncadd.s32 @!p0 s1  }
0x75: {  	[bflag:$0x3] =	sbarrier.arrive $0xFFFF  }
0x76: {  	_ =	shalt  }

</sc_bundles>
